<compile_context>
chip_gen: v7x
topology: tpu7x:2x2x1
jax: 0.10.2.dev20260603
libtpu: 0.0.44.dev20260713+nightly
codegen_flags: <defaults>
</compile_context>

<pallas_src>
import functools

import jax
import jax.numpy as jnp
from jax import lax
from jax.experimental import pallas as pl
from jax.experimental.pallas import tpu as pltpu
from jax.experimental.pallas import tpu_sc as plsc

N = 10000
E = 320000
IN = 128
OUT = 64
KS = 3
K = KS * KS



def _basis_planes(a0, a1):
    def comp(u):
        planes = []
        for j in range(KS):
            t = u - jnp.float32(j)
            at = jnp.abs(t)
            b = jnp.where(at <= 0.5, 0.75 - t * t,
                          jnp.where(at <= 1.5, 0.5 * (1.5 - at) ** 2,
                                    jnp.float32(0.0)))
            planes.append(b)
        s = planes[0] + planes[1] + planes[2] + jnp.float32(1e-12)
        return [p / s for p in planes]

    b0 = comp(a0 * jnp.float32(KS - 1))
    b1 = comp(a1 * jnp.float32(KS - 1))
    return [b0[i] * b1[j] for i in range(KS) for j in range(KS)]


def _basis_kernel(a0_ref, a1_ref, *out_refs):
    planes = _basis_planes(a0_ref[...], a1_ref[...])
    for r, p in zip(out_refs, planes):
        r[...] = p


def _compute_basis(edge_attr):
    rows = E // 128
    a0 = edge_attr[:, 0].reshape(rows, 128)
    a1 = edge_attr[:, 1].reshape(rows, 128)
    outs = pl.pallas_call(
        _basis_kernel,
        out_shape=[jax.ShapeDtypeStruct((rows, 128), jnp.float32)] * K,
    )(a0, a1)
    z = jnp.zeros_like(outs[0])
    return jnp.stack(list(outs) + [z] * (16 - K), axis=-1).reshape(E, 16)




def _mm_kernel(x_ref, w_ref, r_ref, b_ref, h_ref, ro_ref):
    xb = x_ref[...]
    h_ref[...] = jax.lax.dot_general(
        xb, w_ref[...], (((1,), (0,)), ((), ())),
        preferred_element_type=jnp.float32).astype(jnp.bfloat16)
    ro_ref[...] = jax.lax.dot_general(
        xb, r_ref[...], (((1,), (0,)), ((), ())),
        preferred_element_type=jnp.float32) + b_ref[...]


def _interleave_perm():
    idx = []
    for m in range(K * OUT // 32):
        for i in range(16):
            idx.extend([32 * m + i, 32 * m + 16 + i])
    return jnp.array(idx, dtype=jnp.int32)


def _combine_kernel(p_ref, r_ref, o_ref):
    o_ref[...] = jax.nn.relu(p_ref[0] + p_ref[1] + r_ref[...])


_ROWB = 2000


def _mm(x, Wp, root, bias):
    f = x.shape[1]
    return pl.pallas_call(
        _mm_kernel,
        grid=(N // _ROWB,),
        in_specs=[pl.BlockSpec((_ROWB, f), lambda i: (i, 0)),
                  pl.BlockSpec((f, K * OUT), lambda i: (0, 0)),
                  pl.BlockSpec((f, OUT), lambda i: (0, 0)),
                  pl.BlockSpec((1, OUT), lambda i: (0, 0))],
        out_specs=[pl.BlockSpec((_ROWB, K * OUT), lambda i: (i, 0)),
                   pl.BlockSpec((_ROWB, OUT), lambda i: (i, 0))],
        out_shape=[jax.ShapeDtypeStruct((N, K * OUT), jnp.bfloat16),
                   jax.ShapeDtypeStruct((N, OUT), jnp.float32)],
    )(x, Wp, root, bias)


def _combine_mm(parts, R, skip, Wp, root, bias):
    f = Wp.shape[0]
    specs = [pl.BlockSpec((2, _ROWB, OUT), lambda i: (0, i, 0)),
             pl.BlockSpec((_ROWB, OUT), lambda i: (i, 0))]
    args = [parts, R]
    if skip is not None:
        specs.append(pl.BlockSpec((_ROWB, OUT), lambda i: (i, 0)))
        args.append(skip)
    specs += [pl.BlockSpec((f, K * OUT), lambda i: (0, 0)),
              pl.BlockSpec((f, OUT), lambda i: (0, 0)),
              pl.BlockSpec((1, OUT), lambda i: (0, 0))]
    args += [Wp, root, bias]

    def body(*refs):
        if skip is not None:
            p_ref, r_ref, s_ref, w_ref, rt_ref, b_ref, h_ref, ro_ref = refs
            h = jax.nn.relu(p_ref[0] + p_ref[1] + r_ref[...])
            h = jnp.concatenate([h, s_ref[...]], axis=1)
        else:
            p_ref, r_ref, w_ref, rt_ref, b_ref, h_ref, ro_ref = refs
            h = jax.nn.relu(p_ref[0] + p_ref[1] + r_ref[...])
        h_ref[...] = jax.lax.dot_general(
            h, w_ref[...], (((1,), (0,)), ((), ())),
            preferred_element_type=jnp.float32).astype(jnp.bfloat16)
        ro_ref[...] = jax.lax.dot_general(
            h, rt_ref[...], (((1,), (0,)), ((), ())),
            preferred_element_type=jnp.float32) + b_ref[...]

    return pl.pallas_call(
        body,
        grid=(N // _ROWB,),
        in_specs=specs,
        out_specs=[pl.BlockSpec((_ROWB, K * OUT), lambda i: (i, 0)),
                   pl.BlockSpec((_ROWB, OUT), lambda i: (i, 0))],
        out_shape=[jax.ShapeDtypeStruct((N, K * OUT), jnp.bfloat16),
                   jax.ShapeDtypeStruct((N, OUT), jnp.float32)],
    )(*args)


def _combine(parts, R):
    return pl.pallas_call(
        _combine_kernel,
        grid=(N // _ROWB,),
        in_specs=[pl.BlockSpec((2, _ROWB, OUT), lambda i: (0, i, 0)),
                  pl.BlockSpec((_ROWB, OUT), lambda i: (i, 0))],
        out_specs=pl.BlockSpec((_ROWB, OUT), lambda i: (i, 0)),
        out_shape=jax.ShapeDtypeStruct((N, OUT), jnp.float32),
    )(parts, R)



_B = 40
_G = 25
_NTILE = 16
_NPAD = 10240
_ROWS_PER_TILE = _NPAD // _NTILE


def _sc_conv(H, basis, src, dst, zeros):
    kc = H.shape[1]
    assert H.dtype == jnp.bfloat16
    e_per_w = E // 32
    n_chunks = e_per_w // _B
    mesh = plsc.VectorSubcoreMesh(core_axis_name="c", subcore_axis_name="s",
                                  num_cores=2, num_subcores=_NTILE)

    @functools.partial(
        pl.kernel,
        out_type=jax.ShapeDtypeStruct((2, _NPAD, OUT), jnp.float32),
        mesh=mesh,
        compiler_params=pltpu.CompilerParams(use_tc_tiling_on_sc=False,
                                             needs_layout_passes=False),
        scratch_types=[
            pltpu.VMEM((_G, _B), jnp.int32),
            pltpu.VMEM((_G, _B), jnp.int32),
            pltpu.VMEM((_G * _B, 16), jnp.float32),
            [pltpu.VMEM((_B, kc), jnp.bfloat16)] * 2,
            [pltpu.VMEM((_B, OUT), jnp.float32)] * 2,
            pltpu.VMEM_SHARED((_NPAD, OUT), jnp.float32),
            [pltpu.SemaphoreType.DMA] * 2,
            [pltpu.SemaphoreType.DMA] * 2,
        ],
    )
    def k(h_hbm, basis_hbm, src_hbm, dst_hbm, z_hbm, out_hbm,
          sidx, didx, bas, rows, msg, acc, gsem, ssem):
        c = lax.axis_index("c")
        s = lax.axis_index("s")
        wid = c * _NTILE + s

        r0 = s * _ROWS_PER_TILE
        pltpu.sync_copy(z_hbm.at[pl.ds(r0, _ROWS_PER_TILE)],
                        acc.at[pl.ds(r0, _ROWS_PER_TILE)])
        plsc.subcore_barrier()

        ebase = wid * e_per_w

        @pl.loop(0, n_chunks // _G)
        def group(g):
            gbase = ebase + g * _G * _B
            grow = (wid * e_per_w) // _B + g * _G
            pltpu.sync_copy(src_hbm.at[pl.ds(grow, _G)], sidx)
            pltpu.sync_copy(dst_hbm.at[pl.ds(grow, _G)], didx)
            pltpu.sync_copy(basis_hbm.at[pl.ds(gbase, _G * _B)], bas)

            def prefetch(i, j):
                pltpu.async_copy(h_hbm.at[sidx.at[i]], rows[j], gsem[j])

            def consume(i, j, wait_scat):
                pltpu.make_async_copy(h_hbm.at[sidx.at[i]], rows[j],
                                      gsem[j]).wait()

                @pl.when(wait_scat)
                def _():
                    pltpu.make_async_copy(msg[j], acc.at[didx.at[i]],
                                          ssem[j]).wait()

                @pl.loop(0, _B)
                def per_edge(b):
                    wv = bas[i * _B + b]
                    w = [wv[kk] for kk in range(K)]
                    for m in range(OUT // 32):
                        acc_a = None
                        acc_b = None
                        for kk in range(K):
                            v = rows[j][b, pl.ds(kk * OUT + m * 32, 32)]
                            va, vb = plsc.unpack(
                                v, format=plsc.PackFormat.INTERLEAVED,
                                preferred_element_type=jnp.float32)
                            if acc_a is None:
                                acc_a = w[kk] * va
                                acc_b = w[kk] * vb
                            else:
                                acc_a = acc_a + w[kk] * va
                                acc_b = acc_b + w[kk] * vb
                        msg[j][b, pl.ds(m * 32, 16)] = acc_a
                        msg[j][b, pl.ds(m * 32 + 16, 16)] = acc_b

                pltpu.async_copy(msg[j], acc.at[didx.at[i]], ssem[j],
                                 add=True)

            prefetch(0, 0)

            @pl.loop(0, (_G - 1) // 2)
            def pair(pi):
                prefetch(2 * pi + 1, 1)
                consume(2 * pi, 0, pi > 0)
                prefetch(2 * pi + 2, 0)
                consume(2 * pi + 1, 1, pi > 0)

            consume(_G - 1, 0, True)
            pltpu.make_async_copy(msg[0], acc.at[didx.at[0]], ssem[0]).wait()
            pltpu.make_async_copy(msg[1], acc.at[didx.at[0]], ssem[1]).wait()

        plsc.subcore_barrier()
        pltpu.sync_copy(acc.at[pl.ds(r0, _ROWS_PER_TILE)],
                        out_hbm.at[c, pl.ds(r0, _ROWS_PER_TILE)])

    return k(H, basis, src, dst, zeros)[:, :N, :]




def kernel(x, edge_index, edge_attr, skip, W1, root1, b1, W2, root2, b2):
    src = edge_index[0]
    dst = edge_index[1]
    basis = _compute_basis(edge_attr)
    zeros = jnp.zeros((_NPAD, OUT), jnp.float32)

    perm = _interleave_perm()
    W1p = W1.transpose(1, 0, 2).reshape(IN, K * OUT)[:, perm]
    W2p = W2.transpose(1, 0, 2).reshape(OUT, K * OUT)[:, perm]
    b1r = b1[None, :]
    b2r = b2[None, :]
    src2 = src.reshape(E // _B, _B)
    dst2 = dst.reshape(E // _B, _B)

    H1, R1 = _mm(x, W1p, root1, b1r)
    parts1 = _sc_conv(H1, basis, src2, dst2, zeros)
    H2, R2 = _combine_mm(parts1, R1, skip, W1p, root1, b1r)
    parts2 = _sc_conv(H2, basis, src2, dst2, zeros)
    H3, R3 = _combine_mm(parts2, R2, None, W2p, root2, b2r)
    parts3 = _sc_conv(H3, basis, src2, dst2, zeros)
    return _combine(parts3, R3)

# --- scband reference (transcript-rebuilt; emitter-appended) ---
"""Pipeline reference for scband-mesh-up-conv-37623913513299 (READ-ONLY COPY).

The authoritative reference and input builder live on the scoring server;
editing this copy changes nothing except your own understanding.
"""

import jax, jax.numpy as jnp
import numpy as np

N = 10000
E = 320000
IN = 128
OUT = 64
KS = 3  # kernel_size per dim
K = KS * KS


def setup_inputs(seed: int = 0) -> dict:
    key = jax.random.key(seed)
    ks = jax.random.split(key, 10)
    x = jax.random.normal(ks[0], (N, IN), dtype=jnp.float32)
    edge_index = jax.random.randint(ks[1], (2, E), 0, N, dtype=jnp.int32)
    edge_attr = jax.random.uniform(ks[2], (E, 2), dtype=jnp.float32)
    skip = jax.random.normal(ks[3], (N, OUT), dtype=jnp.float32)
    # conv1: SplineConv(IN -> OUT), kernel_size [3,3] => K=9 basis kernels, plus root weight and bias
    W1 = jax.random.normal(ks[4], (K, IN, OUT), dtype=jnp.float32) * 0.05
    root1 = jax.random.normal(ks[5], (IN, OUT), dtype=jnp.float32) * 0.05
    b1 = jnp.zeros((OUT,), dtype=jnp.float32)
    # conv2: SplineConv(OUT -> OUT)
    W2 = jax.random.normal(ks[6], (K, OUT, OUT), dtype=jnp.float32) * 0.05
    root2 = jax.random.normal(ks[7], (OUT, OUT), dtype=jnp.float32) * 0.05
    b2 = jnp.zeros((OUT,), dtype=jnp.float32)
    return {"x": x, "edge_index": edge_index, "edge_attr": edge_attr, "skip": skip,
            "W1": W1, "root1": root1, "b1": b1, "W2": W2, "root2": root2, "b2": b2}


def _spline_basis(edge_attr):
    # degree-2 (quadratic) B-spline basis over a 3x3 kernel grid on pseudo-coords in [0,1]
    u = edge_attr * (KS - 1)                       # [E, 2] in [0, 2]
    grid = jnp.arange(KS, dtype=edge_attr.dtype)   # [3]
    t = u[:, :, None] - grid[None, None, :]        # [E, 2, 3]
    at = jnp.abs(t)
    b = jnp.where(at <= 0.5, 0.75 - t * t,
                  jnp.where(at <= 1.5, 0.5 * (1.5 - at) ** 2, 0.0))
    b = b / (jnp.sum(b, axis=-1, keepdims=True) + 1e-12)
    basis = b[:, 0, :, None] * b[:, 1, None, :]    # [E, 3, 3]
    return basis.reshape(-1, K)                    # [E, 9]


def _spline_conv(x, edge_index, basis, W, root, bias):
    src = edge_index[0]
    dst = edge_index[1]
    # per-node transform for all K kernels (node-level matmul, edge-level gather)
    H = jnp.einsum('ni,kio->nko', x, W)            # [N, K, OUT]
    Hs = jnp.take(H, src, axis=0)                  # gather [E, K, OUT]
    msg = jnp.einsum('ek,eko->eo', basis, Hs)      # [E, OUT]
    agg = jax.ops.segment_sum(msg, dst, num_segments=x.shape[0])  # scatter-add
    return agg + x @ root + bias


def reference(x, edge_index, edge_attr, skip, W1, root1, b1, W2, root2, b2):
    # MeshUnpool is mesh-topology dependent; features/topology here are the unpooled mesh
    basis = _spline_basis(edge_attr)
    h = jax.nn.relu(_spline_conv(x, edge_index, basis, W1, root1, b1))      # conv1
    h = jnp.concatenate([h, skip], axis=1)                                   # skip concat
    h = jax.nn.relu(_spline_conv(h, edge_index, basis, W1, root1, b1))      # conv1 again
    h = jax.nn.relu(_spline_conv(h, edge_index, basis, W2, root2, b2))      # conv2
    return h

if __name__ == "__main__":
    import jax
    _d = setup_inputs()
    print(jax.jit(kernel)(*tuple(_d.values())))

</pallas_src>

<mosaic_0001>
#map = affine_map<(d0, d1) -> (0, 0)>
#map1 = affine_map<(d0, d1) -> (0, 0, 0)>
module attributes {stable_mosaic.version = 14 : i64} {
  func.func @k(%arg0: i32, %arg1: i32, %arg2: memref<10000x576xbf16, #tpu.memory_space<hbm>>, %arg3: memref<320000x16xf32, #tpu.memory_space<hbm>>, %arg4: memref<8000x40xi32, #tpu.memory_space<hbm>>, %arg5: memref<8000x40xi32, #tpu.memory_space<hbm>>, %arg6: memref<10240x64xf32, #tpu.memory_space<hbm>>, %arg7: memref<2x10240x64xf32, #tpu.memory_space<hbm>>, %arg8: memref<25x40xi32, #tpu.memory_space<vmem>>, %arg9: memref<25x40xi32, #tpu.memory_space<vmem>>, %arg10: memref<1000x16xf32, #tpu.memory_space<vmem>>, %arg11: memref<40x576xbf16, #tpu.memory_space<vmem>>, %arg12: memref<40x576xbf16, #tpu.memory_space<vmem>>, %arg13: memref<40x64xf32, #tpu.memory_space<vmem>>, %arg14: memref<40x64xf32, #tpu.memory_space<vmem>>, %arg15: memref<10240x64xf32, #tpu.memory_space<vmem_shared>>, %arg16: memref<!tpu.dma_semaphore, #tpu.memory_space<semaphore_mem>>, %arg17: memref<!tpu.dma_semaphore, #tpu.memory_space<semaphore_mem>>, %arg18: memref<!tpu.dma_semaphore, #tpu.memory_space<semaphore_mem>>, %arg19: memref<!tpu.dma_semaphore, #tpu.memory_space<semaphore_mem>>) attributes {dimension_semantics = [#tpu.dimension_semantics<core_parallel>, #tpu.dimension_semantics<subcore_parallel>], iteration_bounds = array<i64: 2, 16>, scalar_prefetch = 0 : i64, scratch_operands = 12 : i64, tpu.core_type = #tpu.core_type<sc_vector_subcore>, window_params = [{transform_indices = #map}, {transform_indices = #map}, {transform_indices = #map}, {transform_indices = #map}, {transform_indices = #map}, {transform_indices = #map1}]} {
    %mul3A = arith.constant 16 : i32
    %mul3A_0 = arith.muli %arg0, %mul3A : i32
    %add3A = arith.addi %mul3A_0, %arg1 : i32
    %mul3A_1 = arith.constant 640 : i32
    %mul3A_2 = arith.muli %arg1, %mul3A_1 : i32
    "tpu.region"() ({
      %run_scoped3A = tpu.sem_alloc : memref<!tpu.dma_semaphore, #tpu.memory_space<semaphore_mem>>
      %dma_start3A = arith.constant 0 : i32
      %dma_start3A_10 = tpu.memref_slice %arg15[%mul3A_2, %dma_start3A] : memref<10240x64xf32, #tpu.memory_space<vmem_shared>> -> memref<640x64xf32, #tpu.memory_space<vmem_shared>>
      %dma_start3A_11 = arith.constant 0 : i32
      %dma_start3A_12 = tpu.memref_slice %arg6[%mul3A_2, %dma_start3A_11] : memref<10240x64xf32, #tpu.memory_space<hbm>> -> memref<640x64xf32, #tpu.memory_space<hbm>>
      tpu.enqueue_dma source(%dma_start3A_12 : memref<640x64xf32, #tpu.memory_space<hbm>>) target(%dma_start3A_10 : memref<640x64xf32, #tpu.memory_space<vmem_shared>>) target_semaphore(%run_scoped3A : memref<!tpu.dma_semaphore, #tpu.memory_space<semaphore_mem>>)
      %dma_wait3A = arith.constant 0 : i32
      %dma_wait3A_13 = tpu.memref_slice %arg15[%mul3A_2, %dma_wait3A] : memref<10240x64xf32, #tpu.memory_space<vmem_shared>> -> memref<640x64xf32, #tpu.memory_space<vmem_shared>>
      %dma_wait3A_14 = arith.constant 0 : i32
      %dma_wait3A_15 = tpu.memref_slice %arg6[%mul3A_2, %dma_wait3A_14] : memref<10240x64xf32, #tpu.memory_space<hbm>> -> memref<640x64xf32, #tpu.memory_space<hbm>>
      tpu.wait_dma2 semaphore(%run_scoped3A : memref<!tpu.dma_semaphore, #tpu.memory_space<semaphore_mem>>) src(%dma_wait3A_15 : memref<640x64xf32, #tpu.memory_space<hbm>>) dst(%dma_wait3A_13 : memref<640x64xf32, #tpu.memory_space<vmem_shared>>)
      tpu.yield
    }) : () -> ()
    %barrier3A = arith.constant 0 : index
    tpu.barrier barrier_id(%barrier3A)
    %mul3A_3 = arith.constant 10000 : i32
    %mul3A_4 = arith.muli %add3A, %mul3A_3 : i32
    %scan3A = arith.constant 0 : i32
    %scan3A_5 = arith.constant 10 : i32
    %scan3A_6 = arith.addi %scan3A, %scan3A_5 : i32
    %scan3A_7 = arith.constant 1 : i32
    scf.for %scan3A_10 = %scan3A to %scan3A_6 step %scan3A_7  : i32 {
      %mul3A_11 = arith.constant 1 : i32
      %mul3A_12 = arith.muli %scan3A_10, %mul3A_11 : i32
      %add3A_13 = arith.constant 0 : i32
      %add3A_14 = arith.addi %add3A_13, %mul3A_12 : i32
      %mul3A_15 = arith.constant 25 : i32
      %mul3A_16 = arith.muli %add3A_14, %mul3A_15 : i32
      %mul3A_17 = arith.constant 40 : i32
      %mul3A_18 = arith.muli %mul3A_16, %mul3A_17 : i32
      %add3A_19 = arith.addi %mul3A_4, %mul3A_18 : i32
      %mul3A_20 = arith.constant 10000 : i32
      %mul3A_21 = arith.muli %add3A, %mul3A_20 : i32
      %jit3A = arith.constant 40 : i32
      %div3A = arith.divsi %mul3A_21, %jit3A : i32
      %sign3A = arith.constant 0 : i32
      %sign3A_22 = arith.cmpi sgt, %mul3A_21, %sign3A : i32
      %sign3A_23 = arith.extui %sign3A_22 : i1 to i32
      %sign3A_24 = arith.constant 0 : i32
      %sign3A_25 = arith.cmpi slt, %mul3A_21, %sign3A_24 : i32
      %sign3A_26 = arith.extui %sign3A_25 : i1 to i32
      %sign3A_27 = arith.subi %sign3A_23, %sign3A_26 : i32
      %sign3A_28 = arith.constant 0 : i32
      %sign3A_29 = arith.cmpi sgt, %jit3A, %sign3A_28 : i32
      %sign3A_30 = arith.extui %sign3A_29 : i1 to i32
      %sign3A_31 = arith.constant 0 : i32
      %sign3A_32 = arith.cmpi slt, %jit3A, %sign3A_31 : i32
      %sign3A_33 = arith.extui %sign3A_32 : i1 to i32
      %sign3A_34 = arith.subi %sign3A_30, %sign3A_33 : i32
      %ne3A = arith.cmpi ne, %sign3A_27, %sign3A_34 : i32
      %rem3A = arith.remsi %mul3A_21, %jit3A : i32
      %ne3A_35 = arith.constant 0 : i32
      %ne3A_36 = arith.cmpi ne, %rem3A, %ne3A_35 : i32
      %and3A = arith.andi %ne3A, %ne3A_36 : i1
      %sub3A = arith.constant 1 : i32
      %sub3A_37 = arith.subi %div3A, %sub3A : i32
      %select_n3A = arith.select %and3A, %sub3A_37, %div3A : i32
      %mul3A_38 = arith.constant 25 : i32
      %mul3A_39 = arith.muli %add3A_14, %mul3A_38 : i32
      %add3A_40 = arith.addi %select_n3A, %mul3A_39 : i32
      "tpu.region"() ({
        %run_scoped3A = tpu.sem_alloc : memref<!tpu.dma_semaphore, #tpu.memory_space<semaphore_mem>>
        %dma_start3A_91 = arith.constant 0 : i32
        %dma_start3A_92 = tpu.memref_slice %arg4[%add3A_40, %dma_start3A_91] : memref<8000x40xi32, #tpu.memory_space<hbm>> -> memref<25x40xi32, #tpu.memory_space<hbm>>
        %dma_start3A_93 = arith.constant 0 : i32
        %dma_start3A_94 = tpu.memref_slice %arg4[%add3A_40, %dma_start3A_93] : memref<8000x40xi32, #tpu.memory_space<hbm>> -> memref<25x40xi32, #tpu.memory_space<hbm>>
        tpu.enqueue_dma source(%dma_start3A_94 : memref<25x40xi32, #tpu.memory_space<hbm>>) target(%arg8 : memref<25x40xi32, #tpu.memory_space<vmem>>) target_semaphore(%run_scoped3A : memref<!tpu.dma_semaphore, #tpu.memory_space<semaphore_mem>>)
        %dma_wait3A_95 = arith.constant 0 : i32
        %dma_wait3A_96 = tpu.memref_slice %arg4[%add3A_40, %dma_wait3A_95] : memref<8000x40xi32, #tpu.memory_space<hbm>> -> memref<25x40xi32, #tpu.memory_space<hbm>>
        %dma_wait3A_97 = arith.constant 0 : i32
        %dma_wait3A_98 = tpu.memref_slice %arg4[%add3A_40, %dma_wait3A_97] : memref<8000x40xi32, #tpu.memory_space<hbm>> -> memref<25x40xi32, #tpu.memory_space<hbm>>
        tpu.wait_dma2 semaphore(%run_scoped3A : memref<!tpu.dma_semaphore, #tpu.memory_space<semaphore_mem>>) src(%dma_wait3A_98 : memref<25x40xi32, #tpu.memory_space<hbm>>) dst(%arg8 : memref<25x40xi32, #tpu.memory_space<vmem>>)
        tpu.yield
      }) : () -> ()
      "tpu.region"() ({
        %run_scoped3A = tpu.sem_alloc : memref<!tpu.dma_semaphore, #tpu.memory_space<semaphore_mem>>
        %dma_start3A_91 = arith.constant 0 : i32
        %dma_start3A_92 = tpu.memref_slice %arg5[%add3A_40, %dma_start3A_91] : memref<8000x40xi32, #tpu.memory_space<hbm>> -> memref<25x40xi32, #tpu.memory_space<hbm>>
        %dma_start3A_93 = arith.constant 0 : i32
        %dma_start3A_94 = tpu.memref_slice %arg5[%add3A_40, %dma_start3A_93] : memref<8000x40xi32, #tpu.memory_space<hbm>> -> memref<25x40xi32, #tpu.memory_space<hbm>>
        tpu.enqueue_dma source(%dma_start3A_94 : memref<25x40xi32, #tpu.memory_space<hbm>>) target(%arg9 : memref<25x40xi32, #tpu.memory_space<vmem>>) target_semaphore(%run_scoped3A : memref<!tpu.dma_semaphore, #tpu.memory_space<semaphore_mem>>)
        %dma_wait3A_95 = arith.constant 0 : i32
        %dma_wait3A_96 = tpu.memref_slice %arg5[%add3A_40, %dma_wait3A_95] : memref<8000x40xi32, #tpu.memory_space<hbm>> -> memref<25x40xi32, #tpu.memory_space<hbm>>
        %dma_wait3A_97 = arith.constant 0 : i32
        %dma_wait3A_98 = tpu.memref_slice %arg5[%add3A_40, %dma_wait3A_97] : memref<8000x40xi32, #tpu.memory_space<hbm>> -> memref<25x40xi32, #tpu.memory_space<hbm>>
        tpu.wait_dma2 semaphore(%run_scoped3A : memref<!tpu.dma_semaphore, #tpu.memory_space<semaphore_mem>>) src(%dma_wait3A_98 : memref<25x40xi32, #tpu.memory_space<hbm>>) dst(%arg9 : memref<25x40xi32, #tpu.memory_space<vmem>>)
        tpu.yield
      }) : () -> ()
      "tpu.region"() ({
        %run_scoped3A = tpu.sem_alloc : memref<!tpu.dma_semaphore, #tpu.memory_space<semaphore_mem>>
        %dma_start3A_91 = arith.constant 0 : i32
        %dma_start3A_92 = tpu.memref_slice %arg3[%add3A_19, %dma_start3A_91] : memref<320000x16xf32, #tpu.memory_space<hbm>> -> memref<1000x16xf32, #tpu.memory_space<hbm>>
        %dma_start3A_93 = arith.constant 0 : i32
        %dma_start3A_94 = tpu.memref_slice %arg3[%add3A_19, %dma_start3A_93] : memref<320000x16xf32, #tpu.memory_space<hbm>> -> memref<1000x16xf32, #tpu.memory_space<hbm>>
        tpu.enqueue_dma source(%dma_start3A_94 : memref<1000x16xf32, #tpu.memory_space<hbm>>) target(%arg10 : memref<1000x16xf32, #tpu.memory_space<vmem>>) target_semaphore(%run_scoped3A : memref<!tpu.dma_semaphore, #tpu.memory_space<semaphore_mem>>)
        %dma_wait3A_95 = arith.constant 0 : i32
        %dma_wait3A_96 = tpu.memref_slice %arg3[%add3A_19, %dma_wait3A_95] : memref<320000x16xf32, #tpu.memory_space<hbm>> -> memref<1000x16xf32, #tpu.memory_space<hbm>>
        %dma_wait3A_97 = arith.constant 0 : i32
        %dma_wait3A_98 = tpu.memref_slice %arg3[%add3A_19, %dma_wait3A_97] : memref<320000x16xf32, #tpu.memory_space<hbm>> -> memref<1000x16xf32, #tpu.memory_space<hbm>>
        tpu.wait_dma2 semaphore(%run_scoped3A : memref<!tpu.dma_semaphore, #tpu.memory_space<semaphore_mem>>) src(%dma_wait3A_98 : memref<1000x16xf32, #tpu.memory_space<hbm>>) dst(%arg10 : memref<1000x16xf32, #tpu.memory_space<vmem>>)
        tpu.yield
      }) : () -> ()
      %dma_start3A = arith.constant 0 : i32
      %dma_start3A_41 = arith.constant 0 : i32
      %dma_start3A_42 = tpu.memref_slice %arg8[%dma_start3A, %dma_start3A_41] : memref<25x40xi32, #tpu.memory_space<vmem>> -> memref<1x40xi32, #tpu.memory_space<vmem>>
      %dma_start3A_43 = tpu.memref_squeeze %dma_start3A_42 : memref<1x40xi32, #tpu.memory_space<vmem>> -> memref<40xi32, #tpu.memory_space<vmem>>
      %dma_start3A_44 = arith.constant 0 : i32
      %dma_start3A_45 = arith.constant 0 : i32
      %dma_start3A_46 = tpu.memref_slice %arg2[%dma_start3A_44, %dma_start3A_45] : memref<10000x576xbf16, #tpu.memory_space<hbm>> -> memref<10000x576xbf16, #tpu.memory_space<hbm>>
      tpu.enqueue_indirect_dma source(%dma_start3A_46 : memref<10000x576xbf16, #tpu.memory_space<hbm>>) target(%arg11 : memref<40x576xbf16, #tpu.memory_space<vmem>>) offsets(%dma_start3A_43 : memref<40xi32, #tpu.memory_space<vmem>>) semaphore(%arg16 : memref<!tpu.dma_semaphore, #tpu.memory_space<semaphore_mem>>)
      %scan3A_47 = arith.constant 0 : i32
      %scan3A_48 = arith.constant 12 : i32
      %scan3A_49 = arith.addi %scan3A_47, %scan3A_48 : i32
      %scan3A_50 = arith.constant 1 : i32
      scf.for %scan3A_91 = %scan3A_47 to %scan3A_49 step %scan3A_50  : i32 {
        %mul3A_92 = arith.constant 1 : i32
        %mul3A_93 = arith.muli %scan3A_91, %mul3A_92 : i32
        %add3A_94 = arith.constant 0 : i32
        %add3A_95 = arith.addi %add3A_94, %mul3A_93 : i32
        %mul3A_96 = arith.constant 2 : i32
        %mul3A_97 = arith.muli %mul3A_96, %add3A_95 : i32
        %add3A_98 = arith.constant 1 : i32
        %add3A_99 = arith.addi %mul3A_97, %add3A_98 : i32
        %dma_start3A_100 = arith.constant 0 : i32
        %dma_start3A_101 = tpu.memref_slice %arg8[%add3A_99, %dma_start3A_100] : memref<25x40xi32, #tpu.memory_space<vmem>> -> memref<1x40xi32, #tpu.memory_space<vmem>>
        %dma_start3A_102 = tpu.memref_squeeze %dma_start3A_101 : memref<1x40xi32, #tpu.memory_space<vmem>> -> memref<40xi32, #tpu.memory_space<vmem>>
        %dma_start3A_103 = arith.constant 0 : i32
        %dma_start3A_104 = arith.constant 0 : i32
        %dma_start3A_105 = tpu.memref_slice %arg2[%dma_start3A_103, %dma_start3A_104] : memref<10000x576xbf16, #tpu.memory_space<hbm>> -> memref<10000x576xbf16, #tpu.memory_space<hbm>>
        tpu.enqueue_indirect_dma source(%dma_start3A_105 : memref<10000x576xbf16, #tpu.memory_space<hbm>>) target(%arg12 : memref<40x576xbf16, #tpu.memory_space<vmem>>) offsets(%dma_start3A_102 : memref<40xi32, #tpu.memory_space<vmem>>) semaphore(%arg17 : memref<!tpu.dma_semaphore, #tpu.memory_space<semaphore_mem>>)
        %mul3A_106 = arith.constant 2 : i32
        %mul3A_107 = arith.muli %mul3A_106, %add3A_95 : i32
        %gt3A = arith.constant 0 : i32
        %gt3A_108 = arith.cmpi sgt, %add3A_95, %gt3A : i32
        %dma_wait3A_109 = arith.constant 0 : i32
        %dma_wait3A_110 = tpu.memref_slice %arg8[%mul3A_107, %dma_wait3A_109] : memref<25x40xi32, #tpu.memory_space<vmem>> -> memref<1x40xi32, #tpu.memory_space<vmem>>
        %dma_wait3A_111 = tpu.memref_squeeze %dma_wait3A_110 : memref<1x40xi32, #tpu.memory_space<vmem>> -> memref<40xi32, #tpu.memory_space<vmem>>
        %dma_wait3A_112 = arith.constant 0 : i32
        %dma_wait3A_113 = arith.constant 0 : i32
        %dma_wait3A_114 = tpu.memref_slice %arg2[%dma_wait3A_112, %dma_wait3A_113] : memref<10000x576xbf16, #tpu.memory_space<hbm>> -> memref<10000x576xbf16, #tpu.memory_space<hbm>>
        tpu.wait_indirect_dma semaphore(%arg16 : memref<!tpu.dma_semaphore, #tpu.memory_space<semaphore_mem>>) src(%dma_wait3A_114 : memref<10000x576xbf16, #tpu.memory_space<hbm>>) dst(%arg11 : memref<40x576xbf16, #tpu.memory_space<vmem>>)
        %convert_element_type3A = arith.extui %gt3A_108 : i1 to i32
        %cond3A = arith.constant 0 : i32
        %cond3A_115 = arith.cmpi ne, %convert_element_type3A, %cond3A : i32
        scf.if %cond3A_115 {
          %dma_wait3A_163 = arith.constant 0 : i32
          %dma_wait3A_164 = tpu.memref_slice %arg9[%mul3A_107, %dma_wait3A_163] : memref<25x40xi32, #tpu.memory_space<vmem>> -> memref<1x40xi32, #tpu.memory_space<vmem>>
          %dma_wait3A_165 = tpu.memref_squeeze %dma_wait3A_164 : memref<1x40xi32, #tpu.memory_space<vmem>> -> memref<40xi32, #tpu.memory_space<vmem>>
          %dma_wait3A_166 = arith.constant 0 : i32
          %dma_wait3A_167 = arith.constant 0 : i32
          %dma_wait3A_168 = tpu.memref_slice %arg15[%dma_wait3A_166, %dma_wait3A_167] : memref<10240x64xf32, #tpu.memory_space<vmem_shared>> -> memref<10240x64xf32, #tpu.memory_space<vmem_shared>>
          tpu.wait_indirect_dma semaphore(%arg18 : memref<!tpu.dma_semaphore, #tpu.memory_space<semaphore_mem>>) src(%arg13 : memref<40x64xf32, #tpu.memory_space<vmem>>) dst(%dma_wait3A_168 : memref<10240x64xf32, #tpu.memory_space<vmem_shared>>)
        } else {
        }
        %scan3A_116 = arith.constant 0 : i32
        %scan3A_117 = arith.constant 40 : i32
        %scan3A_118 = arith.addi %scan3A_116, %scan3A_117 : i32
        %scan3A_119 = arith.constant 1 : i32
        scf.for %scan3A_163 = %scan3A_116 to %scan3A_118 step %scan3A_119  : i32 {
          %mul3A_164 = arith.constant 1 : i32
          %mul3A_165 = arith.muli %scan3A_163, %mul3A_164 : i32
          %add3A_166 = arith.constant 0 : i32
          %add3A_167 = arith.addi %add3A_166, %mul3A_165 : i32
          %mul3A_168 = arith.constant 40 : i32
          %mul3A_169 = arith.muli %mul3A_107, %mul3A_168 : i32
          %add3A_170 = arith.addi %mul3A_169, %add3A_167 : i32
          %get3A = arith.index_cast %add3A_170 : i32 to index
          %get3A_171 = arith.constant 0 : index
          %get3A_172 = tpu.vector_load %arg10[%get3A, %get3A_171] {strides = array<i32>} : memref<1000x16xf32, #tpu.memory_space<vmem>>, vector<16xf32>,
          %slice3A = vector.extract_strided_slice %get3A_172 {offsets = [0], sizes = [1], strides = [1]} : vector<16xf32> to vector<1xf32>
          %squeeze3A = vector.extract %slice3A[0] : f32 from vector<1xf32>
          %slice3A_173 = vector.extract_strided_slice %get3A_172 {offsets = [1], sizes = [1], strides = [1]} : vector<16xf32> to vector<1xf32>
          %squeeze3A_174 = vector.extract %slice3A_173[0] : f32 from vector<1xf32>
          %slice3A_175 = vector.extract_strided_slice %get3A_172 {offsets = [2], sizes = [1], strides = [1]} : vector<16xf32> to vector<1xf32>
          %squeeze3A_176 = vector.extract %slice3A_175[0] : f32 from vector<1xf32>
          %slice3A_177 = vector.extract_strided_slice %get3A_172 {offsets = [3], sizes = [1], strides = [1]} : vector<16xf32> to vector<1xf32>
          %squeeze3A_178 = vector.extract %slice3A_177[0] : f32 from vector<1xf32>
          %slice3A_179 = vector.extract_strided_slice %get3A_172 {offsets = [4], sizes = [1], strides = [1]} : vector<16xf32> to vector<1xf32>
          %squeeze3A_180 = vector.extract %slice3A_179[0] : f32 from vector<1xf32>
          %slice3A_181 = vector.extract_strided_slice %get3A_172 {offsets = [5], sizes = [1], strides = [1]} : vector<16xf32> to vector<1xf32>
          %squeeze3A_182 = vector.extract %slice3A_181[0] : f32 from vector<1xf32>
          %slice3A_183 = vector.extract_strided_slice %get3A_172 {offsets = [6], sizes = [1], strides = [1]} : vector<16xf32> to vector<1xf32>
          %squeeze3A_184 = vector.extract %slice3A_183[0] : f32 from vector<1xf32>
          %slice3A_185 = vector.extract_strided_slice %get3A_172 {offsets = [7], sizes = [1], strides = [1]} : vector<16xf32> to vector<1xf32>
          %squeeze3A_186 = vector.extract %slice3A_185[0] : f32 from vector<1xf32>
          %slice3A_187 = vector.extract_strided_slice %get3A_172 {offsets = [8], sizes = [1], strides = [1]} : vector<16xf32> to vector<1xf32>
          %squeeze3A_188 = vector.extract %slice3A_187[0] : f32 from vector<1xf32>
          %get3A_189 = arith.index_cast %add3A_167 : i32 to index
          %get3A_190 = arith.constant 0 : index
          %get3A_191 = tpu.vector_load %arg11[%get3A_189, %get3A_190] {strides = array<i32>} : memref<40x576xbf16, #tpu.memory_space<vmem>>, vector<32xbf16>,
          %unpack3A = tpu.unpack_subelements %get3A_191, 0 {pack_format = #tpu.pack_format<interleaved>} : vector<32xbf16> -> vector<16xf32>
          %unpack3A_192 = tpu.unpack_subelements %get3A_191, 1 {pack_format = #tpu.pack_format<interleaved>} : vector<32xbf16> -> vector<16xf32>
          %mul3A_193 = vector.broadcast %squeeze3A : f32 to vector<16xf32>
          %mul3A_194 = arith.mulf %mul3A_193, %unpack3A : vector<16xf32>
          %mul3A_195 = vector.broadcast %squeeze3A : f32 to vector<16xf32>
          %mul3A_196 = arith.mulf %mul3A_195, %unpack3A_192 : vector<16xf32>
          %get3A_197 = arith.index_cast %add3A_167 : i32 to index
          %get3A_198 = arith.constant 64 : index
          %get3A_199 = tpu.vector_load %arg11[%get3A_197, %get3A_198] {strides = array<i32>} : memref<40x576xbf16, #tpu.memory_space<vmem>>, vector<32xbf16>,
          %unpack3A_200 = tpu.unpack_subelements %get3A_199, 0 {pack_format = #tpu.pack_format<interleaved>} : vector<32xbf16> -> vector<16xf32>
          %unpack3A_201 = tpu.unpack_subelements %get3A_199, 1 {pack_format = #tpu.pack_format<interleaved>} : vector<32xbf16> -> vector<16xf32>
          %mul3A_202 = vector.broadcast %squeeze3A_174 : f32 to vector<16xf32>
          %mul3A_203 = arith.mulf %mul3A_202, %unpack3A_200 : vector<16xf32>
          %add3A_204 = arith.addf %mul3A_194, %mul3A_203 : vector<16xf32>
          %mul3A_205 = vector.broadcast %squeeze3A_174 : f32 to vector<16xf32>
          %mul3A_206 = arith.mulf %mul3A_205, %unpack3A_201 : vector<16xf32>
          %add3A_207 = arith.addf %mul3A_196, %mul3A_206 : vector<16xf32>
          %get3A_208 = arith.index_cast %add3A_167 : i32 to index
          %get3A_209 = arith.constant 128 : index
          %get3A_210 = tpu.vector_load %arg11[%get3A_208, %get3A_209] {strides = array<i32>} : memref<40x576xbf16, #tpu.memory_space<vmem>>, vector<32xbf16>,
          %unpack3A_211 = tpu.unpack_subelements %get3A_210, 0 {pack_format = #tpu.pack_format<interleaved>} : vector<32xbf16> -> vector<16xf32>
          %unpack3A_212 = tpu.unpack_subelements %get3A_210, 1 {pack_format = #tpu.pack_format<interleaved>} : vector<32xbf16> -> vector<16xf32>
          %mul3A_213 = vector.broadcast %squeeze3A_176 : f32 to vector<16xf32>
          %mul3A_214 = arith.mulf %mul3A_213, %unpack3A_211 : vector<16xf32>
          %add3A_215 = arith.addf %add3A_204, %mul3A_214 : vector<16xf32>
          %mul3A_216 = vector.broadcast %squeeze3A_176 : f32 to vector<16xf32>
          %mul3A_217 = arith.mulf %mul3A_216, %unpack3A_212 : vector<16xf32>
          %add3A_218 = arith.addf %add3A_207, %mul3A_217 : vector<16xf32>
          %get3A_219 = arith.index_cast %add3A_167 : i32 to index
          %get3A_220 = arith.constant 192 : index
          %get3A_221 = tpu.vector_load %arg11[%get3A_219, %get3A_220] {strides = array<i32>} : memref<40x576xbf16, #tpu.memory_space<vmem>>, vector<32xbf16>,
          %unpack3A_222 = tpu.unpack_subelements %get3A_221, 0 {pack_format = #tpu.pack_format<interleaved>} : vector<32xbf16> -> vector<16xf32>
          %unpack3A_223 = tpu.unpack_subelements %get3A_221, 1 {pack_format = #tpu.pack_format<interleaved>} : vector<32xbf16> -> vector<16xf32>
          %mul3A_224 = vector.broadcast %squeeze3A_178 : f32 to vector<16xf32>
          %mul3A_225 = arith.mulf %mul3A_224, %unpack3A_222 : vector<16xf32>
          %add3A_226 = arith.addf %add3A_215, %mul3A_225 : vector<16xf32>
          %mul3A_227 = vector.broadcast %squeeze3A_178 : f32 to vector<16xf32>
          %mul3A_228 = arith.mulf %mul3A_227, %unpack3A_223 : vector<16xf32>
          %add3A_229 = arith.addf %add3A_218, %mul3A_228 : vector<16xf32>
          %get3A_230 = arith.index_cast %add3A_167 : i32 to index
          %get3A_231 = arith.constant 256 : index
          %get3A_232 = tpu.vector_load %arg11[%get3A_230, %get3A_231] {strides = array<i32>} : memref<40x576xbf16, #tpu.memory_space<vmem>>, vector<32xbf16>,
          %unpack3A_233 = tpu.unpack_subelements %get3A_232, 0 {pack_format = #tpu.pack_format<interleaved>} : vector<32xbf16> -> vector<16xf32>
          %unpack3A_234 = tpu.unpack_subelements %get3A_232, 1 {pack_format = #tpu.pack_format<interleaved>} : vector<32xbf16> -> vector<16xf32>
          %mul3A_235 = vector.broadcast %squeeze3A_180 : f32 to vector<16xf32>
          %mul3A_236 = arith.mulf %mul3A_235, %unpack3A_233 : vector<16xf32>
          %add3A_237 = arith.addf %add3A_226, %mul3A_236 : vector<16xf32>
          %mul3A_238 = vector.broadcast %squeeze3A_180 : f32 to vector<16xf32>
          %mul3A_239 = arith.mulf %mul3A_238, %unpack3A_234 : vector<16xf32>
          %add3A_240 = arith.addf %add3A_229, %mul3A_239 : vector<16xf32>
          %get3A_241 = arith.index_cast %add3A_167 : i32 to index
          %get3A_242 = arith.constant 320 : index
          %get3A_243 = tpu.vector_load %arg11[%get3A_241, %get3A_242] {strides = array<i32>} : memref<40x576xbf16, #tpu.memory_space<vmem>>, vector<32xbf16>,
          %unpack3A_244 = tpu.unpack_subelements %get3A_243, 0 {pack_format = #tpu.pack_format<interleaved>} : vector<32xbf16> -> vector<16xf32>
          %unpack3A_245 = tpu.unpack_subelements %get3A_243, 1 {pack_format = #tpu.pack_format<interleaved>} : vector<32xbf16> -> vector<16xf32>
          %mul3A_246 = vector.broadcast %squeeze3A_182 : f32 to vector<16xf32>
          %mul3A_247 = arith.mulf %mul3A_246, %unpack3A_244 : vector<16xf32>
          %add3A_248 = arith.addf %add3A_237, %mul3A_247 : vector<16xf32>
          %mul3A_249 = vector.broadcast %squeeze3A_182 : f32 to vector<16xf32>
          %mul3A_250 = arith.mulf %mul3A_249, %unpack3A_245 : vector<16xf32>
          %add3A_251 = arith.addf %add3A_240, %mul3A_250 : vector<16xf32>
          %get3A_252 = arith.index_cast %add3A_167 : i32 to index
          %get3A_253 = arith.constant 384 : index
          %get3A_254 = tpu.vector_load %arg11[%get3A_252, %get3A_253] {strides = array<i32>} : memref<40x576xbf16, #tpu.memory_space<vmem>>, vector<32xbf16>,
          %unpack3A_255 = tpu.unpack_subelements %get3A_254, 0 {pack_format = #tpu.pack_format<interleaved>} : vector<32xbf16> -> vector<16xf32>
          %unpack3A_256 = tpu.unpack_subelements %get3A_254, 1 {pack_format = #tpu.pack_format<interleaved>} : vector<32xbf16> -> vector<16xf32>
          %mul3A_257 = vector.broadcast %squeeze3A_184 : f32 to vector<16xf32>
          %mul3A_258 = arith.mulf %mul3A_257, %unpack3A_255 : vector<16xf32>
          %add3A_259 = arith.addf %add3A_248, %mul3A_258 : vector<16xf32>
          %mul3A_260 = vector.broadcast %squeeze3A_184 : f32 to vector<16xf32>
          %mul3A_261 = arith.mulf %mul3A_260, %unpack3A_256 : vector<16xf32>
          %add3A_262 = arith.addf %add3A_251, %mul3A_261 : vector<16xf32>
          %get3A_263 = arith.index_cast %add3A_167 : i32 to index
          %get3A_264 = arith.constant 448 : index
          %get3A_265 = tpu.vector_load %arg11[%get3A_263, %get3A_264] {strides = array<i32>} : memref<40x576xbf16, #tpu.memory_space<vmem>>, vector<32xbf16>,
          %unpack3A_266 = tpu.unpack_subelements %get3A_265, 0 {pack_format = #tpu.pack_format<interleaved>} : vector<32xbf16> -> vector<16xf32>
          %unpack3A_267 = tpu.unpack_subelements %get3A_265, 1 {pack_format = #tpu.pack_format<interleaved>} : vector<32xbf16> -> vector<16xf32>
          %mul3A_268 = vector.broadcast %squeeze3A_186 : f32 to vector<16xf32>
          %mul3A_269 = arith.mulf %mul3A_268, %unpack3A_266 : vector<16xf32>
          %add3A_270 = arith.addf %add3A_259, %mul3A_269 : vector<16xf32>
          %mul3A_271 = vector.broadcast %squeeze3A_186 : f32 to vector<16xf32>
          %mul3A_272 = arith.mulf %mul3A_271, %unpack3A_267 : vector<16xf32>
          %add3A_273 = arith.addf %add3A_262, %mul3A_272 : vector<16xf32>
          %get3A_274 = arith.index_cast %add3A_167 : i32 to index
          %get3A_275 = arith.constant 512 : index
          %get3A_276 = tpu.vector_load %arg11[%get3A_274, %get3A_275] {strides = array<i32>} : memref<40x576xbf16, #tpu.memory_space<vmem>>, vector<32xbf16>,
          %unpack3A_277 = tpu.unpack_subelements %get3A_276, 0 {pack_format = #tpu.pack_format<interleaved>} : vector<32xbf16> -> vector<16xf32>
          %unpack3A_278 = tpu.unpack_subelements %get3A_276, 1 {pack_format = #tpu.pack_format<interleaved>} : vector<32xbf16> -> vector<16xf32>
          %mul3A_279 = vector.broadcast %squeeze3A_188 : f32 to vector<16xf32>
          %mul3A_280 = arith.mulf %mul3A_279, %unpack3A_277 : vector<16xf32>
          %add3A_281 = arith.addf %add3A_270, %mul3A_280 : vector<16xf32>
          %mul3A_282 = vector.broadcast %squeeze3A_188 : f32 to vector<16xf32>
          %mul3A_283 = arith.mulf %mul3A_282, %unpack3A_278 : vector<16xf32>
          %add3A_284 = arith.addf %add3A_273, %mul3A_283 : vector<16xf32>
          %swap3A = arith.index_cast %add3A_167 : i32 to index
          %swap3A_285 = arith.constant 0 : index
          %swap3A_286 = tpu.vector_load %arg13[%swap3A, %swap3A_285] {strides = array<i32>} : memref<40x64xf32, #tpu.memory_space<vmem>>, vector<16xf32>,
          tpu.vector_store %arg13[%swap3A, %swap3A_285], %add3A_281 {strides = array<i32>} : memref<40x64xf32, #tpu.memory_space<vmem>>, vector<16xf32>,
          %swap3A_287 = arith.index_cast %add3A_167 : i32 to index
          %swap3A_288 = arith.constant 16 : index
          %swap3A_289 = tpu.vector_load %arg13[%swap3A_287, %swap3A_288] {strides = array<i32>} : memref<40x64xf32, #tpu.memory_space<vmem>>, vector<16xf32>,
          tpu.vector_store %arg13[%swap3A_287, %swap3A_288], %add3A_284 {strides = array<i32>} : memref<40x64xf32, #tpu.memory_space<vmem>>, vector<16xf32>,
          %get3A_290 = arith.index_cast %add3A_167 : i32 to index
          %get3A_291 = arith.constant 32 : index
          %get3A_292 = tpu.vector_load %arg11[%get3A_290, %get3A_291] {strides = array<i32>} : memref<40x576xbf16, #tpu.memory_space<vmem>>, vector<32xbf16>,
          %unpack3A_293 = tpu.unpack_subelements %get3A_292, 0 {pack_format = #tpu.pack_format<interleaved>} : vector<32xbf16> -> vector<16xf32>
          %unpack3A_294 = tpu.unpack_subelements %get3A_292, 1 {pack_format = #tpu.pack_format<interleaved>} : vector<32xbf16> -> vector<16xf32>
          %mul3A_295 = vector.broadcast %squeeze3A : f32 to vector<16xf32>
          %mul3A_296 = arith.mulf %mul3A_295, %unpack3A_293 : vector<16xf32>
          %mul3A_297 = vector.broadcast %squeeze3A : f32 to vector<16xf32>
          %mul3A_298 = arith.mulf %mul3A_297, %unpack3A_294 : vector<16xf32>
          %get3A_299 = arith.index_cast %add3A_167 : i32 to index
          %get3A_300 = arith.constant 96 : index
          %get3A_301 = tpu.vector_load %arg11[%get3A_299, %get3A_300] {strides = array<i32>} : memref<40x576xbf16, #tpu.memory_space<vmem>>, vector<32xbf16>,
          %unpack3A_302 = tpu.unpack_subelements %get3A_301, 0 {pack_format = #tpu.pack_format<interleaved>} : vector<32xbf16> -> vector<16xf32>
          %unpack3A_303 = tpu.unpack_subelements %get3A_301, 1 {pack_format = #tpu.pack_format<interleaved>} : vector<32xbf16> -> vector<16xf32>
          %mul3A_304 = vector.broadcast %squeeze3A_174 : f32 to vector<16xf32>
          %mul3A_305 = arith.mulf %mul3A_304, %unpack3A_302 : vector<16xf32>
          %add3A_306 = arith.addf %mul3A_296, %mul3A_305 : vector<16xf32>
          %mul3A_307 = vector.broadcast %squeeze3A_174 : f32 to vector<16xf32>
          %mul3A_308 = arith.mulf %mul3A_307, %unpack3A_303 : vector<16xf32>
          %add3A_309 = arith.addf %mul3A_298, %mul3A_308 : vector<16xf32>
          %get3A_310 = arith.index_cast %add3A_167 : i32 to index
          %get3A_311 = arith.constant 160 : index
          %get3A_312 = tpu.vector_load %arg11[%get3A_310, %get3A_311] {strides = array<i32>} : memref<40x576xbf16, #tpu.memory_space<vmem>>, vector<32xbf16>,
          %unpack3A_313 = tpu.unpack_subelements %get3A_312, 0 {pack_format = #tpu.pack_format<interleaved>} : vector<32xbf16> -> vector<16xf32>
          %unpack3A_314 = tpu.unpack_subelements %get3A_312, 1 {pack_format = #tpu.pack_format<interleaved>} : vector<32xbf16> -> vector<16xf32>
          %mul3A_315 = vector.broadcast %squeeze3A_176 : f32 to vector<16xf32>
          %mul3A_316 = arith.mulf %mul3A_315, %unpack3A_313 : vector<16xf32>
          %add3A_317 = arith.addf %add3A_306, %mul3A_316 : vector<16xf32>
          %mul3A_318 = vector.broadcast %squeeze3A_176 : f32 to vector<16xf32>
          %mul3A_319 = arith.mulf %mul3A_318, %unpack3A_314 : vector<16xf32>
          %add3A_320 = arith.addf %add3A_309, %mul3A_319 : vector<16xf32>
          %get3A_321 = arith.index_cast %add3A_167 : i32 to index
          %get3A_322 = arith.constant 224 : index
          %get3A_323 = tpu.vector_load %arg11[%get3A_321, %get3A_322] {strides = array<i32>} : memref<40x576xbf16, #tpu.memory_space<vmem>>, vector<32xbf16>,
          %unpack3A_324 = tpu.unpack_subelements %get3A_323, 0 {pack_format = #tpu.pack_format<interleaved>} : vector<32xbf16> -> vector<16xf32>
          %unpack3A_325 = tpu.unpack_subelements %get3A_323, 1 {pack_format = #tpu.pack_format<interleaved>} : vector<32xbf16> -> vector<16xf32>
          %mul3A_326 = vector.broadcast %squeeze3A_178 : f32 to vector<16xf32>
          %mul3A_327 = arith.mulf %mul3A_326, %unpack3A_324 : vector<16xf32>
          %add3A_328 = arith.addf %add3A_317, %mul3A_327 : vector<16xf32>
          %mul3A_329 = vector.broadcast %squeeze3A_178 : f32 to vector<16xf32>
          %mul3A_330 = arith.mulf %mul3A_329, %unpack3A_325 : vector<16xf32>
          %add3A_331 = arith.addf %add3A_320, %mul3A_330 : vector<16xf32>
          %get3A_332 = arith.index_cast %add3A_167 : i32 to index
          %get3A_333 = arith.constant 288 : index
          %get3A_334 = tpu.vector_load %arg11[%get3A_332, %get3A_333] {strides = array<i32>} : memref<40x576xbf16, #tpu.memory_space<vmem>>, vector<32xbf16>,
          %unpack3A_335 = tpu.unpack_subelements %get3A_334, 0 {pack_format = #tpu.pack_format<interleaved>} : vector<32xbf16> -> vector<16xf32>
          %unpack3A_336 = tpu.unpack_subelements %get3A_334, 1 {pack_format = #tpu.pack_format<interleaved>} : vector<32xbf16> -> vector<16xf32>
          %mul3A_337 = vector.broadcast %squeeze3A_180 : f32 to vector<16xf32>
          %mul3A_338 = arith.mulf %mul3A_337, %unpack3A_335 : vector<16xf32>
          %add3A_339 = arith.addf %add3A_328, %mul3A_338 : vector<16xf32>
          %mul3A_340 = vector.broadcast %squeeze3A_180 : f32 to vector<16xf32>
          %mul3A_341 = arith.mulf %mul3A_340, %unpack3A_336 : vector<16xf32>
          %add3A_342 = arith.addf %add3A_331, %mul3A_341 : vector<16xf32>
          %get3A_343 = arith.index_cast %add3A_167 : i32 to index
          %get3A_344 = arith.constant 352 : index
          %get3A_345 = tpu.vector_load %arg11[%get3A_343, %get3A_344] {strides = array<i32>} : memref<40x576xbf16, #tpu.memory_space<vmem>>, vector<32xbf16>,
          %unpack3A_346 = tpu.unpack_subelements %get3A_345, 0 {pack_format = #tpu.pack_format<interleaved>} : vector<32xbf16> -> vector<16xf32>
          %unpack3A_347 = tpu.unpack_subelements %get3A_345, 1 {pack_format = #tpu.pack_format<interleaved>} : vector<32xbf16> -> vector<16xf32>
          %mul3A_348 = vector.broadcast %squeeze3A_182 : f32 to vector<16xf32>
          %mul3A_349 = arith.mulf %mul3A_348, %unpack3A_346 : vector<16xf32>
          %add3A_350 = arith.addf %add3A_339, %mul3A_349 : vector<16xf32>
          %mul3A_351 = vector.broadcast %squeeze3A_182 : f32 to vector<16xf32>
          %mul3A_352 = arith.mulf %mul3A_351, %unpack3A_347 : vector<16xf32>
          %add3A_353 = arith.addf %add3A_342, %mul3A_352 : vector<16xf32>
          %get3A_354 = arith.index_cast %add3A_167 : i32 to index
          %get3A_355 = arith.constant 416 : index
          %get3A_356 = tpu.vector_load %arg11[%get3A_354, %get3A_355] {strides = array<i32>} : memref<40x576xbf16, #tpu.memory_space<vmem>>, vector<32xbf16>,
          %unpack3A_357 = tpu.unpack_subelements %get3A_356, 0 {pack_format = #tpu.pack_format<interleaved>} : vector<32xbf16> -> vector<16xf32>
          %unpack3A_358 = tpu.unpack_subelements %get3A_356, 1 {pack_format = #tpu.pack_format<interleaved>} : vector<32xbf16> -> vector<16xf32>
          %mul3A_359 = vector.broadcast %squeeze3A_184 : f32 to vector<16xf32>
          %mul3A_360 = arith.mulf %mul3A_359, %unpack3A_357 : vector<16xf32>
          %add3A_361 = arith.addf %add3A_350, %mul3A_360 : vector<16xf32>
          %mul3A_362 = vector.broadcast %squeeze3A_184 : f32 to vector<16xf32>
          %mul3A_363 = arith.mulf %mul3A_362, %unpack3A_358 : vector<16xf32>
          %add3A_364 = arith.addf %add3A_353, %mul3A_363 : vector<16xf32>
          %get3A_365 = arith.index_cast %add3A_167 : i32 to index
          %get3A_366 = arith.constant 480 : index
          %get3A_367 = tpu.vector_load %arg11[%get3A_365, %get3A_366] {strides = array<i32>} : memref<40x576xbf16, #tpu.memory_space<vmem>>, vector<32xbf16>,
          %unpack3A_368 = tpu.unpack_subelements %get3A_367, 0 {pack_format = #tpu.pack_format<interleaved>} : vector<32xbf16> -> vector<16xf32>
          %unpack3A_369 = tpu.unpack_subelements %get3A_367, 1 {pack_format = #tpu.pack_format<interleaved>} : vector<32xbf16> -> vector<16xf32>
          %mul3A_370 = vector.broadcast %squeeze3A_186 : f32 to vector<16xf32>
          %mul3A_371 = arith.mulf %mul3A_370, %unpack3A_368 : vector<16xf32>
          %add3A_372 = arith.addf %add3A_361, %mul3A_371 : vector<16xf32>
          %mul3A_373 = vector.broadcast %squeeze3A_186 : f32 to vector<16xf32>
          %mul3A_374 = arith.mulf %mul3A_373, %unpack3A_369 : vector<16xf32>
          %add3A_375 = arith.addf %add3A_364, %mul3A_374 : vector<16xf32>
          %get3A_376 = arith.index_cast %add3A_167 : i32 to index
          %get3A_377 = arith.constant 544 : index
          %get3A_378 = tpu.vector_load %arg11[%get3A_376, %get3A_377] {strides = array<i32>} : memref<40x576xbf16, #tpu.memory_space<vmem>>, vector<32xbf16>,
          %unpack3A_379 = tpu.unpack_subelements %get3A_378, 0 {pack_format = #tpu.pack_format<interleaved>} : vector<32xbf16> -> vector<16xf32>
          %unpack3A_380 = tpu.unpack_subelements %get3A_378, 1 {pack_format = #tpu.pack_format<interleaved>} : vector<32xbf16> -> vector<16xf32>
          %mul3A_381 = vector.broadcast %squeeze3A_188 : f32 to vector<16xf32>
          %mul3A_382 = arith.mulf %mul3A_381, %unpack3A_379 : vector<16xf32>
          %add3A_383 = arith.addf %add3A_372, %mul3A_382 : vector<16xf32>
          %mul3A_384 = vector.broadcast %squeeze3A_188 : f32 to vector<16xf32>
          %mul3A_385 = arith.mulf %mul3A_384, %unpack3A_380 : vector<16xf32>
          %add3A_386 = arith.addf %add3A_375, %mul3A_385 : vector<16xf32>
          %swap3A_387 = arith.index_cast %add3A_167 : i32 to index
          %swap3A_388 = arith.constant 32 : index
          %swap3A_389 = tpu.vector_load %arg13[%swap3A_387, %swap3A_388] {strides = array<i32>} : memref<40x64xf32, #tpu.memory_space<vmem>>, vector<16xf32>,
          tpu.vector_store %arg13[%swap3A_387, %swap3A_388], %add3A_383 {strides = array<i32>} : memref<40x64xf32, #tpu.memory_space<vmem>>, vector<16xf32>,
          %swap3A_390 = arith.index_cast %add3A_167 : i32 to index
          %swap3A_391 = arith.constant 48 : index
          %swap3A_392 = tpu.vector_load %arg13[%swap3A_390, %swap3A_391] {strides = array<i32>} : memref<40x64xf32, #tpu.memory_space<vmem>>, vector<16xf32>,
          tpu.vector_store %arg13[%swap3A_390, %swap3A_391], %add3A_386 {strides = array<i32>} : memref<40x64xf32, #tpu.memory_space<vmem>>, vector<16xf32>,
        }
        %scan3A_120 = arith.constant 40 : i32
        %dma_start3A_121 = arith.constant 0 : i32
        %dma_start3A_122 = tpu.memref_slice %arg9[%mul3A_107, %dma_start3A_121] : memref<25x40xi32, #tpu.memory_space<vmem>> -> memref<1x40xi32, #tpu.memory_space<vmem>>
        %dma_start3A_123 = tpu.memref_squeeze %dma_start3A_122 : memref<1x40xi32, #tpu.memory_space<vmem>> -> memref<40xi32, #tpu.memory_space<vmem>>
        %dma_start3A_124 = arith.constant 0 : i32
        %dma_start3A_125 = arith.constant 0 : i32
        %dma_start3A_126 = tpu.memref_slice %arg15[%dma_start3A_124, %dma_start3A_125] : memref<10240x64xf32, #tpu.memory_space<vmem_shared>> -> memref<10240x64xf32, #tpu.memory_space<vmem_shared>>
        tpu.enqueue_indirect_dma source(%arg13 : memref<40x64xf32, #tpu.memory_space<vmem>>) target(%dma_start3A_126 : memref<10240x64xf32, #tpu.memory_space<vmem_shared>>) offsets(%dma_start3A_123 : memref<40xi32, #tpu.memory_space<vmem>>) semaphore(%arg18 : memref<!tpu.dma_semaphore, #tpu.memory_space<semaphore_mem>>) {add = true}
        %mul3A_127 = arith.constant 2 : i32
        %mul3A_128 = arith.muli %mul3A_127, %add3A_95 : i32
        %add3A_129 = arith.constant 2 : i32
        %add3A_130 = arith.addi %mul3A_128, %add3A_129 : i32
        %dma_start3A_131 = arith.constant 0 : i32
        %dma_start3A_132 = tpu.memref_slice %arg8[%add3A_130, %dma_start3A_131] : memref<25x40xi32, #tpu.memory_space<vmem>> -> memref<1x40xi32, #tpu.memory_space<vmem>>
        %dma_start3A_133 = tpu.memref_squeeze %dma_start3A_132 : memref<1x40xi32, #tpu.memory_space<vmem>> -> memref<40xi32, #tpu.memory_space<vmem>>
        %dma_start3A_134 = arith.constant 0 : i32
        %dma_start3A_135 = arith.constant 0 : i32
        %dma_start3A_136 = tpu.memref_slice %arg2[%dma_start3A_134, %dma_start3A_135] : memref<10000x576xbf16, #tpu.memory_space<hbm>> -> memref<10000x576xbf16, #tpu.memory_space<hbm>>
        tpu.enqueue_indirect_dma source(%dma_start3A_136 : memref<10000x576xbf16, #tpu.memory_space<hbm>>) target(%arg11 : memref<40x576xbf16, #tpu.memory_space<vmem>>) offsets(%dma_start3A_133 : memref<40xi32, #tpu.memory_space<vmem>>) semaphore(%arg16 : memref<!tpu.dma_semaphore, #tpu.memory_space<semaphore_mem>>)
        %mul3A_137 = arith.constant 2 : i32
        %mul3A_138 = arith.muli %mul3A_137, %add3A_95 : i32
        %add3A_139 = arith.constant 1 : i32
        %add3A_140 = arith.addi %mul3A_138, %add3A_139 : i32
        %gt3A_141 = arith.constant 0 : i32
        %gt3A_142 = arith.cmpi sgt, %add3A_95, %gt3A_141 : i32
        %dma_wait3A_143 = arith.constant 0 : i32
        %dma_wait3A_144 = tpu.memref_slice %arg8[%add3A_140, %dma_wait3A_143] : memref<25x40xi32, #tpu.memory_space<vmem>> -> memref<1x40xi32, #tpu.memory_space<vmem>>
        %dma_wait3A_145 = tpu.memref_squeeze %dma_wait3A_144 : memref<1x40xi32, #tpu.memory_space<vmem>> -> memref<40xi32, #tpu.memory_space<vmem>>
        %dma_wait3A_146 = arith.constant 0 : i32
        %dma_wait3A_147 = arith.constant 0 : i32
        %dma_wait3A_148 = tpu.memref_slice %arg2[%dma_wait3A_146, %dma_wait3A_147] : memref<10000x576xbf16, #tpu.memory_space<hbm>> -> memref<10000x576xbf16, #tpu.memory_space<hbm>>
        tpu.wait_indirect_dma semaphore(%arg17 : memref<!tpu.dma_semaphore, #tpu.memory_space<semaphore_mem>>) src(%dma_wait3A_148 : memref<10000x576xbf16, #tpu.memory_space<hbm>>) dst(%arg12 : memref<40x576xbf16, #tpu.memory_space<vmem>>)
        %convert_element_type3A_149 = arith.extui %gt3A_142 : i1 to i32
        %cond3A_150 = arith.constant 0 : i32
        %cond3A_151 = arith.cmpi ne, %convert_element_type3A_149, %cond3A_150 : i32
        scf.if %cond3A_151 {
          %dma_wait3A_163 = arith.constant 0 : i32
          %dma_wait3A_164 = tpu.memref_slice %arg9[%add3A_140, %dma_wait3A_163] : memref<25x40xi32, #tpu.memory_space<vmem>> -> memref<1x40xi32, #tpu.memory_space<vmem>>
          %dma_wait3A_165 = tpu.memref_squeeze %dma_wait3A_164 : memref<1x40xi32, #tpu.memory_space<vmem>> -> memref<40xi32, #tpu.memory_space<vmem>>
          %dma_wait3A_166 = arith.constant 0 : i32
          %dma_wait3A_167 = arith.constant 0 : i32
          %dma_wait3A_168 = tpu.memref_slice %arg15[%dma_wait3A_166, %dma_wait3A_167] : memref<10240x64xf32, #tpu.memory_space<vmem_shared>> -> memref<10240x64xf32, #tpu.memory_space<vmem_shared>>
          tpu.wait_indirect_dma semaphore(%arg19 : memref<!tpu.dma_semaphore, #tpu.memory_space<semaphore_mem>>) src(%arg14 : memref<40x64xf32, #tpu.memory_space<vmem>>) dst(%dma_wait3A_168 : memref<10240x64xf32, #tpu.memory_space<vmem_shared>>)
        } else {
        }
        %scan3A_152 = arith.constant 0 : i32
        %scan3A_153 = arith.constant 40 : i32
        %scan3A_154 = arith.addi %scan3A_152, %scan3A_153 : i32
        %scan3A_155 = arith.constant 1 : i32
        scf.for %scan3A_163 = %scan3A_152 to %scan3A_154 step %scan3A_155  : i32 {
          %mul3A_164 = arith.constant 1 : i32
          %mul3A_165 = arith.muli %scan3A_163, %mul3A_164 : i32
          %add3A_166 = arith.constant 0 : i32
          %add3A_167 = arith.addi %add3A_166, %mul3A_165 : i32
          %mul3A_168 = arith.constant 40 : i32
          %mul3A_169 = arith.muli %add3A_140, %mul3A_168 : i32
          %add3A_170 = arith.addi %mul3A_169, %add3A_167 : i32
          %get3A = arith.index_cast %add3A_170 : i32 to index
          %get3A_171 = arith.constant 0 : index
          %get3A_172 = tpu.vector_load %arg10[%get3A, %get3A_171] {strides = array<i32>} : memref<1000x16xf32, #tpu.memory_space<vmem>>, vector<16xf32>,
          %slice3A = vector.extract_strided_slice %get3A_172 {offsets = [0], sizes = [1], strides = [1]} : vector<16xf32> to vector<1xf32>
          %squeeze3A = vector.extract %slice3A[0] : f32 from vector<1xf32>
          %slice3A_173 = vector.extract_strided_slice %get3A_172 {offsets = [1], sizes = [1], strides = [1]} : vector<16xf32> to vector<1xf32>
          %squeeze3A_174 = vector.extract %slice3A_173[0] : f32 from vector<1xf32>
          %slice3A_175 = vector.extract_strided_slice %get3A_172 {offsets = [2], sizes = [1], strides = [1]} : vector<16xf32> to vector<1xf32>
          %squeeze3A_176 = vector.extract %slice3A_175[0] : f32 from vector<1xf32>
          %slice3A_177 = vector.extract_strided_slice %get3A_172 {offsets = [3], sizes = [1], strides = [1]} : vector<16xf32> to vector<1xf32>
          %squeeze3A_178 = vector.extract %slice3A_177[0] : f32 from vector<1xf32>
          %slice3A_179 = vector.extract_strided_slice %get3A_172 {offsets = [4], sizes = [1], strides = [1]} : vector<16xf32> to vector<1xf32>
          %squeeze3A_180 = vector.extract %slice3A_179[0] : f32 from vector<1xf32>
          %slice3A_181 = vector.extract_strided_slice %get3A_172 {offsets = [5], sizes = [1], strides = [1]} : vector<16xf32> to vector<1xf32>
          %squeeze3A_182 = vector.extract %slice3A_181[0] : f32 from vector<1xf32>
          %slice3A_183 = vector.extract_strided_slice %get3A_172 {offsets = [6], sizes = [1], strides = [1]} : vector<16xf32> to vector<1xf32>
          %squeeze3A_184 = vector.extract %slice3A_183[0] : f32 from vector<1xf32>
          %slice3A_185 = vector.extract_strided_slice %get3A_172 {offsets = [7], sizes = [1], strides = [1]} : vector<16xf32> to vector<1xf32>
          %squeeze3A_186 = vector.extract %slice3A_185[0] : f32 from vector<1xf32>
          %slice3A_187 = vector.extract_strided_slice %get3A_172 {offsets = [8], sizes = [1], strides = [1]} : vector<16xf32> to vector<1xf32>
          %squeeze3A_188 = vector.extract %slice3A_187[0] : f32 from vector<1xf32>
          %get3A_189 = arith.index_cast %add3A_167 : i32 to index
          %get3A_190 = arith.constant 0 : index
          %get3A_191 = tpu.vector_load %arg12[%get3A_189, %get3A_190] {strides = array<i32>} : memref<40x576xbf16, #tpu.memory_space<vmem>>, vector<32xbf16>,
          %unpack3A = tpu.unpack_subelements %get3A_191, 0 {pack_format = #tpu.pack_format<interleaved>} : vector<32xbf16> -> vector<16xf32>
          %unpack3A_192 = tpu.unpack_subelements %get3A_191, 1 {pack_format = #tpu.pack_format<interleaved>} : vector<32xbf16> -> vector<16xf32>
          %mul3A_193 = vector.broadcast %squeeze3A : f32 to vector<16xf32>
          %mul3A_194 = arith.mulf %mul3A_193, %unpack3A : vector<16xf32>
          %mul3A_195 = vector.broadcast %squeeze3A : f32 to vector<16xf32>
          %mul3A_196 = arith.mulf %mul3A_195, %unpack3A_192 : vector<16xf32>
          %get3A_197 = arith.index_cast %add3A_167 : i32 to index
          %get3A_198 = arith.constant 64 : index
          %get3A_199 = tpu.vector_load %arg12[%get3A_197, %get3A_198] {strides = array<i32>} : memref<40x576xbf16, #tpu.memory_space<vmem>>, vector<32xbf16>,
          %unpack3A_200 = tpu.unpack_subelements %get3A_199, 0 {pack_format = #tpu.pack_format<interleaved>} : vector<32xbf16> -> vector<16xf32>
          %unpack3A_201 = tpu.unpack_subelements %get3A_199, 1 {pack_format = #tpu.pack_format<interleaved>} : vector<32xbf16> -> vector<16xf32>
          %mul3A_202 = vector.broadcast %squeeze3A_174 : f32 to vector<16xf32>
          %mul3A_203 = arith.mulf %mul3A_202, %unpack3A_200 : vector<16xf32>
          %add3A_204 = arith.addf %mul3A_194, %mul3A_203 : vector<16xf32>
          %mul3A_205 = vector.broadcast %squeeze3A_174 : f32 to vector<16xf32>
          %mul3A_206 = arith.mulf %mul3A_205, %unpack3A_201 : vector<16xf32>
          %add3A_207 = arith.addf %mul3A_196, %mul3A_206 : vector<16xf32>
          %get3A_208 = arith.index_cast %add3A_167 : i32 to index
          %get3A_209 = arith.constant 128 : index
          %get3A_210 = tpu.vector_load %arg12[%get3A_208, %get3A_209] {strides = array<i32>} : memref<40x576xbf16, #tpu.memory_space<vmem>>, vector<32xbf16>,
          %unpack3A_211 = tpu.unpack_subelements %get3A_210, 0 {pack_format = #tpu.pack_format<interleaved>} : vector<32xbf16> -> vector<16xf32>
          %unpack3A_212 = tpu.unpack_subelements %get3A_210, 1 {pack_format = #tpu.pack_format<interleaved>} : vector<32xbf16> -> vector<16xf32>
          %mul3A_213 = vector.broadcast %squeeze3A_176 : f32 to vector<16xf32>
          %mul3A_214 = arith.mulf %mul3A_213, %unpack3A_211 : vector<16xf32>
          %add3A_215 = arith.addf %add3A_204, %mul3A_214 : vector<16xf32>
          %mul3A_216 = vector.broadcast %squeeze3A_176 : f32 to vector<16xf32>
          %mul3A_217 = arith.mulf %mul3A_216, %unpack3A_212 : vector<16xf32>
          %add3A_218 = arith.addf %add3A_207, %mul3A_217 : vector<16xf32>
          %get3A_219 = arith.index_cast %add3A_167 : i32 to index
          %get3A_220 = arith.constant 192 : index
          %get3A_221 = tpu.vector_load %arg12[%get3A_219, %get3A_220] {strides = array<i32>} : memref<40x576xbf16, #tpu.memory_space<vmem>>, vector<32xbf16>,
          %unpack3A_222 = tpu.unpack_subelements %get3A_221, 0 {pack_format = #tpu.pack_format<interleaved>} : vector<32xbf16> -> vector<16xf32>
          %unpack3A_223 = tpu.unpack_subelements %get3A_221, 1 {pack_format = #tpu.pack_format<interleaved>} : vector<32xbf16> -> vector<16xf32>
          %mul3A_224 = vector.broadcast %squeeze3A_178 : f32 to vector<16xf32>
          %mul3A_225 = arith.mulf %mul3A_224, %unpack3A_222 : vector<16xf32>
          %add3A_226 = arith.addf %add3A_215, %mul3A_225 : vector<16xf32>
          %mul3A_227 = vector.broadcast %squeeze3A_178 : f32 to vector<16xf32>
          %mul3A_228 = arith.mulf %mul3A_227, %unpack3A_223 : vector<16xf32>
          %add3A_229 = arith.addf %add3A_218, %mul3A_228 : vector<16xf32>
          %get3A_230 = arith.index_cast %add3A_167 : i32 to index
          %get3A_231 = arith.constant 256 : index
          %get3A_232 = tpu.vector_load %arg12[%get3A_230, %get3A_231] {strides = array<i32>} : memref<40x576xbf16, #tpu.memory_space<vmem>>, vector<32xbf16>,
          %unpack3A_233 = tpu.unpack_subelements %get3A_232, 0 {pack_format = #tpu.pack_format<interleaved>} : vector<32xbf16> -> vector<16xf32>
          %unpack3A_234 = tpu.unpack_subelements %get3A_232, 1 {pack_format = #tpu.pack_format<interleaved>} : vector<32xbf16> -> vector<16xf32>
          %mul3A_235 = vector.broadcast %squeeze3A_180 : f32 to vector<16xf32>
          %mul3A_236 = arith.mulf %mul3A_235, %unpack3A_233 : vector<16xf32>
          %add3A_237 = arith.addf %add3A_226, %mul3A_236 : vector<16xf32>
          %mul3A_238 = vector.broadcast %squeeze3A_180 : f32 to vector<16xf32>
          %mul3A_239 = arith.mulf %mul3A_238, %unpack3A_234 : vector<16xf32>
          %add3A_240 = arith.addf %add3A_229, %mul3A_239 : vector<16xf32>
          %get3A_241 = arith.index_cast %add3A_167 : i32 to index
          %get3A_242 = arith.constant 320 : index
          %get3A_243 = tpu.vector_load %arg12[%get3A_241, %get3A_242] {strides = array<i32>} : memref<40x576xbf16, #tpu.memory_space<vmem>>, vector<32xbf16>,
          %unpack3A_244 = tpu.unpack_subelements %get3A_243, 0 {pack_format = #tpu.pack_format<interleaved>} : vector<32xbf16> -> vector<16xf32>
          %unpack3A_245 = tpu.unpack_subelements %get3A_243, 1 {pack_format = #tpu.pack_format<interleaved>} : vector<32xbf16> -> vector<16xf32>
          %mul3A_246 = vector.broadcast %squeeze3A_182 : f32 to vector<16xf32>
          %mul3A_247 = arith.mulf %mul3A_246, %unpack3A_244 : vector<16xf32>
          %add3A_248 = arith.addf %add3A_237, %mul3A_247 : vector<16xf32>
          %mul3A_249 = vector.broadcast %squeeze3A_182 : f32 to vector<16xf32>
          %mul3A_250 = arith.mulf %mul3A_249, %unpack3A_245 : vector<16xf32>
          %add3A_251 = arith.addf %add3A_240, %mul3A_250 : vector<16xf32>
          %get3A_252 = arith.index_cast %add3A_167 : i32 to index
          %get3A_253 = arith.constant 384 : index
          %get3A_254 = tpu.vector_load %arg12[%get3A_252, %get3A_253] {strides = array<i32>} : memref<40x576xbf16, #tpu.memory_space<vmem>>, vector<32xbf16>,
          %unpack3A_255 = tpu.unpack_subelements %get3A_254, 0 {pack_format = #tpu.pack_format<interleaved>} : vector<32xbf16> -> vector<16xf32>
          %unpack3A_256 = tpu.unpack_subelements %get3A_254, 1 {pack_format = #tpu.pack_format<interleaved>} : vector<32xbf16> -> vector<16xf32>
          %mul3A_257 = vector.broadcast %squeeze3A_184 : f32 to vector<16xf32>
          %mul3A_258 = arith.mulf %mul3A_257, %unpack3A_255 : vector<16xf32>
          %add3A_259 = arith.addf %add3A_248, %mul3A_258 : vector<16xf32>
          %mul3A_260 = vector.broadcast %squeeze3A_184 : f32 to vector<16xf32>
          %mul3A_261 = arith.mulf %mul3A_260, %unpack3A_256 : vector<16xf32>
          %add3A_262 = arith.addf %add3A_251, %mul3A_261 : vector<16xf32>
          %get3A_263 = arith.index_cast %add3A_167 : i32 to index
          %get3A_264 = arith.constant 448 : index
          %get3A_265 = tpu.vector_load %arg12[%get3A_263, %get3A_264] {strides = array<i32>} : memref<40x576xbf16, #tpu.memory_space<vmem>>, vector<32xbf16>,
          %unpack3A_266 = tpu.unpack_subelements %get3A_265, 0 {pack_format = #tpu.pack_format<interleaved>} : vector<32xbf16> -> vector<16xf32>
          %unpack3A_267 = tpu.unpack_subelements %get3A_265, 1 {pack_format = #tpu.pack_format<interleaved>} : vector<32xbf16> -> vector<16xf32>
          %mul3A_268 = vector.broadcast %squeeze3A_186 : f32 to vector<16xf32>
          %mul3A_269 = arith.mulf %mul3A_268, %unpack3A_266 : vector<16xf32>
          %add3A_270 = arith.addf %add3A_259, %mul3A_269 : vector<16xf32>
          %mul3A_271 = vector.broadcast %squeeze3A_186 : f32 to vector<16xf32>
          %mul3A_272 = arith.mulf %mul3A_271, %unpack3A_267 : vector<16xf32>
          %add3A_273 = arith.addf %add3A_262, %mul3A_272 : vector<16xf32>
          %get3A_274 = arith.index_cast %add3A_167 : i32 to index
          %get3A_275 = arith.constant 512 : index
          %get3A_276 = tpu.vector_load %arg12[%get3A_274, %get3A_275] {strides = array<i32>} : memref<40x576xbf16, #tpu.memory_space<vmem>>, vector<32xbf16>,
          %unpack3A_277 = tpu.unpack_subelements %get3A_276, 0 {pack_format = #tpu.pack_format<interleaved>} : vector<32xbf16> -> vector<16xf32>
          %unpack3A_278 = tpu.unpack_subelements %get3A_276, 1 {pack_format = #tpu.pack_format<interleaved>} : vector<32xbf16> -> vector<16xf32>
          %mul3A_279 = vector.broadcast %squeeze3A_188 : f32 to vector<16xf32>
          %mul3A_280 = arith.mulf %mul3A_279, %unpack3A_277 : vector<16xf32>
          %add3A_281 = arith.addf %add3A_270, %mul3A_280 : vector<16xf32>
          %mul3A_282 = vector.broadcast %squeeze3A_188 : f32 to vector<16xf32>
          %mul3A_283 = arith.mulf %mul3A_282, %unpack3A_278 : vector<16xf32>
          %add3A_284 = arith.addf %add3A_273, %mul3A_283 : vector<16xf32>
          %swap3A = arith.index_cast %add3A_167 : i32 to index
          %swap3A_285 = arith.constant 0 : index
          %swap3A_286 = tpu.vector_load %arg14[%swap3A, %swap3A_285] {strides = array<i32>} : memref<40x64xf32, #tpu.memory_space<vmem>>, vector<16xf32>,
          tpu.vector_store %arg14[%swap3A, %swap3A_285], %add3A_281 {strides = array<i32>} : memref<40x64xf32, #tpu.memory_space<vmem>>, vector<16xf32>,
          %swap3A_287 = arith.index_cast %add3A_167 : i32 to index
          %swap3A_288 = arith.constant 16 : index
          %swap3A_289 = tpu.vector_load %arg14[%swap3A_287, %swap3A_288] {strides = array<i32>} : memref<40x64xf32, #tpu.memory_space<vmem>>, vector<16xf32>,
          tpu.vector_store %arg14[%swap3A_287, %swap3A_288], %add3A_284 {strides = array<i32>} : memref<40x64xf32, #tpu.memory_space<vmem>>, vector<16xf32>,
          %get3A_290 = arith.index_cast %add3A_167 : i32 to index
          %get3A_291 = arith.constant 32 : index
          %get3A_292 = tpu.vector_load %arg12[%get3A_290, %get3A_291] {strides = array<i32>} : memref<40x576xbf16, #tpu.memory_space<vmem>>, vector<32xbf16>,
          %unpack3A_293 = tpu.unpack_subelements %get3A_292, 0 {pack_format = #tpu.pack_format<interleaved>} : vector<32xbf16> -> vector<16xf32>
          %unpack3A_294 = tpu.unpack_subelements %get3A_292, 1 {pack_format = #tpu.pack_format<interleaved>} : vector<32xbf16> -> vector<16xf32>
          %mul3A_295 = vector.broadcast %squeeze3A : f32 to vector<16xf32>
          %mul3A_296 = arith.mulf %mul3A_295, %unpack3A_293 : vector<16xf32>
          %mul3A_297 = vector.broadcast %squeeze3A : f32 to vector<16xf32>
          %mul3A_298 = arith.mulf %mul3A_297, %unpack3A_294 : vector<16xf32>
          %get3A_299 = arith.index_cast %add3A_167 : i32 to index
          %get3A_300 = arith.constant 96 : index
          %get3A_301 = tpu.vector_load %arg12[%get3A_299, %get3A_300] {strides = array<i32>} : memref<40x576xbf16, #tpu.memory_space<vmem>>, vector<32xbf16>,
          %unpack3A_302 = tpu.unpack_subelements %get3A_301, 0 {pack_format = #tpu.pack_format<interleaved>} : vector<32xbf16> -> vector<16xf32>
          %unpack3A_303 = tpu.unpack_subelements %get3A_301, 1 {pack_format = #tpu.pack_format<interleaved>} : vector<32xbf16> -> vector<16xf32>
          %mul3A_304 = vector.broadcast %squeeze3A_174 : f32 to vector<16xf32>
          %mul3A_305 = arith.mulf %mul3A_304, %unpack3A_302 : vector<16xf32>
          %add3A_306 = arith.addf %mul3A_296, %mul3A_305 : vector<16xf32>
          %mul3A_307 = vector.broadcast %squeeze3A_174 : f32 to vector<16xf32>
          %mul3A_308 = arith.mulf %mul3A_307, %unpack3A_303 : vector<16xf32>
          %add3A_309 = arith.addf %mul3A_298, %mul3A_308 : vector<16xf32>
          %get3A_310 = arith.index_cast %add3A_167 : i32 to index
          %get3A_311 = arith.constant 160 : index
          %get3A_312 = tpu.vector_load %arg12[%get3A_310, %get3A_311] {strides = array<i32>} : memref<40x576xbf16, #tpu.memory_space<vmem>>, vector<32xbf16>,
          %unpack3A_313 = tpu.unpack_subelements %get3A_312, 0 {pack_format = #tpu.pack_format<interleaved>} : vector<32xbf16> -> vector<16xf32>
          %unpack3A_314 = tpu.unpack_subelements %get3A_312, 1 {pack_format = #tpu.pack_format<interleaved>} : vector<32xbf16> -> vector<16xf32>
          %mul3A_315 = vector.broadcast %squeeze3A_176 : f32 to vector<16xf32>
          %mul3A_316 = arith.mulf %mul3A_315, %unpack3A_313 : vector<16xf32>
          %add3A_317 = arith.addf %add3A_306, %mul3A_316 : vector<16xf32>
          %mul3A_318 = vector.broadcast %squeeze3A_176 : f32 to vector<16xf32>
          %mul3A_319 = arith.mulf %mul3A_318, %unpack3A_314 : vector<16xf32>
          %add3A_320 = arith.addf %add3A_309, %mul3A_319 : vector<16xf32>
          %get3A_321 = arith.index_cast %add3A_167 : i32 to index
          %get3A_322 = arith.constant 224 : index
          %get3A_323 = tpu.vector_load %arg12[%get3A_321, %get3A_322] {strides = array<i32>} : memref<40x576xbf16, #tpu.memory_space<vmem>>, vector<32xbf16>,
          %unpack3A_324 = tpu.unpack_subelements %get3A_323, 0 {pack_format = #tpu.pack_format<interleaved>} : vector<32xbf16> -> vector<16xf32>
          %unpack3A_325 = tpu.unpack_subelements %get3A_323, 1 {pack_format = #tpu.pack_format<interleaved>} : vector<32xbf16> -> vector<16xf32>
          %mul3A_326 = vector.broadcast %squeeze3A_178 : f32 to vector<16xf32>
          %mul3A_327 = arith.mulf %mul3A_326, %unpack3A_324 : vector<16xf32>
          %add3A_328 = arith.addf %add3A_317, %mul3A_327 : vector<16xf32>
          %mul3A_329 = vector.broadcast %squeeze3A_178 : f32 to vector<16xf32>
          %mul3A_330 = arith.mulf %mul3A_329, %unpack3A_325 : vector<16xf32>
          %add3A_331 = arith.addf %add3A_320, %mul3A_330 : vector<16xf32>
          %get3A_332 = arith.index_cast %add3A_167 : i32 to index
          %get3A_333 = arith.constant 288 : index
          %get3A_334 = tpu.vector_load %arg12[%get3A_332, %get3A_333] {strides = array<i32>} : memref<40x576xbf16, #tpu.memory_space<vmem>>, vector<32xbf16>,
          %unpack3A_335 = tpu.unpack_subelements %get3A_334, 0 {pack_format = #tpu.pack_format<interleaved>} : vector<32xbf16> -> vector<16xf32>
          %unpack3A_336 = tpu.unpack_subelements %get3A_334, 1 {pack_format = #tpu.pack_format<interleaved>} : vector<32xbf16> -> vector<16xf32>
          %mul3A_337 = vector.broadcast %squeeze3A_180 : f32 to vector<16xf32>
          %mul3A_338 = arith.mulf %mul3A_337, %unpack3A_335 : vector<16xf32>
          %add3A_339 = arith.addf %add3A_328, %mul3A_338 : vector<16xf32>
          %mul3A_340 = vector.broadcast %squeeze3A_180 : f32 to vector<16xf32>
          %mul3A_341 = arith.mulf %mul3A_340, %unpack3A_336 : vector<16xf32>
          %add3A_342 = arith.addf %add3A_331, %mul3A_341 : vector<16xf32>
          %get3A_343 = arith.index_cast %add3A_167 : i32 to index
          %get3A_344 = arith.constant 352 : index
          %get3A_345 = tpu.vector_load %arg12[%get3A_343, %get3A_344] {strides = array<i32>} : memref<40x576xbf16, #tpu.memory_space<vmem>>, vector<32xbf16>,
          %unpack3A_346 = tpu.unpack_subelements %get3A_345, 0 {pack_format = #tpu.pack_format<interleaved>} : vector<32xbf16> -> vector<16xf32>
          %unpack3A_347 = tpu.unpack_subelements %get3A_345, 1 {pack_format = #tpu.pack_format<interleaved>} : vector<32xbf16> -> vector<16xf32>
          %mul3A_348 = vector.broadcast %squeeze3A_182 : f32 to vector<16xf32>
          %mul3A_349 = arith.mulf %mul3A_348, %unpack3A_346 : vector<16xf32>
          %add3A_350 = arith.addf %add3A_339, %mul3A_349 : vector<16xf32>
          %mul3A_351 = vector.broadcast %squeeze3A_182 : f32 to vector<16xf32>
          %mul3A_352 = arith.mulf %mul3A_351, %unpack3A_347 : vector<16xf32>
          %add3A_353 = arith.addf %add3A_342, %mul3A_352 : vector<16xf32>
          %get3A_354 = arith.index_cast %add3A_167 : i32 to index
          %get3A_355 = arith.constant 416 : index
          %get3A_356 = tpu.vector_load %arg12[%get3A_354, %get3A_355] {strides = array<i32>} : memref<40x576xbf16, #tpu.memory_space<vmem>>, vector<32xbf16>,
          %unpack3A_357 = tpu.unpack_subelements %get3A_356, 0 {pack_format = #tpu.pack_format<interleaved>} : vector<32xbf16> -> vector<16xf32>
          %unpack3A_358 = tpu.unpack_subelements %get3A_356, 1 {pack_format = #tpu.pack_format<interleaved>} : vector<32xbf16> -> vector<16xf32>
          %mul3A_359 = vector.broadcast %squeeze3A_184 : f32 to vector<16xf32>
          %mul3A_360 = arith.mulf %mul3A_359, %unpack3A_357 : vector<16xf32>
          %add3A_361 = arith.addf %add3A_350, %mul3A_360 : vector<16xf32>
          %mul3A_362 = vector.broadcast %squeeze3A_184 : f32 to vector<16xf32>
          %mul3A_363 = arith.mulf %mul3A_362, %unpack3A_358 : vector<16xf32>
          %add3A_364 = arith.addf %add3A_353, %mul3A_363 : vector<16xf32>
          %get3A_365 = arith.index_cast %add3A_167 : i32 to index
          %get3A_366 = arith.constant 480 : index
          %get3A_367 = tpu.vector_load %arg12[%get3A_365, %get3A_366] {strides = array<i32>} : memref<40x576xbf16, #tpu.memory_space<vmem>>, vector<32xbf16>,
          %unpack3A_368 = tpu.unpack_subelements %get3A_367, 0 {pack_format = #tpu.pack_format<interleaved>} : vector<32xbf16> -> vector<16xf32>
          %unpack3A_369 = tpu.unpack_subelements %get3A_367, 1 {pack_format = #tpu.pack_format<interleaved>} : vector<32xbf16> -> vector<16xf32>
          %mul3A_370 = vector.broadcast %squeeze3A_186 : f32 to vector<16xf32>
          %mul3A_371 = arith.mulf %mul3A_370, %unpack3A_368 : vector<16xf32>
          %add3A_372 = arith.addf %add3A_361, %mul3A_371 : vector<16xf32>
          %mul3A_373 = vector.broadcast %squeeze3A_186 : f32 to vector<16xf32>
          %mul3A_374 = arith.mulf %mul3A_373, %unpack3A_369 : vector<16xf32>
          %add3A_375 = arith.addf %add3A_364, %mul3A_374 : vector<16xf32>
          %get3A_376 = arith.index_cast %add3A_167 : i32 to index
          %get3A_377 = arith.constant 544 : index
          %get3A_378 = tpu.vector_load %arg12[%get3A_376, %get3A_377] {strides = array<i32>} : memref<40x576xbf16, #tpu.memory_space<vmem>>, vector<32xbf16>,
          %unpack3A_379 = tpu.unpack_subelements %get3A_378, 0 {pack_format = #tpu.pack_format<interleaved>} : vector<32xbf16> -> vector<16xf32>
          %unpack3A_380 = tpu.unpack_subelements %get3A_378, 1 {pack_format = #tpu.pack_format<interleaved>} : vector<32xbf16> -> vector<16xf32>
          %mul3A_381 = vector.broadcast %squeeze3A_188 : f32 to vector<16xf32>
          %mul3A_382 = arith.mulf %mul3A_381, %unpack3A_379 : vector<16xf32>
          %add3A_383 = arith.addf %add3A_372, %mul3A_382 : vector<16xf32>
          %mul3A_384 = vector.broadcast %squeeze3A_188 : f32 to vector<16xf32>
          %mul3A_385 = arith.mulf %mul3A_384, %unpack3A_380 : vector<16xf32>
          %add3A_386 = arith.addf %add3A_375, %mul3A_385 : vector<16xf32>
          %swap3A_387 = arith.index_cast %add3A_167 : i32 to index
          %swap3A_388 = arith.constant 32 : index
          %swap3A_389 = tpu.vector_load %arg14[%swap3A_387, %swap3A_388] {strides = array<i32>} : memref<40x64xf32, #tpu.memory_space<vmem>>, vector<16xf32>,
          tpu.vector_store %arg14[%swap3A_387, %swap3A_388], %add3A_383 {strides = array<i32>} : memref<40x64xf32, #tpu.memory_space<vmem>>, vector<16xf32>,
          %swap3A_390 = arith.index_cast %add3A_167 : i32 to index
          %swap3A_391 = arith.constant 48 : index
          %swap3A_392 = tpu.vector_load %arg14[%swap3A_390, %swap3A_391] {strides = array<i32>} : memref<40x64xf32, #tpu.memory_space<vmem>>, vector<16xf32>,
          tpu.vector_store %arg14[%swap3A_390, %swap3A_391], %add3A_386 {strides = array<i32>} : memref<40x64xf32, #tpu.memory_space<vmem>>, vector<16xf32>,
        }
        %scan3A_156 = arith.constant 40 : i32
        %dma_start3A_157 = arith.constant 0 : i32
        %dma_start3A_158 = tpu.memref_slice %arg9[%add3A_140, %dma_start3A_157] : memref<25x40xi32, #tpu.memory_space<vmem>> -> memref<1x40xi32, #tpu.memory_space<vmem>>
        %dma_start3A_159 = tpu.memref_squeeze %dma_start3A_158 : memref<1x40xi32, #tpu.memory_space<vmem>> -> memref<40xi32, #tpu.memory_space<vmem>>
        %dma_start3A_160 = arith.constant 0 : i32
        %dma_start3A_161 = arith.constant 0 : i32
        %dma_start3A_162 = tpu.memref_slice %arg15[%dma_start3A_160, %dma_start3A_161] : memref<10240x64xf32, #tpu.memory_space<vmem_shared>> -> memref<10240x64xf32, #tpu.memory_space<vmem_shared>>
        tpu.enqueue_indirect_dma source(%arg14 : memref<40x64xf32, #tpu.memory_space<vmem>>) target(%dma_start3A_162 : memref<10240x64xf32, #tpu.memory_space<vmem_shared>>) offsets(%dma_start3A_159 : memref<40xi32, #tpu.memory_space<vmem>>) semaphore(%arg19 : memref<!tpu.dma_semaphore, #tpu.memory_space<semaphore_mem>>) {add = true}
      }
      %scan3A_51 = arith.constant 12 : i32
      %dma_wait3A = arith.constant 24 : i32
      %dma_wait3A_52 = arith.constant 0 : i32
      %dma_wait3A_53 = tpu.memref_slice %arg8[%dma_wait3A, %dma_wait3A_52] : memref<25x40xi32, #tpu.memory_space<vmem>> -> memref<1x40xi32, #tpu.memory_space<vmem>>
      %dma_wait3A_54 = tpu.memref_squeeze %dma_wait3A_53 : memref<1x40xi32, #tpu.memory_space<vmem>> -> memref<40xi32, #tpu.memory_space<vmem>>
      %dma_wait3A_55 = arith.constant 0 : i32
      %dma_wait3A_56 = arith.constant 0 : i32
      %dma_wait3A_57 = tpu.memref_slice %arg2[%dma_wait3A_55, %dma_wait3A_56] : memref<10000x576xbf16, #tpu.memory_space<hbm>> -> memref<10000x576xbf16, #tpu.memory_space<hbm>>
      tpu.wait_indirect_dma semaphore(%arg16 : memref<!tpu.dma_semaphore, #tpu.memory_space<semaphore_mem>>) src(%dma_wait3A_57 : memref<10000x576xbf16, #tpu.memory_space<hbm>>) dst(%arg11 : memref<40x576xbf16, #tpu.memory_space<vmem>>)
      %dma_wait3A_58 = arith.constant 24 : i32
      %dma_wait3A_59 = arith.constant 0 : i32
      %dma_wait3A_60 = tpu.memref_slice %arg9[%dma_wait3A_58, %dma_wait3A_59] : memref<25x40xi32, #tpu.memory_space<vmem>> -> memref<1x40xi32, #tpu.memory_space<vmem>>
      %dma_wait3A_61 = tpu.memref_squeeze %dma_wait3A_60 : memref<1x40xi32, #tpu.memory_space<vmem>> -> memref<40xi32, #tpu.memory_space<vmem>>
      %dma_wait3A_62 = arith.constant 0 : i32
      %dma_wait3A_63 = arith.constant 0 : i32
      %dma_wait3A_64 = tpu.memref_slice %arg15[%dma_wait3A_62, %dma_wait3A_63] : memref<10240x64xf32, #tpu.memory_space<vmem_shared>> -> memref<10240x64xf32, #tpu.memory_space<vmem_shared>>
      tpu.wait_indirect_dma semaphore(%arg18 : memref<!tpu.dma_semaphore, #tpu.memory_space<semaphore_mem>>) src(%arg13 : memref<40x64xf32, #tpu.memory_space<vmem>>) dst(%dma_wait3A_64 : memref<10240x64xf32, #tpu.memory_space<vmem_shared>>)
      %scan3A_65 = arith.constant 0 : i32
      %scan3A_66 = arith.constant 40 : i32
      %scan3A_67 = arith.addi %scan3A_65, %scan3A_66 : i32
      %scan3A_68 = arith.constant 1 : i32
      scf.for %scan3A_91 = %scan3A_65 to %scan3A_67 step %scan3A_68  : i32 {
        %mul3A_92 = arith.constant 1 : i32
        %mul3A_93 = arith.muli %scan3A_91, %mul3A_92 : i32
        %add3A_94 = arith.constant 0 : i32
        %add3A_95 = arith.addi %add3A_94, %mul3A_93 : i32
        %add3A_96 = arith.constant 960 : i32
        %add3A_97 = arith.addi %add3A_96, %add3A_95 : i32
        %get3A = arith.index_cast %add3A_97 : i32 to index
        %get3A_98 = arith.constant 0 : index
        %get3A_99 = tpu.vector_load %arg10[%get3A, %get3A_98] {strides = array<i32>} : memref<1000x16xf32, #tpu.memory_space<vmem>>, vector<16xf32>,
        %slice3A = vector.extract_strided_slice %get3A_99 {offsets = [0], sizes = [1], strides = [1]} : vector<16xf32> to vector<1xf32>
        %squeeze3A = vector.extract %slice3A[0] : f32 from vector<1xf32>
        %slice3A_100 = vector.extract_strided_slice %get3A_99 {offsets = [1], sizes = [1], strides = [1]} : vector<16xf32> to vector<1xf32>
        %squeeze3A_101 = vector.extract %slice3A_100[0] : f32 from vector<1xf32>
        %slice3A_102 = vector.extract_strided_slice %get3A_99 {offsets = [2], sizes = [1], strides = [1]} : vector<16xf32> to vector<1xf32>
        %squeeze3A_103 = vector.extract %slice3A_102[0] : f32 from vector<1xf32>
        %slice3A_104 = vector.extract_strided_slice %get3A_99 {offsets = [3], sizes = [1], strides = [1]} : vector<16xf32> to vector<1xf32>
        %squeeze3A_105 = vector.extract %slice3A_104[0] : f32 from vector<1xf32>
        %slice3A_106 = vector.extract_strided_slice %get3A_99 {offsets = [4], sizes = [1], strides = [1]} : vector<16xf32> to vector<1xf32>
        %squeeze3A_107 = vector.extract %slice3A_106[0] : f32 from vector<1xf32>
        %slice3A_108 = vector.extract_strided_slice %get3A_99 {offsets = [5], sizes = [1], strides = [1]} : vector<16xf32> to vector<1xf32>
        %squeeze3A_109 = vector.extract %slice3A_108[0] : f32 from vector<1xf32>
        %slice3A_110 = vector.extract_strided_slice %get3A_99 {offsets = [6], sizes = [1], strides = [1]} : vector<16xf32> to vector<1xf32>
        %squeeze3A_111 = vector.extract %slice3A_110[0] : f32 from vector<1xf32>
        %slice3A_112 = vector.extract_strided_slice %get3A_99 {offsets = [7], sizes = [1], strides = [1]} : vector<16xf32> to vector<1xf32>
        %squeeze3A_113 = vector.extract %slice3A_112[0] : f32 from vector<1xf32>
        %slice3A_114 = vector.extract_strided_slice %get3A_99 {offsets = [8], sizes = [1], strides = [1]} : vector<16xf32> to vector<1xf32>
        %squeeze3A_115 = vector.extract %slice3A_114[0] : f32 from vector<1xf32>
        %get3A_116 = arith.index_cast %add3A_95 : i32 to index
        %get3A_117 = arith.constant 0 : index
        %get3A_118 = tpu.vector_load %arg11[%get3A_116, %get3A_117] {strides = array<i32>} : memref<40x576xbf16, #tpu.memory_space<vmem>>, vector<32xbf16>,
        %unpack3A = tpu.unpack_subelements %get3A_118, 0 {pack_format = #tpu.pack_format<interleaved>} : vector<32xbf16> -> vector<16xf32>
        %unpack3A_119 = tpu.unpack_subelements %get3A_118, 1 {pack_format = #tpu.pack_format<interleaved>} : vector<32xbf16> -> vector<16xf32>
        %mul3A_120 = vector.broadcast %squeeze3A : f32 to vector<16xf32>
        %mul3A_121 = arith.mulf %mul3A_120, %unpack3A : vector<16xf32>
        %mul3A_122 = vector.broadcast %squeeze3A : f32 to vector<16xf32>
        %mul3A_123 = arith.mulf %mul3A_122, %unpack3A_119 : vector<16xf32>
        %get3A_124 = arith.index_cast %add3A_95 : i32 to index
        %get3A_125 = arith.constant 64 : index
        %get3A_126 = tpu.vector_load %arg11[%get3A_124, %get3A_125] {strides = array<i32>} : memref<40x576xbf16, #tpu.memory_space<vmem>>, vector<32xbf16>,
        %unpack3A_127 = tpu.unpack_subelements %get3A_126, 0 {pack_format = #tpu.pack_format<interleaved>} : vector<32xbf16> -> vector<16xf32>
        %unpack3A_128 = tpu.unpack_subelements %get3A_126, 1 {pack_format = #tpu.pack_format<interleaved>} : vector<32xbf16> -> vector<16xf32>
        %mul3A_129 = vector.broadcast %squeeze3A_101 : f32 to vector<16xf32>
        %mul3A_130 = arith.mulf %mul3A_129, %unpack3A_127 : vector<16xf32>
        %add3A_131 = arith.addf %mul3A_121, %mul3A_130 : vector<16xf32>
        %mul3A_132 = vector.broadcast %squeeze3A_101 : f32 to vector<16xf32>
        %mul3A_133 = arith.mulf %mul3A_132, %unpack3A_128 : vector<16xf32>
        %add3A_134 = arith.addf %mul3A_123, %mul3A_133 : vector<16xf32>
        %get3A_135 = arith.index_cast %add3A_95 : i32 to index
        %get3A_136 = arith.constant 128 : index
        %get3A_137 = tpu.vector_load %arg11[%get3A_135, %get3A_136] {strides = array<i32>} : memref<40x576xbf16, #tpu.memory_space<vmem>>, vector<32xbf16>,
        %unpack3A_138 = tpu.unpack_subelements %get3A_137, 0 {pack_format = #tpu.pack_format<interleaved>} : vector<32xbf16> -> vector<16xf32>
        %unpack3A_139 = tpu.unpack_subelements %get3A_137, 1 {pack_format = #tpu.pack_format<interleaved>} : vector<32xbf16> -> vector<16xf32>
        %mul3A_140 = vector.broadcast %squeeze3A_103 : f32 to vector<16xf32>
        %mul3A_141 = arith.mulf %mul3A_140, %unpack3A_138 : vector<16xf32>
        %add3A_142 = arith.addf %add3A_131, %mul3A_141 : vector<16xf32>
        %mul3A_143 = vector.broadcast %squeeze3A_103 : f32 to vector<16xf32>
        %mul3A_144 = arith.mulf %mul3A_143, %unpack3A_139 : vector<16xf32>
        %add3A_145 = arith.addf %add3A_134, %mul3A_144 : vector<16xf32>
        %get3A_146 = arith.index_cast %add3A_95 : i32 to index
        %get3A_147 = arith.constant 192 : index
        %get3A_148 = tpu.vector_load %arg11[%get3A_146, %get3A_147] {strides = array<i32>} : memref<40x576xbf16, #tpu.memory_space<vmem>>, vector<32xbf16>,
        %unpack3A_149 = tpu.unpack_subelements %get3A_148, 0 {pack_format = #tpu.pack_format<interleaved>} : vector<32xbf16> -> vector<16xf32>
        %unpack3A_150 = tpu.unpack_subelements %get3A_148, 1 {pack_format = #tpu.pack_format<interleaved>} : vector<32xbf16> -> vector<16xf32>
        %mul3A_151 = vector.broadcast %squeeze3A_105 : f32 to vector<16xf32>
        %mul3A_152 = arith.mulf %mul3A_151, %unpack3A_149 : vector<16xf32>
        %add3A_153 = arith.addf %add3A_142, %mul3A_152 : vector<16xf32>
        %mul3A_154 = vector.broadcast %squeeze3A_105 : f32 to vector<16xf32>
        %mul3A_155 = arith.mulf %mul3A_154, %unpack3A_150 : vector<16xf32>
        %add3A_156 = arith.addf %add3A_145, %mul3A_155 : vector<16xf32>
        %get3A_157 = arith.index_cast %add3A_95 : i32 to index
        %get3A_158 = arith.constant 256 : index
        %get3A_159 = tpu.vector_load %arg11[%get3A_157, %get3A_158] {strides = array<i32>} : memref<40x576xbf16, #tpu.memory_space<vmem>>, vector<32xbf16>,
        %unpack3A_160 = tpu.unpack_subelements %get3A_159, 0 {pack_format = #tpu.pack_format<interleaved>} : vector<32xbf16> -> vector<16xf32>
        %unpack3A_161 = tpu.unpack_subelements %get3A_159, 1 {pack_format = #tpu.pack_format<interleaved>} : vector<32xbf16> -> vector<16xf32>
        %mul3A_162 = vector.broadcast %squeeze3A_107 : f32 to vector<16xf32>
        %mul3A_163 = arith.mulf %mul3A_162, %unpack3A_160 : vector<16xf32>
        %add3A_164 = arith.addf %add3A_153, %mul3A_163 : vector<16xf32>
        %mul3A_165 = vector.broadcast %squeeze3A_107 : f32 to vector<16xf32>
        %mul3A_166 = arith.mulf %mul3A_165, %unpack3A_161 : vector<16xf32>
        %add3A_167 = arith.addf %add3A_156, %mul3A_166 : vector<16xf32>
        %get3A_168 = arith.index_cast %add3A_95 : i32 to index
        %get3A_169 = arith.constant 320 : index
        %get3A_170 = tpu.vector_load %arg11[%get3A_168, %get3A_169] {strides = array<i32>} : memref<40x576xbf16, #tpu.memory_space<vmem>>, vector<32xbf16>,
        %unpack3A_171 = tpu.unpack_subelements %get3A_170, 0 {pack_format = #tpu.pack_format<interleaved>} : vector<32xbf16> -> vector<16xf32>
        %unpack3A_172 = tpu.unpack_subelements %get3A_170, 1 {pack_format = #tpu.pack_format<interleaved>} : vector<32xbf16> -> vector<16xf32>
        %mul3A_173 = vector.broadcast %squeeze3A_109 : f32 to vector<16xf32>
        %mul3A_174 = arith.mulf %mul3A_173, %unpack3A_171 : vector<16xf32>
        %add3A_175 = arith.addf %add3A_164, %mul3A_174 : vector<16xf32>
        %mul3A_176 = vector.broadcast %squeeze3A_109 : f32 to vector<16xf32>
        %mul3A_177 = arith.mulf %mul3A_176, %unpack3A_172 : vector<16xf32>
        %add3A_178 = arith.addf %add3A_167, %mul3A_177 : vector<16xf32>
        %get3A_179 = arith.index_cast %add3A_95 : i32 to index
        %get3A_180 = arith.constant 384 : index
        %get3A_181 = tpu.vector_load %arg11[%get3A_179, %get3A_180] {strides = array<i32>} : memref<40x576xbf16, #tpu.memory_space<vmem>>, vector<32xbf16>,
        %unpack3A_182 = tpu.unpack_subelements %get3A_181, 0 {pack_format = #tpu.pack_format<interleaved>} : vector<32xbf16> -> vector<16xf32>
        %unpack3A_183 = tpu.unpack_subelements %get3A_181, 1 {pack_format = #tpu.pack_format<interleaved>} : vector<32xbf16> -> vector<16xf32>
        %mul3A_184 = vector.broadcast %squeeze3A_111 : f32 to vector<16xf32>
        %mul3A_185 = arith.mulf %mul3A_184, %unpack3A_182 : vector<16xf32>
        %add3A_186 = arith.addf %add3A_175, %mul3A_185 : vector<16xf32>
        %mul3A_187 = vector.broadcast %squeeze3A_111 : f32 to vector<16xf32>
        %mul3A_188 = arith.mulf %mul3A_187, %unpack3A_183 : vector<16xf32>
        %add3A_189 = arith.addf %add3A_178, %mul3A_188 : vector<16xf32>
        %get3A_190 = arith.index_cast %add3A_95 : i32 to index
        %get3A_191 = arith.constant 448 : index
        %get3A_192 = tpu.vector_load %arg11[%get3A_190, %get3A_191] {strides = array<i32>} : memref<40x576xbf16, #tpu.memory_space<vmem>>, vector<32xbf16>,
        %unpack3A_193 = tpu.unpack_subelements %get3A_192, 0 {pack_format = #tpu.pack_format<interleaved>} : vector<32xbf16> -> vector<16xf32>
        %unpack3A_194 = tpu.unpack_subelements %get3A_192, 1 {pack_format = #tpu.pack_format<interleaved>} : vector<32xbf16> -> vector<16xf32>
        %mul3A_195 = vector.broadcast %squeeze3A_113 : f32 to vector<16xf32>
        %mul3A_196 = arith.mulf %mul3A_195, %unpack3A_193 : vector<16xf32>
        %add3A_197 = arith.addf %add3A_186, %mul3A_196 : vector<16xf32>
        %mul3A_198 = vector.broadcast %squeeze3A_113 : f32 to vector<16xf32>
        %mul3A_199 = arith.mulf %mul3A_198, %unpack3A_194 : vector<16xf32>
        %add3A_200 = arith.addf %add3A_189, %mul3A_199 : vector<16xf32>
        %get3A_201 = arith.index_cast %add3A_95 : i32 to index
        %get3A_202 = arith.constant 512 : index
        %get3A_203 = tpu.vector_load %arg11[%get3A_201, %get3A_202] {strides = array<i32>} : memref<40x576xbf16, #tpu.memory_space<vmem>>, vector<32xbf16>,
        %unpack3A_204 = tpu.unpack_subelements %get3A_203, 0 {pack_format = #tpu.pack_format<interleaved>} : vector<32xbf16> -> vector<16xf32>
        %unpack3A_205 = tpu.unpack_subelements %get3A_203, 1 {pack_format = #tpu.pack_format<interleaved>} : vector<32xbf16> -> vector<16xf32>
        %mul3A_206 = vector.broadcast %squeeze3A_115 : f32 to vector<16xf32>
        %mul3A_207 = arith.mulf %mul3A_206, %unpack3A_204 : vector<16xf32>
        %add3A_208 = arith.addf %add3A_197, %mul3A_207 : vector<16xf32>
        %mul3A_209 = vector.broadcast %squeeze3A_115 : f32 to vector<16xf32>
        %mul3A_210 = arith.mulf %mul3A_209, %unpack3A_205 : vector<16xf32>
        %add3A_211 = arith.addf %add3A_200, %mul3A_210 : vector<16xf32>
        %swap3A = arith.index_cast %add3A_95 : i32 to index
        %swap3A_212 = arith.constant 0 : index
        %swap3A_213 = tpu.vector_load %arg13[%swap3A, %swap3A_212] {strides = array<i32>} : memref<40x64xf32, #tpu.memory_space<vmem>>, vector<16xf32>,
        tpu.vector_store %arg13[%swap3A, %swap3A_212], %add3A_208 {strides = array<i32>} : memref<40x64xf32, #tpu.memory_space<vmem>>, vector<16xf32>,
        %swap3A_214 = arith.index_cast %add3A_95 : i32 to index
        %swap3A_215 = arith.constant 16 : index
        %swap3A_216 = tpu.vector_load %arg13[%swap3A_214, %swap3A_215] {strides = array<i32>} : memref<40x64xf32, #tpu.memory_space<vmem>>, vector<16xf32>,
        tpu.vector_store %arg13[%swap3A_214, %swap3A_215], %add3A_211 {strides = array<i32>} : memref<40x64xf32, #tpu.memory_space<vmem>>, vector<16xf32>,
        %get3A_217 = arith.index_cast %add3A_95 : i32 to index
        %get3A_218 = arith.constant 32 : index
        %get3A_219 = tpu.vector_load %arg11[%get3A_217, %get3A_218] {strides = array<i32>} : memref<40x576xbf16, #tpu.memory_space<vmem>>, vector<32xbf16>,
        %unpack3A_220 = tpu.unpack_subelements %get3A_219, 0 {pack_format = #tpu.pack_format<interleaved>} : vector<32xbf16> -> vector<16xf32>
        %unpack3A_221 = tpu.unpack_subelements %get3A_219, 1 {pack_format = #tpu.pack_format<interleaved>} : vector<32xbf16> -> vector<16xf32>
        %mul3A_222 = vector.broadcast %squeeze3A : f32 to vector<16xf32>
        %mul3A_223 = arith.mulf %mul3A_222, %unpack3A_220 : vector<16xf32>
        %mul3A_224 = vector.broadcast %squeeze3A : f32 to vector<16xf32>
        %mul3A_225 = arith.mulf %mul3A_224, %unpack3A_221 : vector<16xf32>
        %get3A_226 = arith.index_cast %add3A_95 : i32 to index
        %get3A_227 = arith.constant 96 : index
        %get3A_228 = tpu.vector_load %arg11[%get3A_226, %get3A_227] {strides = array<i32>} : memref<40x576xbf16, #tpu.memory_space<vmem>>, vector<32xbf16>,
        %unpack3A_229 = tpu.unpack_subelements %get3A_228, 0 {pack_format = #tpu.pack_format<interleaved>} : vector<32xbf16> -> vector<16xf32>
        %unpack3A_230 = tpu.unpack_subelements %get3A_228, 1 {pack_format = #tpu.pack_format<interleaved>} : vector<32xbf16> -> vector<16xf32>
        %mul3A_231 = vector.broadcast %squeeze3A_101 : f32 to vector<16xf32>
        %mul3A_232 = arith.mulf %mul3A_231, %unpack3A_229 : vector<16xf32>
        %add3A_233 = arith.addf %mul3A_223, %mul3A_232 : vector<16xf32>
        %mul3A_234 = vector.broadcast %squeeze3A_101 : f32 to vector<16xf32>
        %mul3A_235 = arith.mulf %mul3A_234, %unpack3A_230 : vector<16xf32>
        %add3A_236 = arith.addf %mul3A_225, %mul3A_235 : vector<16xf32>
        %get3A_237 = arith.index_cast %add3A_95 : i32 to index
        %get3A_238 = arith.constant 160 : index
        %get3A_239 = tpu.vector_load %arg11[%get3A_237, %get3A_238] {strides = array<i32>} : memref<40x576xbf16, #tpu.memory_space<vmem>>, vector<32xbf16>,
        %unpack3A_240 = tpu.unpack_subelements %get3A_239, 0 {pack_format = #tpu.pack_format<interleaved>} : vector<32xbf16> -> vector<16xf32>
        %unpack3A_241 = tpu.unpack_subelements %get3A_239, 1 {pack_format = #tpu.pack_format<interleaved>} : vector<32xbf16> -> vector<16xf32>
        %mul3A_242 = vector.broadcast %squeeze3A_103 : f32 to vector<16xf32>
        %mul3A_243 = arith.mulf %mul3A_242, %unpack3A_240 : vector<16xf32>
        %add3A_244 = arith.addf %add3A_233, %mul3A_243 : vector<16xf32>
        %mul3A_245 = vector.broadcast %squeeze3A_103 : f32 to vector<16xf32>
        %mul3A_246 = arith.mulf %mul3A_245, %unpack3A_241 : vector<16xf32>
        %add3A_247 = arith.addf %add3A_236, %mul3A_246 : vector<16xf32>
        %get3A_248 = arith.index_cast %add3A_95 : i32 to index
        %get3A_249 = arith.constant 224 : index
        %get3A_250 = tpu.vector_load %arg11[%get3A_248, %get3A_249] {strides = array<i32>} : memref<40x576xbf16, #tpu.memory_space<vmem>>, vector<32xbf16>,
        %unpack3A_251 = tpu.unpack_subelements %get3A_250, 0 {pack_format = #tpu.pack_format<interleaved>} : vector<32xbf16> -> vector<16xf32>
        %unpack3A_252 = tpu.unpack_subelements %get3A_250, 1 {pack_format = #tpu.pack_format<interleaved>} : vector<32xbf16> -> vector<16xf32>
        %mul3A_253 = vector.broadcast %squeeze3A_105 : f32 to vector<16xf32>
        %mul3A_254 = arith.mulf %mul3A_253, %unpack3A_251 : vector<16xf32>
        %add3A_255 = arith.addf %add3A_244, %mul3A_254 : vector<16xf32>
        %mul3A_256 = vector.broadcast %squeeze3A_105 : f32 to vector<16xf32>
        %mul3A_257 = arith.mulf %mul3A_256, %unpack3A_252 : vector<16xf32>
        %add3A_258 = arith.addf %add3A_247, %mul3A_257 : vector<16xf32>
        %get3A_259 = arith.index_cast %add3A_95 : i32 to index
        %get3A_260 = arith.constant 288 : index
        %get3A_261 = tpu.vector_load %arg11[%get3A_259, %get3A_260] {strides = array<i32>} : memref<40x576xbf16, #tpu.memory_space<vmem>>, vector<32xbf16>,
        %unpack3A_262 = tpu.unpack_subelements %get3A_261, 0 {pack_format = #tpu.pack_format<interleaved>} : vector<32xbf16> -> vector<16xf32>
        %unpack3A_263 = tpu.unpack_subelements %get3A_261, 1 {pack_format = #tpu.pack_format<interleaved>} : vector<32xbf16> -> vector<16xf32>
        %mul3A_264 = vector.broadcast %squeeze3A_107 : f32 to vector<16xf32>
        %mul3A_265 = arith.mulf %mul3A_264, %unpack3A_262 : vector<16xf32>
        %add3A_266 = arith.addf %add3A_255, %mul3A_265 : vector<16xf32>
        %mul3A_267 = vector.broadcast %squeeze3A_107 : f32 to vector<16xf32>
        %mul3A_268 = arith.mulf %mul3A_267, %unpack3A_263 : vector<16xf32>
        %add3A_269 = arith.addf %add3A_258, %mul3A_268 : vector<16xf32>
        %get3A_270 = arith.index_cast %add3A_95 : i32 to index
        %get3A_271 = arith.constant 352 : index
        %get3A_272 = tpu.vector_load %arg11[%get3A_270, %get3A_271] {strides = array<i32>} : memref<40x576xbf16, #tpu.memory_space<vmem>>, vector<32xbf16>,
        %unpack3A_273 = tpu.unpack_subelements %get3A_272, 0 {pack_format = #tpu.pack_format<interleaved>} : vector<32xbf16> -> vector<16xf32>
        %unpack3A_274 = tpu.unpack_subelements %get3A_272, 1 {pack_format = #tpu.pack_format<interleaved>} : vector<32xbf16> -> vector<16xf32>
        %mul3A_275 = vector.broadcast %squeeze3A_109 : f32 to vector<16xf32>
        %mul3A_276 = arith.mulf %mul3A_275, %unpack3A_273 : vector<16xf32>
        %add3A_277 = arith.addf %add3A_266, %mul3A_276 : vector<16xf32>
        %mul3A_278 = vector.broadcast %squeeze3A_109 : f32 to vector<16xf32>
        %mul3A_279 = arith.mulf %mul3A_278, %unpack3A_274 : vector<16xf32>
        %add3A_280 = arith.addf %add3A_269, %mul3A_279 : vector<16xf32>
        %get3A_281 = arith.index_cast %add3A_95 : i32 to index
        %get3A_282 = arith.constant 416 : index
        %get3A_283 = tpu.vector_load %arg11[%get3A_281, %get3A_282] {strides = array<i32>} : memref<40x576xbf16, #tpu.memory_space<vmem>>, vector<32xbf16>,
        %unpack3A_284 = tpu.unpack_subelements %get3A_283, 0 {pack_format = #tpu.pack_format<interleaved>} : vector<32xbf16> -> vector<16xf32>
        %unpack3A_285 = tpu.unpack_subelements %get3A_283, 1 {pack_format = #tpu.pack_format<interleaved>} : vector<32xbf16> -> vector<16xf32>
        %mul3A_286 = vector.broadcast %squeeze3A_111 : f32 to vector<16xf32>
        %mul3A_287 = arith.mulf %mul3A_286, %unpack3A_284 : vector<16xf32>
        %add3A_288 = arith.addf %add3A_277, %mul3A_287 : vector<16xf32>
        %mul3A_289 = vector.broadcast %squeeze3A_111 : f32 to vector<16xf32>
        %mul3A_290 = arith.mulf %mul3A_289, %unpack3A_285 : vector<16xf32>
        %add3A_291 = arith.addf %add3A_280, %mul3A_290 : vector<16xf32>
        %get3A_292 = arith.index_cast %add3A_95 : i32 to index
        %get3A_293 = arith.constant 480 : index
        %get3A_294 = tpu.vector_load %arg11[%get3A_292, %get3A_293] {strides = array<i32>} : memref<40x576xbf16, #tpu.memory_space<vmem>>, vector<32xbf16>,
        %unpack3A_295 = tpu.unpack_subelements %get3A_294, 0 {pack_format = #tpu.pack_format<interleaved>} : vector<32xbf16> -> vector<16xf32>
        %unpack3A_296 = tpu.unpack_subelements %get3A_294, 1 {pack_format = #tpu.pack_format<interleaved>} : vector<32xbf16> -> vector<16xf32>
        %mul3A_297 = vector.broadcast %squeeze3A_113 : f32 to vector<16xf32>
        %mul3A_298 = arith.mulf %mul3A_297, %unpack3A_295 : vector<16xf32>
        %add3A_299 = arith.addf %add3A_288, %mul3A_298 : vector<16xf32>
        %mul3A_300 = vector.broadcast %squeeze3A_113 : f32 to vector<16xf32>
        %mul3A_301 = arith.mulf %mul3A_300, %unpack3A_296 : vector<16xf32>
        %add3A_302 = arith.addf %add3A_291, %mul3A_301 : vector<16xf32>
        %get3A_303 = arith.index_cast %add3A_95 : i32 to index
        %get3A_304 = arith.constant 544 : index
        %get3A_305 = tpu.vector_load %arg11[%get3A_303, %get3A_304] {strides = array<i32>} : memref<40x576xbf16, #tpu.memory_space<vmem>>, vector<32xbf16>,
        %unpack3A_306 = tpu.unpack_subelements %get3A_305, 0 {pack_format = #tpu.pack_format<interleaved>} : vector<32xbf16> -> vector<16xf32>
        %unpack3A_307 = tpu.unpack_subelements %get3A_305, 1 {pack_format = #tpu.pack_format<interleaved>} : vector<32xbf16> -> vector<16xf32>
        %mul3A_308 = vector.broadcast %squeeze3A_115 : f32 to vector<16xf32>
        %mul3A_309 = arith.mulf %mul3A_308, %unpack3A_306 : vector<16xf32>
        %add3A_310 = arith.addf %add3A_299, %mul3A_309 : vector<16xf32>
        %mul3A_311 = vector.broadcast %squeeze3A_115 : f32 to vector<16xf32>
        %mul3A_312 = arith.mulf %mul3A_311, %unpack3A_307 : vector<16xf32>
        %add3A_313 = arith.addf %add3A_302, %mul3A_312 : vector<16xf32>
        %swap3A_314 = arith.index_cast %add3A_95 : i32 to index
        %swap3A_315 = arith.constant 32 : index
        %swap3A_316 = tpu.vector_load %arg13[%swap3A_314, %swap3A_315] {strides = array<i32>} : memref<40x64xf32, #tpu.memory_space<vmem>>, vector<16xf32>,
        tpu.vector_store %arg13[%swap3A_314, %swap3A_315], %add3A_310 {strides = array<i32>} : memref<40x64xf32, #tpu.memory_space<vmem>>, vector<16xf32>,
        %swap3A_317 = arith.index_cast %add3A_95 : i32 to index
        %swap3A_318 = arith.constant 48 : index
        %swap3A_319 = tpu.vector_load %arg13[%swap3A_317, %swap3A_318] {strides = array<i32>} : memref<40x64xf32, #tpu.memory_space<vmem>>, vector<16xf32>,
        tpu.vector_store %arg13[%swap3A_317, %swap3A_318], %add3A_313 {strides = array<i32>} : memref<40x64xf32, #tpu.memory_space<vmem>>, vector<16xf32>,
      }
      %scan3A_69 = arith.constant 40 : i32
      %dma_start3A_70 = arith.constant 24 : i32
      %dma_start3A_71 = arith.constant 0 : i32
      %dma_start3A_72 = tpu.memref_slice %arg9[%dma_start3A_70, %dma_start3A_71] : memref<25x40xi32, #tpu.memory_space<vmem>> -> memref<1x40xi32, #tpu.memory_space<vmem>>
      %dma_start3A_73 = tpu.memref_squeeze %dma_start3A_72 : memref<1x40xi32, #tpu.memory_space<vmem>> -> memref<40xi32, #tpu.memory_space<vmem>>
      %dma_start3A_74 = arith.constant 0 : i32
      %dma_start3A_75 = arith.constant 0 : i32
      %dma_start3A_76 = tpu.memref_slice %arg15[%dma_start3A_74, %dma_start3A_75] : memref<10240x64xf32, #tpu.memory_space<vmem_shared>> -> memref<10240x64xf32, #tpu.memory_space<vmem_shared>>
      tpu.enqueue_indirect_dma source(%arg13 : memref<40x64xf32, #tpu.memory_space<vmem>>) target(%dma_start3A_76 : memref<10240x64xf32, #tpu.memory_space<vmem_shared>>) offsets(%dma_start3A_73 : memref<40xi32, #tpu.memory_space<vmem>>) semaphore(%arg18 : memref<!tpu.dma_semaphore, #tpu.memory_space<semaphore_mem>>) {add = true}
      %dma_wait3A_77 = arith.constant 0 : i32
      %dma_wait3A_78 = arith.constant 0 : i32
      %dma_wait3A_79 = tpu.memref_slice %arg9[%dma_wait3A_77, %dma_wait3A_78] : memref<25x40xi32, #tpu.memory_space<vmem>> -> memref<1x40xi32, #tpu.memory_space<vmem>>
      %dma_wait3A_80 = tpu.memref_squeeze %dma_wait3A_79 : memref<1x40xi32, #tpu.memory_space<vmem>> -> memref<40xi32, #tpu.memory_space<vmem>>
      %dma_wait3A_81 = arith.constant 0 : i32
      %dma_wait3A_82 = arith.constant 0 : i32
      %dma_wait3A_83 = tpu.memref_slice %arg15[%dma_wait3A_81, %dma_wait3A_82] : memref<10240x64xf32, #tpu.memory_space<vmem_shared>> -> memref<10240x64xf32, #tpu.memory_space<vmem_shared>>
      tpu.wait_indirect_dma semaphore(%arg18 : memref<!tpu.dma_semaphore, #tpu.memory_space<semaphore_mem>>) src(%arg13 : memref<40x64xf32, #tpu.memory_space<vmem>>) dst(%dma_wait3A_83 : memref<10240x64xf32, #tpu.memory_space<vmem_shared>>)
      %dma_wait3A_84 = arith.constant 0 : i32
      %dma_wait3A_85 = arith.constant 0 : i32
      %dma_wait3A_86 = tpu.memref_slice %arg9[%dma_wait3A_84, %dma_wait3A_85] : memref<25x40xi32, #tpu.memory_space<vmem>> -> memref<1x40xi32, #tpu.memory_space<vmem>>
      %dma_wait3A_87 = tpu.memref_squeeze %dma_wait3A_86 : memref<1x40xi32, #tpu.memory_space<vmem>> -> memref<40xi32, #tpu.memory_space<vmem>>
      %dma_wait3A_88 = arith.constant 0 : i32
      %dma_wait3A_89 = arith.constant 0 : i32
      %dma_wait3A_90 = tpu.memref_slice %arg15[%dma_wait3A_88, %dma_wait3A_89] : memref<10240x64xf32, #tpu.memory_space<vmem_shared>> -> memref<10240x64xf32, #tpu.memory_space<vmem_shared>>
      tpu.wait_indirect_dma semaphore(%arg19 : memref<!tpu.dma_semaphore, #tpu.memory_space<semaphore_mem>>) src(%arg14 : memref<40x64xf32, #tpu.memory_space<vmem>>) dst(%dma_wait3A_90 : memref<10240x64xf32, #tpu.memory_space<vmem_shared>>)
    }
    %scan3A_8 = arith.constant 10 : i32
    %barrier3A_9 = arith.constant 0 : index
    tpu.barrier barrier_id(%barrier3A_9)
    "tpu.region"() ({
      %run_scoped3A = tpu.sem_alloc : memref<!tpu.dma_semaphore, #tpu.memory_space<semaphore_mem>>
      %dma_start3A = arith.constant 0 : i32
      %dma_start3A_10 = tpu.memref_slice %arg7[%arg0, %mul3A_2, %dma_start3A] : memref<2x10240x64xf32, #tpu.memory_space<hbm>> -> memref<1x640x64xf32, #tpu.memory_space<hbm>>
      %dma_start3A_11 = tpu.memref_squeeze %dma_start3A_10 : memref<1x640x64xf32, #tpu.memory_space<hbm>> -> memref<640x64xf32, #tpu.memory_space<hbm>>
      %dma_start3A_12 = arith.constant 0 : i32
      %dma_start3A_13 = tpu.memref_slice %arg15[%mul3A_2, %dma_start3A_12] : memref<10240x64xf32, #tpu.memory_space<vmem_shared>> -> memref<640x64xf32, #tpu.memory_space<vmem_shared>>
      tpu.enqueue_dma source(%dma_start3A_13 : memref<640x64xf32, #tpu.memory_space<vmem_shared>>) target(%dma_start3A_11 : memref<640x64xf32, #tpu.memory_space<hbm>>) target_semaphore(%run_scoped3A : memref<!tpu.dma_semaphore, #tpu.memory_space<semaphore_mem>>)
      %dma_wait3A = arith.constant 0 : i32
      %dma_wait3A_14 = tpu.memref_slice %arg7[%arg0, %mul3A_2, %dma_wait3A] : memref<2x10240x64xf32, #tpu.memory_space<hbm>> -> memref<1x640x64xf32, #tpu.memory_space<hbm>>
      %dma_wait3A_15 = tpu.memref_squeeze %dma_wait3A_14 : memref<1x640x64xf32, #tpu.memory_space<hbm>> -> memref<640x64xf32, #tpu.memory_space<hbm>>
      %dma_wait3A_16 = arith.constant 0 : i32
      %dma_wait3A_17 = tpu.memref_slice %arg15[%mul3A_2, %dma_wait3A_16] : memref<10240x64xf32, #tpu.memory_space<vmem_shared>> -> memref<640x64xf32, #tpu.memory_space<vmem_shared>>
      tpu.wait_dma2 semaphore(%run_scoped3A : memref<!tpu.dma_semaphore, #tpu.memory_space<semaphore_mem>>) src(%dma_wait3A_17 : memref<640x64xf32, #tpu.memory_space<vmem_shared>>) dst(%dma_wait3A_15 : memref<640x64xf32, #tpu.memory_space<hbm>>)
      tpu.yield
    }) : () -> ()
    return
  }
}

#map = affine_map<(d0, d1) -> (0, 0)>
#map1 = affine_map<(d0, d1) -> (0, 0, 0)>
module attributes {stable_mosaic.version = 14 : i64} {
  func.func @k(%arg0: i32, %arg1: i32, %arg2: memref<10000x576xbf16, #tpu.memory_space<hbm>>, %arg3: memref<320000x16xf32, #tpu.memory_space<hbm>>, %arg4: memref<8000x40xi32, #tpu.memory_space<hbm>>, %arg5: memref<8000x40xi32, #tpu.memory_space<hbm>>, %arg6: memref<10240x64xf32, #tpu.memory_space<hbm>>, %arg7: memref<2x10240x64xf32, #tpu.memory_space<hbm>>, %arg8: memref<25x40xi32, #tpu.memory_space<vmem>>, %arg9: memref<25x40xi32, #tpu.memory_space<vmem>>, %arg10: memref<1000x16xf32, #tpu.memory_space<vmem>>, %arg11: memref<40x576xbf16, #tpu.memory_space<vmem>>, %arg12: memref<40x576xbf16, #tpu.memory_space<vmem>>, %arg13: memref<40x64xf32, #tpu.memory_space<vmem>>, %arg14: memref<40x64xf32, #tpu.memory_space<vmem>>, %arg15: memref<10240x64xf32, #tpu.memory_space<vmem_shared>>, %arg16: memref<!tpu.dma_semaphore, #tpu.memory_space<semaphore_mem>>, %arg17: memref<!tpu.dma_semaphore, #tpu.memory_space<semaphore_mem>>, %arg18: memref<!tpu.dma_semaphore, #tpu.memory_space<semaphore_mem>>, %arg19: memref<!tpu.dma_semaphore, #tpu.memory_space<semaphore_mem>>) attributes {dimension_semantics = [#tpu.dimension_semantics<core_parallel>, #tpu.dimension_semantics<subcore_parallel>], iteration_bounds = array<i64: 2, 16>, scalar_prefetch = 0 : i64, scratch_operands = 12 : i64, tpu.core_type = #tpu.core_type<sc_vector_subcore>, window_params = [{transform_indices = #map}, {transform_indices = #map}, {transform_indices = #map}, {transform_indices = #map}, {transform_indices = #map}, {transform_indices = #map1}]} {
    %mul3A = arith.constant 16 : i32
    %mul3A_0 = arith.muli %arg0, %mul3A : i32
    %add3A = arith.addi %mul3A_0, %arg1 : i32
    %mul3A_1 = arith.constant 640 : i32
    %mul3A_2 = arith.muli %arg1, %mul3A_1 : i32
    "tpu.region"() ({
      %run_scoped3A = tpu.sem_alloc : memref<!tpu.dma_semaphore, #tpu.memory_space<semaphore_mem>>
      %dma_start3A = arith.constant 0 : i32
      %dma_start3A_10 = tpu.memref_slice %arg15[%mul3A_2, %dma_start3A] : memref<10240x64xf32, #tpu.memory_space<vmem_shared>> -> memref<640x64xf32, #tpu.memory_space<vmem_shared>>
      %dma_start3A_11 = arith.constant 0 : i32
      %dma_start3A_12 = tpu.memref_slice %arg6[%mul3A_2, %dma_start3A_11] : memref<10240x64xf32, #tpu.memory_space<hbm>> -> memref<640x64xf32, #tpu.memory_space<hbm>>
      tpu.enqueue_dma source(%dma_start3A_12 : memref<640x64xf32, #tpu.memory_space<hbm>>) target(%dma_start3A_10 : memref<640x64xf32, #tpu.memory_space<vmem_shared>>) target_semaphore(%run_scoped3A : memref<!tpu.dma_semaphore, #tpu.memory_space<semaphore_mem>>)
      %dma_wait3A = arith.constant 0 : i32
      %dma_wait3A_13 = tpu.memref_slice %arg15[%mul3A_2, %dma_wait3A] : memref<10240x64xf32, #tpu.memory_space<vmem_shared>> -> memref<640x64xf32, #tpu.memory_space<vmem_shared>>
      %dma_wait3A_14 = arith.constant 0 : i32
      %dma_wait3A_15 = tpu.memref_slice %arg6[%mul3A_2, %dma_wait3A_14] : memref<10240x64xf32, #tpu.memory_space<hbm>> -> memref<640x64xf32, #tpu.memory_space<hbm>>
      tpu.wait_dma2 semaphore(%run_scoped3A : memref<!tpu.dma_semaphore, #tpu.memory_space<semaphore_mem>>) src(%dma_wait3A_15 : memref<640x64xf32, #tpu.memory_space<hbm>>) dst(%dma_wait3A_13 : memref<640x64xf32, #tpu.memory_space<vmem_shared>>)
      tpu.yield
    }) : () -> ()
    %barrier3A = arith.constant 0 : index
    tpu.barrier barrier_id(%barrier3A)
    %mul3A_3 = arith.constant 10000 : i32
    %mul3A_4 = arith.muli %add3A, %mul3A_3 : i32
    %scan3A = arith.constant 0 : i32
    %scan3A_5 = arith.constant 10 : i32
    %scan3A_6 = arith.addi %scan3A, %scan3A_5 : i32
    %scan3A_7 = arith.constant 1 : i32
    scf.for %scan3A_10 = %scan3A to %scan3A_6 step %scan3A_7  : i32 {
      %mul3A_11 = arith.constant 1 : i32
      %mul3A_12 = arith.muli %scan3A_10, %mul3A_11 : i32
      %add3A_13 = arith.constant 0 : i32
      %add3A_14 = arith.addi %add3A_13, %mul3A_12 : i32
      %mul3A_15 = arith.constant 25 : i32
      %mul3A_16 = arith.muli %add3A_14, %mul3A_15 : i32
      %mul3A_17 = arith.constant 40 : i32
      %mul3A_18 = arith.muli %mul3A_16, %mul3A_17 : i32
      %add3A_19 = arith.addi %mul3A_4, %mul3A_18 : i32
      %mul3A_20 = arith.constant 10000 : i32
      %mul3A_21 = arith.muli %add3A, %mul3A_20 : i32
      %jit3A = arith.constant 40 : i32
      %div3A = arith.divsi %mul3A_21, %jit3A : i32
      %sign3A = arith.constant 0 : i32
      %sign3A_22 = arith.cmpi sgt, %mul3A_21, %sign3A : i32
      %sign3A_23 = arith.extui %sign3A_22 : i1 to i32
      %sign3A_24 = arith.constant 0 : i32
      %sign3A_25 = arith.cmpi slt, %mul3A_21, %sign3A_24 : i32
      %sign3A_26 = arith.extui %sign3A_25 : i1 to i32
      %sign3A_27 = arith.subi %sign3A_23, %sign3A_26 : i32
      %sign3A_28 = arith.constant 0 : i32
      %sign3A_29 = arith.cmpi sgt, %jit3A, %sign3A_28 : i32
      %sign3A_30 = arith.extui %sign3A_29 : i1 to i32
      %sign3A_31 = arith.constant 0 : i32
      %sign3A_32 = arith.cmpi slt, %jit3A, %sign3A_31 : i32
      %sign3A_33 = arith.extui %sign3A_32 : i1 to i32
      %sign3A_34 = arith.subi %sign3A_30, %sign3A_33 : i32
      %ne3A = arith.cmpi ne, %sign3A_27, %sign3A_34 : i32
      %rem3A = arith.remsi %mul3A_21, %jit3A : i32
      %ne3A_35 = arith.constant 0 : i32
      %ne3A_36 = arith.cmpi ne, %rem3A, %ne3A_35 : i32
      %and3A = arith.andi %ne3A, %ne3A_36 : i1
      %sub3A = arith.constant 1 : i32
      %sub3A_37 = arith.subi %div3A, %sub3A : i32
      %select_n3A = arith.select %and3A, %sub3A_37, %div3A : i32
      %mul3A_38 = arith.constant 25 : i32
      %mul3A_39 = arith.muli %add3A_14, %mul3A_38 : i32
      %add3A_40 = arith.addi %select_n3A, %mul3A_39 : i32
      "tpu.region"() ({
        %run_scoped3A = tpu.sem_alloc : memref<!tpu.dma_semaphore, #tpu.memory_space<semaphore_mem>>
        %dma_start3A_91 = arith.constant 0 : i32
        %dma_start3A_92 = tpu.memref_slice %arg4[%add3A_40, %dma_start3A_91] : memref<8000x40xi32, #tpu.memory_space<hbm>> -> memref<25x40xi32, #tpu.memory_space<hbm>>
        %dma_start3A_93 = arith.constant 0 : i32
        %dma_start3A_94 = tpu.memref_slice %arg4[%add3A_40, %dma_start3A_93] : memref<8000x40xi32, #tpu.memory_space<hbm>> -> memref<25x40xi32, #tpu.memory_space<hbm>>
        tpu.enqueue_dma source(%dma_start3A_94 : memref<25x40xi32, #tpu.memory_space<hbm>>) target(%arg8 : memref<25x40xi32, #tpu.memory_space<vmem>>) target_semaphore(%run_scoped3A : memref<!tpu.dma_semaphore, #tpu.memory_space<semaphore_mem>>)
        %dma_wait3A_95 = arith.constant 0 : i32
        %dma_wait3A_96 = tpu.memref_slice %arg4[%add3A_40, %dma_wait3A_95] : memref<8000x40xi32, #tpu.memory_space<hbm>> -> memref<25x40xi32, #tpu.memory_space<hbm>>
        %dma_wait3A_97 = arith.constant 0 : i32
        %dma_wait3A_98 = tpu.memref_slice %arg4[%add3A_40, %dma_wait3A_97] : memref<8000x40xi32, #tpu.memory_space<hbm>> -> memref<25x40xi32, #tpu.memory_space<hbm>>
        tpu.wait_dma2 semaphore(%run_scoped3A : memref<!tpu.dma_semaphore, #tpu.memory_space<semaphore_mem>>) src(%dma_wait3A_98 : memref<25x40xi32, #tpu.memory_space<hbm>>) dst(%arg8 : memref<25x40xi32, #tpu.memory_space<vmem>>)
        tpu.yield
      }) : () -> ()
      "tpu.region"() ({
        %run_scoped3A = tpu.sem_alloc : memref<!tpu.dma_semaphore, #tpu.memory_space<semaphore_mem>>
        %dma_start3A_91 = arith.constant 0 : i32
        %dma_start3A_92 = tpu.memref_slice %arg5[%add3A_40, %dma_start3A_91] : memref<8000x40xi32, #tpu.memory_space<hbm>> -> memref<25x40xi32, #tpu.memory_space<hbm>>
        %dma_start3A_93 = arith.constant 0 : i32
        %dma_start3A_94 = tpu.memref_slice %arg5[%add3A_40, %dma_start3A_93] : memref<8000x40xi32, #tpu.memory_space<hbm>> -> memref<25x40xi32, #tpu.memory_space<hbm>>
        tpu.enqueue_dma source(%dma_start3A_94 : memref<25x40xi32, #tpu.memory_space<hbm>>) target(%arg9 : memref<25x40xi32, #tpu.memory_space<vmem>>) target_semaphore(%run_scoped3A : memref<!tpu.dma_semaphore, #tpu.memory_space<semaphore_mem>>)
        %dma_wait3A_95 = arith.constant 0 : i32
        %dma_wait3A_96 = tpu.memref_slice %arg5[%add3A_40, %dma_wait3A_95] : memref<8000x40xi32, #tpu.memory_space<hbm>> -> memref<25x40xi32, #tpu.memory_space<hbm>>
        %dma_wait3A_97 = arith.constant 0 : i32
        %dma_wait3A_98 = tpu.memref_slice %arg5[%add3A_40, %dma_wait3A_97] : memref<8000x40xi32, #tpu.memory_space<hbm>> -> memref<25x40xi32, #tpu.memory_space<hbm>>
        tpu.wait_dma2 semaphore(%run_scoped3A : memref<!tpu.dma_semaphore, #tpu.memory_space<semaphore_mem>>) src(%dma_wait3A_98 : memref<25x40xi32, #tpu.memory_space<hbm>>) dst(%arg9 : memref<25x40xi32, #tpu.memory_space<vmem>>)
        tpu.yield
      }) : () -> ()
      "tpu.region"() ({
        %run_scoped3A = tpu.sem_alloc : memref<!tpu.dma_semaphore, #tpu.memory_space<semaphore_mem>>
        %dma_start3A_91 = arith.constant 0 : i32
        %dma_start3A_92 = tpu.memref_slice %arg3[%add3A_19, %dma_start3A_91] : memref<320000x16xf32, #tpu.memory_space<hbm>> -> memref<1000x16xf32, #tpu.memory_space<hbm>>
        %dma_start3A_93 = arith.constant 0 : i32
        %dma_start3A_94 = tpu.memref_slice %arg3[%add3A_19, %dma_start3A_93] : memref<320000x16xf32, #tpu.memory_space<hbm>> -> memref<1000x16xf32, #tpu.memory_space<hbm>>
        tpu.enqueue_dma source(%dma_start3A_94 : memref<1000x16xf32, #tpu.memory_space<hbm>>) target(%arg10 : memref<1000x16xf32, #tpu.memory_space<vmem>>) target_semaphore(%run_scoped3A : memref<!tpu.dma_semaphore, #tpu.memory_space<semaphore_mem>>)
        %dma_wait3A_95 = arith.constant 0 : i32
        %dma_wait3A_96 = tpu.memref_slice %arg3[%add3A_19, %dma_wait3A_95] : memref<320000x16xf32, #tpu.memory_space<hbm>> -> memref<1000x16xf32, #tpu.memory_space<hbm>>
        %dma_wait3A_97 = arith.constant 0 : i32
        %dma_wait3A_98 = tpu.memref_slice %arg3[%add3A_19, %dma_wait3A_97] : memref<320000x16xf32, #tpu.memory_space<hbm>> -> memref<1000x16xf32, #tpu.memory_space<hbm>>
        tpu.wait_dma2 semaphore(%run_scoped3A : memref<!tpu.dma_semaphore, #tpu.memory_space<semaphore_mem>>) src(%dma_wait3A_98 : memref<1000x16xf32, #tpu.memory_space<hbm>>) dst(%arg10 : memref<1000x16xf32, #tpu.memory_space<vmem>>)
        tpu.yield
      }) : () -> ()
      %dma_start3A = arith.constant 0 : i32
      %dma_start3A_41 = arith.constant 0 : i32
      %dma_start3A_42 = tpu.memref_slice %arg8[%dma_start3A, %dma_start3A_41] : memref<25x40xi32, #tpu.memory_space<vmem>> -> memref<1x40xi32, #tpu.memory_space<vmem>>
      %dma_start3A_43 = tpu.memref_squeeze %dma_start3A_42 : memref<1x40xi32, #tpu.memory_space<vmem>> -> memref<40xi32, #tpu.memory_space<vmem>>
      %dma_start3A_44 = arith.constant 0 : i32
      %dma_start3A_45 = arith.constant 0 : i32
      %dma_start3A_46 = tpu.memref_slice %arg2[%dma_start3A_44, %dma_start3A_45] : memref<10000x576xbf16, #tpu.memory_space<hbm>> -> memref<10000x576xbf16, #tpu.memory_space<hbm>>
      tpu.enqueue_indirect_dma source(%dma_start3A_46 : memref<10000x576xbf16, #tpu.memory_space<hbm>>) target(%arg11 : memref<40x576xbf16, #tpu.memory_space<vmem>>) offsets(%dma_start3A_43 : memref<40xi32, #tpu.memory_space<vmem>>) semaphore(%arg16 : memref<!tpu.dma_semaphore, #tpu.memory_space<semaphore_mem>>)
      %scan3A_47 = arith.constant 0 : i32
      %scan3A_48 = arith.constant 12 : i32
      %scan3A_49 = arith.addi %scan3A_47, %scan3A_48 : i32
      %scan3A_50 = arith.constant 1 : i32
      scf.for %scan3A_91 = %scan3A_47 to %scan3A_49 step %scan3A_50  : i32 {
        %mul3A_92 = arith.constant 1 : i32
        %mul3A_93 = arith.muli %scan3A_91, %mul3A_92 : i32
        %add3A_94 = arith.constant 0 : i32
        %add3A_95 = arith.addi %add3A_94, %mul3A_93 : i32
        %mul3A_96 = arith.constant 2 : i32
        %mul3A_97 = arith.muli %mul3A_96, %add3A_95 : i32
        %add3A_98 = arith.constant 1 : i32
        %add3A_99 = arith.addi %mul3A_97, %add3A_98 : i32
        %dma_start3A_100 = arith.constant 0 : i32
        %dma_start3A_101 = tpu.memref_slice %arg8[%add3A_99, %dma_start3A_100] : memref<25x40xi32, #tpu.memory_space<vmem>> -> memref<1x40xi32, #tpu.memory_space<vmem>>
        %dma_start3A_102 = tpu.memref_squeeze %dma_start3A_101 : memref<1x40xi32, #tpu.memory_space<vmem>> -> memref<40xi32, #tpu.memory_space<vmem>>
        %dma_start3A_103 = arith.constant 0 : i32
        %dma_start3A_104 = arith.constant 0 : i32
        %dma_start3A_105 = tpu.memref_slice %arg2[%dma_start3A_103, %dma_start3A_104] : memref<10000x576xbf16, #tpu.memory_space<hbm>> -> memref<10000x576xbf16, #tpu.memory_space<hbm>>
        tpu.enqueue_indirect_dma source(%dma_start3A_105 : memref<10000x576xbf16, #tpu.memory_space<hbm>>) target(%arg12 : memref<40x576xbf16, #tpu.memory_space<vmem>>) offsets(%dma_start3A_102 : memref<40xi32, #tpu.memory_space<vmem>>) semaphore(%arg17 : memref<!tpu.dma_semaphore, #tpu.memory_space<semaphore_mem>>)
        %mul3A_106 = arith.constant 2 : i32
        %mul3A_107 = arith.muli %mul3A_106, %add3A_95 : i32
        %gt3A = arith.constant 0 : i32
        %gt3A_108 = arith.cmpi sgt, %add3A_95, %gt3A : i32
        %dma_wait3A_109 = arith.constant 0 : i32
        %dma_wait3A_110 = tpu.memref_slice %arg8[%mul3A_107, %dma_wait3A_109] : memref<25x40xi32, #tpu.memory_space<vmem>> -> memref<1x40xi32, #tpu.memory_space<vmem>>
        %dma_wait3A_111 = tpu.memref_squeeze %dma_wait3A_110 : memref<1x40xi32, #tpu.memory_space<vmem>> -> memref<40xi32, #tpu.memory_space<vmem>>
        %dma_wait3A_112 = arith.constant 0 : i32
        %dma_wait3A_113 = arith.constant 0 : i32
        %dma_wait3A_114 = tpu.memref_slice %arg2[%dma_wait3A_112, %dma_wait3A_113] : memref<10000x576xbf16, #tpu.memory_space<hbm>> -> memref<10000x576xbf16, #tpu.memory_space<hbm>>
        tpu.wait_indirect_dma semaphore(%arg16 : memref<!tpu.dma_semaphore, #tpu.memory_space<semaphore_mem>>) src(%dma_wait3A_114 : memref<10000x576xbf16, #tpu.memory_space<hbm>>) dst(%arg11 : memref<40x576xbf16, #tpu.memory_space<vmem>>)
        %convert_element_type3A = arith.extui %gt3A_108 : i1 to i32
        %cond3A = arith.constant 0 : i32
        %cond3A_115 = arith.cmpi ne, %convert_element_type3A, %cond3A : i32
        scf.if %cond3A_115 {
          %dma_wait3A_163 = arith.constant 0 : i32
          %dma_wait3A_164 = tpu.memref_slice %arg9[%mul3A_107, %dma_wait3A_163] : memref<25x40xi32, #tpu.memory_space<vmem>> -> memref<1x40xi32, #tpu.memory_space<vmem>>
          %dma_wait3A_165 = tpu.memref_squeeze %dma_wait3A_164 : memref<1x40xi32, #tpu.memory_space<vmem>> -> memref<40xi32, #tpu.memory_space<vmem>>
          %dma_wait3A_166 = arith.constant 0 : i32
          %dma_wait3A_167 = arith.constant 0 : i32
          %dma_wait3A_168 = tpu.memref_slice %arg15[%dma_wait3A_166, %dma_wait3A_167] : memref<10240x64xf32, #tpu.memory_space<vmem_shared>> -> memref<10240x64xf32, #tpu.memory_space<vmem_shared>>
          tpu.wait_indirect_dma semaphore(%arg18 : memref<!tpu.dma_semaphore, #tpu.memory_space<semaphore_mem>>) src(%arg13 : memref<40x64xf32, #tpu.memory_space<vmem>>) dst(%dma_wait3A_168 : memref<10240x64xf32, #tpu.memory_space<vmem_shared>>)
        } else {
        }
        %scan3A_116 = arith.constant 0 : i32
        %scan3A_117 = arith.constant 40 : i32
        %scan3A_118 = arith.addi %scan3A_116, %scan3A_117 : i32
        %scan3A_119 = arith.constant 1 : i32
        scf.for %scan3A_163 = %scan3A_116 to %scan3A_118 step %scan3A_119  : i32 {
          %mul3A_164 = arith.constant 1 : i32
          %mul3A_165 = arith.muli %scan3A_163, %mul3A_164 : i32
          %add3A_166 = arith.constant 0 : i32
          %add3A_167 = arith.addi %add3A_166, %mul3A_165 : i32
          %mul3A_168 = arith.constant 40 : i32
          %mul3A_169 = arith.muli %mul3A_107, %mul3A_168 : i32
          %add3A_170 = arith.addi %mul3A_169, %add3A_167 : i32
          %get3A = arith.index_cast %add3A_170 : i32 to index
          %get3A_171 = arith.constant 0 : index
          %get3A_172 = tpu.vector_load %arg10[%get3A, %get3A_171] {strides = array<i32>} : memref<1000x16xf32, #tpu.memory_space<vmem>>, vector<16xf32>,
          %slice3A = vector.extract_strided_slice %get3A_172 {offsets = [0], sizes = [1], strides = [1]} : vector<16xf32> to vector<1xf32>
          %squeeze3A = vector.extract %slice3A[0] : f32 from vector<1xf32>
          %slice3A_173 = vector.extract_strided_slice %get3A_172 {offsets = [1], sizes = [1], strides = [1]} : vector<16xf32> to vector<1xf32>
          %squeeze3A_174 = vector.extract %slice3A_173[0] : f32 from vector<1xf32>
          %slice3A_175 = vector.extract_strided_slice %get3A_172 {offsets = [2], sizes = [1], strides = [1]} : vector<16xf32> to vector<1xf32>
          %squeeze3A_176 = vector.extract %slice3A_175[0] : f32 from vector<1xf32>
          %slice3A_177 = vector.extract_strided_slice %get3A_172 {offsets = [3], sizes = [1], strides = [1]} : vector<16xf32> to vector<1xf32>
          %squeeze3A_178 = vector.extract %slice3A_177[0] : f32 from vector<1xf32>
          %slice3A_179 = vector.extract_strided_slice %get3A_172 {offsets = [4], sizes = [1], strides = [1]} : vector<16xf32> to vector<1xf32>
          %squeeze3A_180 = vector.extract %slice3A_179[0] : f32 from vector<1xf32>
          %slice3A_181 = vector.extract_strided_slice %get3A_172 {offsets = [5], sizes = [1], strides = [1]} : vector<16xf32> to vector<1xf32>
          %squeeze3A_182 = vector.extract %slice3A_181[0] : f32 from vector<1xf32>
          %slice3A_183 = vector.extract_strided_slice %get3A_172 {offsets = [6], sizes = [1], strides = [1]} : vector<16xf32> to vector<1xf32>
          %squeeze3A_184 = vector.extract %slice3A_183[0] : f32 from vector<1xf32>
          %slice3A_185 = vector.extract_strided_slice %get3A_172 {offsets = [7], sizes = [1], strides = [1]} : vector<16xf32> to vector<1xf32>
          %squeeze3A_186 = vector.extract %slice3A_185[0] : f32 from vector<1xf32>
          %slice3A_187 = vector.extract_strided_slice %get3A_172 {offsets = [8], sizes = [1], strides = [1]} : vector<16xf32> to vector<1xf32>
          %squeeze3A_188 = vector.extract %slice3A_187[0] : f32 from vector<1xf32>
          %get3A_189 = arith.index_cast %add3A_167 : i32 to index
          %get3A_190 = arith.constant 0 : index
          %get3A_191 = tpu.vector_load %arg11[%get3A_189, %get3A_190] {strides = array<i32>} : memref<40x576xbf16, #tpu.memory_space<vmem>>, vector<32xbf16>,
          %unpack3A = tpu.unpack_subelements %get3A_191, 0 {pack_format = #tpu.pack_format<interleaved>} : vector<32xbf16> -> vector<16xf32>
          %unpack3A_192 = tpu.unpack_subelements %get3A_191, 1 {pack_format = #tpu.pack_format<interleaved>} : vector<32xbf16> -> vector<16xf32>
          %mul3A_193 = vector.broadcast %squeeze3A : f32 to vector<16xf32>
          %mul3A_194 = arith.mulf %mul3A_193, %unpack3A : vector<16xf32>
          %mul3A_195 = vector.broadcast %squeeze3A : f32 to vector<16xf32>
          %mul3A_196 = arith.mulf %mul3A_195, %unpack3A_192 : vector<16xf32>
          %get3A_197 = arith.index_cast %add3A_167 : i32 to index
          %get3A_198 = arith.constant 64 : index
          %get3A_199 = tpu.vector_load %arg11[%get3A_197, %get3A_198] {strides = array<i32>} : memref<40x576xbf16, #tpu.memory_space<vmem>>, vector<32xbf16>,
          %unpack3A_200 = tpu.unpack_subelements %get3A_199, 0 {pack_format = #tpu.pack_format<interleaved>} : vector<32xbf16> -> vector<16xf32>
          %unpack3A_201 = tpu.unpack_subelements %get3A_199, 1 {pack_format = #tpu.pack_format<interleaved>} : vector<32xbf16> -> vector<16xf32>
          %mul3A_202 = vector.broadcast %squeeze3A_174 : f32 to vector<16xf32>
          %mul3A_203 = arith.mulf %mul3A_202, %unpack3A_200 : vector<16xf32>
          %add3A_204 = arith.addf %mul3A_194, %mul3A_203 : vector<16xf32>
          %mul3A_205 = vector.broadcast %squeeze3A_174 : f32 to vector<16xf32>
          %mul3A_206 = arith.mulf %mul3A_205, %unpack3A_201 : vector<16xf32>
          %add3A_207 = arith.addf %mul3A_196, %mul3A_206 : vector<16xf32>
          %get3A_208 = arith.index_cast %add3A_167 : i32 to index
          %get3A_209 = arith.constant 128 : index
          %get3A_210 = tpu.vector_load %arg11[%get3A_208, %get3A_209] {strides = array<i32>} : memref<40x576xbf16, #tpu.memory_space<vmem>>, vector<32xbf16>,
          %unpack3A_211 = tpu.unpack_subelements %get3A_210, 0 {pack_format = #tpu.pack_format<interleaved>} : vector<32xbf16> -> vector<16xf32>
          %unpack3A_212 = tpu.unpack_subelements %get3A_210, 1 {pack_format = #tpu.pack_format<interleaved>} : vector<32xbf16> -> vector<16xf32>
          %mul3A_213 = vector.broadcast %squeeze3A_176 : f32 to vector<16xf32>
          %mul3A_214 = arith.mulf %mul3A_213, %unpack3A_211 : vector<16xf32>
          %add3A_215 = arith.addf %add3A_204, %mul3A_214 : vector<16xf32>
          %mul3A_216 = vector.broadcast %squeeze3A_176 : f32 to vector<16xf32>
          %mul3A_217 = arith.mulf %mul3A_216, %unpack3A_212 : vector<16xf32>
          %add3A_218 = arith.addf %add3A_207, %mul3A_217 : vector<16xf32>
          %get3A_219 = arith.index_cast %add3A_167 : i32 to index
          %get3A_220 = arith.constant 192 : index
          %get3A_221 = tpu.vector_load %arg11[%get3A_219, %get3A_220] {strides = array<i32>} : memref<40x576xbf16, #tpu.memory_space<vmem>>, vector<32xbf16>,
          %unpack3A_222 = tpu.unpack_subelements %get3A_221, 0 {pack_format = #tpu.pack_format<interleaved>} : vector<32xbf16> -> vector<16xf32>
          %unpack3A_223 = tpu.unpack_subelements %get3A_221, 1 {pack_format = #tpu.pack_format<interleaved>} : vector<32xbf16> -> vector<16xf32>
          %mul3A_224 = vector.broadcast %squeeze3A_178 : f32 to vector<16xf32>
          %mul3A_225 = arith.mulf %mul3A_224, %unpack3A_222 : vector<16xf32>
          %add3A_226 = arith.addf %add3A_215, %mul3A_225 : vector<16xf32>
          %mul3A_227 = vector.broadcast %squeeze3A_178 : f32 to vector<16xf32>
          %mul3A_228 = arith.mulf %mul3A_227, %unpack3A_223 : vector<16xf32>
          %add3A_229 = arith.addf %add3A_218, %mul3A_228 : vector<16xf32>
          %get3A_230 = arith.index_cast %add3A_167 : i32 to index
          %get3A_231 = arith.constant 256 : index
          %get3A_232 = tpu.vector_load %arg11[%get3A_230, %get3A_231] {strides = array<i32>} : memref<40x576xbf16, #tpu.memory_space<vmem>>, vector<32xbf16>,
          %unpack3A_233 = tpu.unpack_subelements %get3A_232, 0 {pack_format = #tpu.pack_format<interleaved>} : vector<32xbf16> -> vector<16xf32>
          %unpack3A_234 = tpu.unpack_subelements %get3A_232, 1 {pack_format = #tpu.pack_format<interleaved>} : vector<32xbf16> -> vector<16xf32>
          %mul3A_235 = vector.broadcast %squeeze3A_180 : f32 to vector<16xf32>
          %mul3A_236 = arith.mulf %mul3A_235, %unpack3A_233 : vector<16xf32>
          %add3A_237 = arith.addf %add3A_226, %mul3A_236 : vector<16xf32>
          %mul3A_238 = vector.broadcast %squeeze3A_180 : f32 to vector<16xf32>
          %mul3A_239 = arith.mulf %mul3A_238, %unpack3A_234 : vector<16xf32>
          %add3A_240 = arith.addf %add3A_229, %mul3A_239 : vector<16xf32>
          %get3A_241 = arith.index_cast %add3A_167 : i32 to index
          %get3A_242 = arith.constant 320 : index
          %get3A_243 = tpu.vector_load %arg11[%get3A_241, %get3A_242] {strides = array<i32>} : memref<40x576xbf16, #tpu.memory_space<vmem>>, vector<32xbf16>,
          %unpack3A_244 = tpu.unpack_subelements %get3A_243, 0 {pack_format = #tpu.pack_format<interleaved>} : vector<32xbf16> -> vector<16xf32>
          %unpack3A_245 = tpu.unpack_subelements %get3A_243, 1 {pack_format = #tpu.pack_format<interleaved>} : vector<32xbf16> -> vector<16xf32>
          %mul3A_246 = vector.broadcast %squeeze3A_182 : f32 to vector<16xf32>
          %mul3A_247 = arith.mulf %mul3A_246, %unpack3A_244 : vector<16xf32>
          %add3A_248 = arith.addf %add3A_237, %mul3A_247 : vector<16xf32>
          %mul3A_249 = vector.broadcast %squeeze3A_182 : f32 to vector<16xf32>
          %mul3A_250 = arith.mulf %mul3A_249, %unpack3A_245 : vector<16xf32>
          %add3A_251 = arith.addf %add3A_240, %mul3A_250 : vector<16xf32>
          %get3A_252 = arith.index_cast %add3A_167 : i32 to index
          %get3A_253 = arith.constant 384 : index
          %get3A_254 = tpu.vector_load %arg11[%get3A_252, %get3A_253] {strides = array<i32>} : memref<40x576xbf16, #tpu.memory_space<vmem>>, vector<32xbf16>,
          %unpack3A_255 = tpu.unpack_subelements %get3A_254, 0 {pack_format = #tpu.pack_format<interleaved>} : vector<32xbf16> -> vector<16xf32>
          %unpack3A_256 = tpu.unpack_subelements %get3A_254, 1 {pack_format = #tpu.pack_format<interleaved>} : vector<32xbf16> -> vector<16xf32>
          %mul3A_257 = vector.broadcast %squeeze3A_184 : f32 to vector<16xf32>
          %mul3A_258 = arith.mulf %mul3A_257, %unpack3A_255 : vector<16xf32>
          %add3A_259 = arith.addf %add3A_248, %mul3A_258 : vector<16xf32>
          %mul3A_260 = vector.broadcast %squeeze3A_184 : f32 to vector<16xf32>
          %mul3A_261 = arith.mulf %mul3A_260, %unpack3A_256 : vector<16xf32>
          %add3A_262 = arith.addf %add3A_251, %mul3A_261 : vector<16xf32>
          %get3A_263 = arith.index_cast %add3A_167 : i32 to index
          %get3A_264 = arith.constant 448 : index
          %get3A_265 = tpu.vector_load %arg11[%get3A_263, %get3A_264] {strides = array<i32>} : memref<40x576xbf16, #tpu.memory_space<vmem>>, vector<32xbf16>,
          %unpack3A_266 = tpu.unpack_subelements %get3A_265, 0 {pack_format = #tpu.pack_format<interleaved>} : vector<32xbf16> -> vector<16xf32>
          %unpack3A_267 = tpu.unpack_subelements %get3A_265, 1 {pack_format = #tpu.pack_format<interleaved>} : vector<32xbf16> -> vector<16xf32>
          %mul3A_268 = vector.broadcast %squeeze3A_186 : f32 to vector<16xf32>
          %mul3A_269 = arith.mulf %mul3A_268, %unpack3A_266 : vector<16xf32>
          %add3A_270 = arith.addf %add3A_259, %mul3A_269 : vector<16xf32>
          %mul3A_271 = vector.broadcast %squeeze3A_186 : f32 to vector<16xf32>
          %mul3A_272 = arith.mulf %mul3A_271, %unpack3A_267 : vector<16xf32>
          %add3A_273 = arith.addf %add3A_262, %mul3A_272 : vector<16xf32>
          %get3A_274 = arith.index_cast %add3A_167 : i32 to index
          %get3A_275 = arith.constant 512 : index
          %get3A_276 = tpu.vector_load %arg11[%get3A_274, %get3A_275] {strides = array<i32>} : memref<40x576xbf16, #tpu.memory_space<vmem>>, vector<32xbf16>,
          %unpack3A_277 = tpu.unpack_subelements %get3A_276, 0 {pack_format = #tpu.pack_format<interleaved>} : vector<32xbf16> -> vector<16xf32>
          %unpack3A_278 = tpu.unpack_subelements %get3A_276, 1 {pack_format = #tpu.pack_format<interleaved>} : vector<32xbf16> -> vector<16xf32>
          %mul3A_279 = vector.broadcast %squeeze3A_188 : f32 to vector<16xf32>
          %mul3A_280 = arith.mulf %mul3A_279, %unpack3A_277 : vector<16xf32>
          %add3A_281 = arith.addf %add3A_270, %mul3A_280 : vector<16xf32>
          %mul3A_282 = vector.broadcast %squeeze3A_188 : f32 to vector<16xf32>
          %mul3A_283 = arith.mulf %mul3A_282, %unpack3A_278 : vector<16xf32>
          %add3A_284 = arith.addf %add3A_273, %mul3A_283 : vector<16xf32>
          %swap3A = arith.index_cast %add3A_167 : i32 to index
          %swap3A_285 = arith.constant 0 : index
          %swap3A_286 = tpu.vector_load %arg13[%swap3A, %swap3A_285] {strides = array<i32>} : memref<40x64xf32, #tpu.memory_space<vmem>>, vector<16xf32>,
          tpu.vector_store %arg13[%swap3A, %swap3A_285], %add3A_281 {strides = array<i32>} : memref<40x64xf32, #tpu.memory_space<vmem>>, vector<16xf32>,
          %swap3A_287 = arith.index_cast %add3A_167 : i32 to index
          %swap3A_288 = arith.constant 16 : index
          %swap3A_289 = tpu.vector_load %arg13[%swap3A_287, %swap3A_288] {strides = array<i32>} : memref<40x64xf32, #tpu.memory_space<vmem>>, vector<16xf32>,
          tpu.vector_store %arg13[%swap3A_287, %swap3A_288], %add3A_284 {strides = array<i32>} : memref<40x64xf32, #tpu.memory_space<vmem>>, vector<16xf32>,
          %get3A_290 = arith.index_cast %add3A_167 : i32 to index
          %get3A_291 = arith.constant 32 : index
          %get3A_292 = tpu.vector_load %arg11[%get3A_290, %get3A_291] {strides = array<i32>} : memref<40x576xbf16, #tpu.memory_space<vmem>>, vector<32xbf16>,
          %unpack3A_293 = tpu.unpack_subelements %get3A_292, 0 {pack_format = #tpu.pack_format<interleaved>} : vector<32xbf16> -> vector<16xf32>
          %unpack3A_294 = tpu.unpack_subelements %get3A_292, 1 {pack_format = #tpu.pack_format<interleaved>} : vector<32xbf16> -> vector<16xf32>
          %mul3A_295 = vector.broadcast %squeeze3A : f32 to vector<16xf32>
          %mul3A_296 = arith.mulf %mul3A_295, %unpack3A_293 : vector<16xf32>
          %mul3A_297 = vector.broadcast %squeeze3A : f32 to vector<16xf32>
          %mul3A_298 = arith.mulf %mul3A_297, %unpack3A_294 : vector<16xf32>
          %get3A_299 = arith.index_cast %add3A_167 : i32 to index
          %get3A_300 = arith.constant 96 : index
          %get3A_301 = tpu.vector_load %arg11[%get3A_299, %get3A_300] {strides = array<i32>} : memref<40x576xbf16, #tpu.memory_space<vmem>>, vector<32xbf16>,
          %unpack3A_302 = tpu.unpack_subelements %get3A_301, 0 {pack_format = #tpu.pack_format<interleaved>} : vector<32xbf16> -> vector<16xf32>
          %unpack3A_303 = tpu.unpack_subelements %get3A_301, 1 {pack_format = #tpu.pack_format<interleaved>} : vector<32xbf16> -> vector<16xf32>
          %mul3A_304 = vector.broadcast %squeeze3A_174 : f32 to vector<16xf32>
          %mul3A_305 = arith.mulf %mul3A_304, %unpack3A_302 : vector<16xf32>
          %add3A_306 = arith.addf %mul3A_296, %mul3A_305 : vector<16xf32>
          %mul3A_307 = vector.broadcast %squeeze3A_174 : f32 to vector<16xf32>
          %mul3A_308 = arith.mulf %mul3A_307, %unpack3A_303 : vector<16xf32>
          %add3A_309 = arith.addf %mul3A_298, %mul3A_308 : vector<16xf32>
          %get3A_310 = arith.index_cast %add3A_167 : i32 to index
          %get3A_311 = arith.constant 160 : index
          %get3A_312 = tpu.vector_load %arg11[%get3A_310, %get3A_311] {strides = array<i32>} : memref<40x576xbf16, #tpu.memory_space<vmem>>, vector<32xbf16>,
          %unpack3A_313 = tpu.unpack_subelements %get3A_312, 0 {pack_format = #tpu.pack_format<interleaved>} : vector<32xbf16> -> vector<16xf32>
          %unpack3A_314 = tpu.unpack_subelements %get3A_312, 1 {pack_format = #tpu.pack_format<interleaved>} : vector<32xbf16> -> vector<16xf32>
          %mul3A_315 = vector.broadcast %squeeze3A_176 : f32 to vector<16xf32>
          %mul3A_316 = arith.mulf %mul3A_315, %unpack3A_313 : vector<16xf32>
          %add3A_317 = arith.addf %add3A_306, %mul3A_316 : vector<16xf32>
          %mul3A_318 = vector.broadcast %squeeze3A_176 : f32 to vector<16xf32>
          %mul3A_319 = arith.mulf %mul3A_318, %unpack3A_314 : vector<16xf32>
          %add3A_320 = arith.addf %add3A_309, %mul3A_319 : vector<16xf32>
          %get3A_321 = arith.index_cast %add3A_167 : i32 to index
          %get3A_322 = arith.constant 224 : index
          %get3A_323 = tpu.vector_load %arg11[%get3A_321, %get3A_322] {strides = array<i32>} : memref<40x576xbf16, #tpu.memory_space<vmem>>, vector<32xbf16>,
          %unpack3A_324 = tpu.unpack_subelements %get3A_323, 0 {pack_format = #tpu.pack_format<interleaved>} : vector<32xbf16> -> vector<16xf32>
          %unpack3A_325 = tpu.unpack_subelements %get3A_323, 1 {pack_format = #tpu.pack_format<interleaved>} : vector<32xbf16> -> vector<16xf32>
          %mul3A_326 = vector.broadcast %squeeze3A_178 : f32 to vector<16xf32>
          %mul3A_327 = arith.mulf %mul3A_326, %unpack3A_324 : vector<16xf32>
          %add3A_328 = arith.addf %add3A_317, %mul3A_327 : vector<16xf32>
          %mul3A_329 = vector.broadcast %squeeze3A_178 : f32 to vector<16xf32>
          %mul3A_330 = arith.mulf %mul3A_329, %unpack3A_325 : vector<16xf32>
          %add3A_331 = arith.addf %add3A_320, %mul3A_330 : vector<16xf32>
          %get3A_332 = arith.index_cast %add3A_167 : i32 to index
          %get3A_333 = arith.constant 288 : index
          %get3A_334 = tpu.vector_load %arg11[%get3A_332, %get3A_333] {strides = array<i32>} : memref<40x576xbf16, #tpu.memory_space<vmem>>, vector<32xbf16>,
          %unpack3A_335 = tpu.unpack_subelements %get3A_334, 0 {pack_format = #tpu.pack_format<interleaved>} : vector<32xbf16> -> vector<16xf32>
          %unpack3A_336 = tpu.unpack_subelements %get3A_334, 1 {pack_format = #tpu.pack_format<interleaved>} : vector<32xbf16> -> vector<16xf32>
          %mul3A_337 = vector.broadcast %squeeze3A_180 : f32 to vector<16xf32>
          %mul3A_338 = arith.mulf %mul3A_337, %unpack3A_335 : vector<16xf32>
          %add3A_339 = arith.addf %add3A_328, %mul3A_338 : vector<16xf32>
          %mul3A_340 = vector.broadcast %squeeze3A_180 : f32 to vector<16xf32>
          %mul3A_341 = arith.mulf %mul3A_340, %unpack3A_336 : vector<16xf32>
          %add3A_342 = arith.addf %add3A_331, %mul3A_341 : vector<16xf32>
          %get3A_343 = arith.index_cast %add3A_167 : i32 to index
          %get3A_344 = arith.constant 352 : index
          %get3A_345 = tpu.vector_load %arg11[%get3A_343, %get3A_344] {strides = array<i32>} : memref<40x576xbf16, #tpu.memory_space<vmem>>, vector<32xbf16>,
          %unpack3A_346 = tpu.unpack_subelements %get3A_345, 0 {pack_format = #tpu.pack_format<interleaved>} : vector<32xbf16> -> vector<16xf32>
          %unpack3A_347 = tpu.unpack_subelements %get3A_345, 1 {pack_format = #tpu.pack_format<interleaved>} : vector<32xbf16> -> vector<16xf32>
          %mul3A_348 = vector.broadcast %squeeze3A_182 : f32 to vector<16xf32>
          %mul3A_349 = arith.mulf %mul3A_348, %unpack3A_346 : vector<16xf32>
          %add3A_350 = arith.addf %add3A_339, %mul3A_349 : vector<16xf32>
          %mul3A_351 = vector.broadcast %squeeze3A_182 : f32 to vector<16xf32>
          %mul3A_352 = arith.mulf %mul3A_351, %unpack3A_347 : vector<16xf32>
          %add3A_353 = arith.addf %add3A_342, %mul3A_352 : vector<16xf32>
          %get3A_354 = arith.index_cast %add3A_167 : i32 to index
          %get3A_355 = arith.constant 416 : index
          %get3A_356 = tpu.vector_load %arg11[%get3A_354, %get3A_355] {strides = array<i32>} : memref<40x576xbf16, #tpu.memory_space<vmem>>, vector<32xbf16>,
          %unpack3A_357 = tpu.unpack_subelements %get3A_356, 0 {pack_format = #tpu.pack_format<interleaved>} : vector<32xbf16> -> vector<16xf32>
          %unpack3A_358 = tpu.unpack_subelements %get3A_356, 1 {pack_format = #tpu.pack_format<interleaved>} : vector<32xbf16> -> vector<16xf32>
          %mul3A_359 = vector.broadcast %squeeze3A_184 : f32 to vector<16xf32>
          %mul3A_360 = arith.mulf %mul3A_359, %unpack3A_357 : vector<16xf32>
          %add3A_361 = arith.addf %add3A_350, %mul3A_360 : vector<16xf32>
          %mul3A_362 = vector.broadcast %squeeze3A_184 : f32 to vector<16xf32>
          %mul3A_363 = arith.mulf %mul3A_362, %unpack3A_358 : vector<16xf32>
          %add3A_364 = arith.addf %add3A_353, %mul3A_363 : vector<16xf32>
          %get3A_365 = arith.index_cast %add3A_167 : i32 to index
          %get3A_366 = arith.constant 480 : index
          %get3A_367 = tpu.vector_load %arg11[%get3A_365, %get3A_366] {strides = array<i32>} : memref<40x576xbf16, #tpu.memory_space<vmem>>, vector<32xbf16>,
          %unpack3A_368 = tpu.unpack_subelements %get3A_367, 0 {pack_format = #tpu.pack_format<interleaved>} : vector<32xbf16> -> vector<16xf32>
          %unpack3A_369 = tpu.unpack_subelements %get3A_367, 1 {pack_format = #tpu.pack_format<interleaved>} : vector<32xbf16> -> vector<16xf32>
          %mul3A_370 = vector.broadcast %squeeze3A_186 : f32 to vector<16xf32>
          %mul3A_371 = arith.mulf %mul3A_370, %unpack3A_368 : vector<16xf32>
          %add3A_372 = arith.addf %add3A_361, %mul3A_371 : vector<16xf32>
          %mul3A_373 = vector.broadcast %squeeze3A_186 : f32 to vector<16xf32>
          %mul3A_374 = arith.mulf %mul3A_373, %unpack3A_369 : vector<16xf32>
          %add3A_375 = arith.addf %add3A_364, %mul3A_374 : vector<16xf32>
          %get3A_376 = arith.index_cast %add3A_167 : i32 to index
          %get3A_377 = arith.constant 544 : index
          %get3A_378 = tpu.vector_load %arg11[%get3A_376, %get3A_377] {strides = array<i32>} : memref<40x576xbf16, #tpu.memory_space<vmem>>, vector<32xbf16>,
          %unpack3A_379 = tpu.unpack_subelements %get3A_378, 0 {pack_format = #tpu.pack_format<interleaved>} : vector<32xbf16> -> vector<16xf32>
          %unpack3A_380 = tpu.unpack_subelements %get3A_378, 1 {pack_format = #tpu.pack_format<interleaved>} : vector<32xbf16> -> vector<16xf32>
          %mul3A_381 = vector.broadcast %squeeze3A_188 : f32 to vector<16xf32>
          %mul3A_382 = arith.mulf %mul3A_381, %unpack3A_379 : vector<16xf32>
          %add3A_383 = arith.addf %add3A_372, %mul3A_382 : vector<16xf32>
          %mul3A_384 = vector.broadcast %squeeze3A_188 : f32 to vector<16xf32>
          %mul3A_385 = arith.mulf %mul3A_384, %unpack3A_380 : vector<16xf32>
          %add3A_386 = arith.addf %add3A_375, %mul3A_385 : vector<16xf32>
          %swap3A_387 = arith.index_cast %add3A_167 : i32 to index
          %swap3A_388 = arith.constant 32 : index
          %swap3A_389 = tpu.vector_load %arg13[%swap3A_387, %swap3A_388] {strides = array<i32>} : memref<40x64xf32, #tpu.memory_space<vmem>>, vector<16xf32>,
          tpu.vector_store %arg13[%swap3A_387, %swap3A_388], %add3A_383 {strides = array<i32>} : memref<40x64xf32, #tpu.memory_space<vmem>>, vector<16xf32>,
          %swap3A_390 = arith.index_cast %add3A_167 : i32 to index
          %swap3A_391 = arith.constant 48 : index
          %swap3A_392 = tpu.vector_load %arg13[%swap3A_390, %swap3A_391] {strides = array<i32>} : memref<40x64xf32, #tpu.memory_space<vmem>>, vector<16xf32>,
          tpu.vector_store %arg13[%swap3A_390, %swap3A_391], %add3A_386 {strides = array<i32>} : memref<40x64xf32, #tpu.memory_space<vmem>>, vector<16xf32>,
        }
        %scan3A_120 = arith.constant 40 : i32
        %dma_start3A_121 = arith.constant 0 : i32
        %dma_start3A_122 = tpu.memref_slice %arg9[%mul3A_107, %dma_start3A_121] : memref<25x40xi32, #tpu.memory_space<vmem>> -> memref<1x40xi32, #tpu.memory_space<vmem>>
        %dma_start3A_123 = tpu.memref_squeeze %dma_start3A_122 : memref<1x40xi32, #tpu.memory_space<vmem>> -> memref<40xi32, #tpu.memory_space<vmem>>
        %dma_start3A_124 = arith.constant 0 : i32
        %dma_start3A_125 = arith.constant 0 : i32
        %dma_start3A_126 = tpu.memref_slice %arg15[%dma_start3A_124, %dma_start3A_125] : memref<10240x64xf32, #tpu.memory_space<vmem_shared>> -> memref<10240x64xf32, #tpu.memory_space<vmem_shared>>
        tpu.enqueue_indirect_dma source(%arg13 : memref<40x64xf32, #tpu.memory_space<vmem>>) target(%dma_start3A_126 : memref<10240x64xf32, #tpu.memory_space<vmem_shared>>) offsets(%dma_start3A_123 : memref<40xi32, #tpu.memory_space<vmem>>) semaphore(%arg18 : memref<!tpu.dma_semaphore, #tpu.memory_space<semaphore_mem>>) {add = true}
        %mul3A_127 = arith.constant 2 : i32
        %mul3A_128 = arith.muli %mul3A_127, %add3A_95 : i32
        %add3A_129 = arith.constant 2 : i32
        %add3A_130 = arith.addi %mul3A_128, %add3A_129 : i32
        %dma_start3A_131 = arith.constant 0 : i32
        %dma_start3A_132 = tpu.memref_slice %arg8[%add3A_130, %dma_start3A_131] : memref<25x40xi32, #tpu.memory_space<vmem>> -> memref<1x40xi32, #tpu.memory_space<vmem>>
        %dma_start3A_133 = tpu.memref_squeeze %dma_start3A_132 : memref<1x40xi32, #tpu.memory_space<vmem>> -> memref<40xi32, #tpu.memory_space<vmem>>
        %dma_start3A_134 = arith.constant 0 : i32
        %dma_start3A_135 = arith.constant 0 : i32
        %dma_start3A_136 = tpu.memref_slice %arg2[%dma_start3A_134, %dma_start3A_135] : memref<10000x576xbf16, #tpu.memory_space<hbm>> -> memref<10000x576xbf16, #tpu.memory_space<hbm>>
        tpu.enqueue_indirect_dma source(%dma_start3A_136 : memref<10000x576xbf16, #tpu.memory_space<hbm>>) target(%arg11 : memref<40x576xbf16, #tpu.memory_space<vmem>>) offsets(%dma_start3A_133 : memref<40xi32, #tpu.memory_space<vmem>>) semaphore(%arg16 : memref<!tpu.dma_semaphore, #tpu.memory_space<semaphore_mem>>)
        %mul3A_137 = arith.constant 2 : i32
        %mul3A_138 = arith.muli %mul3A_137, %add3A_95 : i32
        %add3A_139 = arith.constant 1 : i32
        %add3A_140 = arith.addi %mul3A_138, %add3A_139 : i32
        %gt3A_141 = arith.constant 0 : i32
        %gt3A_142 = arith.cmpi sgt, %add3A_95, %gt3A_141 : i32
        %dma_wait3A_143 = arith.constant 0 : i32
        %dma_wait3A_144 = tpu.memref_slice %arg8[%add3A_140, %dma_wait3A_143] : memref<25x40xi32, #tpu.memory_space<vmem>> -> memref<1x40xi32, #tpu.memory_space<vmem>>
        %dma_wait3A_145 = tpu.memref_squeeze %dma_wait3A_144 : memref<1x40xi32, #tpu.memory_space<vmem>> -> memref<40xi32, #tpu.memory_space<vmem>>
        %dma_wait3A_146 = arith.constant 0 : i32
        %dma_wait3A_147 = arith.constant 0 : i32
        %dma_wait3A_148 = tpu.memref_slice %arg2[%dma_wait3A_146, %dma_wait3A_147] : memref<10000x576xbf16, #tpu.memory_space<hbm>> -> memref<10000x576xbf16, #tpu.memory_space<hbm>>
        tpu.wait_indirect_dma semaphore(%arg17 : memref<!tpu.dma_semaphore, #tpu.memory_space<semaphore_mem>>) src(%dma_wait3A_148 : memref<10000x576xbf16, #tpu.memory_space<hbm>>) dst(%arg12 : memref<40x576xbf16, #tpu.memory_space<vmem>>)
        %convert_element_type3A_149 = arith.extui %gt3A_142 : i1 to i32
        %cond3A_150 = arith.constant 0 : i32
        %cond3A_151 = arith.cmpi ne, %convert_element_type3A_149, %cond3A_150 : i32
        scf.if %cond3A_151 {
          %dma_wait3A_163 = arith.constant 0 : i32
          %dma_wait3A_164 = tpu.memref_slice %arg9[%add3A_140, %dma_wait3A_163] : memref<25x40xi32, #tpu.memory_space<vmem>> -> memref<1x40xi32, #tpu.memory_space<vmem>>
          %dma_wait3A_165 = tpu.memref_squeeze %dma_wait3A_164 : memref<1x40xi32, #tpu.memory_space<vmem>> -> memref<40xi32, #tpu.memory_space<vmem>>
          %dma_wait3A_166 = arith.constant 0 : i32
          %dma_wait3A_167 = arith.constant 0 : i32
          %dma_wait3A_168 = tpu.memref_slice %arg15[%dma_wait3A_166, %dma_wait3A_167] : memref<10240x64xf32, #tpu.memory_space<vmem_shared>> -> memref<10240x64xf32, #tpu.memory_space<vmem_shared>>
          tpu.wait_indirect_dma semaphore(%arg19 : memref<!tpu.dma_semaphore, #tpu.memory_space<semaphore_mem>>) src(%arg14 : memref<40x64xf32, #tpu.memory_space<vmem>>) dst(%dma_wait3A_168 : memref<10240x64xf32, #tpu.memory_space<vmem_shared>>)
        } else {
        }
        %scan3A_152 = arith.constant 0 : i32
        %scan3A_153 = arith.constant 40 : i32
        %scan3A_154 = arith.addi %scan3A_152, %scan3A_153 : i32
        %scan3A_155 = arith.constant 1 : i32
        scf.for %scan3A_163 = %scan3A_152 to %scan3A_154 step %scan3A_155  : i32 {
          %mul3A_164 = arith.constant 1 : i32
          %mul3A_165 = arith.muli %scan3A_163, %mul3A_164 : i32
          %add3A_166 = arith.constant 0 : i32
          %add3A_167 = arith.addi %add3A_166, %mul3A_165 : i32
          %mul3A_168 = arith.constant 40 : i32
          %mul3A_169 = arith.muli %add3A_140, %mul3A_168 : i32
          %add3A_170 = arith.addi %mul3A_169, %add3A_167 : i32
          %get3A = arith.index_cast %add3A_170 : i32 to index
          %get3A_171 = arith.constant 0 : index
          %get3A_172 = tpu.vector_load %arg10[%get3A, %get3A_171] {strides = array<i32>} : memref<1000x16xf32, #tpu.memory_space<vmem>>, vector<16xf32>,
          %slice3A = vector.extract_strided_slice %get3A_172 {offsets = [0], sizes = [1], strides = [1]} : vector<16xf32> to vector<1xf32>
          %squeeze3A = vector.extract %slice3A[0] : f32 from vector<1xf32>
          %slice3A_173 = vector.extract_strided_slice %get3A_172 {offsets = [1], sizes = [1], strides = [1]} : vector<16xf32> to vector<1xf32>
          %squeeze3A_174 = vector.extract %slice3A_173[0] : f32 from vector<1xf32>
          %slice3A_175 = vector.extract_strided_slice %get3A_172 {offsets = [2], sizes = [1], strides = [1]} : vector<16xf32> to vector<1xf32>
          %squeeze3A_176 = vector.extract %slice3A_175[0] : f32 from vector<1xf32>
          %slice3A_177 = vector.extract_strided_slice %get3A_172 {offsets = [3], sizes = [1], strides = [1]} : vector<16xf32> to vector<1xf32>
          %squeeze3A_178 = vector.extract %slice3A_177[0] : f32 from vector<1xf32>
          %slice3A_179 = vector.extract_strided_slice %get3A_172 {offsets = [4], sizes = [1], strides = [1]} : vector<16xf32> to vector<1xf32>
          %squeeze3A_180 = vector.extract %slice3A_179[0] : f32 from vector<1xf32>
          %slice3A_181 = vector.extract_strided_slice %get3A_172 {offsets = [5], sizes = [1], strides = [1]} : vector<16xf32> to vector<1xf32>
          %squeeze3A_182 = vector.extract %slice3A_181[0] : f32 from vector<1xf32>
          %slice3A_183 = vector.extract_strided_slice %get3A_172 {offsets = [6], sizes = [1], strides = [1]} : vector<16xf32> to vector<1xf32>
          %squeeze3A_184 = vector.extract %slice3A_183[0] : f32 from vector<1xf32>
          %slice3A_185 = vector.extract_strided_slice %get3A_172 {offsets = [7], sizes = [1], strides = [1]} : vector<16xf32> to vector<1xf32>
          %squeeze3A_186 = vector.extract %slice3A_185[0] : f32 from vector<1xf32>
          %slice3A_187 = vector.extract_strided_slice %get3A_172 {offsets = [8], sizes = [1], strides = [1]} : vector<16xf32> to vector<1xf32>
          %squeeze3A_188 = vector.extract %slice3A_187[0] : f32 from vector<1xf32>
          %get3A_189 = arith.index_cast %add3A_167 : i32 to index
          %get3A_190 = arith.constant 0 : index
          %get3A_191 = tpu.vector_load %arg12[%get3A_189, %get3A_190] {strides = array<i32>} : memref<40x576xbf16, #tpu.memory_space<vmem>>, vector<32xbf16>,
          %unpack3A = tpu.unpack_subelements %get3A_191, 0 {pack_format = #tpu.pack_format<interleaved>} : vector<32xbf16> -> vector<16xf32>
          %unpack3A_192 = tpu.unpack_subelements %get3A_191, 1 {pack_format = #tpu.pack_format<interleaved>} : vector<32xbf16> -> vector<16xf32>
          %mul3A_193 = vector.broadcast %squeeze3A : f32 to vector<16xf32>
          %mul3A_194 = arith.mulf %mul3A_193, %unpack3A : vector<16xf32>
          %mul3A_195 = vector.broadcast %squeeze3A : f32 to vector<16xf32>
          %mul3A_196 = arith.mulf %mul3A_195, %unpack3A_192 : vector<16xf32>
          %get3A_197 = arith.index_cast %add3A_167 : i32 to index
          %get3A_198 = arith.constant 64 : index
          %get3A_199 = tpu.vector_load %arg12[%get3A_197, %get3A_198] {strides = array<i32>} : memref<40x576xbf16, #tpu.memory_space<vmem>>, vector<32xbf16>,
          %unpack3A_200 = tpu.unpack_subelements %get3A_199, 0 {pack_format = #tpu.pack_format<interleaved>} : vector<32xbf16> -> vector<16xf32>
          %unpack3A_201 = tpu.unpack_subelements %get3A_199, 1 {pack_format = #tpu.pack_format<interleaved>} : vector<32xbf16> -> vector<16xf32>
          %mul3A_202 = vector.broadcast %squeeze3A_174 : f32 to vector<16xf32>
          %mul3A_203 = arith.mulf %mul3A_202, %unpack3A_200 : vector<16xf32>
          %add3A_204 = arith.addf %mul3A_194, %mul3A_203 : vector<16xf32>
          %mul3A_205 = vector.broadcast %squeeze3A_174 : f32 to vector<16xf32>
          %mul3A_206 = arith.mulf %mul3A_205, %unpack3A_201 : vector<16xf32>
          %add3A_207 = arith.addf %mul3A_196, %mul3A_206 : vector<16xf32>
          %get3A_208 = arith.index_cast %add3A_167 : i32 to index
          %get3A_209 = arith.constant 128 : index
          %get3A_210 = tpu.vector_load %arg12[%get3A_208, %get3A_209] {strides = array<i32>} : memref<40x576xbf16, #tpu.memory_space<vmem>>, vector<32xbf16>,
          %unpack3A_211 = tpu.unpack_subelements %get3A_210, 0 {pack_format = #tpu.pack_format<interleaved>} : vector<32xbf16> -> vector<16xf32>
          %unpack3A_212 = tpu.unpack_subelements %get3A_210, 1 {pack_format = #tpu.pack_format<interleaved>} : vector<32xbf16> -> vector<16xf32>
          %mul3A_213 = vector.broadcast %squeeze3A_176 : f32 to vector<16xf32>
          %mul3A_214 = arith.mulf %mul3A_213, %unpack3A_211 : vector<16xf32>
          %add3A_215 = arith.addf %add3A_204, %mul3A_214 : vector<16xf32>
          %mul3A_216 = vector.broadcast %squeeze3A_176 : f32 to vector<16xf32>
          %mul3A_217 = arith.mulf %mul3A_216, %unpack3A_212 : vector<16xf32>
          %add3A_218 = arith.addf %add3A_207, %mul3A_217 : vector<16xf32>
          %get3A_219 = arith.index_cast %add3A_167 : i32 to index
          %get3A_220 = arith.constant 192 : index
          %get3A_221 = tpu.vector_load %arg12[%get3A_219, %get3A_220] {strides = array<i32>} : memref<40x576xbf16, #tpu.memory_space<vmem>>, vector<32xbf16>,
          %unpack3A_222 = tpu.unpack_subelements %get3A_221, 0 {pack_format = #tpu.pack_format<interleaved>} : vector<32xbf16> -> vector<16xf32>
          %unpack3A_223 = tpu.unpack_subelements %get3A_221, 1 {pack_format = #tpu.pack_format<interleaved>} : vector<32xbf16> -> vector<16xf32>
          %mul3A_224 = vector.broadcast %squeeze3A_178 : f32 to vector<16xf32>
          %mul3A_225 = arith.mulf %mul3A_224, %unpack3A_222 : vector<16xf32>
          %add3A_226 = arith.addf %add3A_215, %mul3A_225 : vector<16xf32>
          %mul3A_227 = vector.broadcast %squeeze3A_178 : f32 to vector<16xf32>
          %mul3A_228 = arith.mulf %mul3A_227, %unpack3A_223 : vector<16xf32>
          %add3A_229 = arith.addf %add3A_218, %mul3A_228 : vector<16xf32>
          %get3A_230 = arith.index_cast %add3A_167 : i32 to index
          %get3A_231 = arith.constant 256 : index
          %get3A_232 = tpu.vector_load %arg12[%get3A_230, %get3A_231] {strides = array<i32>} : memref<40x576xbf16, #tpu.memory_space<vmem>>, vector<32xbf16>,
          %unpack3A_233 = tpu.unpack_subelements %get3A_232, 0 {pack_format = #tpu.pack_format<interleaved>} : vector<32xbf16> -> vector<16xf32>
          %unpack3A_234 = tpu.unpack_subelements %get3A_232, 1 {pack_format = #tpu.pack_format<interleaved>} : vector<32xbf16> -> vector<16xf32>
          %mul3A_235 = vector.broadcast %squeeze3A_180 : f32 to vector<16xf32>
          %mul3A_236 = arith.mulf %mul3A_235, %unpack3A_233 : vector<16xf32>
          %add3A_237 = arith.addf %add3A_226, %mul3A_236 : vector<16xf32>
          %mul3A_238 = vector.broadcast %squeeze3A_180 : f32 to vector<16xf32>
          %mul3A_239 = arith.mulf %mul3A_238, %unpack3A_234 : vector<16xf32>
          %add3A_240 = arith.addf %add3A_229, %mul3A_239 : vector<16xf32>
          %get3A_241 = arith.index_cast %add3A_167 : i32 to index
          %get3A_242 = arith.constant 320 : index
          %get3A_243 = tpu.vector_load %arg12[%get3A_241, %get3A_242] {strides = array<i32>} : memref<40x576xbf16, #tpu.memory_space<vmem>>, vector<32xbf16>,
          %unpack3A_244 = tpu.unpack_subelements %get3A_243, 0 {pack_format = #tpu.pack_format<interleaved>} : vector<32xbf16> -> vector<16xf32>
          %unpack3A_245 = tpu.unpack_subelements %get3A_243, 1 {pack_format = #tpu.pack_format<interleaved>} : vector<32xbf16> -> vector<16xf32>
          %mul3A_246 = vector.broadcast %squeeze3A_182 : f32 to vector<16xf32>
          %mul3A_247 = arith.mulf %mul3A_246, %unpack3A_244 : vector<16xf32>
          %add3A_248 = arith.addf %add3A_237, %mul3A_247 : vector<16xf32>
          %mul3A_249 = vector.broadcast %squeeze3A_182 : f32 to vector<16xf32>
          %mul3A_250 = arith.mulf %mul3A_249, %unpack3A_245 : vector<16xf32>
          %add3A_251 = arith.addf %add3A_240, %mul3A_250 : vector<16xf32>
          %get3A_252 = arith.index_cast %add3A_167 : i32 to index
          %get3A_253 = arith.constant 384 : index
          %get3A_254 = tpu.vector_load %arg12[%get3A_252, %get3A_253] {strides = array<i32>} : memref<40x576xbf16, #tpu.memory_space<vmem>>, vector<32xbf16>,
          %unpack3A_255 = tpu.unpack_subelements %get3A_254, 0 {pack_format = #tpu.pack_format<interleaved>} : vector<32xbf16> -> vector<16xf32>
          %unpack3A_256 = tpu.unpack_subelements %get3A_254, 1 {pack_format = #tpu.pack_format<interleaved>} : vector<32xbf16> -> vector<16xf32>
          %mul3A_257 = vector.broadcast %squeeze3A_184 : f32 to vector<16xf32>
          %mul3A_258 = arith.mulf %mul3A_257, %unpack3A_255 : vector<16xf32>
          %add3A_259 = arith.addf %add3A_248, %mul3A_258 : vector<16xf32>
          %mul3A_260 = vector.broadcast %squeeze3A_184 : f32 to vector<16xf32>
          %mul3A_261 = arith.mulf %mul3A_260, %unpack3A_256 : vector<16xf32>
          %add3A_262 = arith.addf %add3A_251, %mul3A_261 : vector<16xf32>
          %get3A_263 = arith.index_cast %add3A_167 : i32 to index
          %get3A_264 = arith.constant 448 : index
          %get3A_265 = tpu.vector_load %arg12[%get3A_263, %get3A_264] {strides = array<i32>} : memref<40x576xbf16, #tpu.memory_space<vmem>>, vector<32xbf16>,
          %unpack3A_266 = tpu.unpack_subelements %get3A_265, 0 {pack_format = #tpu.pack_format<interleaved>} : vector<32xbf16> -> vector<16xf32>
          %unpack3A_267 = tpu.unpack_subelements %get3A_265, 1 {pack_format = #tpu.pack_format<interleaved>} : vector<32xbf16> -> vector<16xf32>
          %mul3A_268 = vector.broadcast %squeeze3A_186 : f32 to vector<16xf32>
          %mul3A_269 = arith.mulf %mul3A_268, %unpack3A_266 : vector<16xf32>
          %add3A_270 = arith.addf %add3A_259, %mul3A_269 : vector<16xf32>
          %mul3A_271 = vector.broadcast %squeeze3A_186 : f32 to vector<16xf32>
          %mul3A_272 = arith.mulf %mul3A_271, %unpack3A_267 : vector<16xf32>
          %add3A_273 = arith.addf %add3A_262, %mul3A_272 : vector<16xf32>
          %get3A_274 = arith.index_cast %add3A_167 : i32 to index
          %get3A_275 = arith.constant 512 : index
          %get3A_276 = tpu.vector_load %arg12[%get3A_274, %get3A_275] {strides = array<i32>} : memref<40x576xbf16, #tpu.memory_space<vmem>>, vector<32xbf16>,
          %unpack3A_277 = tpu.unpack_subelements %get3A_276, 0 {pack_format = #tpu.pack_format<interleaved>} : vector<32xbf16> -> vector<16xf32>
          %unpack3A_278 = tpu.unpack_subelements %get3A_276, 1 {pack_format = #tpu.pack_format<interleaved>} : vector<32xbf16> -> vector<16xf32>
          %mul3A_279 = vector.broadcast %squeeze3A_188 : f32 to vector<16xf32>
          %mul3A_280 = arith.mulf %mul3A_279, %unpack3A_277 : vector<16xf32>
          %add3A_281 = arith.addf %add3A_270, %mul3A_280 : vector<16xf32>
          %mul3A_282 = vector.broadcast %squeeze3A_188 : f32 to vector<16xf32>
          %mul3A_283 = arith.mulf %mul3A_282, %unpack3A_278 : vector<16xf32>
          %add3A_284 = arith.addf %add3A_273, %mul3A_283 : vector<16xf32>
          %swap3A = arith.index_cast %add3A_167 : i32 to index
          %swap3A_285 = arith.constant 0 : index
          %swap3A_286 = tpu.vector_load %arg14[%swap3A, %swap3A_285] {strides = array<i32>} : memref<40x64xf32, #tpu.memory_space<vmem>>, vector<16xf32>,
          tpu.vector_store %arg14[%swap3A, %swap3A_285], %add3A_281 {strides = array<i32>} : memref<40x64xf32, #tpu.memory_space<vmem>>, vector<16xf32>,
          %swap3A_287 = arith.index_cast %add3A_167 : i32 to index
          %swap3A_288 = arith.constant 16 : index
          %swap3A_289 = tpu.vector_load %arg14[%swap3A_287, %swap3A_288] {strides = array<i32>} : memref<40x64xf32, #tpu.memory_space<vmem>>, vector<16xf32>,
          tpu.vector_store %arg14[%swap3A_287, %swap3A_288], %add3A_284 {strides = array<i32>} : memref<40x64xf32, #tpu.memory_space<vmem>>, vector<16xf32>,
          %get3A_290 = arith.index_cast %add3A_167 : i32 to index
          %get3A_291 = arith.constant 32 : index
          %get3A_292 = tpu.vector_load %arg12[%get3A_290, %get3A_291] {strides = array<i32>} : memref<40x576xbf16, #tpu.memory_space<vmem>>, vector<32xbf16>,
          %unpack3A_293 = tpu.unpack_subelements %get3A_292, 0 {pack_format = #tpu.pack_format<interleaved>} : vector<32xbf16> -> vector<16xf32>
          %unpack3A_294 = tpu.unpack_subelements %get3A_292, 1 {pack_format = #tpu.pack_format<interleaved>} : vector<32xbf16> -> vector<16xf32>
          %mul3A_295 = vector.broadcast %squeeze3A : f32 to vector<16xf32>
          %mul3A_296 = arith.mulf %mul3A_295, %unpack3A_293 : vector<16xf32>
          %mul3A_297 = vector.broadcast %squeeze3A : f32 to vector<16xf32>
          %mul3A_298 = arith.mulf %mul3A_297, %unpack3A_294 : vector<16xf32>
          %get3A_299 = arith.index_cast %add3A_167 : i32 to index
          %get3A_300 = arith.constant 96 : index
          %get3A_301 = tpu.vector_load %arg12[%get3A_299, %get3A_300] {strides = array<i32>} : memref<40x576xbf16, #tpu.memory_space<vmem>>, vector<32xbf16>,
          %unpack3A_302 = tpu.unpack_subelements %get3A_301, 0 {pack_format = #tpu.pack_format<interleaved>} : vector<32xbf16> -> vector<16xf32>
          %unpack3A_303 = tpu.unpack_subelements %get3A_301, 1 {pack_format = #tpu.pack_format<interleaved>} : vector<32xbf16> -> vector<16xf32>
          %mul3A_304 = vector.broadcast %squeeze3A_174 : f32 to vector<16xf32>
          %mul3A_305 = arith.mulf %mul3A_304, %unpack3A_302 : vector<16xf32>
          %add3A_306 = arith.addf %mul3A_296, %mul3A_305 : vector<16xf32>
          %mul3A_307 = vector.broadcast %squeeze3A_174 : f32 to vector<16xf32>
          %mul3A_308 = arith.mulf %mul3A_307, %unpack3A_303 : vector<16xf32>
          %add3A_309 = arith.addf %mul3A_298, %mul3A_308 : vector<16xf32>
          %get3A_310 = arith.index_cast %add3A_167 : i32 to index
          %get3A_311 = arith.constant 160 : index
          %get3A_312 = tpu.vector_load %arg12[%get3A_310, %get3A_311] {strides = array<i32>} : memref<40x576xbf16, #tpu.memory_space<vmem>>, vector<32xbf16>,
          %unpack3A_313 = tpu.unpack_subelements %get3A_312, 0 {pack_format = #tpu.pack_format<interleaved>} : vector<32xbf16> -> vector<16xf32>
          %unpack3A_314 = tpu.unpack_subelements %get3A_312, 1 {pack_format = #tpu.pack_format<interleaved>} : vector<32xbf16> -> vector<16xf32>
          %mul3A_315 = vector.broadcast %squeeze3A_176 : f32 to vector<16xf32>
          %mul3A_316 = arith.mulf %mul3A_315, %unpack3A_313 : vector<16xf32>
          %add3A_317 = arith.addf %add3A_306, %mul3A_316 : vector<16xf32>
          %mul3A_318 = vector.broadcast %squeeze3A_176 : f32 to vector<16xf32>
          %mul3A_319 = arith.mulf %mul3A_318, %unpack3A_314 : vector<16xf32>
          %add3A_320 = arith.addf %add3A_309, %mul3A_319 : vector<16xf32>
          %get3A_321 = arith.index_cast %add3A_167 : i32 to index
          %get3A_322 = arith.constant 224 : index
          %get3A_323 = tpu.vector_load %arg12[%get3A_321, %get3A_322] {strides = array<i32>} : memref<40x576xbf16, #tpu.memory_space<vmem>>, vector<32xbf16>,
          %unpack3A_324 = tpu.unpack_subelements %get3A_323, 0 {pack_format = #tpu.pack_format<interleaved>} : vector<32xbf16> -> vector<16xf32>
          %unpack3A_325 = tpu.unpack_subelements %get3A_323, 1 {pack_format = #tpu.pack_format<interleaved>} : vector<32xbf16> -> vector<16xf32>
          %mul3A_326 = vector.broadcast %squeeze3A_178 : f32 to vector<16xf32>
          %mul3A_327 = arith.mulf %mul3A_326, %unpack3A_324 : vector<16xf32>
          %add3A_328 = arith.addf %add3A_317, %mul3A_327 : vector<16xf32>
          %mul3A_329 = vector.broadcast %squeeze3A_178 : f32 to vector<16xf32>
          %mul3A_330 = arith.mulf %mul3A_329, %unpack3A_325 : vector<16xf32>
          %add3A_331 = arith.addf %add3A_320, %mul3A_330 : vector<16xf32>
          %get3A_332 = arith.index_cast %add3A_167 : i32 to index
          %get3A_333 = arith.constant 288 : index
          %get3A_334 = tpu.vector_load %arg12[%get3A_332, %get3A_333] {strides = array<i32>} : memref<40x576xbf16, #tpu.memory_space<vmem>>, vector<32xbf16>,
          %unpack3A_335 = tpu.unpack_subelements %get3A_334, 0 {pack_format = #tpu.pack_format<interleaved>} : vector<32xbf16> -> vector<16xf32>
          %unpack3A_336 = tpu.unpack_subelements %get3A_334, 1 {pack_format = #tpu.pack_format<interleaved>} : vector<32xbf16> -> vector<16xf32>
          %mul3A_337 = vector.broadcast %squeeze3A_180 : f32 to vector<16xf32>
          %mul3A_338 = arith.mulf %mul3A_337, %unpack3A_335 : vector<16xf32>
          %add3A_339 = arith.addf %add3A_328, %mul3A_338 : vector<16xf32>
          %mul3A_340 = vector.broadcast %squeeze3A_180 : f32 to vector<16xf32>
          %mul3A_341 = arith.mulf %mul3A_340, %unpack3A_336 : vector<16xf32>
          %add3A_342 = arith.addf %add3A_331, %mul3A_341 : vector<16xf32>
          %get3A_343 = arith.index_cast %add3A_167 : i32 to index
          %get3A_344 = arith.constant 352 : index
          %get3A_345 = tpu.vector_load %arg12[%get3A_343, %get3A_344] {strides = array<i32>} : memref<40x576xbf16, #tpu.memory_space<vmem>>, vector<32xbf16>,
          %unpack3A_346 = tpu.unpack_subelements %get3A_345, 0 {pack_format = #tpu.pack_format<interleaved>} : vector<32xbf16> -> vector<16xf32>
          %unpack3A_347 = tpu.unpack_subelements %get3A_345, 1 {pack_format = #tpu.pack_format<interleaved>} : vector<32xbf16> -> vector<16xf32>
          %mul3A_348 = vector.broadcast %squeeze3A_182 : f32 to vector<16xf32>
          %mul3A_349 = arith.mulf %mul3A_348, %unpack3A_346 : vector<16xf32>
          %add3A_350 = arith.addf %add3A_339, %mul3A_349 : vector<16xf32>
          %mul3A_351 = vector.broadcast %squeeze3A_182 : f32 to vector<16xf32>
          %mul3A_352 = arith.mulf %mul3A_351, %unpack3A_347 : vector<16xf32>
          %add3A_353 = arith.addf %add3A_342, %mul3A_352 : vector<16xf32>
          %get3A_354 = arith.index_cast %add3A_167 : i32 to index
          %get3A_355 = arith.constant 416 : index
          %get3A_356 = tpu.vector_load %arg12[%get3A_354, %get3A_355] {strides = array<i32>} : memref<40x576xbf16, #tpu.memory_space<vmem>>, vector<32xbf16>,
          %unpack3A_357 = tpu.unpack_subelements %get3A_356, 0 {pack_format = #tpu.pack_format<interleaved>} : vector<32xbf16> -> vector<16xf32>
          %unpack3A_358 = tpu.unpack_subelements %get3A_356, 1 {pack_format = #tpu.pack_format<interleaved>} : vector<32xbf16> -> vector<16xf32>
          %mul3A_359 = vector.broadcast %squeeze3A_184 : f32 to vector<16xf32>
          %mul3A_360 = arith.mulf %mul3A_359, %unpack3A_357 : vector<16xf32>
          %add3A_361 = arith.addf %add3A_350, %mul3A_360 : vector<16xf32>
          %mul3A_362 = vector.broadcast %squeeze3A_184 : f32 to vector<16xf32>
          %mul3A_363 = arith.mulf %mul3A_362, %unpack3A_358 : vector<16xf32>
          %add3A_364 = arith.addf %add3A_353, %mul3A_363 : vector<16xf32>
          %get3A_365 = arith.index_cast %add3A_167 : i32 to index
          %get3A_366 = arith.constant 480 : index
          %get3A_367 = tpu.vector_load %arg12[%get3A_365, %get3A_366] {strides = array<i32>} : memref<40x576xbf16, #tpu.memory_space<vmem>>, vector<32xbf16>,
          %unpack3A_368 = tpu.unpack_subelements %get3A_367, 0 {pack_format = #tpu.pack_format<interleaved>} : vector<32xbf16> -> vector<16xf32>
          %unpack3A_369 = tpu.unpack_subelements %get3A_367, 1 {pack_format = #tpu.pack_format<interleaved>} : vector<32xbf16> -> vector<16xf32>
          %mul3A_370 = vector.broadcast %squeeze3A_186 : f32 to vector<16xf32>
          %mul3A_371 = arith.mulf %mul3A_370, %unpack3A_368 : vector<16xf32>
          %add3A_372 = arith.addf %add3A_361, %mul3A_371 : vector<16xf32>
          %mul3A_373 = vector.broadcast %squeeze3A_186 : f32 to vector<16xf32>
          %mul3A_374 = arith.mulf %mul3A_373, %unpack3A_369 : vector<16xf32>
          %add3A_375 = arith.addf %add3A_364, %mul3A_374 : vector<16xf32>
          %get3A_376 = arith.index_cast %add3A_167 : i32 to index
          %get3A_377 = arith.constant 544 : index
          %get3A_378 = tpu.vector_load %arg12[%get3A_376, %get3A_377] {strides = array<i32>} : memref<40x576xbf16, #tpu.memory_space<vmem>>, vector<32xbf16>,
          %unpack3A_379 = tpu.unpack_subelements %get3A_378, 0 {pack_format = #tpu.pack_format<interleaved>} : vector<32xbf16> -> vector<16xf32>
          %unpack3A_380 = tpu.unpack_subelements %get3A_378, 1 {pack_format = #tpu.pack_format<interleaved>} : vector<32xbf16> -> vector<16xf32>
          %mul3A_381 = vector.broadcast %squeeze3A_188 : f32 to vector<16xf32>
          %mul3A_382 = arith.mulf %mul3A_381, %unpack3A_379 : vector<16xf32>
          %add3A_383 = arith.addf %add3A_372, %mul3A_382 : vector<16xf32>
          %mul3A_384 = vector.broadcast %squeeze3A_188 : f32 to vector<16xf32>
          %mul3A_385 = arith.mulf %mul3A_384, %unpack3A_380 : vector<16xf32>
          %add3A_386 = arith.addf %add3A_375, %mul3A_385 : vector<16xf32>
          %swap3A_387 = arith.index_cast %add3A_167 : i32 to index
          %swap3A_388 = arith.constant 32 : index
          %swap3A_389 = tpu.vector_load %arg14[%swap3A_387, %swap3A_388] {strides = array<i32>} : memref<40x64xf32, #tpu.memory_space<vmem>>, vector<16xf32>,
          tpu.vector_store %arg14[%swap3A_387, %swap3A_388], %add3A_383 {strides = array<i32>} : memref<40x64xf32, #tpu.memory_space<vmem>>, vector<16xf32>,
          %swap3A_390 = arith.index_cast %add3A_167 : i32 to index
          %swap3A_391 = arith.constant 48 : index
          %swap3A_392 = tpu.vector_load %arg14[%swap3A_390, %swap3A_391] {strides = array<i32>} : memref<40x64xf32, #tpu.memory_space<vmem>>, vector<16xf32>,
          tpu.vector_store %arg14[%swap3A_390, %swap3A_391], %add3A_386 {strides = array<i32>} : memref<40x64xf32, #tpu.memory_space<vmem>>, vector<16xf32>,
        }
        %scan3A_156 = arith.constant 40 : i32
        %dma_start3A_157 = arith.constant 0 : i32
        %dma_start3A_158 = tpu.memref_slice %arg9[%add3A_140, %dma_start3A_157] : memref<25x40xi32, #tpu.memory_space<vmem>> -> memref<1x40xi32, #tpu.memory_space<vmem>>
        %dma_start3A_159 = tpu.memref_squeeze %dma_start3A_158 : memref<1x40xi32, #tpu.memory_space<vmem>> -> memref<40xi32, #tpu.memory_space<vmem>>
        %dma_start3A_160 = arith.constant 0 : i32
        %dma_start3A_161 = arith.constant 0 : i32
        %dma_start3A_162 = tpu.memref_slice %arg15[%dma_start3A_160, %dma_start3A_161] : memref<10240x64xf32, #tpu.memory_space<vmem_shared>> -> memref<10240x64xf32, #tpu.memory_space<vmem_shared>>
        tpu.enqueue_indirect_dma source(%arg14 : memref<40x64xf32, #tpu.memory_space<vmem>>) target(%dma_start3A_162 : memref<10240x64xf32, #tpu.memory_space<vmem_shared>>) offsets(%dma_start3A_159 : memref<40xi32, #tpu.memory_space<vmem>>) semaphore(%arg19 : memref<!tpu.dma_semaphore, #tpu.memory_space<semaphore_mem>>) {add = true}
      }
      %scan3A_51 = arith.constant 12 : i32
      %dma_wait3A = arith.constant 24 : i32
      %dma_wait3A_52 = arith.constant 0 : i32
      %dma_wait3A_53 = tpu.memref_slice %arg8[%dma_wait3A, %dma_wait3A_52] : memref<25x40xi32, #tpu.memory_space<vmem>> -> memref<1x40xi32, #tpu.memory_space<vmem>>
      %dma_wait3A_54 = tpu.memref_squeeze %dma_wait3A_53 : memref<1x40xi32, #tpu.memory_space<vmem>> -> memref<40xi32, #tpu.memory_space<vmem>>
      %dma_wait3A_55 = arith.constant 0 : i32
      %dma_wait3A_56 = arith.constant 0 : i32
      %dma_wait3A_57 = tpu.memref_slice %arg2[%dma_wait3A_55, %dma_wait3A_56] : memref<10000x576xbf16, #tpu.memory_space<hbm>> -> memref<10000x576xbf16, #tpu.memory_space<hbm>>
      tpu.wait_indirect_dma semaphore(%arg16 : memref<!tpu.dma_semaphore, #tpu.memory_space<semaphore_mem>>) src(%dma_wait3A_57 : memref<10000x576xbf16, #tpu.memory_space<hbm>>) dst(%arg11 : memref<40x576xbf16, #tpu.memory_space<vmem>>)
      %dma_wait3A_58 = arith.constant 24 : i32
      %dma_wait3A_59 = arith.constant 0 : i32
      %dma_wait3A_60 = tpu.memref_slice %arg9[%dma_wait3A_58, %dma_wait3A_59] : memref<25x40xi32, #tpu.memory_space<vmem>> -> memref<1x40xi32, #tpu.memory_space<vmem>>
      %dma_wait3A_61 = tpu.memref_squeeze %dma_wait3A_60 : memref<1x40xi32, #tpu.memory_space<vmem>> -> memref<40xi32, #tpu.memory_space<vmem>>
      %dma_wait3A_62 = arith.constant 0 : i32
      %dma_wait3A_63 = arith.constant 0 : i32
      %dma_wait3A_64 = tpu.memref_slice %arg15[%dma_wait3A_62, %dma_wait3A_63] : memref<10240x64xf32, #tpu.memory_space<vmem_shared>> -> memref<10240x64xf32, #tpu.memory_space<vmem_shared>>
      tpu.wait_indirect_dma semaphore(%arg18 : memref<!tpu.dma_semaphore, #tpu.memory_space<semaphore_mem>>) src(%arg13 : memref<40x64xf32, #tpu.memory_space<vmem>>) dst(%dma_wait3A_64 : memref<10240x64xf32, #tpu.memory_space<vmem_shared>>)
      %scan3A_65 = arith.constant 0 : i32
      %scan3A_66 = arith.constant 40 : i32
      %scan3A_67 = arith.addi %scan3A_65, %scan3A_66 : i32
      %scan3A_68 = arith.constant 1 : i32
      scf.for %scan3A_91 = %scan3A_65 to %scan3A_67 step %scan3A_68  : i32 {
        %mul3A_92 = arith.constant 1 : i32
        %mul3A_93 = arith.muli %scan3A_91, %mul3A_92 : i32
        %add3A_94 = arith.constant 0 : i32
        %add3A_95 = arith.addi %add3A_94, %mul3A_93 : i32
        %add3A_96 = arith.constant 960 : i32
        %add3A_97 = arith.addi %add3A_96, %add3A_95 : i32
        %get3A = arith.index_cast %add3A_97 : i32 to index
        %get3A_98 = arith.constant 0 : index
        %get3A_99 = tpu.vector_load %arg10[%get3A, %get3A_98] {strides = array<i32>} : memref<1000x16xf32, #tpu.memory_space<vmem>>, vector<16xf32>,
        %slice3A = vector.extract_strided_slice %get3A_99 {offsets = [0], sizes = [1], strides = [1]} : vector<16xf32> to vector<1xf32>
        %squeeze3A = vector.extract %slice3A[0] : f32 from vector<1xf32>
        %slice3A_100 = vector.extract_strided_slice %get3A_99 {offsets = [1], sizes = [1], strides = [1]} : vector<16xf32> to vector<1xf32>
        %squeeze3A_101 = vector.extract %slice3A_100[0] : f32 from vector<1xf32>
        %slice3A_102 = vector.extract_strided_slice %get3A_99 {offsets = [2], sizes = [1], strides = [1]} : vector<16xf32> to vector<1xf32>
        %squeeze3A_103 = vector.extract %slice3A_102[0] : f32 from vector<1xf32>
        %slice3A_104 = vector.extract_strided_slice %get3A_99 {offsets = [3], sizes = [1], strides = [1]} : vector<16xf32> to vector<1xf32>
        %squeeze3A_105 = vector.extract %slice3A_104[0] : f32 from vector<1xf32>
        %slice3A_106 = vector.extract_strided_slice %get3A_99 {offsets = [4], sizes = [1], strides = [1]} : vector<16xf32> to vector<1xf32>
        %squeeze3A_107 = vector.extract %slice3A_106[0] : f32 from vector<1xf32>
        %slice3A_108 = vector.extract_strided_slice %get3A_99 {offsets = [5], sizes = [1], strides = [1]} : vector<16xf32> to vector<1xf32>
        %squeeze3A_109 = vector.extract %slice3A_108[0] : f32 from vector<1xf32>
        %slice3A_110 = vector.extract_strided_slice %get3A_99 {offsets = [6], sizes = [1], strides = [1]} : vector<16xf32> to vector<1xf32>
        %squeeze3A_111 = vector.extract %slice3A_110[0] : f32 from vector<1xf32>
        %slice3A_112 = vector.extract_strided_slice %get3A_99 {offsets = [7], sizes = [1], strides = [1]} : vector<16xf32> to vector<1xf32>
        %squeeze3A_113 = vector.extract %slice3A_112[0] : f32 from vector<1xf32>
        %slice3A_114 = vector.extract_strided_slice %get3A_99 {offsets = [8], sizes = [1], strides = [1]} : vector<16xf32> to vector<1xf32>
        %squeeze3A_115 = vector.extract %slice3A_114[0] : f32 from vector<1xf32>
        %get3A_116 = arith.index_cast %add3A_95 : i32 to index
        %get3A_117 = arith.constant 0 : index
        %get3A_118 = tpu.vector_load %arg11[%get3A_116, %get3A_117] {strides = array<i32>} : memref<40x576xbf16, #tpu.memory_space<vmem>>, vector<32xbf16>,
        %unpack3A = tpu.unpack_subelements %get3A_118, 0 {pack_format = #tpu.pack_format<interleaved>} : vector<32xbf16> -> vector<16xf32>
        %unpack3A_119 = tpu.unpack_subelements %get3A_118, 1 {pack_format = #tpu.pack_format<interleaved>} : vector<32xbf16> -> vector<16xf32>
        %mul3A_120 = vector.broadcast %squeeze3A : f32 to vector<16xf32>
        %mul3A_121 = arith.mulf %mul3A_120, %unpack3A : vector<16xf32>
        %mul3A_122 = vector.broadcast %squeeze3A : f32 to vector<16xf32>
        %mul3A_123 = arith.mulf %mul3A_122, %unpack3A_119 : vector<16xf32>
        %get3A_124 = arith.index_cast %add3A_95 : i32 to index
        %get3A_125 = arith.constant 64 : index
        %get3A_126 = tpu.vector_load %arg11[%get3A_124, %get3A_125] {strides = array<i32>} : memref<40x576xbf16, #tpu.memory_space<vmem>>, vector<32xbf16>,
        %unpack3A_127 = tpu.unpack_subelements %get3A_126, 0 {pack_format = #tpu.pack_format<interleaved>} : vector<32xbf16> -> vector<16xf32>
        %unpack3A_128 = tpu.unpack_subelements %get3A_126, 1 {pack_format = #tpu.pack_format<interleaved>} : vector<32xbf16> -> vector<16xf32>
        %mul3A_129 = vector.broadcast %squeeze3A_101 : f32 to vector<16xf32>
        %mul3A_130 = arith.mulf %mul3A_129, %unpack3A_127 : vector<16xf32>
        %add3A_131 = arith.addf %mul3A_121, %mul3A_130 : vector<16xf32>
        %mul3A_132 = vector.broadcast %squeeze3A_101 : f32 to vector<16xf32>
        %mul3A_133 = arith.mulf %mul3A_132, %unpack3A_128 : vector<16xf32>
        %add3A_134 = arith.addf %mul3A_123, %mul3A_133 : vector<16xf32>
        %get3A_135 = arith.index_cast %add3A_95 : i32 to index
        %get3A_136 = arith.constant 128 : index
        %get3A_137 = tpu.vector_load %arg11[%get3A_135, %get3A_136] {strides = array<i32>} : memref<40x576xbf16, #tpu.memory_space<vmem>>, vector<32xbf16>,
        %unpack3A_138 = tpu.unpack_subelements %get3A_137, 0 {pack_format = #tpu.pack_format<interleaved>} : vector<32xbf16> -> vector<16xf32>
        %unpack3A_139 = tpu.unpack_subelements %get3A_137, 1 {pack_format = #tpu.pack_format<interleaved>} : vector<32xbf16> -> vector<16xf32>
        %mul3A_140 = vector.broadcast %squeeze3A_103 : f32 to vector<16xf32>
        %mul3A_141 = arith.mulf %mul3A_140, %unpack3A_138 : vector<16xf32>
        %add3A_142 = arith.addf %add3A_131, %mul3A_141 : vector<16xf32>
        %mul3A_143 = vector.broadcast %squeeze3A_103 : f32 to vector<16xf32>
        %mul3A_144 = arith.mulf %mul3A_143, %unpack3A_139 : vector<16xf32>
        %add3A_145 = arith.addf %add3A_134, %mul3A_144 : vector<16xf32>
        %get3A_146 = arith.index_cast %add3A_95 : i32 to index
        %get3A_147 = arith.constant 192 : index
        %get3A_148 = tpu.vector_load %arg11[%get3A_146, %get3A_147] {strides = array<i32>} : memref<40x576xbf16, #tpu.memory_space<vmem>>, vector<32xbf16>,
        %unpack3A_149 = tpu.unpack_subelements %get3A_148, 0 {pack_format = #tpu.pack_format<interleaved>} : vector<32xbf16> -> vector<16xf32>
        %unpack3A_150 = tpu.unpack_subelements %get3A_148, 1 {pack_format = #tpu.pack_format<interleaved>} : vector<32xbf16> -> vector<16xf32>
        %mul3A_151 = vector.broadcast %squeeze3A_105 : f32 to vector<16xf32>
        %mul3A_152 = arith.mulf %mul3A_151, %unpack3A_149 : vector<16xf32>
        %add3A_153 = arith.addf %add3A_142, %mul3A_152 : vector<16xf32>
        %mul3A_154 = vector.broadcast %squeeze3A_105 : f32 to vector<16xf32>
        %mul3A_155 = arith.mulf %mul3A_154, %unpack3A_150 : vector<16xf32>
        %add3A_156 = arith.addf %add3A_145, %mul3A_155 : vector<16xf32>
        %get3A_157 = arith.index_cast %add3A_95 : i32 to index
        %get3A_158 = arith.constant 256 : index
        %get3A_159 = tpu.vector_load %arg11[%get3A_157, %get3A_158] {strides = array<i32>} : memref<40x576xbf16, #tpu.memory_space<vmem>>, vector<32xbf16>,
        %unpack3A_160 = tpu.unpack_subelements %get3A_159, 0 {pack_format = #tpu.pack_format<interleaved>} : vector<32xbf16> -> vector<16xf32>
        %unpack3A_161 = tpu.unpack_subelements %get3A_159, 1 {pack_format = #tpu.pack_format<interleaved>} : vector<32xbf16> -> vector<16xf32>
        %mul3A_162 = vector.broadcast %squeeze3A_107 : f32 to vector<16xf32>
        %mul3A_163 = arith.mulf %mul3A_162, %unpack3A_160 : vector<16xf32>
        %add3A_164 = arith.addf %add3A_153, %mul3A_163 : vector<16xf32>
        %mul3A_165 = vector.broadcast %squeeze3A_107 : f32 to vector<16xf32>
        %mul3A_166 = arith.mulf %mul3A_165, %unpack3A_161 : vector<16xf32>
        %add3A_167 = arith.addf %add3A_156, %mul3A_166 : vector<16xf32>
        %get3A_168 = arith.index_cast %add3A_95 : i32 to index
        %get3A_169 = arith.constant 320 : index
        %get3A_170 = tpu.vector_load %arg11[%get3A_168, %get3A_169] {strides = array<i32>} : memref<40x576xbf16, #tpu.memory_space<vmem>>, vector<32xbf16>,
        %unpack3A_171 = tpu.unpack_subelements %get3A_170, 0 {pack_format = #tpu.pack_format<interleaved>} : vector<32xbf16> -> vector<16xf32>
        %unpack3A_172 = tpu.unpack_subelements %get3A_170, 1 {pack_format = #tpu.pack_format<interleaved>} : vector<32xbf16> -> vector<16xf32>
        %mul3A_173 = vector.broadcast %squeeze3A_109 : f32 to vector<16xf32>
        %mul3A_174 = arith.mulf %mul3A_173, %unpack3A_171 : vector<16xf32>
        %add3A_175 = arith.addf %add3A_164, %mul3A_174 : vector<16xf32>
        %mul3A_176 = vector.broadcast %squeeze3A_109 : f32 to vector<16xf32>
        %mul3A_177 = arith.mulf %mul3A_176, %unpack3A_172 : vector<16xf32>
        %add3A_178 = arith.addf %add3A_167, %mul3A_177 : vector<16xf32>
        %get3A_179 = arith.index_cast %add3A_95 : i32 to index
        %get3A_180 = arith.constant 384 : index
        %get3A_181 = tpu.vector_load %arg11[%get3A_179, %get3A_180] {strides = array<i32>} : memref<40x576xbf16, #tpu.memory_space<vmem>>, vector<32xbf16>,
        %unpack3A_182 = tpu.unpack_subelements %get3A_181, 0 {pack_format = #tpu.pack_format<interleaved>} : vector<32xbf16> -> vector<16xf32>
        %unpack3A_183 = tpu.unpack_subelements %get3A_181, 1 {pack_format = #tpu.pack_format<interleaved>} : vector<32xbf16> -> vector<16xf32>
        %mul3A_184 = vector.broadcast %squeeze3A_111 : f32 to vector<16xf32>
        %mul3A_185 = arith.mulf %mul3A_184, %unpack3A_182 : vector<16xf32>
        %add3A_186 = arith.addf %add3A_175, %mul3A_185 : vector<16xf32>
        %mul3A_187 = vector.broadcast %squeeze3A_111 : f32 to vector<16xf32>
        %mul3A_188 = arith.mulf %mul3A_187, %unpack3A_183 : vector<16xf32>
        %add3A_189 = arith.addf %add3A_178, %mul3A_188 : vector<16xf32>
        %get3A_190 = arith.index_cast %add3A_95 : i32 to index
        %get3A_191 = arith.constant 448 : index
        %get3A_192 = tpu.vector_load %arg11[%get3A_190, %get3A_191] {strides = array<i32>} : memref<40x576xbf16, #tpu.memory_space<vmem>>, vector<32xbf16>,
        %unpack3A_193 = tpu.unpack_subelements %get3A_192, 0 {pack_format = #tpu.pack_format<interleaved>} : vector<32xbf16> -> vector<16xf32>
        %unpack3A_194 = tpu.unpack_subelements %get3A_192, 1 {pack_format = #tpu.pack_format<interleaved>} : vector<32xbf16> -> vector<16xf32>
        %mul3A_195 = vector.broadcast %squeeze3A_113 : f32 to vector<16xf32>
        %mul3A_196 = arith.mulf %mul3A_195, %unpack3A_193 : vector<16xf32>
        %add3A_197 = arith.addf %add3A_186, %mul3A_196 : vector<16xf32>
        %mul3A_198 = vector.broadcast %squeeze3A_113 : f32 to vector<16xf32>
        %mul3A_199 = arith.mulf %mul3A_198, %unpack3A_194 : vector<16xf32>
        %add3A_200 = arith.addf %add3A_189, %mul3A_199 : vector<16xf32>
        %get3A_201 = arith.index_cast %add3A_95 : i32 to index
        %get3A_202 = arith.constant 512 : index
        %get3A_203 = tpu.vector_load %arg11[%get3A_201, %get3A_202] {strides = array<i32>} : memref<40x576xbf16, #tpu.memory_space<vmem>>, vector<32xbf16>,
        %unpack3A_204 = tpu.unpack_subelements %get3A_203, 0 {pack_format = #tpu.pack_format<interleaved>} : vector<32xbf16> -> vector<16xf32>
        %unpack3A_205 = tpu.unpack_subelements %get3A_203, 1 {pack_format = #tpu.pack_format<interleaved>} : vector<32xbf16> -> vector<16xf32>
        %mul3A_206 = vector.broadcast %squeeze3A_115 : f32 to vector<16xf32>
        %mul3A_207 = arith.mulf %mul3A_206, %unpack3A_204 : vector<16xf32>
        %add3A_208 = arith.addf %add3A_197, %mul3A_207 : vector<16xf32>
        %mul3A_209 = vector.broadcast %squeeze3A_115 : f32 to vector<16xf32>
        %mul3A_210 = arith.mulf %mul3A_209, %unpack3A_205 : vector<16xf32>
        %add3A_211 = arith.addf %add3A_200, %mul3A_210 : vector<16xf32>
        %swap3A = arith.index_cast %add3A_95 : i32 to index
        %swap3A_212 = arith.constant 0 : index
        %swap3A_213 = tpu.vector_load %arg13[%swap3A, %swap3A_212] {strides = array<i32>} : memref<40x64xf32, #tpu.memory_space<vmem>>, vector<16xf32>,
        tpu.vector_store %arg13[%swap3A, %swap3A_212], %add3A_208 {strides = array<i32>} : memref<40x64xf32, #tpu.memory_space<vmem>>, vector<16xf32>,
        %swap3A_214 = arith.index_cast %add3A_95 : i32 to index
        %swap3A_215 = arith.constant 16 : index
        %swap3A_216 = tpu.vector_load %arg13[%swap3A_214, %swap3A_215] {strides = array<i32>} : memref<40x64xf32, #tpu.memory_space<vmem>>, vector<16xf32>,
        tpu.vector_store %arg13[%swap3A_214, %swap3A_215], %add3A_211 {strides = array<i32>} : memref<40x64xf32, #tpu.memory_space<vmem>>, vector<16xf32>,
        %get3A_217 = arith.index_cast %add3A_95 : i32 to index
        %get3A_218 = arith.constant 32 : index
        %get3A_219 = tpu.vector_load %arg11[%get3A_217, %get3A_218] {strides = array<i32>} : memref<40x576xbf16, #tpu.memory_space<vmem>>, vector<32xbf16>,
        %unpack3A_220 = tpu.unpack_subelements %get3A_219, 0 {pack_format = #tpu.pack_format<interleaved>} : vector<32xbf16> -> vector<16xf32>
        %unpack3A_221 = tpu.unpack_subelements %get3A_219, 1 {pack_format = #tpu.pack_format<interleaved>} : vector<32xbf16> -> vector<16xf32>
        %mul3A_222 = vector.broadcast %squeeze3A : f32 to vector<16xf32>
        %mul3A_223 = arith.mulf %mul3A_222, %unpack3A_220 : vector<16xf32>
        %mul3A_224 = vector.broadcast %squeeze3A : f32 to vector<16xf32>
        %mul3A_225 = arith.mulf %mul3A_224, %unpack3A_221 : vector<16xf32>
        %get3A_226 = arith.index_cast %add3A_95 : i32 to index
        %get3A_227 = arith.constant 96 : index
        %get3A_228 = tpu.vector_load %arg11[%get3A_226, %get3A_227] {strides = array<i32>} : memref<40x576xbf16, #tpu.memory_space<vmem>>, vector<32xbf16>,
        %unpack3A_229 = tpu.unpack_subelements %get3A_228, 0 {pack_format = #tpu.pack_format<interleaved>} : vector<32xbf16> -> vector<16xf32>
        %unpack3A_230 = tpu.unpack_subelements %get3A_228, 1 {pack_format = #tpu.pack_format<interleaved>} : vector<32xbf16> -> vector<16xf32>
        %mul3A_231 = vector.broadcast %squeeze3A_101 : f32 to vector<16xf32>
        %mul3A_232 = arith.mulf %mul3A_231, %unpack3A_229 : vector<16xf32>
        %add3A_233 = arith.addf %mul3A_223, %mul3A_232 : vector<16xf32>
        %mul3A_234 = vector.broadcast %squeeze3A_101 : f32 to vector<16xf32>
        %mul3A_235 = arith.mulf %mul3A_234, %unpack3A_230 : vector<16xf32>
        %add3A_236 = arith.addf %mul3A_225, %mul3A_235 : vector<16xf32>
        %get3A_237 = arith.index_cast %add3A_95 : i32 to index
        %get3A_238 = arith.constant 160 : index
        %get3A_239 = tpu.vector_load %arg11[%get3A_237, %get3A_238] {strides = array<i32>} : memref<40x576xbf16, #tpu.memory_space<vmem>>, vector<32xbf16>,
        %unpack3A_240 = tpu.unpack_subelements %get3A_239, 0 {pack_format = #tpu.pack_format<interleaved>} : vector<32xbf16> -> vector<16xf32>
        %unpack3A_241 = tpu.unpack_subelements %get3A_239, 1 {pack_format = #tpu.pack_format<interleaved>} : vector<32xbf16> -> vector<16xf32>
        %mul3A_242 = vector.broadcast %squeeze3A_103 : f32 to vector<16xf32>
        %mul3A_243 = arith.mulf %mul3A_242, %unpack3A_240 : vector<16xf32>
        %add3A_244 = arith.addf %add3A_233, %mul3A_243 : vector<16xf32>
        %mul3A_245 = vector.broadcast %squeeze3A_103 : f32 to vector<16xf32>
        %mul3A_246 = arith.mulf %mul3A_245, %unpack3A_241 : vector<16xf32>
        %add3A_247 = arith.addf %add3A_236, %mul3A_246 : vector<16xf32>
        %get3A_248 = arith.index_cast %add3A_95 : i32 to index
        %get3A_249 = arith.constant 224 : index
        %get3A_250 = tpu.vector_load %arg11[%get3A_248, %get3A_249] {strides = array<i32>} : memref<40x576xbf16, #tpu.memory_space<vmem>>, vector<32xbf16>,
        %unpack3A_251 = tpu.unpack_subelements %get3A_250, 0 {pack_format = #tpu.pack_format<interleaved>} : vector<32xbf16> -> vector<16xf32>
        %unpack3A_252 = tpu.unpack_subelements %get3A_250, 1 {pack_format = #tpu.pack_format<interleaved>} : vector<32xbf16> -> vector<16xf32>
        %mul3A_253 = vector.broadcast %squeeze3A_105 : f32 to vector<16xf32>
        %mul3A_254 = arith.mulf %mul3A_253, %unpack3A_251 : vector<16xf32>
        %add3A_255 = arith.addf %add3A_244, %mul3A_254 : vector<16xf32>
        %mul3A_256 = vector.broadcast %squeeze3A_105 : f32 to vector<16xf32>
        %mul3A_257 = arith.mulf %mul3A_256, %unpack3A_252 : vector<16xf32>
        %add3A_258 = arith.addf %add3A_247, %mul3A_257 : vector<16xf32>
        %get3A_259 = arith.index_cast %add3A_95 : i32 to index
        %get3A_260 = arith.constant 288 : index
        %get3A_261 = tpu.vector_load %arg11[%get3A_259, %get3A_260] {strides = array<i32>} : memref<40x576xbf16, #tpu.memory_space<vmem>>, vector<32xbf16>,
        %unpack3A_262 = tpu.unpack_subelements %get3A_261, 0 {pack_format = #tpu.pack_format<interleaved>} : vector<32xbf16> -> vector<16xf32>
        %unpack3A_263 = tpu.unpack_subelements %get3A_261, 1 {pack_format = #tpu.pack_format<interleaved>} : vector<32xbf16> -> vector<16xf32>
        %mul3A_264 = vector.broadcast %squeeze3A_107 : f32 to vector<16xf32>
        %mul3A_265 = arith.mulf %mul3A_264, %unpack3A_262 : vector<16xf32>
        %add3A_266 = arith.addf %add3A_255, %mul3A_265 : vector<16xf32>
        %mul3A_267 = vector.broadcast %squeeze3A_107 : f32 to vector<16xf32>
        %mul3A_268 = arith.mulf %mul3A_267, %unpack3A_263 : vector<16xf32>
        %add3A_269 = arith.addf %add3A_258, %mul3A_268 : vector<16xf32>
        %get3A_270 = arith.index_cast %add3A_95 : i32 to index
        %get3A_271 = arith.constant 352 : index
        %get3A_272 = tpu.vector_load %arg11[%get3A_270, %get3A_271] {strides = array<i32>} : memref<40x576xbf16, #tpu.memory_space<vmem>>, vector<32xbf16>,
        %unpack3A_273 = tpu.unpack_subelements %get3A_272, 0 {pack_format = #tpu.pack_format<interleaved>} : vector<32xbf16> -> vector<16xf32>
        %unpack3A_274 = tpu.unpack_subelements %get3A_272, 1 {pack_format = #tpu.pack_format<interleaved>} : vector<32xbf16> -> vector<16xf32>
        %mul3A_275 = vector.broadcast %squeeze3A_109 : f32 to vector<16xf32>
        %mul3A_276 = arith.mulf %mul3A_275, %unpack3A_273 : vector<16xf32>
        %add3A_277 = arith.addf %add3A_266, %mul3A_276 : vector<16xf32>
        %mul3A_278 = vector.broadcast %squeeze3A_109 : f32 to vector<16xf32>
        %mul3A_279 = arith.mulf %mul3A_278, %unpack3A_274 : vector<16xf32>
        %add3A_280 = arith.addf %add3A_269, %mul3A_279 : vector<16xf32>
        %get3A_281 = arith.index_cast %add3A_95 : i32 to index
        %get3A_282 = arith.constant 416 : index
        %get3A_283 = tpu.vector_load %arg11[%get3A_281, %get3A_282] {strides = array<i32>} : memref<40x576xbf16, #tpu.memory_space<vmem>>, vector<32xbf16>,
        %unpack3A_284 = tpu.unpack_subelements %get3A_283, 0 {pack_format = #tpu.pack_format<interleaved>} : vector<32xbf16> -> vector<16xf32>
        %unpack3A_285 = tpu.unpack_subelements %get3A_283, 1 {pack_format = #tpu.pack_format<interleaved>} : vector<32xbf16> -> vector<16xf32>
        %mul3A_286 = vector.broadcast %squeeze3A_111 : f32 to vector<16xf32>
        %mul3A_287 = arith.mulf %mul3A_286, %unpack3A_284 : vector<16xf32>
        %add3A_288 = arith.addf %add3A_277, %mul3A_287 : vector<16xf32>
        %mul3A_289 = vector.broadcast %squeeze3A_111 : f32 to vector<16xf32>
        %mul3A_290 = arith.mulf %mul3A_289, %unpack3A_285 : vector<16xf32>
        %add3A_291 = arith.addf %add3A_280, %mul3A_290 : vector<16xf32>
        %get3A_292 = arith.index_cast %add3A_95 : i32 to index
        %get3A_293 = arith.constant 480 : index
        %get3A_294 = tpu.vector_load %arg11[%get3A_292, %get3A_293] {strides = array<i32>} : memref<40x576xbf16, #tpu.memory_space<vmem>>, vector<32xbf16>,
        %unpack3A_295 = tpu.unpack_subelements %get3A_294, 0 {pack_format = #tpu.pack_format<interleaved>} : vector<32xbf16> -> vector<16xf32>
        %unpack3A_296 = tpu.unpack_subelements %get3A_294, 1 {pack_format = #tpu.pack_format<interleaved>} : vector<32xbf16> -> vector<16xf32>
        %mul3A_297 = vector.broadcast %squeeze3A_113 : f32 to vector<16xf32>
        %mul3A_298 = arith.mulf %mul3A_297, %unpack3A_295 : vector<16xf32>
        %add3A_299 = arith.addf %add3A_288, %mul3A_298 : vector<16xf32>
        %mul3A_300 = vector.broadcast %squeeze3A_113 : f32 to vector<16xf32>
        %mul3A_301 = arith.mulf %mul3A_300, %unpack3A_296 : vector<16xf32>
        %add3A_302 = arith.addf %add3A_291, %mul3A_301 : vector<16xf32>
        %get3A_303 = arith.index_cast %add3A_95 : i32 to index
        %get3A_304 = arith.constant 544 : index
        %get3A_305 = tpu.vector_load %arg11[%get3A_303, %get3A_304] {strides = array<i32>} : memref<40x576xbf16, #tpu.memory_space<vmem>>, vector<32xbf16>,
        %unpack3A_306 = tpu.unpack_subelements %get3A_305, 0 {pack_format = #tpu.pack_format<interleaved>} : vector<32xbf16> -> vector<16xf32>
        %unpack3A_307 = tpu.unpack_subelements %get3A_305, 1 {pack_format = #tpu.pack_format<interleaved>} : vector<32xbf16> -> vector<16xf32>
        %mul3A_308 = vector.broadcast %squeeze3A_115 : f32 to vector<16xf32>
        %mul3A_309 = arith.mulf %mul3A_308, %unpack3A_306 : vector<16xf32>
        %add3A_310 = arith.addf %add3A_299, %mul3A_309 : vector<16xf32>
        %mul3A_311 = vector.broadcast %squeeze3A_115 : f32 to vector<16xf32>
        %mul3A_312 = arith.mulf %mul3A_311, %unpack3A_307 : vector<16xf32>
        %add3A_313 = arith.addf %add3A_302, %mul3A_312 : vector<16xf32>
        %swap3A_314 = arith.index_cast %add3A_95 : i32 to index
        %swap3A_315 = arith.constant 32 : index
        %swap3A_316 = tpu.vector_load %arg13[%swap3A_314, %swap3A_315] {strides = array<i32>} : memref<40x64xf32, #tpu.memory_space<vmem>>, vector<16xf32>,
        tpu.vector_store %arg13[%swap3A_314, %swap3A_315], %add3A_310 {strides = array<i32>} : memref<40x64xf32, #tpu.memory_space<vmem>>, vector<16xf32>,
        %swap3A_317 = arith.index_cast %add3A_95 : i32 to index
        %swap3A_318 = arith.constant 48 : index
        %swap3A_319 = tpu.vector_load %arg13[%swap3A_317, %swap3A_318] {strides = array<i32>} : memref<40x64xf32, #tpu.memory_space<vmem>>, vector<16xf32>,
        tpu.vector_store %arg13[%swap3A_317, %swap3A_318], %add3A_313 {strides = array<i32>} : memref<40x64xf32, #tpu.memory_space<vmem>>, vector<16xf32>,
      }
      %scan3A_69 = arith.constant 40 : i32
      %dma_start3A_70 = arith.constant 24 : i32
      %dma_start3A_71 = arith.constant 0 : i32
      %dma_start3A_72 = tpu.memref_slice %arg9[%dma_start3A_70, %dma_start3A_71] : memref<25x40xi32, #tpu.memory_space<vmem>> -> memref<1x40xi32, #tpu.memory_space<vmem>>
      %dma_start3A_73 = tpu.memref_squeeze %dma_start3A_72 : memref<1x40xi32, #tpu.memory_space<vmem>> -> memref<40xi32, #tpu.memory_space<vmem>>
      %dma_start3A_74 = arith.constant 0 : i32
      %dma_start3A_75 = arith.constant 0 : i32
      %dma_start3A_76 = tpu.memref_slice %arg15[%dma_start3A_74, %dma_start3A_75] : memref<10240x64xf32, #tpu.memory_space<vmem_shared>> -> memref<10240x64xf32, #tpu.memory_space<vmem_shared>>
      tpu.enqueue_indirect_dma source(%arg13 : memref<40x64xf32, #tpu.memory_space<vmem>>) target(%dma_start3A_76 : memref<10240x64xf32, #tpu.memory_space<vmem_shared>>) offsets(%dma_start3A_73 : memref<40xi32, #tpu.memory_space<vmem>>) semaphore(%arg18 : memref<!tpu.dma_semaphore, #tpu.memory_space<semaphore_mem>>) {add = true}
      %dma_wait3A_77 = arith.constant 0 : i32
      %dma_wait3A_78 = arith.constant 0 : i32
      %dma_wait3A_79 = tpu.memref_slice %arg9[%dma_wait3A_77, %dma_wait3A_78] : memref<25x40xi32, #tpu.memory_space<vmem>> -> memref<1x40xi32, #tpu.memory_space<vmem>>
      %dma_wait3A_80 = tpu.memref_squeeze %dma_wait3A_79 : memref<1x40xi32, #tpu.memory_space<vmem>> -> memref<40xi32, #tpu.memory_space<vmem>>
      %dma_wait3A_81 = arith.constant 0 : i32
      %dma_wait3A_82 = arith.constant 0 : i32
      %dma_wait3A_83 = tpu.memref_slice %arg15[%dma_wait3A_81, %dma_wait3A_82] : memref<10240x64xf32, #tpu.memory_space<vmem_shared>> -> memref<10240x64xf32, #tpu.memory_space<vmem_shared>>
      tpu.wait_indirect_dma semaphore(%arg18 : memref<!tpu.dma_semaphore, #tpu.memory_space<semaphore_mem>>) src(%arg13 : memref<40x64xf32, #tpu.memory_space<vmem>>) dst(%dma_wait3A_83 : memref<10240x64xf32, #tpu.memory_space<vmem_shared>>)
      %dma_wait3A_84 = arith.constant 0 : i32
      %dma_wait3A_85 = arith.constant 0 : i32
      %dma_wait3A_86 = tpu.memref_slice %arg9[%dma_wait3A_84, %dma_wait3A_85] : memref<25x40xi32, #tpu.memory_space<vmem>> -> memref<1x40xi32, #tpu.memory_space<vmem>>
      %dma_wait3A_87 = tpu.memref_squeeze %dma_wait3A_86 : memref<1x40xi32, #tpu.memory_space<vmem>> -> memref<40xi32, #tpu.memory_space<vmem>>
      %dma_wait3A_88 = arith.constant 0 : i32
      %dma_wait3A_89 = arith.constant 0 : i32
      %dma_wait3A_90 = tpu.memref_slice %arg15[%dma_wait3A_88, %dma_wait3A_89] : memref<10240x64xf32, #tpu.memory_space<vmem_shared>> -> memref<10240x64xf32, #tpu.memory_space<vmem_shared>>
      tpu.wait_indirect_dma semaphore(%arg19 : memref<!tpu.dma_semaphore, #tpu.memory_space<semaphore_mem>>) src(%arg14 : memref<40x64xf32, #tpu.memory_space<vmem>>) dst(%dma_wait3A_90 : memref<10240x64xf32, #tpu.memory_space<vmem_shared>>)
    }
    %scan3A_8 = arith.constant 10 : i32
    %barrier3A_9 = arith.constant 0 : index
    tpu.barrier barrier_id(%barrier3A_9)
    "tpu.region"() ({
      %run_scoped3A = tpu.sem_alloc : memref<!tpu.dma_semaphore, #tpu.memory_space<semaphore_mem>>
      %dma_start3A = arith.constant 0 : i32
      %dma_start3A_10 = tpu.memref_slice %arg7[%arg0, %mul3A_2, %dma_start3A] : memref<2x10240x64xf32, #tpu.memory_space<hbm>> -> memref<1x640x64xf32, #tpu.memory_space<hbm>>
      %dma_start3A_11 = tpu.memref_squeeze %dma_start3A_10 : memref<1x640x64xf32, #tpu.memory_space<hbm>> -> memref<640x64xf32, #tpu.memory_space<hbm>>
      %dma_start3A_12 = arith.constant 0 : i32
      %dma_start3A_13 = tpu.memref_slice %arg15[%mul3A_2, %dma_start3A_12] : memref<10240x64xf32, #tpu.memory_space<vmem_shared>> -> memref<640x64xf32, #tpu.memory_space<vmem_shared>>
      tpu.enqueue_dma source(%dma_start3A_13 : memref<640x64xf32, #tpu.memory_space<vmem_shared>>) target(%dma_start3A_11 : memref<640x64xf32, #tpu.memory_space<hbm>>) target_semaphore(%run_scoped3A : memref<!tpu.dma_semaphore, #tpu.memory_space<semaphore_mem>>)
      %dma_wait3A = arith.constant 0 : i32
      %dma_wait3A_14 = tpu.memref_slice %arg7[%arg0, %mul3A_2, %dma_wait3A] : memref<2x10240x64xf32, #tpu.memory_space<hbm>> -> memref<1x640x64xf32, #tpu.memory_space<hbm>>
      %dma_wait3A_15 = tpu.memref_squeeze %dma_wait3A_14 : memref<1x640x64xf32, #tpu.memory_space<hbm>> -> memref<640x64xf32, #tpu.memory_space<hbm>>
      %dma_wait3A_16 = arith.constant 0 : i32
      %dma_wait3A_17 = tpu.memref_slice %arg15[%mul3A_2, %dma_wait3A_16] : memref<10240x64xf32, #tpu.memory_space<vmem_shared>> -> memref<640x64xf32, #tpu.memory_space<vmem_shared>>
      tpu.wait_dma2 semaphore(%run_scoped3A : memref<!tpu.dma_semaphore, #tpu.memory_space<semaphore_mem>>) src(%dma_wait3A_17 : memref<640x64xf32, #tpu.memory_space<vmem_shared>>) dst(%dma_wait3A_15 : memref<640x64xf32, #tpu.memory_space<hbm>>)
      tpu.yield
    }) : () -> ()
    return
  }
}

#map = affine_map<(d0, d1) -> (0, 0)>
#map1 = affine_map<(d0, d1) -> (0, 0, 0)>
module attributes {stable_mosaic.version = 14 : i64} {
  func.func @k(%arg0: i32, %arg1: i32, %arg2: memref<10000x576xbf16, #tpu.memory_space<hbm>>, %arg3: memref<320000x16xf32, #tpu.memory_space<hbm>>, %arg4: memref<8000x40xi32, #tpu.memory_space<hbm>>, %arg5: memref<8000x40xi32, #tpu.memory_space<hbm>>, %arg6: memref<10240x64xf32, #tpu.memory_space<hbm>>, %arg7: memref<2x10240x64xf32, #tpu.memory_space<hbm>>, %arg8: memref<25x40xi32, #tpu.memory_space<vmem>>, %arg9: memref<25x40xi32, #tpu.memory_space<vmem>>, %arg10: memref<1000x16xf32, #tpu.memory_space<vmem>>, %arg11: memref<40x576xbf16, #tpu.memory_space<vmem>>, %arg12: memref<40x576xbf16, #tpu.memory_space<vmem>>, %arg13: memref<40x64xf32, #tpu.memory_space<vmem>>, %arg14: memref<40x64xf32, #tpu.memory_space<vmem>>, %arg15: memref<10240x64xf32, #tpu.memory_space<vmem_shared>>, %arg16: memref<!tpu.dma_semaphore, #tpu.memory_space<semaphore_mem>>, %arg17: memref<!tpu.dma_semaphore, #tpu.memory_space<semaphore_mem>>, %arg18: memref<!tpu.dma_semaphore, #tpu.memory_space<semaphore_mem>>, %arg19: memref<!tpu.dma_semaphore, #tpu.memory_space<semaphore_mem>>) attributes {dimension_semantics = [#tpu.dimension_semantics<core_parallel>, #tpu.dimension_semantics<subcore_parallel>], iteration_bounds = array<i64: 2, 16>, scalar_prefetch = 0 : i64, scratch_operands = 12 : i64, tpu.core_type = #tpu.core_type<sc_vector_subcore>, window_params = [{transform_indices = #map}, {transform_indices = #map}, {transform_indices = #map}, {transform_indices = #map}, {transform_indices = #map}, {transform_indices = #map1}]} {
    %mul3A = arith.constant 16 : i32
    %mul3A_0 = arith.muli %arg0, %mul3A : i32
    %add3A = arith.addi %mul3A_0, %arg1 : i32
    %mul3A_1 = arith.constant 640 : i32
    %mul3A_2 = arith.muli %arg1, %mul3A_1 : i32
    "tpu.region"() ({
      %run_scoped3A = tpu.sem_alloc : memref<!tpu.dma_semaphore, #tpu.memory_space<semaphore_mem>>
      %dma_start3A = arith.constant 0 : i32
      %dma_start3A_10 = tpu.memref_slice %arg15[%mul3A_2, %dma_start3A] : memref<10240x64xf32, #tpu.memory_space<vmem_shared>> -> memref<640x64xf32, #tpu.memory_space<vmem_shared>>
      %dma_start3A_11 = arith.constant 0 : i32
      %dma_start3A_12 = tpu.memref_slice %arg6[%mul3A_2, %dma_start3A_11] : memref<10240x64xf32, #tpu.memory_space<hbm>> -> memref<640x64xf32, #tpu.memory_space<hbm>>
      tpu.enqueue_dma source(%dma_start3A_12 : memref<640x64xf32, #tpu.memory_space<hbm>>) target(%dma_start3A_10 : memref<640x64xf32, #tpu.memory_space<vmem_shared>>) target_semaphore(%run_scoped3A : memref<!tpu.dma_semaphore, #tpu.memory_space<semaphore_mem>>)
      %dma_wait3A = arith.constant 0 : i32
      %dma_wait3A_13 = tpu.memref_slice %arg15[%mul3A_2, %dma_wait3A] : memref<10240x64xf32, #tpu.memory_space<vmem_shared>> -> memref<640x64xf32, #tpu.memory_space<vmem_shared>>
      %dma_wait3A_14 = arith.constant 0 : i32
      %dma_wait3A_15 = tpu.memref_slice %arg6[%mul3A_2, %dma_wait3A_14] : memref<10240x64xf32, #tpu.memory_space<hbm>> -> memref<640x64xf32, #tpu.memory_space<hbm>>
      tpu.wait_dma2 semaphore(%run_scoped3A : memref<!tpu.dma_semaphore, #tpu.memory_space<semaphore_mem>>) src(%dma_wait3A_15 : memref<640x64xf32, #tpu.memory_space<hbm>>) dst(%dma_wait3A_13 : memref<640x64xf32, #tpu.memory_space<vmem_shared>>)
      tpu.yield
    }) : () -> ()
    %barrier3A = arith.constant 0 : index
    tpu.barrier barrier_id(%barrier3A)
    %mul3A_3 = arith.constant 10000 : i32
    %mul3A_4 = arith.muli %add3A, %mul3A_3 : i32
    %scan3A = arith.constant 0 : i32
    %scan3A_5 = arith.constant 10 : i32
    %scan3A_6 = arith.addi %scan3A, %scan3A_5 : i32
    %scan3A_7 = arith.constant 1 : i32
    scf.for %scan3A_10 = %scan3A to %scan3A_6 step %scan3A_7  : i32 {
      %mul3A_11 = arith.constant 1 : i32
      %mul3A_12 = arith.muli %scan3A_10, %mul3A_11 : i32
      %add3A_13 = arith.constant 0 : i32
      %add3A_14 = arith.addi %add3A_13, %mul3A_12 : i32
      %mul3A_15 = arith.constant 25 : i32
      %mul3A_16 = arith.muli %add3A_14, %mul3A_15 : i32
      %mul3A_17 = arith.constant 40 : i32
      %mul3A_18 = arith.muli %mul3A_16, %mul3A_17 : i32
      %add3A_19 = arith.addi %mul3A_4, %mul3A_18 : i32
      %mul3A_20 = arith.constant 10000 : i32
      %mul3A_21 = arith.muli %add3A, %mul3A_20 : i32
      %jit3A = arith.constant 40 : i32
      %div3A = arith.divsi %mul3A_21, %jit3A : i32
      %sign3A = arith.constant 0 : i32
      %sign3A_22 = arith.cmpi sgt, %mul3A_21, %sign3A : i32
      %sign3A_23 = arith.extui %sign3A_22 : i1 to i32
      %sign3A_24 = arith.constant 0 : i32
      %sign3A_25 = arith.cmpi slt, %mul3A_21, %sign3A_24 : i32
      %sign3A_26 = arith.extui %sign3A_25 : i1 to i32
      %sign3A_27 = arith.subi %sign3A_23, %sign3A_26 : i32
      %sign3A_28 = arith.constant 0 : i32
      %sign3A_29 = arith.cmpi sgt, %jit3A, %sign3A_28 : i32
      %sign3A_30 = arith.extui %sign3A_29 : i1 to i32
      %sign3A_31 = arith.constant 0 : i32
      %sign3A_32 = arith.cmpi slt, %jit3A, %sign3A_31 : i32
      %sign3A_33 = arith.extui %sign3A_32 : i1 to i32
      %sign3A_34 = arith.subi %sign3A_30, %sign3A_33 : i32
      %ne3A = arith.cmpi ne, %sign3A_27, %sign3A_34 : i32
      %rem3A = arith.remsi %mul3A_21, %jit3A : i32
      %ne3A_35 = arith.constant 0 : i32
      %ne3A_36 = arith.cmpi ne, %rem3A, %ne3A_35 : i32
      %and3A = arith.andi %ne3A, %ne3A_36 : i1
      %sub3A = arith.constant 1 : i32
      %sub3A_37 = arith.subi %div3A, %sub3A : i32
      %select_n3A = arith.select %and3A, %sub3A_37, %div3A : i32
      %mul3A_38 = arith.constant 25 : i32
      %mul3A_39 = arith.muli %add3A_14, %mul3A_38 : i32
      %add3A_40 = arith.addi %select_n3A, %mul3A_39 : i32
      "tpu.region"() ({
        %run_scoped3A = tpu.sem_alloc : memref<!tpu.dma_semaphore, #tpu.memory_space<semaphore_mem>>
        %dma_start3A_91 = arith.constant 0 : i32
        %dma_start3A_92 = tpu.memref_slice %arg4[%add3A_40, %dma_start3A_91] : memref<8000x40xi32, #tpu.memory_space<hbm>> -> memref<25x40xi32, #tpu.memory_space<hbm>>
        %dma_start3A_93 = arith.constant 0 : i32
        %dma_start3A_94 = tpu.memref_slice %arg4[%add3A_40, %dma_start3A_93] : memref<8000x40xi32, #tpu.memory_space<hbm>> -> memref<25x40xi32, #tpu.memory_space<hbm>>
        tpu.enqueue_dma source(%dma_start3A_94 : memref<25x40xi32, #tpu.memory_space<hbm>>) target(%arg8 : memref<25x40xi32, #tpu.memory_space<vmem>>) target_semaphore(%run_scoped3A : memref<!tpu.dma_semaphore, #tpu.memory_space<semaphore_mem>>)
        %dma_wait3A_95 = arith.constant 0 : i32
        %dma_wait3A_96 = tpu.memref_slice %arg4[%add3A_40, %dma_wait3A_95] : memref<8000x40xi32, #tpu.memory_space<hbm>> -> memref<25x40xi32, #tpu.memory_space<hbm>>
        %dma_wait3A_97 = arith.constant 0 : i32
        %dma_wait3A_98 = tpu.memref_slice %arg4[%add3A_40, %dma_wait3A_97] : memref<8000x40xi32, #tpu.memory_space<hbm>> -> memref<25x40xi32, #tpu.memory_space<hbm>>
        tpu.wait_dma2 semaphore(%run_scoped3A : memref<!tpu.dma_semaphore, #tpu.memory_space<semaphore_mem>>) src(%dma_wait3A_98 : memref<25x40xi32, #tpu.memory_space<hbm>>) dst(%arg8 : memref<25x40xi32, #tpu.memory_space<vmem>>)
        tpu.yield
      }) : () -> ()
      "tpu.region"() ({
        %run_scoped3A = tpu.sem_alloc : memref<!tpu.dma_semaphore, #tpu.memory_space<semaphore_mem>>
        %dma_start3A_91 = arith.constant 0 : i32
        %dma_start3A_92 = tpu.memref_slice %arg5[%add3A_40, %dma_start3A_91] : memref<8000x40xi32, #tpu.memory_space<hbm>> -> memref<25x40xi32, #tpu.memory_space<hbm>>
        %dma_start3A_93 = arith.constant 0 : i32
        %dma_start3A_94 = tpu.memref_slice %arg5[%add3A_40, %dma_start3A_93] : memref<8000x40xi32, #tpu.memory_space<hbm>> -> memref<25x40xi32, #tpu.memory_space<hbm>>
        tpu.enqueue_dma source(%dma_start3A_94 : memref<25x40xi32, #tpu.memory_space<hbm>>) target(%arg9 : memref<25x40xi32, #tpu.memory_space<vmem>>) target_semaphore(%run_scoped3A : memref<!tpu.dma_semaphore, #tpu.memory_space<semaphore_mem>>)
        %dma_wait3A_95 = arith.constant 0 : i32
        %dma_wait3A_96 = tpu.memref_slice %arg5[%add3A_40, %dma_wait3A_95] : memref<8000x40xi32, #tpu.memory_space<hbm>> -> memref<25x40xi32, #tpu.memory_space<hbm>>
        %dma_wait3A_97 = arith.constant 0 : i32
        %dma_wait3A_98 = tpu.memref_slice %arg5[%add3A_40, %dma_wait3A_97] : memref<8000x40xi32, #tpu.memory_space<hbm>> -> memref<25x40xi32, #tpu.memory_space<hbm>>
        tpu.wait_dma2 semaphore(%run_scoped3A : memref<!tpu.dma_semaphore, #tpu.memory_space<semaphore_mem>>) src(%dma_wait3A_98 : memref<25x40xi32, #tpu.memory_space<hbm>>) dst(%arg9 : memref<25x40xi32, #tpu.memory_space<vmem>>)
        tpu.yield
      }) : () -> ()
      "tpu.region"() ({
        %run_scoped3A = tpu.sem_alloc : memref<!tpu.dma_semaphore, #tpu.memory_space<semaphore_mem>>
        %dma_start3A_91 = arith.constant 0 : i32
        %dma_start3A_92 = tpu.memref_slice %arg3[%add3A_19, %dma_start3A_91] : memref<320000x16xf32, #tpu.memory_space<hbm>> -> memref<1000x16xf32, #tpu.memory_space<hbm>>
        %dma_start3A_93 = arith.constant 0 : i32
        %dma_start3A_94 = tpu.memref_slice %arg3[%add3A_19, %dma_start3A_93] : memref<320000x16xf32, #tpu.memory_space<hbm>> -> memref<1000x16xf32, #tpu.memory_space<hbm>>
        tpu.enqueue_dma source(%dma_start3A_94 : memref<1000x16xf32, #tpu.memory_space<hbm>>) target(%arg10 : memref<1000x16xf32, #tpu.memory_space<vmem>>) target_semaphore(%run_scoped3A : memref<!tpu.dma_semaphore, #tpu.memory_space<semaphore_mem>>)
        %dma_wait3A_95 = arith.constant 0 : i32
        %dma_wait3A_96 = tpu.memref_slice %arg3[%add3A_19, %dma_wait3A_95] : memref<320000x16xf32, #tpu.memory_space<hbm>> -> memref<1000x16xf32, #tpu.memory_space<hbm>>
        %dma_wait3A_97 = arith.constant 0 : i32
        %dma_wait3A_98 = tpu.memref_slice %arg3[%add3A_19, %dma_wait3A_97] : memref<320000x16xf32, #tpu.memory_space<hbm>> -> memref<1000x16xf32, #tpu.memory_space<hbm>>
        tpu.wait_dma2 semaphore(%run_scoped3A : memref<!tpu.dma_semaphore, #tpu.memory_space<semaphore_mem>>) src(%dma_wait3A_98 : memref<1000x16xf32, #tpu.memory_space<hbm>>) dst(%arg10 : memref<1000x16xf32, #tpu.memory_space<vmem>>)
        tpu.yield
      }) : () -> ()
      %dma_start3A = arith.constant 0 : i32
      %dma_start3A_41 = arith.constant 0 : i32
      %dma_start3A_42 = tpu.memref_slice %arg8[%dma_start3A, %dma_start3A_41] : memref<25x40xi32, #tpu.memory_space<vmem>> -> memref<1x40xi32, #tpu.memory_space<vmem>>
      %dma_start3A_43 = tpu.memref_squeeze %dma_start3A_42 : memref<1x40xi32, #tpu.memory_space<vmem>> -> memref<40xi32, #tpu.memory_space<vmem>>
      %dma_start3A_44 = arith.constant 0 : i32
      %dma_start3A_45 = arith.constant 0 : i32
      %dma_start3A_46 = tpu.memref_slice %arg2[%dma_start3A_44, %dma_start3A_45] : memref<10000x576xbf16, #tpu.memory_space<hbm>> -> memref<10000x576xbf16, #tpu.memory_space<hbm>>
      tpu.enqueue_indirect_dma source(%dma_start3A_46 : memref<10000x576xbf16, #tpu.memory_space<hbm>>) target(%arg11 : memref<40x576xbf16, #tpu.memory_space<vmem>>) offsets(%dma_start3A_43 : memref<40xi32, #tpu.memory_space<vmem>>) semaphore(%arg16 : memref<!tpu.dma_semaphore, #tpu.memory_space<semaphore_mem>>)
      %scan3A_47 = arith.constant 0 : i32
      %scan3A_48 = arith.constant 12 : i32
      %scan3A_49 = arith.addi %scan3A_47, %scan3A_48 : i32
      %scan3A_50 = arith.constant 1 : i32
      scf.for %scan3A_91 = %scan3A_47 to %scan3A_49 step %scan3A_50  : i32 {
        %mul3A_92 = arith.constant 1 : i32
        %mul3A_93 = arith.muli %scan3A_91, %mul3A_92 : i32
        %add3A_94 = arith.constant 0 : i32
        %add3A_95 = arith.addi %add3A_94, %mul3A_93 : i32
        %mul3A_96 = arith.constant 2 : i32
        %mul3A_97 = arith.muli %mul3A_96, %add3A_95 : i32
        %add3A_98 = arith.constant 1 : i32
        %add3A_99 = arith.addi %mul3A_97, %add3A_98 : i32
        %dma_start3A_100 = arith.constant 0 : i32
        %dma_start3A_101 = tpu.memref_slice %arg8[%add3A_99, %dma_start3A_100] : memref<25x40xi32, #tpu.memory_space<vmem>> -> memref<1x40xi32, #tpu.memory_space<vmem>>
        %dma_start3A_102 = tpu.memref_squeeze %dma_start3A_101 : memref<1x40xi32, #tpu.memory_space<vmem>> -> memref<40xi32, #tpu.memory_space<vmem>>
        %dma_start3A_103 = arith.constant 0 : i32
        %dma_start3A_104 = arith.constant 0 : i32
        %dma_start3A_105 = tpu.memref_slice %arg2[%dma_start3A_103, %dma_start3A_104] : memref<10000x576xbf16, #tpu.memory_space<hbm>> -> memref<10000x576xbf16, #tpu.memory_space<hbm>>
        tpu.enqueue_indirect_dma source(%dma_start3A_105 : memref<10000x576xbf16, #tpu.memory_space<hbm>>) target(%arg12 : memref<40x576xbf16, #tpu.memory_space<vmem>>) offsets(%dma_start3A_102 : memref<40xi32, #tpu.memory_space<vmem>>) semaphore(%arg17 : memref<!tpu.dma_semaphore, #tpu.memory_space<semaphore_mem>>)
        %mul3A_106 = arith.constant 2 : i32
        %mul3A_107 = arith.muli %mul3A_106, %add3A_95 : i32
        %gt3A = arith.constant 0 : i32
        %gt3A_108 = arith.cmpi sgt, %add3A_95, %gt3A : i32
        %dma_wait3A_109 = arith.constant 0 : i32
        %dma_wait3A_110 = tpu.memref_slice %arg8[%mul3A_107, %dma_wait3A_109] : memref<25x40xi32, #tpu.memory_space<vmem>> -> memref<1x40xi32, #tpu.memory_space<vmem>>
        %dma_wait3A_111 = tpu.memref_squeeze %dma_wait3A_110 : memref<1x40xi32, #tpu.memory_space<vmem>> -> memref<40xi32, #tpu.memory_space<vmem>>
        %dma_wait3A_112 = arith.constant 0 : i32
        %dma_wait3A_113 = arith.constant 0 : i32
        %dma_wait3A_114 = tpu.memref_slice %arg2[%dma_wait3A_112, %dma_wait3A_113] : memref<10000x576xbf16, #tpu.memory_space<hbm>> -> memref<10000x576xbf16, #tpu.memory_space<hbm>>
        tpu.wait_indirect_dma semaphore(%arg16 : memref<!tpu.dma_semaphore, #tpu.memory_space<semaphore_mem>>) src(%dma_wait3A_114 : memref<10000x576xbf16, #tpu.memory_space<hbm>>) dst(%arg11 : memref<40x576xbf16, #tpu.memory_space<vmem>>)
        %convert_element_type3A = arith.extui %gt3A_108 : i1 to i32
        %cond3A = arith.constant 0 : i32
        %cond3A_115 = arith.cmpi ne, %convert_element_type3A, %cond3A : i32
        scf.if %cond3A_115 {
          %dma_wait3A_163 = arith.constant 0 : i32
          %dma_wait3A_164 = tpu.memref_slice %arg9[%mul3A_107, %dma_wait3A_163] : memref<25x40xi32, #tpu.memory_space<vmem>> -> memref<1x40xi32, #tpu.memory_space<vmem>>
          %dma_wait3A_165 = tpu.memref_squeeze %dma_wait3A_164 : memref<1x40xi32, #tpu.memory_space<vmem>> -> memref<40xi32, #tpu.memory_space<vmem>>
          %dma_wait3A_166 = arith.constant 0 : i32
          %dma_wait3A_167 = arith.constant 0 : i32
          %dma_wait3A_168 = tpu.memref_slice %arg15[%dma_wait3A_166, %dma_wait3A_167] : memref<10240x64xf32, #tpu.memory_space<vmem_shared>> -> memref<10240x64xf32, #tpu.memory_space<vmem_shared>>
          tpu.wait_indirect_dma semaphore(%arg18 : memref<!tpu.dma_semaphore, #tpu.memory_space<semaphore_mem>>) src(%arg13 : memref<40x64xf32, #tpu.memory_space<vmem>>) dst(%dma_wait3A_168 : memref<10240x64xf32, #tpu.memory_space<vmem_shared>>)
        } else {
        }
        %scan3A_116 = arith.constant 0 : i32
        %scan3A_117 = arith.constant 40 : i32
        %scan3A_118 = arith.addi %scan3A_116, %scan3A_117 : i32
        %scan3A_119 = arith.constant 1 : i32
        scf.for %scan3A_163 = %scan3A_116 to %scan3A_118 step %scan3A_119  : i32 {
          %mul3A_164 = arith.constant 1 : i32
          %mul3A_165 = arith.muli %scan3A_163, %mul3A_164 : i32
          %add3A_166 = arith.constant 0 : i32
          %add3A_167 = arith.addi %add3A_166, %mul3A_165 : i32
          %mul3A_168 = arith.constant 40 : i32
          %mul3A_169 = arith.muli %mul3A_107, %mul3A_168 : i32
          %add3A_170 = arith.addi %mul3A_169, %add3A_167 : i32
          %get3A = arith.index_cast %add3A_170 : i32 to index
          %get3A_171 = arith.constant 0 : index
          %get3A_172 = tpu.vector_load %arg10[%get3A, %get3A_171] {strides = array<i32>} : memref<1000x16xf32, #tpu.memory_space<vmem>>, vector<16xf32>,
          %slice3A = vector.extract_strided_slice %get3A_172 {offsets = [0], sizes = [1], strides = [1]} : vector<16xf32> to vector<1xf32>
          %squeeze3A = vector.extract %slice3A[0] : f32 from vector<1xf32>
          %slice3A_173 = vector.extract_strided_slice %get3A_172 {offsets = [1], sizes = [1], strides = [1]} : vector<16xf32> to vector<1xf32>
          %squeeze3A_174 = vector.extract %slice3A_173[0] : f32 from vector<1xf32>
          %slice3A_175 = vector.extract_strided_slice %get3A_172 {offsets = [2], sizes = [1], strides = [1]} : vector<16xf32> to vector<1xf32>
          %squeeze3A_176 = vector.extract %slice3A_175[0] : f32 from vector<1xf32>
          %slice3A_177 = vector.extract_strided_slice %get3A_172 {offsets = [3], sizes = [1], strides = [1]} : vector<16xf32> to vector<1xf32>
          %squeeze3A_178 = vector.extract %slice3A_177[0] : f32 from vector<1xf32>
          %slice3A_179 = vector.extract_strided_slice %get3A_172 {offsets = [4], sizes = [1], strides = [1]} : vector<16xf32> to vector<1xf32>
          %squeeze3A_180 = vector.extract %slice3A_179[0] : f32 from vector<1xf32>
          %slice3A_181 = vector.extract_strided_slice %get3A_172 {offsets = [5], sizes = [1], strides = [1]} : vector<16xf32> to vector<1xf32>
          %squeeze3A_182 = vector.extract %slice3A_181[0] : f32 from vector<1xf32>
          %slice3A_183 = vector.extract_strided_slice %get3A_172 {offsets = [6], sizes = [1], strides = [1]} : vector<16xf32> to vector<1xf32>
          %squeeze3A_184 = vector.extract %slice3A_183[0] : f32 from vector<1xf32>
          %slice3A_185 = vector.extract_strided_slice %get3A_172 {offsets = [7], sizes = [1], strides = [1]} : vector<16xf32> to vector<1xf32>
          %squeeze3A_186 = vector.extract %slice3A_185[0] : f32 from vector<1xf32>
          %slice3A_187 = vector.extract_strided_slice %get3A_172 {offsets = [8], sizes = [1], strides = [1]} : vector<16xf32> to vector<1xf32>
          %squeeze3A_188 = vector.extract %slice3A_187[0] : f32 from vector<1xf32>
          %get3A_189 = arith.index_cast %add3A_167 : i32 to index
          %get3A_190 = arith.constant 0 : index
          %get3A_191 = tpu.vector_load %arg11[%get3A_189, %get3A_190] {strides = array<i32>} : memref<40x576xbf16, #tpu.memory_space<vmem>>, vector<32xbf16>,
          %unpack3A = tpu.unpack_subelements %get3A_191, 0 {pack_format = #tpu.pack_format<interleaved>} : vector<32xbf16> -> vector<16xf32>
          %unpack3A_192 = tpu.unpack_subelements %get3A_191, 1 {pack_format = #tpu.pack_format<interleaved>} : vector<32xbf16> -> vector<16xf32>
          %mul3A_193 = vector.broadcast %squeeze3A : f32 to vector<16xf32>
          %mul3A_194 = arith.mulf %mul3A_193, %unpack3A : vector<16xf32>
          %mul3A_195 = vector.broadcast %squeeze3A : f32 to vector<16xf32>
          %mul3A_196 = arith.mulf %mul3A_195, %unpack3A_192 : vector<16xf32>
          %get3A_197 = arith.index_cast %add3A_167 : i32 to index
          %get3A_198 = arith.constant 64 : index
          %get3A_199 = tpu.vector_load %arg11[%get3A_197, %get3A_198] {strides = array<i32>} : memref<40x576xbf16, #tpu.memory_space<vmem>>, vector<32xbf16>,
          %unpack3A_200 = tpu.unpack_subelements %get3A_199, 0 {pack_format = #tpu.pack_format<interleaved>} : vector<32xbf16> -> vector<16xf32>
          %unpack3A_201 = tpu.unpack_subelements %get3A_199, 1 {pack_format = #tpu.pack_format<interleaved>} : vector<32xbf16> -> vector<16xf32>
          %mul3A_202 = vector.broadcast %squeeze3A_174 : f32 to vector<16xf32>
          %mul3A_203 = arith.mulf %mul3A_202, %unpack3A_200 : vector<16xf32>
          %add3A_204 = arith.addf %mul3A_194, %mul3A_203 : vector<16xf32>
          %mul3A_205 = vector.broadcast %squeeze3A_174 : f32 to vector<16xf32>
          %mul3A_206 = arith.mulf %mul3A_205, %unpack3A_201 : vector<16xf32>
          %add3A_207 = arith.addf %mul3A_196, %mul3A_206 : vector<16xf32>
          %get3A_208 = arith.index_cast %add3A_167 : i32 to index
          %get3A_209 = arith.constant 128 : index
          %get3A_210 = tpu.vector_load %arg11[%get3A_208, %get3A_209] {strides = array<i32>} : memref<40x576xbf16, #tpu.memory_space<vmem>>, vector<32xbf16>,
          %unpack3A_211 = tpu.unpack_subelements %get3A_210, 0 {pack_format = #tpu.pack_format<interleaved>} : vector<32xbf16> -> vector<16xf32>
          %unpack3A_212 = tpu.unpack_subelements %get3A_210, 1 {pack_format = #tpu.pack_format<interleaved>} : vector<32xbf16> -> vector<16xf32>
          %mul3A_213 = vector.broadcast %squeeze3A_176 : f32 to vector<16xf32>
          %mul3A_214 = arith.mulf %mul3A_213, %unpack3A_211 : vector<16xf32>
          %add3A_215 = arith.addf %add3A_204, %mul3A_214 : vector<16xf32>
          %mul3A_216 = vector.broadcast %squeeze3A_176 : f32 to vector<16xf32>
          %mul3A_217 = arith.mulf %mul3A_216, %unpack3A_212 : vector<16xf32>
          %add3A_218 = arith.addf %add3A_207, %mul3A_217 : vector<16xf32>
          %get3A_219 = arith.index_cast %add3A_167 : i32 to index
          %get3A_220 = arith.constant 192 : index
          %get3A_221 = tpu.vector_load %arg11[%get3A_219, %get3A_220] {strides = array<i32>} : memref<40x576xbf16, #tpu.memory_space<vmem>>, vector<32xbf16>,
          %unpack3A_222 = tpu.unpack_subelements %get3A_221, 0 {pack_format = #tpu.pack_format<interleaved>} : vector<32xbf16> -> vector<16xf32>
          %unpack3A_223 = tpu.unpack_subelements %get3A_221, 1 {pack_format = #tpu.pack_format<interleaved>} : vector<32xbf16> -> vector<16xf32>
          %mul3A_224 = vector.broadcast %squeeze3A_178 : f32 to vector<16xf32>
          %mul3A_225 = arith.mulf %mul3A_224, %unpack3A_222 : vector<16xf32>
          %add3A_226 = arith.addf %add3A_215, %mul3A_225 : vector<16xf32>
          %mul3A_227 = vector.broadcast %squeeze3A_178 : f32 to vector<16xf32>
          %mul3A_228 = arith.mulf %mul3A_227, %unpack3A_223 : vector<16xf32>
          %add3A_229 = arith.addf %add3A_218, %mul3A_228 : vector<16xf32>
          %get3A_230 = arith.index_cast %add3A_167 : i32 to index
          %get3A_231 = arith.constant 256 : index
          %get3A_232 = tpu.vector_load %arg11[%get3A_230, %get3A_231] {strides = array<i32>} : memref<40x576xbf16, #tpu.memory_space<vmem>>, vector<32xbf16>,
          %unpack3A_233 = tpu.unpack_subelements %get3A_232, 0 {pack_format = #tpu.pack_format<interleaved>} : vector<32xbf16> -> vector<16xf32>
          %unpack3A_234 = tpu.unpack_subelements %get3A_232, 1 {pack_format = #tpu.pack_format<interleaved>} : vector<32xbf16> -> vector<16xf32>
          %mul3A_235 = vector.broadcast %squeeze3A_180 : f32 to vector<16xf32>
          %mul3A_236 = arith.mulf %mul3A_235, %unpack3A_233 : vector<16xf32>
          %add3A_237 = arith.addf %add3A_226, %mul3A_236 : vector<16xf32>
          %mul3A_238 = vector.broadcast %squeeze3A_180 : f32 to vector<16xf32>
          %mul3A_239 = arith.mulf %mul3A_238, %unpack3A_234 : vector<16xf32>
          %add3A_240 = arith.addf %add3A_229, %mul3A_239 : vector<16xf32>
          %get3A_241 = arith.index_cast %add3A_167 : i32 to index
          %get3A_242 = arith.constant 320 : index
          %get3A_243 = tpu.vector_load %arg11[%get3A_241, %get3A_242] {strides = array<i32>} : memref<40x576xbf16, #tpu.memory_space<vmem>>, vector<32xbf16>,
          %unpack3A_244 = tpu.unpack_subelements %get3A_243, 0 {pack_format = #tpu.pack_format<interleaved>} : vector<32xbf16> -> vector<16xf32>
          %unpack3A_245 = tpu.unpack_subelements %get3A_243, 1 {pack_format = #tpu.pack_format<interleaved>} : vector<32xbf16> -> vector<16xf32>
          %mul3A_246 = vector.broadcast %squeeze3A_182 : f32 to vector<16xf32>
          %mul3A_247 = arith.mulf %mul3A_246, %unpack3A_244 : vector<16xf32>
          %add3A_248 = arith.addf %add3A_237, %mul3A_247 : vector<16xf32>
          %mul3A_249 = vector.broadcast %squeeze3A_182 : f32 to vector<16xf32>
          %mul3A_250 = arith.mulf %mul3A_249, %unpack3A_245 : vector<16xf32>
          %add3A_251 = arith.addf %add3A_240, %mul3A_250 : vector<16xf32>
          %get3A_252 = arith.index_cast %add3A_167 : i32 to index
          %get3A_253 = arith.constant 384 : index
          %get3A_254 = tpu.vector_load %arg11[%get3A_252, %get3A_253] {strides = array<i32>} : memref<40x576xbf16, #tpu.memory_space<vmem>>, vector<32xbf16>,
          %unpack3A_255 = tpu.unpack_subelements %get3A_254, 0 {pack_format = #tpu.pack_format<interleaved>} : vector<32xbf16> -> vector<16xf32>
          %unpack3A_256 = tpu.unpack_subelements %get3A_254, 1 {pack_format = #tpu.pack_format<interleaved>} : vector<32xbf16> -> vector<16xf32>
          %mul3A_257 = vector.broadcast %squeeze3A_184 : f32 to vector<16xf32>
          %mul3A_258 = arith.mulf %mul3A_257, %unpack3A_255 : vector<16xf32>
          %add3A_259 = arith.addf %add3A_248, %mul3A_258 : vector<16xf32>
          %mul3A_260 = vector.broadcast %squeeze3A_184 : f32 to vector<16xf32>
          %mul3A_261 = arith.mulf %mul3A_260, %unpack3A_256 : vector<16xf32>
          %add3A_262 = arith.addf %add3A_251, %mul3A_261 : vector<16xf32>
          %get3A_263 = arith.index_cast %add3A_167 : i32 to index
          %get3A_264 = arith.constant 448 : index
          %get3A_265 = tpu.vector_load %arg11[%get3A_263, %get3A_264] {strides = array<i32>} : memref<40x576xbf16, #tpu.memory_space<vmem>>, vector<32xbf16>,
          %unpack3A_266 = tpu.unpack_subelements %get3A_265, 0 {pack_format = #tpu.pack_format<interleaved>} : vector<32xbf16> -> vector<16xf32>
          %unpack3A_267 = tpu.unpack_subelements %get3A_265, 1 {pack_format = #tpu.pack_format<interleaved>} : vector<32xbf16> -> vector<16xf32>
          %mul3A_268 = vector.broadcast %squeeze3A_186 : f32 to vector<16xf32>
          %mul3A_269 = arith.mulf %mul3A_268, %unpack3A_266 : vector<16xf32>
          %add3A_270 = arith.addf %add3A_259, %mul3A_269 : vector<16xf32>
          %mul3A_271 = vector.broadcast %squeeze3A_186 : f32 to vector<16xf32>
          %mul3A_272 = arith.mulf %mul3A_271, %unpack3A_267 : vector<16xf32>
          %add3A_273 = arith.addf %add3A_262, %mul3A_272 : vector<16xf32>
          %get3A_274 = arith.index_cast %add3A_167 : i32 to index
          %get3A_275 = arith.constant 512 : index
          %get3A_276 = tpu.vector_load %arg11[%get3A_274, %get3A_275] {strides = array<i32>} : memref<40x576xbf16, #tpu.memory_space<vmem>>, vector<32xbf16>,
          %unpack3A_277 = tpu.unpack_subelements %get3A_276, 0 {pack_format = #tpu.pack_format<interleaved>} : vector<32xbf16> -> vector<16xf32>
          %unpack3A_278 = tpu.unpack_subelements %get3A_276, 1 {pack_format = #tpu.pack_format<interleaved>} : vector<32xbf16> -> vector<16xf32>
          %mul3A_279 = vector.broadcast %squeeze3A_188 : f32 to vector<16xf32>
          %mul3A_280 = arith.mulf %mul3A_279, %unpack3A_277 : vector<16xf32>
          %add3A_281 = arith.addf %add3A_270, %mul3A_280 : vector<16xf32>
          %mul3A_282 = vector.broadcast %squeeze3A_188 : f32 to vector<16xf32>
          %mul3A_283 = arith.mulf %mul3A_282, %unpack3A_278 : vector<16xf32>
          %add3A_284 = arith.addf %add3A_273, %mul3A_283 : vector<16xf32>
          %swap3A = arith.index_cast %add3A_167 : i32 to index
          %swap3A_285 = arith.constant 0 : index
          %swap3A_286 = tpu.vector_load %arg13[%swap3A, %swap3A_285] {strides = array<i32>} : memref<40x64xf32, #tpu.memory_space<vmem>>, vector<16xf32>,
          tpu.vector_store %arg13[%swap3A, %swap3A_285], %add3A_281 {strides = array<i32>} : memref<40x64xf32, #tpu.memory_space<vmem>>, vector<16xf32>,
          %swap3A_287 = arith.index_cast %add3A_167 : i32 to index
          %swap3A_288 = arith.constant 16 : index
          %swap3A_289 = tpu.vector_load %arg13[%swap3A_287, %swap3A_288] {strides = array<i32>} : memref<40x64xf32, #tpu.memory_space<vmem>>, vector<16xf32>,
          tpu.vector_store %arg13[%swap3A_287, %swap3A_288], %add3A_284 {strides = array<i32>} : memref<40x64xf32, #tpu.memory_space<vmem>>, vector<16xf32>,
          %get3A_290 = arith.index_cast %add3A_167 : i32 to index
          %get3A_291 = arith.constant 32 : index
          %get3A_292 = tpu.vector_load %arg11[%get3A_290, %get3A_291] {strides = array<i32>} : memref<40x576xbf16, #tpu.memory_space<vmem>>, vector<32xbf16>,
          %unpack3A_293 = tpu.unpack_subelements %get3A_292, 0 {pack_format = #tpu.pack_format<interleaved>} : vector<32xbf16> -> vector<16xf32>
          %unpack3A_294 = tpu.unpack_subelements %get3A_292, 1 {pack_format = #tpu.pack_format<interleaved>} : vector<32xbf16> -> vector<16xf32>
          %mul3A_295 = vector.broadcast %squeeze3A : f32 to vector<16xf32>
          %mul3A_296 = arith.mulf %mul3A_295, %unpack3A_293 : vector<16xf32>
          %mul3A_297 = vector.broadcast %squeeze3A : f32 to vector<16xf32>
          %mul3A_298 = arith.mulf %mul3A_297, %unpack3A_294 : vector<16xf32>
          %get3A_299 = arith.index_cast %add3A_167 : i32 to index
          %get3A_300 = arith.constant 96 : index
          %get3A_301 = tpu.vector_load %arg11[%get3A_299, %get3A_300] {strides = array<i32>} : memref<40x576xbf16, #tpu.memory_space<vmem>>, vector<32xbf16>,
          %unpack3A_302 = tpu.unpack_subelements %get3A_301, 0 {pack_format = #tpu.pack_format<interleaved>} : vector<32xbf16> -> vector<16xf32>
          %unpack3A_303 = tpu.unpack_subelements %get3A_301, 1 {pack_format = #tpu.pack_format<interleaved>} : vector<32xbf16> -> vector<16xf32>
          %mul3A_304 = vector.broadcast %squeeze3A_174 : f32 to vector<16xf32>
          %mul3A_305 = arith.mulf %mul3A_304, %unpack3A_302 : vector<16xf32>
          %add3A_306 = arith.addf %mul3A_296, %mul3A_305 : vector<16xf32>
          %mul3A_307 = vector.broadcast %squeeze3A_174 : f32 to vector<16xf32>
          %mul3A_308 = arith.mulf %mul3A_307, %unpack3A_303 : vector<16xf32>
          %add3A_309 = arith.addf %mul3A_298, %mul3A_308 : vector<16xf32>
          %get3A_310 = arith.index_cast %add3A_167 : i32 to index
          %get3A_311 = arith.constant 160 : index
          %get3A_312 = tpu.vector_load %arg11[%get3A_310, %get3A_311] {strides = array<i32>} : memref<40x576xbf16, #tpu.memory_space<vmem>>, vector<32xbf16>,
          %unpack3A_313 = tpu.unpack_subelements %get3A_312, 0 {pack_format = #tpu.pack_format<interleaved>} : vector<32xbf16> -> vector<16xf32>
          %unpack3A_314 = tpu.unpack_subelements %get3A_312, 1 {pack_format = #tpu.pack_format<interleaved>} : vector<32xbf16> -> vector<16xf32>
          %mul3A_315 = vector.broadcast %squeeze3A_176 : f32 to vector<16xf32>
          %mul3A_316 = arith.mulf %mul3A_315, %unpack3A_313 : vector<16xf32>
          %add3A_317 = arith.addf %add3A_306, %mul3A_316 : vector<16xf32>
          %mul3A_318 = vector.broadcast %squeeze3A_176 : f32 to vector<16xf32>
          %mul3A_319 = arith.mulf %mul3A_318, %unpack3A_314 : vector<16xf32>
          %add3A_320 = arith.addf %add3A_309, %mul3A_319 : vector<16xf32>
          %get3A_321 = arith.index_cast %add3A_167 : i32 to index
          %get3A_322 = arith.constant 224 : index
          %get3A_323 = tpu.vector_load %arg11[%get3A_321, %get3A_322] {strides = array<i32>} : memref<40x576xbf16, #tpu.memory_space<vmem>>, vector<32xbf16>,
          %unpack3A_324 = tpu.unpack_subelements %get3A_323, 0 {pack_format = #tpu.pack_format<interleaved>} : vector<32xbf16> -> vector<16xf32>
          %unpack3A_325 = tpu.unpack_subelements %get3A_323, 1 {pack_format = #tpu.pack_format<interleaved>} : vector<32xbf16> -> vector<16xf32>
          %mul3A_326 = vector.broadcast %squeeze3A_178 : f32 to vector<16xf32>
          %mul3A_327 = arith.mulf %mul3A_326, %unpack3A_324 : vector<16xf32>
          %add3A_328 = arith.addf %add3A_317, %mul3A_327 : vector<16xf32>
          %mul3A_329 = vector.broadcast %squeeze3A_178 : f32 to vector<16xf32>
          %mul3A_330 = arith.mulf %mul3A_329, %unpack3A_325 : vector<16xf32>
          %add3A_331 = arith.addf %add3A_320, %mul3A_330 : vector<16xf32>
          %get3A_332 = arith.index_cast %add3A_167 : i32 to index
          %get3A_333 = arith.constant 288 : index
          %get3A_334 = tpu.vector_load %arg11[%get3A_332, %get3A_333] {strides = array<i32>} : memref<40x576xbf16, #tpu.memory_space<vmem>>, vector<32xbf16>,
          %unpack3A_335 = tpu.unpack_subelements %get3A_334, 0 {pack_format = #tpu.pack_format<interleaved>} : vector<32xbf16> -> vector<16xf32>
          %unpack3A_336 = tpu.unpack_subelements %get3A_334, 1 {pack_format = #tpu.pack_format<interleaved>} : vector<32xbf16> -> vector<16xf32>
          %mul3A_337 = vector.broadcast %squeeze3A_180 : f32 to vector<16xf32>
          %mul3A_338 = arith.mulf %mul3A_337, %unpack3A_335 : vector<16xf32>
          %add3A_339 = arith.addf %add3A_328, %mul3A_338 : vector<16xf32>
          %mul3A_340 = vector.broadcast %squeeze3A_180 : f32 to vector<16xf32>
          %mul3A_341 = arith.mulf %mul3A_340, %unpack3A_336 : vector<16xf32>
          %add3A_342 = arith.addf %add3A_331, %mul3A_341 : vector<16xf32>
          %get3A_343 = arith.index_cast %add3A_167 : i32 to index
          %get3A_344 = arith.constant 352 : index
          %get3A_345 = tpu.vector_load %arg11[%get3A_343, %get3A_344] {strides = array<i32>} : memref<40x576xbf16, #tpu.memory_space<vmem>>, vector<32xbf16>,
          %unpack3A_346 = tpu.unpack_subelements %get3A_345, 0 {pack_format = #tpu.pack_format<interleaved>} : vector<32xbf16> -> vector<16xf32>
          %unpack3A_347 = tpu.unpack_subelements %get3A_345, 1 {pack_format = #tpu.pack_format<interleaved>} : vector<32xbf16> -> vector<16xf32>
          %mul3A_348 = vector.broadcast %squeeze3A_182 : f32 to vector<16xf32>
          %mul3A_349 = arith.mulf %mul3A_348, %unpack3A_346 : vector<16xf32>
          %add3A_350 = arith.addf %add3A_339, %mul3A_349 : vector<16xf32>
          %mul3A_351 = vector.broadcast %squeeze3A_182 : f32 to vector<16xf32>
          %mul3A_352 = arith.mulf %mul3A_351, %unpack3A_347 : vector<16xf32>
          %add3A_353 = arith.addf %add3A_342, %mul3A_352 : vector<16xf32>
          %get3A_354 = arith.index_cast %add3A_167 : i32 to index
          %get3A_355 = arith.constant 416 : index
          %get3A_356 = tpu.vector_load %arg11[%get3A_354, %get3A_355] {strides = array<i32>} : memref<40x576xbf16, #tpu.memory_space<vmem>>, vector<32xbf16>,
          %unpack3A_357 = tpu.unpack_subelements %get3A_356, 0 {pack_format = #tpu.pack_format<interleaved>} : vector<32xbf16> -> vector<16xf32>
          %unpack3A_358 = tpu.unpack_subelements %get3A_356, 1 {pack_format = #tpu.pack_format<interleaved>} : vector<32xbf16> -> vector<16xf32>
          %mul3A_359 = vector.broadcast %squeeze3A_184 : f32 to vector<16xf32>
          %mul3A_360 = arith.mulf %mul3A_359, %unpack3A_357 : vector<16xf32>
          %add3A_361 = arith.addf %add3A_350, %mul3A_360 : vector<16xf32>
          %mul3A_362 = vector.broadcast %squeeze3A_184 : f32 to vector<16xf32>
          %mul3A_363 = arith.mulf %mul3A_362, %unpack3A_358 : vector<16xf32>
          %add3A_364 = arith.addf %add3A_353, %mul3A_363 : vector<16xf32>
          %get3A_365 = arith.index_cast %add3A_167 : i32 to index
          %get3A_366 = arith.constant 480 : index
          %get3A_367 = tpu.vector_load %arg11[%get3A_365, %get3A_366] {strides = array<i32>} : memref<40x576xbf16, #tpu.memory_space<vmem>>, vector<32xbf16>,
          %unpack3A_368 = tpu.unpack_subelements %get3A_367, 0 {pack_format = #tpu.pack_format<interleaved>} : vector<32xbf16> -> vector<16xf32>
          %unpack3A_369 = tpu.unpack_subelements %get3A_367, 1 {pack_format = #tpu.pack_format<interleaved>} : vector<32xbf16> -> vector<16xf32>
          %mul3A_370 = vector.broadcast %squeeze3A_186 : f32 to vector<16xf32>
          %mul3A_371 = arith.mulf %mul3A_370, %unpack3A_368 : vector<16xf32>
          %add3A_372 = arith.addf %add3A_361, %mul3A_371 : vector<16xf32>
          %mul3A_373 = vector.broadcast %squeeze3A_186 : f32 to vector<16xf32>
          %mul3A_374 = arith.mulf %mul3A_373, %unpack3A_369 : vector<16xf32>
          %add3A_375 = arith.addf %add3A_364, %mul3A_374 : vector<16xf32>
          %get3A_376 = arith.index_cast %add3A_167 : i32 to index
          %get3A_377 = arith.constant 544 : index
          %get3A_378 = tpu.vector_load %arg11[%get3A_376, %get3A_377] {strides = array<i32>} : memref<40x576xbf16, #tpu.memory_space<vmem>>, vector<32xbf16>,
          %unpack3A_379 = tpu.unpack_subelements %get3A_378, 0 {pack_format = #tpu.pack_format<interleaved>} : vector<32xbf16> -> vector<16xf32>
          %unpack3A_380 = tpu.unpack_subelements %get3A_378, 1 {pack_format = #tpu.pack_format<interleaved>} : vector<32xbf16> -> vector<16xf32>
          %mul3A_381 = vector.broadcast %squeeze3A_188 : f32 to vector<16xf32>
          %mul3A_382 = arith.mulf %mul3A_381, %unpack3A_379 : vector<16xf32>
          %add3A_383 = arith.addf %add3A_372, %mul3A_382 : vector<16xf32>
          %mul3A_384 = vector.broadcast %squeeze3A_188 : f32 to vector<16xf32>
          %mul3A_385 = arith.mulf %mul3A_384, %unpack3A_380 : vector<16xf32>
          %add3A_386 = arith.addf %add3A_375, %mul3A_385 : vector<16xf32>
          %swap3A_387 = arith.index_cast %add3A_167 : i32 to index
          %swap3A_388 = arith.constant 32 : index
          %swap3A_389 = tpu.vector_load %arg13[%swap3A_387, %swap3A_388] {strides = array<i32>} : memref<40x64xf32, #tpu.memory_space<vmem>>, vector<16xf32>,
          tpu.vector_store %arg13[%swap3A_387, %swap3A_388], %add3A_383 {strides = array<i32>} : memref<40x64xf32, #tpu.memory_space<vmem>>, vector<16xf32>,
          %swap3A_390 = arith.index_cast %add3A_167 : i32 to index
          %swap3A_391 = arith.constant 48 : index
          %swap3A_392 = tpu.vector_load %arg13[%swap3A_390, %swap3A_391] {strides = array<i32>} : memref<40x64xf32, #tpu.memory_space<vmem>>, vector<16xf32>,
          tpu.vector_store %arg13[%swap3A_390, %swap3A_391], %add3A_386 {strides = array<i32>} : memref<40x64xf32, #tpu.memory_space<vmem>>, vector<16xf32>,
        }
        %scan3A_120 = arith.constant 40 : i32
        %dma_start3A_121 = arith.constant 0 : i32
        %dma_start3A_122 = tpu.memref_slice %arg9[%mul3A_107, %dma_start3A_121] : memref<25x40xi32, #tpu.memory_space<vmem>> -> memref<1x40xi32, #tpu.memory_space<vmem>>
        %dma_start3A_123 = tpu.memref_squeeze %dma_start3A_122 : memref<1x40xi32, #tpu.memory_space<vmem>> -> memref<40xi32, #tpu.memory_space<vmem>>
        %dma_start3A_124 = arith.constant 0 : i32
        %dma_start3A_125 = arith.constant 0 : i32
        %dma_start3A_126 = tpu.memref_slice %arg15[%dma_start3A_124, %dma_start3A_125] : memref<10240x64xf32, #tpu.memory_space<vmem_shared>> -> memref<10240x64xf32, #tpu.memory_space<vmem_shared>>
        tpu.enqueue_indirect_dma source(%arg13 : memref<40x64xf32, #tpu.memory_space<vmem>>) target(%dma_start3A_126 : memref<10240x64xf32, #tpu.memory_space<vmem_shared>>) offsets(%dma_start3A_123 : memref<40xi32, #tpu.memory_space<vmem>>) semaphore(%arg18 : memref<!tpu.dma_semaphore, #tpu.memory_space<semaphore_mem>>) {add = true}
        %mul3A_127 = arith.constant 2 : i32
        %mul3A_128 = arith.muli %mul3A_127, %add3A_95 : i32
        %add3A_129 = arith.constant 2 : i32
        %add3A_130 = arith.addi %mul3A_128, %add3A_129 : i32
        %dma_start3A_131 = arith.constant 0 : i32
        %dma_start3A_132 = tpu.memref_slice %arg8[%add3A_130, %dma_start3A_131] : memref<25x40xi32, #tpu.memory_space<vmem>> -> memref<1x40xi32, #tpu.memory_space<vmem>>
        %dma_start3A_133 = tpu.memref_squeeze %dma_start3A_132 : memref<1x40xi32, #tpu.memory_space<vmem>> -> memref<40xi32, #tpu.memory_space<vmem>>
        %dma_start3A_134 = arith.constant 0 : i32
        %dma_start3A_135 = arith.constant 0 : i32
        %dma_start3A_136 = tpu.memref_slice %arg2[%dma_start3A_134, %dma_start3A_135] : memref<10000x576xbf16, #tpu.memory_space<hbm>> -> memref<10000x576xbf16, #tpu.memory_space<hbm>>
        tpu.enqueue_indirect_dma source(%dma_start3A_136 : memref<10000x576xbf16, #tpu.memory_space<hbm>>) target(%arg11 : memref<40x576xbf16, #tpu.memory_space<vmem>>) offsets(%dma_start3A_133 : memref<40xi32, #tpu.memory_space<vmem>>) semaphore(%arg16 : memref<!tpu.dma_semaphore, #tpu.memory_space<semaphore_mem>>)
        %mul3A_137 = arith.constant 2 : i32
        %mul3A_138 = arith.muli %mul3A_137, %add3A_95 : i32
        %add3A_139 = arith.constant 1 : i32
        %add3A_140 = arith.addi %mul3A_138, %add3A_139 : i32
        %gt3A_141 = arith.constant 0 : i32
        %gt3A_142 = arith.cmpi sgt, %add3A_95, %gt3A_141 : i32
        %dma_wait3A_143 = arith.constant 0 : i32
        %dma_wait3A_144 = tpu.memref_slice %arg8[%add3A_140, %dma_wait3A_143] : memref<25x40xi32, #tpu.memory_space<vmem>> -> memref<1x40xi32, #tpu.memory_space<vmem>>
        %dma_wait3A_145 = tpu.memref_squeeze %dma_wait3A_144 : memref<1x40xi32, #tpu.memory_space<vmem>> -> memref<40xi32, #tpu.memory_space<vmem>>
        %dma_wait3A_146 = arith.constant 0 : i32
        %dma_wait3A_147 = arith.constant 0 : i32
        %dma_wait3A_148 = tpu.memref_slice %arg2[%dma_wait3A_146, %dma_wait3A_147] : memref<10000x576xbf16, #tpu.memory_space<hbm>> -> memref<10000x576xbf16, #tpu.memory_space<hbm>>
        tpu.wait_indirect_dma semaphore(%arg17 : memref<!tpu.dma_semaphore, #tpu.memory_space<semaphore_mem>>) src(%dma_wait3A_148 : memref<10000x576xbf16, #tpu.memory_space<hbm>>) dst(%arg12 : memref<40x576xbf16, #tpu.memory_space<vmem>>)
        %convert_element_type3A_149 = arith.extui %gt3A_142 : i1 to i32
        %cond3A_150 = arith.constant 0 : i32
        %cond3A_151 = arith.cmpi ne, %convert_element_type3A_149, %cond3A_150 : i32
        scf.if %cond3A_151 {
          %dma_wait3A_163 = arith.constant 0 : i32
          %dma_wait3A_164 = tpu.memref_slice %arg9[%add3A_140, %dma_wait3A_163] : memref<25x40xi32, #tpu.memory_space<vmem>> -> memref<1x40xi32, #tpu.memory_space<vmem>>
          %dma_wait3A_165 = tpu.memref_squeeze %dma_wait3A_164 : memref<1x40xi32, #tpu.memory_space<vmem>> -> memref<40xi32, #tpu.memory_space<vmem>>
          %dma_wait3A_166 = arith.constant 0 : i32
          %dma_wait3A_167 = arith.constant 0 : i32
          %dma_wait3A_168 = tpu.memref_slice %arg15[%dma_wait3A_166, %dma_wait3A_167] : memref<10240x64xf32, #tpu.memory_space<vmem_shared>> -> memref<10240x64xf32, #tpu.memory_space<vmem_shared>>
          tpu.wait_indirect_dma semaphore(%arg19 : memref<!tpu.dma_semaphore, #tpu.memory_space<semaphore_mem>>) src(%arg14 : memref<40x64xf32, #tpu.memory_space<vmem>>) dst(%dma_wait3A_168 : memref<10240x64xf32, #tpu.memory_space<vmem_shared>>)
        } else {
        }
        %scan3A_152 = arith.constant 0 : i32
        %scan3A_153 = arith.constant 40 : i32
        %scan3A_154 = arith.addi %scan3A_152, %scan3A_153 : i32
        %scan3A_155 = arith.constant 1 : i32
        scf.for %scan3A_163 = %scan3A_152 to %scan3A_154 step %scan3A_155  : i32 {
          %mul3A_164 = arith.constant 1 : i32
          %mul3A_165 = arith.muli %scan3A_163, %mul3A_164 : i32
          %add3A_166 = arith.constant 0 : i32
          %add3A_167 = arith.addi %add3A_166, %mul3A_165 : i32
          %mul3A_168 = arith.constant 40 : i32
          %mul3A_169 = arith.muli %add3A_140, %mul3A_168 : i32
          %add3A_170 = arith.addi %mul3A_169, %add3A_167 : i32
          %get3A = arith.index_cast %add3A_170 : i32 to index
          %get3A_171 = arith.constant 0 : index
          %get3A_172 = tpu.vector_load %arg10[%get3A, %get3A_171] {strides = array<i32>} : memref<1000x16xf32, #tpu.memory_space<vmem>>, vector<16xf32>,
          %slice3A = vector.extract_strided_slice %get3A_172 {offsets = [0], sizes = [1], strides = [1]} : vector<16xf32> to vector<1xf32>
          %squeeze3A = vector.extract %slice3A[0] : f32 from vector<1xf32>
          %slice3A_173 = vector.extract_strided_slice %get3A_172 {offsets = [1], sizes = [1], strides = [1]} : vector<16xf32> to vector<1xf32>
          %squeeze3A_174 = vector.extract %slice3A_173[0] : f32 from vector<1xf32>
          %slice3A_175 = vector.extract_strided_slice %get3A_172 {offsets = [2], sizes = [1], strides = [1]} : vector<16xf32> to vector<1xf32>
          %squeeze3A_176 = vector.extract %slice3A_175[0] : f32 from vector<1xf32>
          %slice3A_177 = vector.extract_strided_slice %get3A_172 {offsets = [3], sizes = [1], strides = [1]} : vector<16xf32> to vector<1xf32>
          %squeeze3A_178 = vector.extract %slice3A_177[0] : f32 from vector<1xf32>
          %slice3A_179 = vector.extract_strided_slice %get3A_172 {offsets = [4], sizes = [1], strides = [1]} : vector<16xf32> to vector<1xf32>
          %squeeze3A_180 = vector.extract %slice3A_179[0] : f32 from vector<1xf32>
          %slice3A_181 = vector.extract_strided_slice %get3A_172 {offsets = [5], sizes = [1], strides = [1]} : vector<16xf32> to vector<1xf32>
          %squeeze3A_182 = vector.extract %slice3A_181[0] : f32 from vector<1xf32>
          %slice3A_183 = vector.extract_strided_slice %get3A_172 {offsets = [6], sizes = [1], strides = [1]} : vector<16xf32> to vector<1xf32>
          %squeeze3A_184 = vector.extract %slice3A_183[0] : f32 from vector<1xf32>
          %slice3A_185 = vector.extract_strided_slice %get3A_172 {offsets = [7], sizes = [1], strides = [1]} : vector<16xf32> to vector<1xf32>
          %squeeze3A_186 = vector.extract %slice3A_185[0] : f32 from vector<1xf32>
          %slice3A_187 = vector.extract_strided_slice %get3A_172 {offsets = [8], sizes = [1], strides = [1]} : vector<16xf32> to vector<1xf32>
          %squeeze3A_188 = vector.extract %slice3A_187[0] : f32 from vector<1xf32>
          %get3A_189 = arith.index_cast %add3A_167 : i32 to index
          %get3A_190 = arith.constant 0 : index
          %get3A_191 = tpu.vector_load %arg12[%get3A_189, %get3A_190] {strides = array<i32>} : memref<40x576xbf16, #tpu.memory_space<vmem>>, vector<32xbf16>,
          %unpack3A = tpu.unpack_subelements %get3A_191, 0 {pack_format = #tpu.pack_format<interleaved>} : vector<32xbf16> -> vector<16xf32>
          %unpack3A_192 = tpu.unpack_subelements %get3A_191, 1 {pack_format = #tpu.pack_format<interleaved>} : vector<32xbf16> -> vector<16xf32>
          %mul3A_193 = vector.broadcast %squeeze3A : f32 to vector<16xf32>
          %mul3A_194 = arith.mulf %mul3A_193, %unpack3A : vector<16xf32>
          %mul3A_195 = vector.broadcast %squeeze3A : f32 to vector<16xf32>
          %mul3A_196 = arith.mulf %mul3A_195, %unpack3A_192 : vector<16xf32>
          %get3A_197 = arith.index_cast %add3A_167 : i32 to index
          %get3A_198 = arith.constant 64 : index
          %get3A_199 = tpu.vector_load %arg12[%get3A_197, %get3A_198] {strides = array<i32>} : memref<40x576xbf16, #tpu.memory_space<vmem>>, vector<32xbf16>,
          %unpack3A_200 = tpu.unpack_subelements %get3A_199, 0 {pack_format = #tpu.pack_format<interleaved>} : vector<32xbf16> -> vector<16xf32>
          %unpack3A_201 = tpu.unpack_subelements %get3A_199, 1 {pack_format = #tpu.pack_format<interleaved>} : vector<32xbf16> -> vector<16xf32>
          %mul3A_202 = vector.broadcast %squeeze3A_174 : f32 to vector<16xf32>
          %mul3A_203 = arith.mulf %mul3A_202, %unpack3A_200 : vector<16xf32>
          %add3A_204 = arith.addf %mul3A_194, %mul3A_203 : vector<16xf32>
          %mul3A_205 = vector.broadcast %squeeze3A_174 : f32 to vector<16xf32>
          %mul3A_206 = arith.mulf %mul3A_205, %unpack3A_201 : vector<16xf32>
          %add3A_207 = arith.addf %mul3A_196, %mul3A_206 : vector<16xf32>
          %get3A_208 = arith.index_cast %add3A_167 : i32 to index
          %get3A_209 = arith.constant 128 : index
          %get3A_210 = tpu.vector_load %arg12[%get3A_208, %get3A_209] {strides = array<i32>} : memref<40x576xbf16, #tpu.memory_space<vmem>>, vector<32xbf16>,
          %unpack3A_211 = tpu.unpack_subelements %get3A_210, 0 {pack_format = #tpu.pack_format<interleaved>} : vector<32xbf16> -> vector<16xf32>
          %unpack3A_212 = tpu.unpack_subelements %get3A_210, 1 {pack_format = #tpu.pack_format<interleaved>} : vector<32xbf16> -> vector<16xf32>
          %mul3A_213 = vector.broadcast %squeeze3A_176 : f32 to vector<16xf32>
          %mul3A_214 = arith.mulf %mul3A_213, %unpack3A_211 : vector<16xf32>
          %add3A_215 = arith.addf %add3A_204, %mul3A_214 : vector<16xf32>
          %mul3A_216 = vector.broadcast %squeeze3A_176 : f32 to vector<16xf32>
          %mul3A_217 = arith.mulf %mul3A_216, %unpack3A_212 : vector<16xf32>
          %add3A_218 = arith.addf %add3A_207, %mul3A_217 : vector<16xf32>
          %get3A_219 = arith.index_cast %add3A_167 : i32 to index
          %get3A_220 = arith.constant 192 : index
          %get3A_221 = tpu.vector_load %arg12[%get3A_219, %get3A_220] {strides = array<i32>} : memref<40x576xbf16, #tpu.memory_space<vmem>>, vector<32xbf16>,
          %unpack3A_222 = tpu.unpack_subelements %get3A_221, 0 {pack_format = #tpu.pack_format<interleaved>} : vector<32xbf16> -> vector<16xf32>
          %unpack3A_223 = tpu.unpack_subelements %get3A_221, 1 {pack_format = #tpu.pack_format<interleaved>} : vector<32xbf16> -> vector<16xf32>
          %mul3A_224 = vector.broadcast %squeeze3A_178 : f32 to vector<16xf32>
          %mul3A_225 = arith.mulf %mul3A_224, %unpack3A_222 : vector<16xf32>
          %add3A_226 = arith.addf %add3A_215, %mul3A_225 : vector<16xf32>
          %mul3A_227 = vector.broadcast %squeeze3A_178 : f32 to vector<16xf32>
          %mul3A_228 = arith.mulf %mul3A_227, %unpack3A_223 : vector<16xf32>
          %add3A_229 = arith.addf %add3A_218, %mul3A_228 : vector<16xf32>
          %get3A_230 = arith.index_cast %add3A_167 : i32 to index
          %get3A_231 = arith.constant 256 : index
          %get3A_232 = tpu.vector_load %arg12[%get3A_230, %get3A_231] {strides = array<i32>} : memref<40x576xbf16, #tpu.memory_space<vmem>>, vector<32xbf16>,
          %unpack3A_233 = tpu.unpack_subelements %get3A_232, 0 {pack_format = #tpu.pack_format<interleaved>} : vector<32xbf16> -> vector<16xf32>
          %unpack3A_234 = tpu.unpack_subelements %get3A_232, 1 {pack_format = #tpu.pack_format<interleaved>} : vector<32xbf16> -> vector<16xf32>
          %mul3A_235 = vector.broadcast %squeeze3A_180 : f32 to vector<16xf32>
          %mul3A_236 = arith.mulf %mul3A_235, %unpack3A_233 : vector<16xf32>
          %add3A_237 = arith.addf %add3A_226, %mul3A_236 : vector<16xf32>
          %mul3A_238 = vector.broadcast %squeeze3A_180 : f32 to vector<16xf32>
          %mul3A_239 = arith.mulf %mul3A_238, %unpack3A_234 : vector<16xf32>
          %add3A_240 = arith.addf %add3A_229, %mul3A_239 : vector<16xf32>
          %get3A_241 = arith.index_cast %add3A_167 : i32 to index
          %get3A_242 = arith.constant 320 : index
          %get3A_243 = tpu.vector_load %arg12[%get3A_241, %get3A_242] {strides = array<i32>} : memref<40x576xbf16, #tpu.memory_space<vmem>>, vector<32xbf16>,
          %unpack3A_244 = tpu.unpack_subelements %get3A_243, 0 {pack_format = #tpu.pack_format<interleaved>} : vector<32xbf16> -> vector<16xf32>
          %unpack3A_245 = tpu.unpack_subelements %get3A_243, 1 {pack_format = #tpu.pack_format<interleaved>} : vector<32xbf16> -> vector<16xf32>
          %mul3A_246 = vector.broadcast %squeeze3A_182 : f32 to vector<16xf32>
          %mul3A_247 = arith.mulf %mul3A_246, %unpack3A_244 : vector<16xf32>
          %add3A_248 = arith.addf %add3A_237, %mul3A_247 : vector<16xf32>
          %mul3A_249 = vector.broadcast %squeeze3A_182 : f32 to vector<16xf32>
          %mul3A_250 = arith.mulf %mul3A_249, %unpack3A_245 : vector<16xf32>
          %add3A_251 = arith.addf %add3A_240, %mul3A_250 : vector<16xf32>
          %get3A_252 = arith.index_cast %add3A_167 : i32 to index
          %get3A_253 = arith.constant 384 : index
          %get3A_254 = tpu.vector_load %arg12[%get3A_252, %get3A_253] {strides = array<i32>} : memref<40x576xbf16, #tpu.memory_space<vmem>>, vector<32xbf16>,
          %unpack3A_255 = tpu.unpack_subelements %get3A_254, 0 {pack_format = #tpu.pack_format<interleaved>} : vector<32xbf16> -> vector<16xf32>
          %unpack3A_256 = tpu.unpack_subelements %get3A_254, 1 {pack_format = #tpu.pack_format<interleaved>} : vector<32xbf16> -> vector<16xf32>
          %mul3A_257 = vector.broadcast %squeeze3A_184 : f32 to vector<16xf32>
          %mul3A_258 = arith.mulf %mul3A_257, %unpack3A_255 : vector<16xf32>
          %add3A_259 = arith.addf %add3A_248, %mul3A_258 : vector<16xf32>
          %mul3A_260 = vector.broadcast %squeeze3A_184 : f32 to vector<16xf32>
          %mul3A_261 = arith.mulf %mul3A_260, %unpack3A_256 : vector<16xf32>
          %add3A_262 = arith.addf %add3A_251, %mul3A_261 : vector<16xf32>
          %get3A_263 = arith.index_cast %add3A_167 : i32 to index
          %get3A_264 = arith.constant 448 : index
          %get3A_265 = tpu.vector_load %arg12[%get3A_263, %get3A_264] {strides = array<i32>} : memref<40x576xbf16, #tpu.memory_space<vmem>>, vector<32xbf16>,
          %unpack3A_266 = tpu.unpack_subelements %get3A_265, 0 {pack_format = #tpu.pack_format<interleaved>} : vector<32xbf16> -> vector<16xf32>
          %unpack3A_267 = tpu.unpack_subelements %get3A_265, 1 {pack_format = #tpu.pack_format<interleaved>} : vector<32xbf16> -> vector<16xf32>
          %mul3A_268 = vector.broadcast %squeeze3A_186 : f32 to vector<16xf32>
          %mul3A_269 = arith.mulf %mul3A_268, %unpack3A_266 : vector<16xf32>
          %add3A_270 = arith.addf %add3A_259, %mul3A_269 : vector<16xf32>
          %mul3A_271 = vector.broadcast %squeeze3A_186 : f32 to vector<16xf32>
          %mul3A_272 = arith.mulf %mul3A_271, %unpack3A_267 : vector<16xf32>
          %add3A_273 = arith.addf %add3A_262, %mul3A_272 : vector<16xf32>
          %get3A_274 = arith.index_cast %add3A_167 : i32 to index
          %get3A_275 = arith.constant 512 : index
          %get3A_276 = tpu.vector_load %arg12[%get3A_274, %get3A_275] {strides = array<i32>} : memref<40x576xbf16, #tpu.memory_space<vmem>>, vector<32xbf16>,
          %unpack3A_277 = tpu.unpack_subelements %get3A_276, 0 {pack_format = #tpu.pack_format<interleaved>} : vector<32xbf16> -> vector<16xf32>
          %unpack3A_278 = tpu.unpack_subelements %get3A_276, 1 {pack_format = #tpu.pack_format<interleaved>} : vector<32xbf16> -> vector<16xf32>
          %mul3A_279 = vector.broadcast %squeeze3A_188 : f32 to vector<16xf32>
          %mul3A_280 = arith.mulf %mul3A_279, %unpack3A_277 : vector<16xf32>
          %add3A_281 = arith.addf %add3A_270, %mul3A_280 : vector<16xf32>
          %mul3A_282 = vector.broadcast %squeeze3A_188 : f32 to vector<16xf32>
          %mul3A_283 = arith.mulf %mul3A_282, %unpack3A_278 : vector<16xf32>
          %add3A_284 = arith.addf %add3A_273, %mul3A_283 : vector<16xf32>
          %swap3A = arith.index_cast %add3A_167 : i32 to index
          %swap3A_285 = arith.constant 0 : index
          %swap3A_286 = tpu.vector_load %arg14[%swap3A, %swap3A_285] {strides = array<i32>} : memref<40x64xf32, #tpu.memory_space<vmem>>, vector<16xf32>,
          tpu.vector_store %arg14[%swap3A, %swap3A_285], %add3A_281 {strides = array<i32>} : memref<40x64xf32, #tpu.memory_space<vmem>>, vector<16xf32>,
          %swap3A_287 = arith.index_cast %add3A_167 : i32 to index
          %swap3A_288 = arith.constant 16 : index
          %swap3A_289 = tpu.vector_load %arg14[%swap3A_287, %swap3A_288] {strides = array<i32>} : memref<40x64xf32, #tpu.memory_space<vmem>>, vector<16xf32>,
          tpu.vector_store %arg14[%swap3A_287, %swap3A_288], %add3A_284 {strides = array<i32>} : memref<40x64xf32, #tpu.memory_space<vmem>>, vector<16xf32>,
          %get3A_290 = arith.index_cast %add3A_167 : i32 to index
          %get3A_291 = arith.constant 32 : index
          %get3A_292 = tpu.vector_load %arg12[%get3A_290, %get3A_291] {strides = array<i32>} : memref<40x576xbf16, #tpu.memory_space<vmem>>, vector<32xbf16>,
          %unpack3A_293 = tpu.unpack_subelements %get3A_292, 0 {pack_format = #tpu.pack_format<interleaved>} : vector<32xbf16> -> vector<16xf32>
          %unpack3A_294 = tpu.unpack_subelements %get3A_292, 1 {pack_format = #tpu.pack_format<interleaved>} : vector<32xbf16> -> vector<16xf32>
          %mul3A_295 = vector.broadcast %squeeze3A : f32 to vector<16xf32>
          %mul3A_296 = arith.mulf %mul3A_295, %unpack3A_293 : vector<16xf32>
          %mul3A_297 = vector.broadcast %squeeze3A : f32 to vector<16xf32>
          %mul3A_298 = arith.mulf %mul3A_297, %unpack3A_294 : vector<16xf32>
          %get3A_299 = arith.index_cast %add3A_167 : i32 to index
          %get3A_300 = arith.constant 96 : index
          %get3A_301 = tpu.vector_load %arg12[%get3A_299, %get3A_300] {strides = array<i32>} : memref<40x576xbf16, #tpu.memory_space<vmem>>, vector<32xbf16>,
          %unpack3A_302 = tpu.unpack_subelements %get3A_301, 0 {pack_format = #tpu.pack_format<interleaved>} : vector<32xbf16> -> vector<16xf32>
          %unpack3A_303 = tpu.unpack_subelements %get3A_301, 1 {pack_format = #tpu.pack_format<interleaved>} : vector<32xbf16> -> vector<16xf32>
          %mul3A_304 = vector.broadcast %squeeze3A_174 : f32 to vector<16xf32>
          %mul3A_305 = arith.mulf %mul3A_304, %unpack3A_302 : vector<16xf32>
          %add3A_306 = arith.addf %mul3A_296, %mul3A_305 : vector<16xf32>
          %mul3A_307 = vector.broadcast %squeeze3A_174 : f32 to vector<16xf32>
          %mul3A_308 = arith.mulf %mul3A_307, %unpack3A_303 : vector<16xf32>
          %add3A_309 = arith.addf %mul3A_298, %mul3A_308 : vector<16xf32>
          %get3A_310 = arith.index_cast %add3A_167 : i32 to index
          %get3A_311 = arith.constant 160 : index
          %get3A_312 = tpu.vector_load %arg12[%get3A_310, %get3A_311] {strides = array<i32>} : memref<40x576xbf16, #tpu.memory_space<vmem>>, vector<32xbf16>,
          %unpack3A_313 = tpu.unpack_subelements %get3A_312, 0 {pack_format = #tpu.pack_format<interleaved>} : vector<32xbf16> -> vector<16xf32>
          %unpack3A_314 = tpu.unpack_subelements %get3A_312, 1 {pack_format = #tpu.pack_format<interleaved>} : vector<32xbf16> -> vector<16xf32>
          %mul3A_315 = vector.broadcast %squeeze3A_176 : f32 to vector<16xf32>
          %mul3A_316 = arith.mulf %mul3A_315, %unpack3A_313 : vector<16xf32>
          %add3A_317 = arith.addf %add3A_306, %mul3A_316 : vector<16xf32>
          %mul3A_318 = vector.broadcast %squeeze3A_176 : f32 to vector<16xf32>
          %mul3A_319 = arith.mulf %mul3A_318, %unpack3A_314 : vector<16xf32>
          %add3A_320 = arith.addf %add3A_309, %mul3A_319 : vector<16xf32>
          %get3A_321 = arith.index_cast %add3A_167 : i32 to index
          %get3A_322 = arith.constant 224 : index
          %get3A_323 = tpu.vector_load %arg12[%get3A_321, %get3A_322] {strides = array<i32>} : memref<40x576xbf16, #tpu.memory_space<vmem>>, vector<32xbf16>,
          %unpack3A_324 = tpu.unpack_subelements %get3A_323, 0 {pack_format = #tpu.pack_format<interleaved>} : vector<32xbf16> -> vector<16xf32>
          %unpack3A_325 = tpu.unpack_subelements %get3A_323, 1 {pack_format = #tpu.pack_format<interleaved>} : vector<32xbf16> -> vector<16xf32>
          %mul3A_326 = vector.broadcast %squeeze3A_178 : f32 to vector<16xf32>
          %mul3A_327 = arith.mulf %mul3A_326, %unpack3A_324 : vector<16xf32>
          %add3A_328 = arith.addf %add3A_317, %mul3A_327 : vector<16xf32>
          %mul3A_329 = vector.broadcast %squeeze3A_178 : f32 to vector<16xf32>
          %mul3A_330 = arith.mulf %mul3A_329, %unpack3A_325 : vector<16xf32>
          %add3A_331 = arith.addf %add3A_320, %mul3A_330 : vector<16xf32>
          %get3A_332 = arith.index_cast %add3A_167 : i32 to index
          %get3A_333 = arith.constant 288 : index
          %get3A_334 = tpu.vector_load %arg12[%get3A_332, %get3A_333] {strides = array<i32>} : memref<40x576xbf16, #tpu.memory_space<vmem>>, vector<32xbf16>,
          %unpack3A_335 = tpu.unpack_subelements %get3A_334, 0 {pack_format = #tpu.pack_format<interleaved>} : vector<32xbf16> -> vector<16xf32>
          %unpack3A_336 = tpu.unpack_subelements %get3A_334, 1 {pack_format = #tpu.pack_format<interleaved>} : vector<32xbf16> -> vector<16xf32>
          %mul3A_337 = vector.broadcast %squeeze3A_180 : f32 to vector<16xf32>
          %mul3A_338 = arith.mulf %mul3A_337, %unpack3A_335 : vector<16xf32>
          %add3A_339 = arith.addf %add3A_328, %mul3A_338 : vector<16xf32>
          %mul3A_340 = vector.broadcast %squeeze3A_180 : f32 to vector<16xf32>
          %mul3A_341 = arith.mulf %mul3A_340, %unpack3A_336 : vector<16xf32>
          %add3A_342 = arith.addf %add3A_331, %mul3A_341 : vector<16xf32>
          %get3A_343 = arith.index_cast %add3A_167 : i32 to index
          %get3A_344 = arith.constant 352 : index
          %get3A_345 = tpu.vector_load %arg12[%get3A_343, %get3A_344] {strides = array<i32>} : memref<40x576xbf16, #tpu.memory_space<vmem>>, vector<32xbf16>,
          %unpack3A_346 = tpu.unpack_subelements %get3A_345, 0 {pack_format = #tpu.pack_format<interleaved>} : vector<32xbf16> -> vector<16xf32>
          %unpack3A_347 = tpu.unpack_subelements %get3A_345, 1 {pack_format = #tpu.pack_format<interleaved>} : vector<32xbf16> -> vector<16xf32>
          %mul3A_348 = vector.broadcast %squeeze3A_182 : f32 to vector<16xf32>
          %mul3A_349 = arith.mulf %mul3A_348, %unpack3A_346 : vector<16xf32>
          %add3A_350 = arith.addf %add3A_339, %mul3A_349 : vector<16xf32>
          %mul3A_351 = vector.broadcast %squeeze3A_182 : f32 to vector<16xf32>
          %mul3A_352 = arith.mulf %mul3A_351, %unpack3A_347 : vector<16xf32>
          %add3A_353 = arith.addf %add3A_342, %mul3A_352 : vector<16xf32>
          %get3A_354 = arith.index_cast %add3A_167 : i32 to index
          %get3A_355 = arith.constant 416 : index
          %get3A_356 = tpu.vector_load %arg12[%get3A_354, %get3A_355] {strides = array<i32>} : memref<40x576xbf16, #tpu.memory_space<vmem>>, vector<32xbf16>,
          %unpack3A_357 = tpu.unpack_subelements %get3A_356, 0 {pack_format = #tpu.pack_format<interleaved>} : vector<32xbf16> -> vector<16xf32>
          %unpack3A_358 = tpu.unpack_subelements %get3A_356, 1 {pack_format = #tpu.pack_format<interleaved>} : vector<32xbf16> -> vector<16xf32>
          %mul3A_359 = vector.broadcast %squeeze3A_184 : f32 to vector<16xf32>
          %mul3A_360 = arith.mulf %mul3A_359, %unpack3A_357 : vector<16xf32>
          %add3A_361 = arith.addf %add3A_350, %mul3A_360 : vector<16xf32>
          %mul3A_362 = vector.broadcast %squeeze3A_184 : f32 to vector<16xf32>
          %mul3A_363 = arith.mulf %mul3A_362, %unpack3A_358 : vector<16xf32>
          %add3A_364 = arith.addf %add3A_353, %mul3A_363 : vector<16xf32>
          %get3A_365 = arith.index_cast %add3A_167 : i32 to index
          %get3A_366 = arith.constant 480 : index
          %get3A_367 = tpu.vector_load %arg12[%get3A_365, %get3A_366] {strides = array<i32>} : memref<40x576xbf16, #tpu.memory_space<vmem>>, vector<32xbf16>,
          %unpack3A_368 = tpu.unpack_subelements %get3A_367, 0 {pack_format = #tpu.pack_format<interleaved>} : vector<32xbf16> -> vector<16xf32>
          %unpack3A_369 = tpu.unpack_subelements %get3A_367, 1 {pack_format = #tpu.pack_format<interleaved>} : vector<32xbf16> -> vector<16xf32>
          %mul3A_370 = vector.broadcast %squeeze3A_186 : f32 to vector<16xf32>
          %mul3A_371 = arith.mulf %mul3A_370, %unpack3A_368 : vector<16xf32>
          %add3A_372 = arith.addf %add3A_361, %mul3A_371 : vector<16xf32>
          %mul3A_373 = vector.broadcast %squeeze3A_186 : f32 to vector<16xf32>
          %mul3A_374 = arith.mulf %mul3A_373, %unpack3A_369 : vector<16xf32>
          %add3A_375 = arith.addf %add3A_364, %mul3A_374 : vector<16xf32>
          %get3A_376 = arith.index_cast %add3A_167 : i32 to index
          %get3A_377 = arith.constant 544 : index
          %get3A_378 = tpu.vector_load %arg12[%get3A_376, %get3A_377] {strides = array<i32>} : memref<40x576xbf16, #tpu.memory_space<vmem>>, vector<32xbf16>,
          %unpack3A_379 = tpu.unpack_subelements %get3A_378, 0 {pack_format = #tpu.pack_format<interleaved>} : vector<32xbf16> -> vector<16xf32>
          %unpack3A_380 = tpu.unpack_subelements %get3A_378, 1 {pack_format = #tpu.pack_format<interleaved>} : vector<32xbf16> -> vector<16xf32>
          %mul3A_381 = vector.broadcast %squeeze3A_188 : f32 to vector<16xf32>
          %mul3A_382 = arith.mulf %mul3A_381, %unpack3A_379 : vector<16xf32>
          %add3A_383 = arith.addf %add3A_372, %mul3A_382 : vector<16xf32>
          %mul3A_384 = vector.broadcast %squeeze3A_188 : f32 to vector<16xf32>
          %mul3A_385 = arith.mulf %mul3A_384, %unpack3A_380 : vector<16xf32>
          %add3A_386 = arith.addf %add3A_375, %mul3A_385 : vector<16xf32>
          %swap3A_387 = arith.index_cast %add3A_167 : i32 to index
          %swap3A_388 = arith.constant 32 : index
          %swap3A_389 = tpu.vector_load %arg14[%swap3A_387, %swap3A_388] {strides = array<i32>} : memref<40x64xf32, #tpu.memory_space<vmem>>, vector<16xf32>,
          tpu.vector_store %arg14[%swap3A_387, %swap3A_388], %add3A_383 {strides = array<i32>} : memref<40x64xf32, #tpu.memory_space<vmem>>, vector<16xf32>,
          %swap3A_390 = arith.index_cast %add3A_167 : i32 to index
          %swap3A_391 = arith.constant 48 : index
          %swap3A_392 = tpu.vector_load %arg14[%swap3A_390, %swap3A_391] {strides = array<i32>} : memref<40x64xf32, #tpu.memory_space<vmem>>, vector<16xf32>,
          tpu.vector_store %arg14[%swap3A_390, %swap3A_391], %add3A_386 {strides = array<i32>} : memref<40x64xf32, #tpu.memory_space<vmem>>, vector<16xf32>,
        }
        %scan3A_156 = arith.constant 40 : i32
        %dma_start3A_157 = arith.constant 0 : i32
        %dma_start3A_158 = tpu.memref_slice %arg9[%add3A_140, %dma_start3A_157] : memref<25x40xi32, #tpu.memory_space<vmem>> -> memref<1x40xi32, #tpu.memory_space<vmem>>
        %dma_start3A_159 = tpu.memref_squeeze %dma_start3A_158 : memref<1x40xi32, #tpu.memory_space<vmem>> -> memref<40xi32, #tpu.memory_space<vmem>>
        %dma_start3A_160 = arith.constant 0 : i32
        %dma_start3A_161 = arith.constant 0 : i32
        %dma_start3A_162 = tpu.memref_slice %arg15[%dma_start3A_160, %dma_start3A_161] : memref<10240x64xf32, #tpu.memory_space<vmem_shared>> -> memref<10240x64xf32, #tpu.memory_space<vmem_shared>>
        tpu.enqueue_indirect_dma source(%arg14 : memref<40x64xf32, #tpu.memory_space<vmem>>) target(%dma_start3A_162 : memref<10240x64xf32, #tpu.memory_space<vmem_shared>>) offsets(%dma_start3A_159 : memref<40xi32, #tpu.memory_space<vmem>>) semaphore(%arg19 : memref<!tpu.dma_semaphore, #tpu.memory_space<semaphore_mem>>) {add = true}
      }
      %scan3A_51 = arith.constant 12 : i32
      %dma_wait3A = arith.constant 24 : i32
      %dma_wait3A_52 = arith.constant 0 : i32
      %dma_wait3A_53 = tpu.memref_slice %arg8[%dma_wait3A, %dma_wait3A_52] : memref<25x40xi32, #tpu.memory_space<vmem>> -> memref<1x40xi32, #tpu.memory_space<vmem>>
      %dma_wait3A_54 = tpu.memref_squeeze %dma_wait3A_53 : memref<1x40xi32, #tpu.memory_space<vmem>> -> memref<40xi32, #tpu.memory_space<vmem>>
      %dma_wait3A_55 = arith.constant 0 : i32
      %dma_wait3A_56 = arith.constant 0 : i32
      %dma_wait3A_57 = tpu.memref_slice %arg2[%dma_wait3A_55, %dma_wait3A_56] : memref<10000x576xbf16, #tpu.memory_space<hbm>> -> memref<10000x576xbf16, #tpu.memory_space<hbm>>
      tpu.wait_indirect_dma semaphore(%arg16 : memref<!tpu.dma_semaphore, #tpu.memory_space<semaphore_mem>>) src(%dma_wait3A_57 : memref<10000x576xbf16, #tpu.memory_space<hbm>>) dst(%arg11 : memref<40x576xbf16, #tpu.memory_space<vmem>>)
      %dma_wait3A_58 = arith.constant 24 : i32
      %dma_wait3A_59 = arith.constant 0 : i32
      %dma_wait3A_60 = tpu.memref_slice %arg9[%dma_wait3A_58, %dma_wait3A_59] : memref<25x40xi32, #tpu.memory_space<vmem>> -> memref<1x40xi32, #tpu.memory_space<vmem>>
      %dma_wait3A_61 = tpu.memref_squeeze %dma_wait3A_60 : memref<1x40xi32, #tpu.memory_space<vmem>> -> memref<40xi32, #tpu.memory_space<vmem>>
      %dma_wait3A_62 = arith.constant 0 : i32
      %dma_wait3A_63 = arith.constant 0 : i32
      %dma_wait3A_64 = tpu.memref_slice %arg15[%dma_wait3A_62, %dma_wait3A_63] : memref<10240x64xf32, #tpu.memory_space<vmem_shared>> -> memref<10240x64xf32, #tpu.memory_space<vmem_shared>>
      tpu.wait_indirect_dma semaphore(%arg18 : memref<!tpu.dma_semaphore, #tpu.memory_space<semaphore_mem>>) src(%arg13 : memref<40x64xf32, #tpu.memory_space<vmem>>) dst(%dma_wait3A_64 : memref<10240x64xf32, #tpu.memory_space<vmem_shared>>)
      %scan3A_65 = arith.constant 0 : i32
      %scan3A_66 = arith.constant 40 : i32
      %scan3A_67 = arith.addi %scan3A_65, %scan3A_66 : i32
      %scan3A_68 = arith.constant 1 : i32
      scf.for %scan3A_91 = %scan3A_65 to %scan3A_67 step %scan3A_68  : i32 {
        %mul3A_92 = arith.constant 1 : i32
        %mul3A_93 = arith.muli %scan3A_91, %mul3A_92 : i32
        %add3A_94 = arith.constant 0 : i32
        %add3A_95 = arith.addi %add3A_94, %mul3A_93 : i32
        %add3A_96 = arith.constant 960 : i32
        %add3A_97 = arith.addi %add3A_96, %add3A_95 : i32
        %get3A = arith.index_cast %add3A_97 : i32 to index
        %get3A_98 = arith.constant 0 : index
        %get3A_99 = tpu.vector_load %arg10[%get3A, %get3A_98] {strides = array<i32>} : memref<1000x16xf32, #tpu.memory_space<vmem>>, vector<16xf32>,
        %slice3A = vector.extract_strided_slice %get3A_99 {offsets = [0], sizes = [1], strides = [1]} : vector<16xf32> to vector<1xf32>
        %squeeze3A = vector.extract %slice3A[0] : f32 from vector<1xf32>
        %slice3A_100 = vector.extract_strided_slice %get3A_99 {offsets = [1], sizes = [1], strides = [1]} : vector<16xf32> to vector<1xf32>
        %squeeze3A_101 = vector.extract %slice3A_100[0] : f32 from vector<1xf32>
        %slice3A_102 = vector.extract_strided_slice %get3A_99 {offsets = [2], sizes = [1], strides = [1]} : vector<16xf32> to vector<1xf32>
        %squeeze3A_103 = vector.extract %slice3A_102[0] : f32 from vector<1xf32>
        %slice3A_104 = vector.extract_strided_slice %get3A_99 {offsets = [3], sizes = [1], strides = [1]} : vector<16xf32> to vector<1xf32>
        %squeeze3A_105 = vector.extract %slice3A_104[0] : f32 from vector<1xf32>
        %slice3A_106 = vector.extract_strided_slice %get3A_99 {offsets = [4], sizes = [1], strides = [1]} : vector<16xf32> to vector<1xf32>
        %squeeze3A_107 = vector.extract %slice3A_106[0] : f32 from vector<1xf32>
        %slice3A_108 = vector.extract_strided_slice %get3A_99 {offsets = [5], sizes = [1], strides = [1]} : vector<16xf32> to vector<1xf32>
        %squeeze3A_109 = vector.extract %slice3A_108[0] : f32 from vector<1xf32>
        %slice3A_110 = vector.extract_strided_slice %get3A_99 {offsets = [6], sizes = [1], strides = [1]} : vector<16xf32> to vector<1xf32>
        %squeeze3A_111 = vector.extract %slice3A_110[0] : f32 from vector<1xf32>
        %slice3A_112 = vector.extract_strided_slice %get3A_99 {offsets = [7], sizes = [1], strides = [1]} : vector<16xf32> to vector<1xf32>
        %squeeze3A_113 = vector.extract %slice3A_112[0] : f32 from vector<1xf32>
        %slice3A_114 = vector.extract_strided_slice %get3A_99 {offsets = [8], sizes = [1], strides = [1]} : vector<16xf32> to vector<1xf32>
        %squeeze3A_115 = vector.extract %slice3A_114[0] : f32 from vector<1xf32>
        %get3A_116 = arith.index_cast %add3A_95 : i32 to index
        %get3A_117 = arith.constant 0 : index
        %get3A_118 = tpu.vector_load %arg11[%get3A_116, %get3A_117] {strides = array<i32>} : memref<40x576xbf16, #tpu.memory_space<vmem>>, vector<32xbf16>,
        %unpack3A = tpu.unpack_subelements %get3A_118, 0 {pack_format = #tpu.pack_format<interleaved>} : vector<32xbf16> -> vector<16xf32>
        %unpack3A_119 = tpu.unpack_subelements %get3A_118, 1 {pack_format = #tpu.pack_format<interleaved>} : vector<32xbf16> -> vector<16xf32>
        %mul3A_120 = vector.broadcast %squeeze3A : f32 to vector<16xf32>
        %mul3A_121 = arith.mulf %mul3A_120, %unpack3A : vector<16xf32>
        %mul3A_122 = vector.broadcast %squeeze3A : f32 to vector<16xf32>
        %mul3A_123 = arith.mulf %mul3A_122, %unpack3A_119 : vector<16xf32>
        %get3A_124 = arith.index_cast %add3A_95 : i32 to index
        %get3A_125 = arith.constant 64 : index
        %get3A_126 = tpu.vector_load %arg11[%get3A_124, %get3A_125] {strides = array<i32>} : memref<40x576xbf16, #tpu.memory_space<vmem>>, vector<32xbf16>,
        %unpack3A_127 = tpu.unpack_subelements %get3A_126, 0 {pack_format = #tpu.pack_format<interleaved>} : vector<32xbf16> -> vector<16xf32>
        %unpack3A_128 = tpu.unpack_subelements %get3A_126, 1 {pack_format = #tpu.pack_format<interleaved>} : vector<32xbf16> -> vector<16xf32>
        %mul3A_129 = vector.broadcast %squeeze3A_101 : f32 to vector<16xf32>
        %mul3A_130 = arith.mulf %mul3A_129, %unpack3A_127 : vector<16xf32>
        %add3A_131 = arith.addf %mul3A_121, %mul3A_130 : vector<16xf32>
        %mul3A_132 = vector.broadcast %squeeze3A_101 : f32 to vector<16xf32>
        %mul3A_133 = arith.mulf %mul3A_132, %unpack3A_128 : vector<16xf32>
        %add3A_134 = arith.addf %mul3A_123, %mul3A_133 : vector<16xf32>
        %get3A_135 = arith.index_cast %add3A_95 : i32 to index
        %get3A_136 = arith.constant 128 : index
        %get3A_137 = tpu.vector_load %arg11[%get3A_135, %get3A_136] {strides = array<i32>} : memref<40x576xbf16, #tpu.memory_space<vmem>>, vector<32xbf16>,
        %unpack3A_138 = tpu.unpack_subelements %get3A_137, 0 {pack_format = #tpu.pack_format<interleaved>} : vector<32xbf16> -> vector<16xf32>
        %unpack3A_139 = tpu.unpack_subelements %get3A_137, 1 {pack_format = #tpu.pack_format<interleaved>} : vector<32xbf16> -> vector<16xf32>
        %mul3A_140 = vector.broadcast %squeeze3A_103 : f32 to vector<16xf32>
        %mul3A_141 = arith.mulf %mul3A_140, %unpack3A_138 : vector<16xf32>
        %add3A_142 = arith.addf %add3A_131, %mul3A_141 : vector<16xf32>
        %mul3A_143 = vector.broadcast %squeeze3A_103 : f32 to vector<16xf32>
        %mul3A_144 = arith.mulf %mul3A_143, %unpack3A_139 : vector<16xf32>
        %add3A_145 = arith.addf %add3A_134, %mul3A_144 : vector<16xf32>
        %get3A_146 = arith.index_cast %add3A_95 : i32 to index
        %get3A_147 = arith.constant 192 : index
        %get3A_148 = tpu.vector_load %arg11[%get3A_146, %get3A_147] {strides = array<i32>} : memref<40x576xbf16, #tpu.memory_space<vmem>>, vector<32xbf16>,
        %unpack3A_149 = tpu.unpack_subelements %get3A_148, 0 {pack_format = #tpu.pack_format<interleaved>} : vector<32xbf16> -> vector<16xf32>
        %unpack3A_150 = tpu.unpack_subelements %get3A_148, 1 {pack_format = #tpu.pack_format<interleaved>} : vector<32xbf16> -> vector<16xf32>
        %mul3A_151 = vector.broadcast %squeeze3A_105 : f32 to vector<16xf32>
        %mul3A_152 = arith.mulf %mul3A_151, %unpack3A_149 : vector<16xf32>
        %add3A_153 = arith.addf %add3A_142, %mul3A_152 : vector<16xf32>
        %mul3A_154 = vector.broadcast %squeeze3A_105 : f32 to vector<16xf32>
        %mul3A_155 = arith.mulf %mul3A_154, %unpack3A_150 : vector<16xf32>
        %add3A_156 = arith.addf %add3A_145, %mul3A_155 : vector<16xf32>
        %get3A_157 = arith.index_cast %add3A_95 : i32 to index
        %get3A_158 = arith.constant 256 : index
        %get3A_159 = tpu.vector_load %arg11[%get3A_157, %get3A_158] {strides = array<i32>} : memref<40x576xbf16, #tpu.memory_space<vmem>>, vector<32xbf16>,
        %unpack3A_160 = tpu.unpack_subelements %get3A_159, 0 {pack_format = #tpu.pack_format<interleaved>} : vector<32xbf16> -> vector<16xf32>
        %unpack3A_161 = tpu.unpack_subelements %get3A_159, 1 {pack_format = #tpu.pack_format<interleaved>} : vector<32xbf16> -> vector<16xf32>
        %mul3A_162 = vector.broadcast %squeeze3A_107 : f32 to vector<16xf32>
        %mul3A_163 = arith.mulf %mul3A_162, %unpack3A_160 : vector<16xf32>
        %add3A_164 = arith.addf %add3A_153, %mul3A_163 : vector<16xf32>
        %mul3A_165 = vector.broadcast %squeeze3A_107 : f32 to vector<16xf32>
        %mul3A_166 = arith.mulf %mul3A_165, %unpack3A_161 : vector<16xf32>
        %add3A_167 = arith.addf %add3A_156, %mul3A_166 : vector<16xf32>
        %get3A_168 = arith.index_cast %add3A_95 : i32 to index
        %get3A_169 = arith.constant 320 : index
        %get3A_170 = tpu.vector_load %arg11[%get3A_168, %get3A_169] {strides = array<i32>} : memref<40x576xbf16, #tpu.memory_space<vmem>>, vector<32xbf16>,
        %unpack3A_171 = tpu.unpack_subelements %get3A_170, 0 {pack_format = #tpu.pack_format<interleaved>} : vector<32xbf16> -> vector<16xf32>
        %unpack3A_172 = tpu.unpack_subelements %get3A_170, 1 {pack_format = #tpu.pack_format<interleaved>} : vector<32xbf16> -> vector<16xf32>
        %mul3A_173 = vector.broadcast %squeeze3A_109 : f32 to vector<16xf32>
        %mul3A_174 = arith.mulf %mul3A_173, %unpack3A_171 : vector<16xf32>
        %add3A_175 = arith.addf %add3A_164, %mul3A_174 : vector<16xf32>
        %mul3A_176 = vector.broadcast %squeeze3A_109 : f32 to vector<16xf32>
        %mul3A_177 = arith.mulf %mul3A_176, %unpack3A_172 : vector<16xf32>
        %add3A_178 = arith.addf %add3A_167, %mul3A_177 : vector<16xf32>
        %get3A_179 = arith.index_cast %add3A_95 : i32 to index
        %get3A_180 = arith.constant 384 : index
        %get3A_181 = tpu.vector_load %arg11[%get3A_179, %get3A_180] {strides = array<i32>} : memref<40x576xbf16, #tpu.memory_space<vmem>>, vector<32xbf16>,
        %unpack3A_182 = tpu.unpack_subelements %get3A_181, 0 {pack_format = #tpu.pack_format<interleaved>} : vector<32xbf16> -> vector<16xf32>
        %unpack3A_183 = tpu.unpack_subelements %get3A_181, 1 {pack_format = #tpu.pack_format<interleaved>} : vector<32xbf16> -> vector<16xf32>
        %mul3A_184 = vector.broadcast %squeeze3A_111 : f32 to vector<16xf32>
        %mul3A_185 = arith.mulf %mul3A_184, %unpack3A_182 : vector<16xf32>
        %add3A_186 = arith.addf %add3A_175, %mul3A_185 : vector<16xf32>
        %mul3A_187 = vector.broadcast %squeeze3A_111 : f32 to vector<16xf32>
        %mul3A_188 = arith.mulf %mul3A_187, %unpack3A_183 : vector<16xf32>
        %add3A_189 = arith.addf %add3A_178, %mul3A_188 : vector<16xf32>
        %get3A_190 = arith.index_cast %add3A_95 : i32 to index
        %get3A_191 = arith.constant 448 : index
        %get3A_192 = tpu.vector_load %arg11[%get3A_190, %get3A_191] {strides = array<i32>} : memref<40x576xbf16, #tpu.memory_space<vmem>>, vector<32xbf16>,
        %unpack3A_193 = tpu.unpack_subelements %get3A_192, 0 {pack_format = #tpu.pack_format<interleaved>} : vector<32xbf16> -> vector<16xf32>
        %unpack3A_194 = tpu.unpack_subelements %get3A_192, 1 {pack_format = #tpu.pack_format<interleaved>} : vector<32xbf16> -> vector<16xf32>
        %mul3A_195 = vector.broadcast %squeeze3A_113 : f32 to vector<16xf32>
        %mul3A_196 = arith.mulf %mul3A_195, %unpack3A_193 : vector<16xf32>
        %add3A_197 = arith.addf %add3A_186, %mul3A_196 : vector<16xf32>
        %mul3A_198 = vector.broadcast %squeeze3A_113 : f32 to vector<16xf32>
        %mul3A_199 = arith.mulf %mul3A_198, %unpack3A_194 : vector<16xf32>
        %add3A_200 = arith.addf %add3A_189, %mul3A_199 : vector<16xf32>
        %get3A_201 = arith.index_cast %add3A_95 : i32 to index
        %get3A_202 = arith.constant 512 : index
        %get3A_203 = tpu.vector_load %arg11[%get3A_201, %get3A_202] {strides = array<i32>} : memref<40x576xbf16, #tpu.memory_space<vmem>>, vector<32xbf16>,
        %unpack3A_204 = tpu.unpack_subelements %get3A_203, 0 {pack_format = #tpu.pack_format<interleaved>} : vector<32xbf16> -> vector<16xf32>
        %unpack3A_205 = tpu.unpack_subelements %get3A_203, 1 {pack_format = #tpu.pack_format<interleaved>} : vector<32xbf16> -> vector<16xf32>
        %mul3A_206 = vector.broadcast %squeeze3A_115 : f32 to vector<16xf32>
        %mul3A_207 = arith.mulf %mul3A_206, %unpack3A_204 : vector<16xf32>
        %add3A_208 = arith.addf %add3A_197, %mul3A_207 : vector<16xf32>
        %mul3A_209 = vector.broadcast %squeeze3A_115 : f32 to vector<16xf32>
        %mul3A_210 = arith.mulf %mul3A_209, %unpack3A_205 : vector<16xf32>
        %add3A_211 = arith.addf %add3A_200, %mul3A_210 : vector<16xf32>
        %swap3A = arith.index_cast %add3A_95 : i32 to index
        %swap3A_212 = arith.constant 0 : index
        %swap3A_213 = tpu.vector_load %arg13[%swap3A, %swap3A_212] {strides = array<i32>} : memref<40x64xf32, #tpu.memory_space<vmem>>, vector<16xf32>,
        tpu.vector_store %arg13[%swap3A, %swap3A_212], %add3A_208 {strides = array<i32>} : memref<40x64xf32, #tpu.memory_space<vmem>>, vector<16xf32>,
        %swap3A_214 = arith.index_cast %add3A_95 : i32 to index
        %swap3A_215 = arith.constant 16 : index
        %swap3A_216 = tpu.vector_load %arg13[%swap3A_214, %swap3A_215] {strides = array<i32>} : memref<40x64xf32, #tpu.memory_space<vmem>>, vector<16xf32>,
        tpu.vector_store %arg13[%swap3A_214, %swap3A_215], %add3A_211 {strides = array<i32>} : memref<40x64xf32, #tpu.memory_space<vmem>>, vector<16xf32>,
        %get3A_217 = arith.index_cast %add3A_95 : i32 to index
        %get3A_218 = arith.constant 32 : index
        %get3A_219 = tpu.vector_load %arg11[%get3A_217, %get3A_218] {strides = array<i32>} : memref<40x576xbf16, #tpu.memory_space<vmem>>, vector<32xbf16>,
        %unpack3A_220 = tpu.unpack_subelements %get3A_219, 0 {pack_format = #tpu.pack_format<interleaved>} : vector<32xbf16> -> vector<16xf32>
        %unpack3A_221 = tpu.unpack_subelements %get3A_219, 1 {pack_format = #tpu.pack_format<interleaved>} : vector<32xbf16> -> vector<16xf32>
        %mul3A_222 = vector.broadcast %squeeze3A : f32 to vector<16xf32>
        %mul3A_223 = arith.mulf %mul3A_222, %unpack3A_220 : vector<16xf32>
        %mul3A_224 = vector.broadcast %squeeze3A : f32 to vector<16xf32>
        %mul3A_225 = arith.mulf %mul3A_224, %unpack3A_221 : vector<16xf32>
        %get3A_226 = arith.index_cast %add3A_95 : i32 to index
        %get3A_227 = arith.constant 96 : index
        %get3A_228 = tpu.vector_load %arg11[%get3A_226, %get3A_227] {strides = array<i32>} : memref<40x576xbf16, #tpu.memory_space<vmem>>, vector<32xbf16>,
        %unpack3A_229 = tpu.unpack_subelements %get3A_228, 0 {pack_format = #tpu.pack_format<interleaved>} : vector<32xbf16> -> vector<16xf32>
        %unpack3A_230 = tpu.unpack_subelements %get3A_228, 1 {pack_format = #tpu.pack_format<interleaved>} : vector<32xbf16> -> vector<16xf32>
        %mul3A_231 = vector.broadcast %squeeze3A_101 : f32 to vector<16xf32>
        %mul3A_232 = arith.mulf %mul3A_231, %unpack3A_229 : vector<16xf32>
        %add3A_233 = arith.addf %mul3A_223, %mul3A_232 : vector<16xf32>
        %mul3A_234 = vector.broadcast %squeeze3A_101 : f32 to vector<16xf32>
        %mul3A_235 = arith.mulf %mul3A_234, %unpack3A_230 : vector<16xf32>
        %add3A_236 = arith.addf %mul3A_225, %mul3A_235 : vector<16xf32>
        %get3A_237 = arith.index_cast %add3A_95 : i32 to index
        %get3A_238 = arith.constant 160 : index
        %get3A_239 = tpu.vector_load %arg11[%get3A_237, %get3A_238] {strides = array<i32>} : memref<40x576xbf16, #tpu.memory_space<vmem>>, vector<32xbf16>,
        %unpack3A_240 = tpu.unpack_subelements %get3A_239, 0 {pack_format = #tpu.pack_format<interleaved>} : vector<32xbf16> -> vector<16xf32>
        %unpack3A_241 = tpu.unpack_subelements %get3A_239, 1 {pack_format = #tpu.pack_format<interleaved>} : vector<32xbf16> -> vector<16xf32>
        %mul3A_242 = vector.broadcast %squeeze3A_103 : f32 to vector<16xf32>
        %mul3A_243 = arith.mulf %mul3A_242, %unpack3A_240 : vector<16xf32>
        %add3A_244 = arith.addf %add3A_233, %mul3A_243 : vector<16xf32>
        %mul3A_245 = vector.broadcast %squeeze3A_103 : f32 to vector<16xf32>
        %mul3A_246 = arith.mulf %mul3A_245, %unpack3A_241 : vector<16xf32>
        %add3A_247 = arith.addf %add3A_236, %mul3A_246 : vector<16xf32>
        %get3A_248 = arith.index_cast %add3A_95 : i32 to index
        %get3A_249 = arith.constant 224 : index
        %get3A_250 = tpu.vector_load %arg11[%get3A_248, %get3A_249] {strides = array<i32>} : memref<40x576xbf16, #tpu.memory_space<vmem>>, vector<32xbf16>,
        %unpack3A_251 = tpu.unpack_subelements %get3A_250, 0 {pack_format = #tpu.pack_format<interleaved>} : vector<32xbf16> -> vector<16xf32>
        %unpack3A_252 = tpu.unpack_subelements %get3A_250, 1 {pack_format = #tpu.pack_format<interleaved>} : vector<32xbf16> -> vector<16xf32>
        %mul3A_253 = vector.broadcast %squeeze3A_105 : f32 to vector<16xf32>
        %mul3A_254 = arith.mulf %mul3A_253, %unpack3A_251 : vector<16xf32>
        %add3A_255 = arith.addf %add3A_244, %mul3A_254 : vector<16xf32>
        %mul3A_256 = vector.broadcast %squeeze3A_105 : f32 to vector<16xf32>
        %mul3A_257 = arith.mulf %mul3A_256, %unpack3A_252 : vector<16xf32>
        %add3A_258 = arith.addf %add3A_247, %mul3A_257 : vector<16xf32>
        %get3A_259 = arith.index_cast %add3A_95 : i32 to index
        %get3A_260 = arith.constant 288 : index
        %get3A_261 = tpu.vector_load %arg11[%get3A_259, %get3A_260] {strides = array<i32>} : memref<40x576xbf16, #tpu.memory_space<vmem>>, vector<32xbf16>,
        %unpack3A_262 = tpu.unpack_subelements %get3A_261, 0 {pack_format = #tpu.pack_format<interleaved>} : vector<32xbf16> -> vector<16xf32>
        %unpack3A_263 = tpu.unpack_subelements %get3A_261, 1 {pack_format = #tpu.pack_format<interleaved>} : vector<32xbf16> -> vector<16xf32>
        %mul3A_264 = vector.broadcast %squeeze3A_107 : f32 to vector<16xf32>
        %mul3A_265 = arith.mulf %mul3A_264, %unpack3A_262 : vector<16xf32>
        %add3A_266 = arith.addf %add3A_255, %mul3A_265 : vector<16xf32>
        %mul3A_267 = vector.broadcast %squeeze3A_107 : f32 to vector<16xf32>
        %mul3A_268 = arith.mulf %mul3A_267, %unpack3A_263 : vector<16xf32>
        %add3A_269 = arith.addf %add3A_258, %mul3A_268 : vector<16xf32>
        %get3A_270 = arith.index_cast %add3A_95 : i32 to index
        %get3A_271 = arith.constant 352 : index
        %get3A_272 = tpu.vector_load %arg11[%get3A_270, %get3A_271] {strides = array<i32>} : memref<40x576xbf16, #tpu.memory_space<vmem>>, vector<32xbf16>,
        %unpack3A_273 = tpu.unpack_subelements %get3A_272, 0 {pack_format = #tpu.pack_format<interleaved>} : vector<32xbf16> -> vector<16xf32>
        %unpack3A_274 = tpu.unpack_subelements %get3A_272, 1 {pack_format = #tpu.pack_format<interleaved>} : vector<32xbf16> -> vector<16xf32>
        %mul3A_275 = vector.broadcast %squeeze3A_109 : f32 to vector<16xf32>
        %mul3A_276 = arith.mulf %mul3A_275, %unpack3A_273 : vector<16xf32>
        %add3A_277 = arith.addf %add3A_266, %mul3A_276 : vector<16xf32>
        %mul3A_278 = vector.broadcast %squeeze3A_109 : f32 to vector<16xf32>
        %mul3A_279 = arith.mulf %mul3A_278, %unpack3A_274 : vector<16xf32>
        %add3A_280 = arith.addf %add3A_269, %mul3A_279 : vector<16xf32>
        %get3A_281 = arith.index_cast %add3A_95 : i32 to index
        %get3A_282 = arith.constant 416 : index
        %get3A_283 = tpu.vector_load %arg11[%get3A_281, %get3A_282] {strides = array<i32>} : memref<40x576xbf16, #tpu.memory_space<vmem>>, vector<32xbf16>,
        %unpack3A_284 = tpu.unpack_subelements %get3A_283, 0 {pack_format = #tpu.pack_format<interleaved>} : vector<32xbf16> -> vector<16xf32>
        %unpack3A_285 = tpu.unpack_subelements %get3A_283, 1 {pack_format = #tpu.pack_format<interleaved>} : vector<32xbf16> -> vector<16xf32>
        %mul3A_286 = vector.broadcast %squeeze3A_111 : f32 to vector<16xf32>
        %mul3A_287 = arith.mulf %mul3A_286, %unpack3A_284 : vector<16xf32>
        %add3A_288 = arith.addf %add3A_277, %mul3A_287 : vector<16xf32>
        %mul3A_289 = vector.broadcast %squeeze3A_111 : f32 to vector<16xf32>
        %mul3A_290 = arith.mulf %mul3A_289, %unpack3A_285 : vector<16xf32>
        %add3A_291 = arith.addf %add3A_280, %mul3A_290 : vector<16xf32>
        %get3A_292 = arith.index_cast %add3A_95 : i32 to index
        %get3A_293 = arith.constant 480 : index
        %get3A_294 = tpu.vector_load %arg11[%get3A_292, %get3A_293] {strides = array<i32>} : memref<40x576xbf16, #tpu.memory_space<vmem>>, vector<32xbf16>,
        %unpack3A_295 = tpu.unpack_subelements %get3A_294, 0 {pack_format = #tpu.pack_format<interleaved>} : vector<32xbf16> -> vector<16xf32>
        %unpack3A_296 = tpu.unpack_subelements %get3A_294, 1 {pack_format = #tpu.pack_format<interleaved>} : vector<32xbf16> -> vector<16xf32>
        %mul3A_297 = vector.broadcast %squeeze3A_113 : f32 to vector<16xf32>
        %mul3A_298 = arith.mulf %mul3A_297, %unpack3A_295 : vector<16xf32>
        %add3A_299 = arith.addf %add3A_288, %mul3A_298 : vector<16xf32>
        %mul3A_300 = vector.broadcast %squeeze3A_113 : f32 to vector<16xf32>
        %mul3A_301 = arith.mulf %mul3A_300, %unpack3A_296 : vector<16xf32>
        %add3A_302 = arith.addf %add3A_291, %mul3A_301 : vector<16xf32>
        %get3A_303 = arith.index_cast %add3A_95 : i32 to index
        %get3A_304 = arith.constant 544 : index
        %get3A_305 = tpu.vector_load %arg11[%get3A_303, %get3A_304] {strides = array<i32>} : memref<40x576xbf16, #tpu.memory_space<vmem>>, vector<32xbf16>,
        %unpack3A_306 = tpu.unpack_subelements %get3A_305, 0 {pack_format = #tpu.pack_format<interleaved>} : vector<32xbf16> -> vector<16xf32>
        %unpack3A_307 = tpu.unpack_subelements %get3A_305, 1 {pack_format = #tpu.pack_format<interleaved>} : vector<32xbf16> -> vector<16xf32>
        %mul3A_308 = vector.broadcast %squeeze3A_115 : f32 to vector<16xf32>
        %mul3A_309 = arith.mulf %mul3A_308, %unpack3A_306 : vector<16xf32>
        %add3A_310 = arith.addf %add3A_299, %mul3A_309 : vector<16xf32>
        %mul3A_311 = vector.broadcast %squeeze3A_115 : f32 to vector<16xf32>
        %mul3A_312 = arith.mulf %mul3A_311, %unpack3A_307 : vector<16xf32>
        %add3A_313 = arith.addf %add3A_302, %mul3A_312 : vector<16xf32>
        %swap3A_314 = arith.index_cast %add3A_95 : i32 to index
        %swap3A_315 = arith.constant 32 : index
        %swap3A_316 = tpu.vector_load %arg13[%swap3A_314, %swap3A_315] {strides = array<i32>} : memref<40x64xf32, #tpu.memory_space<vmem>>, vector<16xf32>,
        tpu.vector_store %arg13[%swap3A_314, %swap3A_315], %add3A_310 {strides = array<i32>} : memref<40x64xf32, #tpu.memory_space<vmem>>, vector<16xf32>,
        %swap3A_317 = arith.index_cast %add3A_95 : i32 to index
        %swap3A_318 = arith.constant 48 : index
        %swap3A_319 = tpu.vector_load %arg13[%swap3A_317, %swap3A_318] {strides = array<i32>} : memref<40x64xf32, #tpu.memory_space<vmem>>, vector<16xf32>,
        tpu.vector_store %arg13[%swap3A_317, %swap3A_318], %add3A_313 {strides = array<i32>} : memref<40x64xf32, #tpu.memory_space<vmem>>, vector<16xf32>,
      }
      %scan3A_69 = arith.constant 40 : i32
      %dma_start3A_70 = arith.constant 24 : i32
      %dma_start3A_71 = arith.constant 0 : i32
      %dma_start3A_72 = tpu.memref_slice %arg9[%dma_start3A_70, %dma_start3A_71] : memref<25x40xi32, #tpu.memory_space<vmem>> -> memref<1x40xi32, #tpu.memory_space<vmem>>
      %dma_start3A_73 = tpu.memref_squeeze %dma_start3A_72 : memref<1x40xi32, #tpu.memory_space<vmem>> -> memref<40xi32, #tpu.memory_space<vmem>>
      %dma_start3A_74 = arith.constant 0 : i32
      %dma_start3A_75 = arith.constant 0 : i32
      %dma_start3A_76 = tpu.memref_slice %arg15[%dma_start3A_74, %dma_start3A_75] : memref<10240x64xf32, #tpu.memory_space<vmem_shared>> -> memref<10240x64xf32, #tpu.memory_space<vmem_shared>>
      tpu.enqueue_indirect_dma source(%arg13 : memref<40x64xf32, #tpu.memory_space<vmem>>) target(%dma_start3A_76 : memref<10240x64xf32, #tpu.memory_space<vmem_shared>>) offsets(%dma_start3A_73 : memref<40xi32, #tpu.memory_space<vmem>>) semaphore(%arg18 : memref<!tpu.dma_semaphore, #tpu.memory_space<semaphore_mem>>) {add = true}
      %dma_wait3A_77 = arith.constant 0 : i32
      %dma_wait3A_78 = arith.constant 0 : i32
      %dma_wait3A_79 = tpu.memref_slice %arg9[%dma_wait3A_77, %dma_wait3A_78] : memref<25x40xi32, #tpu.memory_space<vmem>> -> memref<1x40xi32, #tpu.memory_space<vmem>>
      %dma_wait3A_80 = tpu.memref_squeeze %dma_wait3A_79 : memref<1x40xi32, #tpu.memory_space<vmem>> -> memref<40xi32, #tpu.memory_space<vmem>>
      %dma_wait3A_81 = arith.constant 0 : i32
      %dma_wait3A_82 = arith.constant 0 : i32
      %dma_wait3A_83 = tpu.memref_slice %arg15[%dma_wait3A_81, %dma_wait3A_82] : memref<10240x64xf32, #tpu.memory_space<vmem_shared>> -> memref<10240x64xf32, #tpu.memory_space<vmem_shared>>
      tpu.wait_indirect_dma semaphore(%arg18 : memref<!tpu.dma_semaphore, #tpu.memory_space<semaphore_mem>>) src(%arg13 : memref<40x64xf32, #tpu.memory_space<vmem>>) dst(%dma_wait3A_83 : memref<10240x64xf32, #tpu.memory_space<vmem_shared>>)
      %dma_wait3A_84 = arith.constant 0 : i32
      %dma_wait3A_85 = arith.constant 0 : i32
      %dma_wait3A_86 = tpu.memref_slice %arg9[%dma_wait3A_84, %dma_wait3A_85] : memref<25x40xi32, #tpu.memory_space<vmem>> -> memref<1x40xi32, #tpu.memory_space<vmem>>
      %dma_wait3A_87 = tpu.memref_squeeze %dma_wait3A_86 : memref<1x40xi32, #tpu.memory_space<vmem>> -> memref<40xi32, #tpu.memory_space<vmem>>
      %dma_wait3A_88 = arith.constant 0 : i32
      %dma_wait3A_89 = arith.constant 0 : i32
      %dma_wait3A_90 = tpu.memref_slice %arg15[%dma_wait3A_88, %dma_wait3A_89] : memref<10240x64xf32, #tpu.memory_space<vmem_shared>> -> memref<10240x64xf32, #tpu.memory_space<vmem_shared>>
      tpu.wait_indirect_dma semaphore(%arg19 : memref<!tpu.dma_semaphore, #tpu.memory_space<semaphore_mem>>) src(%arg14 : memref<40x64xf32, #tpu.memory_space<vmem>>) dst(%dma_wait3A_90 : memref<10240x64xf32, #tpu.memory_space<vmem_shared>>)
    }
    %scan3A_8 = arith.constant 10 : i32
    %barrier3A_9 = arith.constant 0 : index
    tpu.barrier barrier_id(%barrier3A_9)
    "tpu.region"() ({
      %run_scoped3A = tpu.sem_alloc : memref<!tpu.dma_semaphore, #tpu.memory_space<semaphore_mem>>
      %dma_start3A = arith.constant 0 : i32
      %dma_start3A_10 = tpu.memref_slice %arg7[%arg0, %mul3A_2, %dma_start3A] : memref<2x10240x64xf32, #tpu.memory_space<hbm>> -> memref<1x640x64xf32, #tpu.memory_space<hbm>>
      %dma_start3A_11 = tpu.memref_squeeze %dma_start3A_10 : memref<1x640x64xf32, #tpu.memory_space<hbm>> -> memref<640x64xf32, #tpu.memory_space<hbm>>
      %dma_start3A_12 = arith.constant 0 : i32
      %dma_start3A_13 = tpu.memref_slice %arg15[%mul3A_2, %dma_start3A_12] : memref<10240x64xf32, #tpu.memory_space<vmem_shared>> -> memref<640x64xf32, #tpu.memory_space<vmem_shared>>
      tpu.enqueue_dma source(%dma_start3A_13 : memref<640x64xf32, #tpu.memory_space<vmem_shared>>) target(%dma_start3A_11 : memref<640x64xf32, #tpu.memory_space<hbm>>) target_semaphore(%run_scoped3A : memref<!tpu.dma_semaphore, #tpu.memory_space<semaphore_mem>>)
      %dma_wait3A = arith.constant 0 : i32
      %dma_wait3A_14 = tpu.memref_slice %arg7[%arg0, %mul3A_2, %dma_wait3A] : memref<2x10240x64xf32, #tpu.memory_space<hbm>> -> memref<1x640x64xf32, #tpu.memory_space<hbm>>
      %dma_wait3A_15 = tpu.memref_squeeze %dma_wait3A_14 : memref<1x640x64xf32, #tpu.memory_space<hbm>> -> memref<640x64xf32, #tpu.memory_space<hbm>>
      %dma_wait3A_16 = arith.constant 0 : i32
      %dma_wait3A_17 = tpu.memref_slice %arg15[%mul3A_2, %dma_wait3A_16] : memref<10240x64xf32, #tpu.memory_space<vmem_shared>> -> memref<640x64xf32, #tpu.memory_space<vmem_shared>>
      tpu.wait_dma2 semaphore(%run_scoped3A : memref<!tpu.dma_semaphore, #tpu.memory_space<semaphore_mem>>) src(%dma_wait3A_17 : memref<640x64xf32, #tpu.memory_space<vmem_shared>>) dst(%dma_wait3A_15 : memref<640x64xf32, #tpu.memory_space<hbm>>)
      tpu.yield
    }) : () -> ()
    return
  }
}

module attributes {stable_mosaic.version = 14 : i64} {
  func.func @_basis_kernel(%arg0: memref<2500x128xf32, #tpu.memory_space<vmem>>, %arg1: memref<2500x128xf32, #tpu.memory_space<vmem>>, %arg2: memref<2500x128xf32, #tpu.memory_space<vmem>>, %arg3: memref<2500x128xf32, #tpu.memory_space<vmem>>, %arg4: memref<2500x128xf32, #tpu.memory_space<vmem>>, %arg5: memref<2500x128xf32, #tpu.memory_space<vmem>>, %arg6: memref<2500x128xf32, #tpu.memory_space<vmem>>, %arg7: memref<2500x128xf32, #tpu.memory_space<vmem>>, %arg8: memref<2500x128xf32, #tpu.memory_space<vmem>>, %arg9: memref<2500x128xf32, #tpu.memory_space<vmem>>, %arg10: memref<2500x128xf32, #tpu.memory_space<vmem>>) attributes {dimension_semantics = [], scalar_prefetch = 0 : i64, scratch_operands = 0 : i64, tpu.core_type = #tpu.core_type<tc>} {
    %get3A = arith.constant 0 : index
    %get3A_0 = arith.constant 0 : index
    %get3A_1 = vector.load %arg0[%get3A, %get3A_0] : memref<2500x128xf32, #tpu.memory_space<vmem>>, vector<2500x128xf32>
    %get3A_2 = arith.constant 0 : index
    %get3A_3 = arith.constant 0 : index
    %get3A_4 = vector.load %arg1[%get3A_2, %get3A_3] : memref<2500x128xf32, #tpu.memory_space<vmem>>, vector<2500x128xf32>
    %mul3A = arith.constant 2.000000e+00 : f32
    %mul3A_5 = vector.broadcast %mul3A : f32 to vector<2500x128xf32>
    %mul3A_6 = arith.mulf %get3A_1, %mul3A_5 : vector<2500x128xf32>
    %sub3A = arith.constant 0.000000e+00 : f32
    %sub3A_7 = vector.broadcast %sub3A : f32 to vector<2500x128xf32>
    %sub3A_8 = arith.subf %mul3A_6, %sub3A_7 : vector<2500x128xf32>
    %abs3A = math.absf %sub3A_8 : vector<2500x128xf32>
    %le3A = arith.constant 5.000000e-01 : f32
    %le3A_9 = vector.broadcast %le3A : f32 to vector<2500x128xf32>
    %le3A_10 = arith.cmpf ole, %abs3A, %le3A_9 : vector<2500x128xf32>
    %mul3A_11 = arith.mulf %sub3A_8, %sub3A_8 : vector<2500x128xf32>
    %sub3A_12 = arith.constant 7.500000e-01 : f32
    %sub3A_13 = vector.broadcast %sub3A_12 : f32 to vector<2500x128xf32>
    %sub3A_14 = arith.subf %sub3A_13, %mul3A_11 : vector<2500x128xf32>
    %le3A_15 = arith.constant 1.500000e+00 : f32
    %le3A_16 = vector.broadcast %le3A_15 : f32 to vector<2500x128xf32>
    %le3A_17 = arith.cmpf ole, %abs3A, %le3A_16 : vector<2500x128xf32>
    %sub3A_18 = arith.constant 1.500000e+00 : f32
    %sub3A_19 = vector.broadcast %sub3A_18 : f32 to vector<2500x128xf32>
    %sub3A_20 = arith.subf %sub3A_19, %abs3A : vector<2500x128xf32>
    %integer_pow3A = arith.mulf %sub3A_20, %sub3A_20 : vector<2500x128xf32>
    %mul3A_21 = arith.constant 5.000000e-01 : f32
    %mul3A_22 = vector.broadcast %mul3A_21 : f32 to vector<2500x128xf32>
    %mul3A_23 = arith.mulf %mul3A_22, %integer_pow3A : vector<2500x128xf32>
    %jit3A = arith.constant 0.000000e+00 : f32
    %broadcast_in_dim3A = vector.broadcast %jit3A : f32 to vector<2500x128xf32>
    %select_n3A = arith.select %le3A_17, %mul3A_23, %broadcast_in_dim3A : vector<2500x128xi1>, vector<2500x128xf32>
    %select_n3A_24 = arith.select %le3A_10, %sub3A_14, %select_n3A : vector<2500x128xi1>, vector<2500x128xf32>
    %sub3A_25 = arith.constant 1.000000e+00 : f32
    %sub3A_26 = vector.broadcast %sub3A_25 : f32 to vector<2500x128xf32>
    %sub3A_27 = arith.subf %mul3A_6, %sub3A_26 : vector<2500x128xf32>
    %abs3A_28 = math.absf %sub3A_27 : vector<2500x128xf32>
    %le3A_29 = arith.constant 5.000000e-01 : f32
    %le3A_30 = vector.broadcast %le3A_29 : f32 to vector<2500x128xf32>
    %le3A_31 = arith.cmpf ole, %abs3A_28, %le3A_30 : vector<2500x128xf32>
    %mul3A_32 = arith.mulf %sub3A_27, %sub3A_27 : vector<2500x128xf32>
    %sub3A_33 = arith.constant 7.500000e-01 : f32
    %sub3A_34 = vector.broadcast %sub3A_33 : f32 to vector<2500x128xf32>
    %sub3A_35 = arith.subf %sub3A_34, %mul3A_32 : vector<2500x128xf32>
    %le3A_36 = arith.constant 1.500000e+00 : f32
    %le3A_37 = vector.broadcast %le3A_36 : f32 to vector<2500x128xf32>
    %le3A_38 = arith.cmpf ole, %abs3A_28, %le3A_37 : vector<2500x128xf32>
    %sub3A_39 = arith.constant 1.500000e+00 : f32
    %sub3A_40 = vector.broadcast %sub3A_39 : f32 to vector<2500x128xf32>
    %sub3A_41 = arith.subf %sub3A_40, %abs3A_28 : vector<2500x128xf32>
    %integer_pow3A_42 = arith.mulf %sub3A_41, %sub3A_41 : vector<2500x128xf32>
    %mul3A_43 = arith.constant 5.000000e-01 : f32
    %mul3A_44 = vector.broadcast %mul3A_43 : f32 to vector<2500x128xf32>
    %mul3A_45 = arith.mulf %mul3A_44, %integer_pow3A_42 : vector<2500x128xf32>
    %jit3A_46 = arith.constant 0.000000e+00 : f32
    %broadcast_in_dim3A_47 = vector.broadcast %jit3A_46 : f32 to vector<2500x128xf32>
    %select_n3A_48 = arith.select %le3A_38, %mul3A_45, %broadcast_in_dim3A_47 : vector<2500x128xi1>, vector<2500x128xf32>
    %select_n3A_49 = arith.select %le3A_31, %sub3A_35, %select_n3A_48 : vector<2500x128xi1>, vector<2500x128xf32>
    %sub3A_50 = arith.constant 2.000000e+00 : f32
    %sub3A_51 = vector.broadcast %sub3A_50 : f32 to vector<2500x128xf32>
    %sub3A_52 = arith.subf %mul3A_6, %sub3A_51 : vector<2500x128xf32>
    %abs3A_53 = math.absf %sub3A_52 : vector<2500x128xf32>
    %le3A_54 = arith.constant 5.000000e-01 : f32
    %le3A_55 = vector.broadcast %le3A_54 : f32 to vector<2500x128xf32>
    %le3A_56 = arith.cmpf ole, %abs3A_53, %le3A_55 : vector<2500x128xf32>
    %mul3A_57 = arith.mulf %sub3A_52, %sub3A_52 : vector<2500x128xf32>
    %sub3A_58 = arith.constant 7.500000e-01 : f32
    %sub3A_59 = vector.broadcast %sub3A_58 : f32 to vector<2500x128xf32>
    %sub3A_60 = arith.subf %sub3A_59, %mul3A_57 : vector<2500x128xf32>
    %le3A_61 = arith.constant 1.500000e+00 : f32
    %le3A_62 = vector.broadcast %le3A_61 : f32 to vector<2500x128xf32>
    %le3A_63 = arith.cmpf ole, %abs3A_53, %le3A_62 : vector<2500x128xf32>
    %sub3A_64 = arith.constant 1.500000e+00 : f32
    %sub3A_65 = vector.broadcast %sub3A_64 : f32 to vector<2500x128xf32>
    %sub3A_66 = arith.subf %sub3A_65, %abs3A_53 : vector<2500x128xf32>
    %integer_pow3A_67 = arith.mulf %sub3A_66, %sub3A_66 : vector<2500x128xf32>
    %mul3A_68 = arith.constant 5.000000e-01 : f32
    %mul3A_69 = vector.broadcast %mul3A_68 : f32 to vector<2500x128xf32>
    %mul3A_70 = arith.mulf %mul3A_69, %integer_pow3A_67 : vector<2500x128xf32>
    %jit3A_71 = arith.constant 0.000000e+00 : f32
    %broadcast_in_dim3A_72 = vector.broadcast %jit3A_71 : f32 to vector<2500x128xf32>
    %select_n3A_73 = arith.select %le3A_63, %mul3A_70, %broadcast_in_dim3A_72 : vector<2500x128xi1>, vector<2500x128xf32>
    %select_n3A_74 = arith.select %le3A_56, %sub3A_60, %select_n3A_73 : vector<2500x128xi1>, vector<2500x128xf32>
    %add3A = arith.addf %select_n3A_24, %select_n3A_49 : vector<2500x128xf32>
    %add3A_75 = arith.addf %add3A, %select_n3A_74 : vector<2500x128xf32>
    %add3A_76 = arith.constant 9.99999996E-13 : f32
    %add3A_77 = vector.broadcast %add3A_76 : f32 to vector<2500x128xf32>
    %add3A_78 = arith.addf %add3A_75, %add3A_77 : vector<2500x128xf32>
    %div3A = arith.divf %select_n3A_24, %add3A_78 : vector<2500x128xf32>
    %div3A_79 = arith.divf %select_n3A_49, %add3A_78 : vector<2500x128xf32>
    %div3A_80 = arith.divf %select_n3A_74, %add3A_78 : vector<2500x128xf32>
    %mul3A_81 = arith.constant 2.000000e+00 : f32
    %mul3A_82 = vector.broadcast %mul3A_81 : f32 to vector<2500x128xf32>
    %mul3A_83 = arith.mulf %get3A_4, %mul3A_82 : vector<2500x128xf32>
    %sub3A_84 = arith.constant 0.000000e+00 : f32
    %sub3A_85 = vector.broadcast %sub3A_84 : f32 to vector<2500x128xf32>
    %sub3A_86 = arith.subf %mul3A_83, %sub3A_85 : vector<2500x128xf32>
    %abs3A_87 = math.absf %sub3A_86 : vector<2500x128xf32>
    %le3A_88 = arith.constant 5.000000e-01 : f32
    %le3A_89 = vector.broadcast %le3A_88 : f32 to vector<2500x128xf32>
    %le3A_90 = arith.cmpf ole, %abs3A_87, %le3A_89 : vector<2500x128xf32>
    %mul3A_91 = arith.mulf %sub3A_86, %sub3A_86 : vector<2500x128xf32>
    %sub3A_92 = arith.constant 7.500000e-01 : f32
    %sub3A_93 = vector.broadcast %sub3A_92 : f32 to vector<2500x128xf32>
    %sub3A_94 = arith.subf %sub3A_93, %mul3A_91 : vector<2500x128xf32>
    %le3A_95 = arith.constant 1.500000e+00 : f32
    %le3A_96 = vector.broadcast %le3A_95 : f32 to vector<2500x128xf32>
    %le3A_97 = arith.cmpf ole, %abs3A_87, %le3A_96 : vector<2500x128xf32>
    %sub3A_98 = arith.constant 1.500000e+00 : f32
    %sub3A_99 = vector.broadcast %sub3A_98 : f32 to vector<2500x128xf32>
    %sub3A_100 = arith.subf %sub3A_99, %abs3A_87 : vector<2500x128xf32>
    %integer_pow3A_101 = arith.mulf %sub3A_100, %sub3A_100 : vector<2500x128xf32>
    %mul3A_102 = arith.constant 5.000000e-01 : f32
    %mul3A_103 = vector.broadcast %mul3A_102 : f32 to vector<2500x128xf32>
    %mul3A_104 = arith.mulf %mul3A_103, %integer_pow3A_101 : vector<2500x128xf32>
    %jit3A_105 = arith.constant 0.000000e+00 : f32
    %broadcast_in_dim3A_106 = vector.broadcast %jit3A_105 : f32 to vector<2500x128xf32>
    %select_n3A_107 = arith.select %le3A_97, %mul3A_104, %broadcast_in_dim3A_106 : vector<2500x128xi1>, vector<2500x128xf32>
    %select_n3A_108 = arith.select %le3A_90, %sub3A_94, %select_n3A_107 : vector<2500x128xi1>, vector<2500x128xf32>
    %sub3A_109 = arith.constant 1.000000e+00 : f32
    %sub3A_110 = vector.broadcast %sub3A_109 : f32 to vector<2500x128xf32>
    %sub3A_111 = arith.subf %mul3A_83, %sub3A_110 : vector<2500x128xf32>
    %abs3A_112 = math.absf %sub3A_111 : vector<2500x128xf32>
    %le3A_113 = arith.constant 5.000000e-01 : f32
    %le3A_114 = vector.broadcast %le3A_113 : f32 to vector<2500x128xf32>
    %le3A_115 = arith.cmpf ole, %abs3A_112, %le3A_114 : vector<2500x128xf32>
    %mul3A_116 = arith.mulf %sub3A_111, %sub3A_111 : vector<2500x128xf32>
    %sub3A_117 = arith.constant 7.500000e-01 : f32
    %sub3A_118 = vector.broadcast %sub3A_117 : f32 to vector<2500x128xf32>
    %sub3A_119 = arith.subf %sub3A_118, %mul3A_116 : vector<2500x128xf32>
    %le3A_120 = arith.constant 1.500000e+00 : f32
    %le3A_121 = vector.broadcast %le3A_120 : f32 to vector<2500x128xf32>
    %le3A_122 = arith.cmpf ole, %abs3A_112, %le3A_121 : vector<2500x128xf32>
    %sub3A_123 = arith.constant 1.500000e+00 : f32
    %sub3A_124 = vector.broadcast %sub3A_123 : f32 to vector<2500x128xf32>
    %sub3A_125 = arith.subf %sub3A_124, %abs3A_112 : vector<2500x128xf32>
    %integer_pow3A_126 = arith.mulf %sub3A_125, %sub3A_125 : vector<2500x128xf32>
    %mul3A_127 = arith.constant 5.000000e-01 : f32
    %mul3A_128 = vector.broadcast %mul3A_127 : f32 to vector<2500x128xf32>
    %mul3A_129 = arith.mulf %mul3A_128, %integer_pow3A_126 : vector<2500x128xf32>
    %jit3A_130 = arith.constant 0.000000e+00 : f32
    %broadcast_in_dim3A_131 = vector.broadcast %jit3A_130 : f32 to vector<2500x128xf32>
    %select_n3A_132 = arith.select %le3A_122, %mul3A_129, %broadcast_in_dim3A_131 : vector<2500x128xi1>, vector<2500x128xf32>
    %select_n3A_133 = arith.select %le3A_115, %sub3A_119, %select_n3A_132 : vector<2500x128xi1>, vector<2500x128xf32>
    %sub3A_134 = arith.constant 2.000000e+00 : f32
    %sub3A_135 = vector.broadcast %sub3A_134 : f32 to vector<2500x128xf32>
    %sub3A_136 = arith.subf %mul3A_83, %sub3A_135 : vector<2500x128xf32>
    %abs3A_137 = math.absf %sub3A_136 : vector<2500x128xf32>
    %le3A_138 = arith.constant 5.000000e-01 : f32
    %le3A_139 = vector.broadcast %le3A_138 : f32 to vector<2500x128xf32>
    %le3A_140 = arith.cmpf ole, %abs3A_137, %le3A_139 : vector<2500x128xf32>
    %mul3A_141 = arith.mulf %sub3A_136, %sub3A_136 : vector<2500x128xf32>
    %sub3A_142 = arith.constant 7.500000e-01 : f32
    %sub3A_143 = vector.broadcast %sub3A_142 : f32 to vector<2500x128xf32>
    %sub3A_144 = arith.subf %sub3A_143, %mul3A_141 : vector<2500x128xf32>
    %le3A_145 = arith.constant 1.500000e+00 : f32
    %le3A_146 = vector.broadcast %le3A_145 : f32 to vector<2500x128xf32>
    %le3A_147 = arith.cmpf ole, %abs3A_137, %le3A_146 : vector<2500x128xf32>
    %sub3A_148 = arith.constant 1.500000e+00 : f32
    %sub3A_149 = vector.broadcast %sub3A_148 : f32 to vector<2500x128xf32>
    %sub3A_150 = arith.subf %sub3A_149, %abs3A_137 : vector<2500x128xf32>
    %integer_pow3A_151 = arith.mulf %sub3A_150, %sub3A_150 : vector<2500x128xf32>
    %mul3A_152 = arith.constant 5.000000e-01 : f32
    %mul3A_153 = vector.broadcast %mul3A_152 : f32 to vector<2500x128xf32>
    %mul3A_154 = arith.mulf %mul3A_153, %integer_pow3A_151 : vector<2500x128xf32>
    %jit3A_155 = arith.constant 0.000000e+00 : f32
    %broadcast_in_dim3A_156 = vector.broadcast %jit3A_155 : f32 to vector<2500x128xf32>
    %select_n3A_157 = arith.select %le3A_147, %mul3A_154, %broadcast_in_dim3A_156 : vector<2500x128xi1>, vector<2500x128xf32>
    %select_n3A_158 = arith.select %le3A_140, %sub3A_144, %select_n3A_157 : vector<2500x128xi1>, vector<2500x128xf32>
    %add3A_159 = arith.addf %select_n3A_108, %select_n3A_133 : vector<2500x128xf32>
    %add3A_160 = arith.addf %add3A_159, %select_n3A_158 : vector<2500x128xf32>
    %add3A_161 = arith.constant 9.99999996E-13 : f32
    %add3A_162 = vector.broadcast %add3A_161 : f32 to vector<2500x128xf32>
    %add3A_163 = arith.addf %add3A_160, %add3A_162 : vector<2500x128xf32>
    %div3A_164 = arith.divf %select_n3A_108, %add3A_163 : vector<2500x128xf32>
    %div3A_165 = arith.divf %select_n3A_133, %add3A_163 : vector<2500x128xf32>
    %div3A_166 = arith.divf %select_n3A_158, %add3A_163 : vector<2500x128xf32>
    %mul3A_167 = arith.mulf %div3A, %div3A_164 : vector<2500x128xf32>
    %mul3A_168 = arith.mulf %div3A, %div3A_165 : vector<2500x128xf32>
    %mul3A_169 = arith.mulf %div3A, %div3A_166 : vector<2500x128xf32>
    %mul3A_170 = arith.mulf %div3A_79, %div3A_164 : vector<2500x128xf32>
    %mul3A_171 = arith.mulf %div3A_79, %div3A_165 : vector<2500x128xf32>
    %mul3A_172 = arith.mulf %div3A_79, %div3A_166 : vector<2500x128xf32>
    %mul3A_173 = arith.mulf %div3A_80, %div3A_164 : vector<2500x128xf32>
    %mul3A_174 = arith.mulf %div3A_80, %div3A_165 : vector<2500x128xf32>
    %mul3A_175 = arith.mulf %div3A_80, %div3A_166 : vector<2500x128xf32>
    %swap3A = arith.constant 0 : index
    %swap3A_176 = arith.constant 0 : index
    %swap3A_177 = vector.load %arg2[%swap3A, %swap3A_176] : memref<2500x128xf32, #tpu.memory_space<vmem>>, vector<2500x128xf32>
    tpu.vector_store %arg2[%swap3A, %swap3A_176], %mul3A_167 {strides = array<i32>} : memref<2500x128xf32, #tpu.memory_space<vmem>>, vector<2500x128xf32>,
    %swap3A_178 = arith.constant 0 : index
    %swap3A_179 = arith.constant 0 : index
    %swap3A_180 = vector.load %arg3[%swap3A_178, %swap3A_179] : memref<2500x128xf32, #tpu.memory_space<vmem>>, vector<2500x128xf32>
    tpu.vector_store %arg3[%swap3A_178, %swap3A_179], %mul3A_168 {strides = array<i32>} : memref<2500x128xf32, #tpu.memory_space<vmem>>, vector<2500x128xf32>,
    %swap3A_181 = arith.constant 0 : index
    %swap3A_182 = arith.constant 0 : index
    %swap3A_183 = vector.load %arg4[%swap3A_181, %swap3A_182] : memref<2500x128xf32, #tpu.memory_space<vmem>>, vector<2500x128xf32>
    tpu.vector_store %arg4[%swap3A_181, %swap3A_182], %mul3A_169 {strides = array<i32>} : memref<2500x128xf32, #tpu.memory_space<vmem>>, vector<2500x128xf32>,
    %swap3A_184 = arith.constant 0 : index
    %swap3A_185 = arith.constant 0 : index
    %swap3A_186 = vector.load %arg5[%swap3A_184, %swap3A_185] : memref<2500x128xf32, #tpu.memory_space<vmem>>, vector<2500x128xf32>
    tpu.vector_store %arg5[%swap3A_184, %swap3A_185], %mul3A_170 {strides = array<i32>} : memref<2500x128xf32, #tpu.memory_space<vmem>>, vector<2500x128xf32>,
    %swap3A_187 = arith.constant 0 : index
    %swap3A_188 = arith.constant 0 : index
    %swap3A_189 = vector.load %arg6[%swap3A_187, %swap3A_188] : memref<2500x128xf32, #tpu.memory_space<vmem>>, vector<2500x128xf32>
    tpu.vector_store %arg6[%swap3A_187, %swap3A_188], %mul3A_171 {strides = array<i32>} : memref<2500x128xf32, #tpu.memory_space<vmem>>, vector<2500x128xf32>,
    %swap3A_190 = arith.constant 0 : index
    %swap3A_191 = arith.constant 0 : index
    %swap3A_192 = vector.load %arg7[%swap3A_190, %swap3A_191] : memref<2500x128xf32, #tpu.memory_space<vmem>>, vector<2500x128xf32>
    tpu.vector_store %arg7[%swap3A_190, %swap3A_191], %mul3A_172 {strides = array<i32>} : memref<2500x128xf32, #tpu.memory_space<vmem>>, vector<2500x128xf32>,
    %swap3A_193 = arith.constant 0 : index
    %swap3A_194 = arith.constant 0 : index
    %swap3A_195 = vector.load %arg8[%swap3A_193, %swap3A_194] : memref<2500x128xf32, #tpu.memory_space<vmem>>, vector<2500x128xf32>
    tpu.vector_store %arg8[%swap3A_193, %swap3A_194], %mul3A_173 {strides = array<i32>} : memref<2500x128xf32, #tpu.memory_space<vmem>>, vector<2500x128xf32>,
    %swap3A_196 = arith.constant 0 : index
    %swap3A_197 = arith.constant 0 : index
    %swap3A_198 = vector.load %arg9[%swap3A_196, %swap3A_197] : memref<2500x128xf32, #tpu.memory_space<vmem>>, vector<2500x128xf32>
    tpu.vector_store %arg9[%swap3A_196, %swap3A_197], %mul3A_174 {strides = array<i32>} : memref<2500x128xf32, #tpu.memory_space<vmem>>, vector<2500x128xf32>,
    %swap3A_199 = arith.constant 0 : index
    %swap3A_200 = arith.constant 0 : index
    %swap3A_201 = vector.load %arg10[%swap3A_199, %swap3A_200] : memref<2500x128xf32, #tpu.memory_space<vmem>>, vector<2500x128xf32>
    tpu.vector_store %arg10[%swap3A_199, %swap3A_200], %mul3A_175 {strides = array<i32>} : memref<2500x128xf32, #tpu.memory_space<vmem>>, vector<2500x128xf32>,
    return
  }
}

module attributes {stable_mosaic.version = 14 : i64} {
  func.func @_mm_kernel(%arg0: i32, %arg1: memref<2000x128xf32, #tpu.memory_space<vmem>>, %arg2: memref<128x576xf32, #tpu.memory_space<vmem>>, %arg3: memref<128x64xf32, #tpu.memory_space<vmem>>, %arg4: memref<1x64xf32, #tpu.memory_space<vmem>>, %arg5: memref<2000x576xbf16, #tpu.memory_space<vmem>>, %arg6: memref<2000x64xf32, #tpu.memory_space<vmem>>) attributes {dimension_semantics = [#tpu.dimension_semantics<arbitrary>], iteration_bounds = array<i64: 5>, scalar_prefetch = 0 : i64, scratch_operands = 0 : i64, tpu.core_type = #tpu.core_type<tc>, window_params = [{transform_indices = @transform_0, window_bounds = array<i64: 2000, 128>}, {pipeline_mode = #tpu.pipeline_mode<synchronous>, transform_indices = @transform_1, window_bounds = array<i64: 128, 576>}, {pipeline_mode = #tpu.pipeline_mode<synchronous>, transform_indices = @transform_2, window_bounds = array<i64: 128, 64>}, {pipeline_mode = #tpu.pipeline_mode<synchronous>, transform_indices = @transform_3, window_bounds = array<i64: 1, 64>}, {transform_indices = @transform_4, window_bounds = array<i64: 2000, 576>}, {transform_indices = @transform_5, window_bounds = array<i64: 2000, 64>}]} {
    %get3A = arith.constant 0 : index
    %get3A_0 = arith.constant 0 : index
    %get3A_1 = vector.load %arg1[%get3A, %get3A_0] : memref<2000x128xf32, #tpu.memory_space<vmem>>, vector<2000x128xf32>
    %get3A_2 = arith.constant 0 : index
    %get3A_3 = arith.constant 0 : index
    %get3A_4 = vector.load %arg2[%get3A_2, %get3A_3] : memref<128x576xf32, #tpu.memory_space<vmem>>, vector<128x576xf32>
    %dot_general3A = arith.constant dense<0.000000e+00> : vector<2000x576xf32>
    %dot_general3A_5 = tpu.matmul %get3A_1, %get3A_4, %dot_general3A {dimension_numbers = #tpu.dot_dimension_numbers<[1], [0], [0], [1], [0, 0, 1, 1], [], []>, transpose_lhs_hint = false} : vector<2000x128xf32>, vector<128x576xf32>, vector<2000x576xf32> -> vector<2000x576xf32>
    %convert_element_type3A = arith.truncf %dot_general3A_5 : vector<2000x576xf32> to vector<2000x576xbf16>
    %swap3A = arith.constant 0 : index
    %swap3A_6 = arith.constant 0 : index
    %swap3A_7 = vector.load %arg5[%swap3A, %swap3A_6] : memref<2000x576xbf16, #tpu.memory_space<vmem>>, vector<2000x576xbf16>
    tpu.vector_store %arg5[%swap3A, %swap3A_6], %convert_element_type3A {strides = array<i32>} : memref<2000x576xbf16, #tpu.memory_space<vmem>>, vector<2000x576xbf16>,
    %get3A_8 = arith.constant 0 : index
    %get3A_9 = arith.constant 0 : index
    %get3A_10 = vector.load %arg3[%get3A_8, %get3A_9] : memref<128x64xf32, #tpu.memory_space<vmem>>, vector<128x64xf32>
    %dot_general3A_11 = arith.constant dense<0.000000e+00> : vector<2000x64xf32>
    %dot_general3A_12 = tpu.matmul %get3A_1, %get3A_10, %dot_general3A_11 {dimension_numbers = #tpu.dot_dimension_numbers<[1], [0], [0], [1], [0, 0, 1, 1], [], []>, transpose_lhs_hint = false} : vector<2000x128xf32>, vector<128x64xf32>, vector<2000x64xf32> -> vector<2000x64xf32>
    %get3A_13 = arith.constant 0 : index
    %get3A_14 = arith.constant 0 : index
    %get3A_15 = vector.load %arg4[%get3A_13, %get3A_14] : memref<1x64xf32, #tpu.memory_space<vmem>>, vector<1x64xf32>
    %add3A = vector.broadcast %get3A_15 : vector<1x64xf32> to vector<2000x64xf32>
    %add3A_16 = arith.addf %dot_general3A_12, %add3A : vector<2000x64xf32>
    %swap3A_17 = arith.constant 0 : index
    %swap3A_18 = arith.constant 0 : index
    %swap3A_19 = vector.load %arg6[%swap3A_17, %swap3A_18] : memref<2000x64xf32, #tpu.memory_space<vmem>>, vector<2000x64xf32>
    tpu.vector_store %arg6[%swap3A_17, %swap3A_18], %add3A_16 {strides = array<i32>} : memref<2000x64xf32, #tpu.memory_space<vmem>>, vector<2000x64xf32>,
    return
  }
  func.func @transform_0(%arg0: i32) -> (i32, i32) {
    %c0_i32 = arith.constant 0 : i32
    %c0_i32_0 = arith.constant 0 : i32
    return %arg0, %c0_i32 : i32, i32
  }
  func.func @transform_1(%arg0: i32) -> (i32, i32) {
    %c0_i32 = arith.constant 0 : i32
    %c0_i32_0 = arith.constant 0 : i32
    %c0_i32_1 = arith.constant 0 : i32
    return %c0_i32, %c0_i32_0 : i32, i32
  }
  func.func @transform_2(%arg0: i32) -> (i32, i32) {
    %c0_i32 = arith.constant 0 : i32
    %c0_i32_0 = arith.constant 0 : i32
    %c0_i32_1 = arith.constant 0 : i32
    return %c0_i32, %c0_i32_0 : i32, i32
  }
  func.func @transform_3(%arg0: i32) -> (i32, i32) {
    %c0_i32 = arith.constant 0 : i32
    %c0_i32_0 = arith.constant 0 : i32
    %c0_i32_1 = arith.constant 0 : i32
    return %c0_i32, %c0_i32_0 : i32, i32
  }
  func.func @transform_4(%arg0: i32) -> (i32, i32) {
    %c0_i32 = arith.constant 0 : i32
    %c0_i32_0 = arith.constant 0 : i32
    return %arg0, %c0_i32 : i32, i32
  }
  func.func @transform_5(%arg0: i32) -> (i32, i32) {
    %c0_i32 = arith.constant 0 : i32
    %c0_i32_0 = arith.constant 0 : i32
    return %arg0, %c0_i32 : i32, i32
  }
}

module attributes {stable_mosaic.version = 14 : i64} {
  func.func @body(%arg0: i32, %arg1: memref<2x2000x64xf32, #tpu.memory_space<vmem>>, %arg2: memref<2000x64xf32, #tpu.memory_space<vmem>>, %arg3: memref<2000x64xf32, #tpu.memory_space<vmem>>, %arg4: memref<128x576xf32, #tpu.memory_space<vmem>>, %arg5: memref<128x64xf32, #tpu.memory_space<vmem>>, %arg6: memref<1x64xf32, #tpu.memory_space<vmem>>, %arg7: memref<2000x576xbf16, #tpu.memory_space<vmem>>, %arg8: memref<2000x64xf32, #tpu.memory_space<vmem>>) attributes {dimension_semantics = [#tpu.dimension_semantics<arbitrary>], iteration_bounds = array<i64: 5>, scalar_prefetch = 0 : i64, scratch_operands = 0 : i64, tpu.core_type = #tpu.core_type<tc>, window_params = [{transform_indices = @transform_0, window_bounds = array<i64: 2, 2000, 64>}, {transform_indices = @transform_1, window_bounds = array<i64: 2000, 64>}, {transform_indices = @transform_2, window_bounds = array<i64: 2000, 64>}, {pipeline_mode = #tpu.pipeline_mode<synchronous>, transform_indices = @transform_3, window_bounds = array<i64: 128, 576>}, {pipeline_mode = #tpu.pipeline_mode<synchronous>, transform_indices = @transform_4, window_bounds = array<i64: 128, 64>}, {pipeline_mode = #tpu.pipeline_mode<synchronous>, transform_indices = @transform_5, window_bounds = array<i64: 1, 64>}, {transform_indices = @transform_6, window_bounds = array<i64: 2000, 576>}, {transform_indices = @transform_7, window_bounds = array<i64: 2000, 64>}]} {
    %get3A = arith.constant 0 : index
    %get3A_0 = arith.constant 0 : index
    %get3A_1 = arith.constant 0 : index
    %get3A_2 = vector.load %arg1[%get3A, %get3A_0, %get3A_1] : memref<2x2000x64xf32, #tpu.memory_space<vmem>>, vector<1x2000x64xf32>
    %get3A_3 = vector.shape_cast %get3A_2 : vector<1x2000x64xf32> to vector<2000x64xf32>
    %get3A_4 = arith.constant 1 : index
    %get3A_5 = arith.constant 0 : index
    %get3A_6 = arith.constant 0 : index
    %get3A_7 = vector.load %arg1[%get3A_4, %get3A_5, %get3A_6] : memref<2x2000x64xf32, #tpu.memory_space<vmem>>, vector<1x2000x64xf32>
    %get3A_8 = vector.shape_cast %get3A_7 : vector<1x2000x64xf32> to vector<2000x64xf32>
    %add3A = arith.addf %get3A_3, %get3A_8 : vector<2000x64xf32>
    %get3A_9 = arith.constant 0 : index
    %get3A_10 = arith.constant 0 : index
    %get3A_11 = vector.load %arg2[%get3A_9, %get3A_10] : memref<2000x64xf32, #tpu.memory_space<vmem>>, vector<2000x64xf32>
    %add3A_12 = arith.addf %add3A, %get3A_11 : vector<2000x64xf32>
    %max3A = arith.constant 0.000000e+00 : f32
    %max3A_13 = vector.broadcast %max3A : f32 to vector<2000x64xf32>
    %max3A_14 = arith.maximumf %add3A_12, %max3A_13 : vector<2000x64xf32>
    %get3A_15 = arith.constant 0 : index
    %get3A_16 = arith.constant 0 : index
    %get3A_17 = vector.load %arg3[%get3A_15, %get3A_16] : memref<2000x64xf32, #tpu.memory_space<vmem>>, vector<2000x64xf32>
    %concatenate3A = tpu.concatenate %max3A_14, %get3A_17 in 1 : vector<2000x64xf32>, vector<2000x64xf32> -> vector<2000x128xf32>
    %get3A_18 = arith.constant 0 : index
    %get3A_19 = arith.constant 0 : index
    %get3A_20 = vector.load %arg4[%get3A_18, %get3A_19] : memref<128x576xf32, #tpu.memory_space<vmem>>, vector<128x576xf32>
    %dot_general3A = arith.constant dense<0.000000e+00> : vector<2000x576xf32>
    %dot_general3A_21 = tpu.matmul %concatenate3A, %get3A_20, %dot_general3A {dimension_numbers = #tpu.dot_dimension_numbers<[1], [0], [0], [1], [0, 0, 1, 1], [], []>, transpose_lhs_hint = false} : vector<2000x128xf32>, vector<128x576xf32>, vector<2000x576xf32> -> vector<2000x576xf32>
    %convert_element_type3A = arith.truncf %dot_general3A_21 : vector<2000x576xf32> to vector<2000x576xbf16>
    %swap3A = arith.constant 0 : index
    %swap3A_22 = arith.constant 0 : index
    %swap3A_23 = vector.load %arg7[%swap3A, %swap3A_22] : memref<2000x576xbf16, #tpu.memory_space<vmem>>, vector<2000x576xbf16>
    tpu.vector_store %arg7[%swap3A, %swap3A_22], %convert_element_type3A {strides = array<i32>} : memref<2000x576xbf16, #tpu.memory_space<vmem>>, vector<2000x576xbf16>,
    %get3A_24 = arith.constant 0 : index
    %get3A_25 = arith.constant 0 : index
    %get3A_26 = vector.load %arg5[%get3A_24, %get3A_25] : memref<128x64xf32, #tpu.memory_space<vmem>>, vector<128x64xf32>
    %dot_general3A_27 = arith.constant dense<0.000000e+00> : vector<2000x64xf32>
    %dot_general3A_28 = tpu.matmul %concatenate3A, %get3A_26, %dot_general3A_27 {dimension_numbers = #tpu.dot_dimension_numbers<[1], [0], [0], [1], [0, 0, 1, 1], [], []>, transpose_lhs_hint = false} : vector<2000x128xf32>, vector<128x64xf32>, vector<2000x64xf32> -> vector<2000x64xf32>
    %get3A_29 = arith.constant 0 : index
    %get3A_30 = arith.constant 0 : index
    %get3A_31 = vector.load %arg6[%get3A_29, %get3A_30] : memref<1x64xf32, #tpu.memory_space<vmem>>, vector<1x64xf32>
    %add3A_32 = vector.broadcast %get3A_31 : vector<1x64xf32> to vector<2000x64xf32>
    %add3A_33 = arith.addf %dot_general3A_28, %add3A_32 : vector<2000x64xf32>
    %swap3A_34 = arith.constant 0 : index
    %swap3A_35 = arith.constant 0 : index
    %swap3A_36 = vector.load %arg8[%swap3A_34, %swap3A_35] : memref<2000x64xf32, #tpu.memory_space<vmem>>, vector<2000x64xf32>
    tpu.vector_store %arg8[%swap3A_34, %swap3A_35], %add3A_33 {strides = array<i32>} : memref<2000x64xf32, #tpu.memory_space<vmem>>, vector<2000x64xf32>,
    return
  }
  func.func @transform_0(%arg0: i32) -> (i32, i32, i32) {
    %c0_i32 = arith.constant 0 : i32
    %c0_i32_0 = arith.constant 0 : i32
    %c0_i32_1 = arith.constant 0 : i32
    return %c0_i32, %arg0, %c0_i32_0 : i32, i32, i32
  }
  func.func @transform_1(%arg0: i32) -> (i32, i32) {
    %c0_i32 = arith.constant 0 : i32
    %c0_i32_0 = arith.constant 0 : i32
    return %arg0, %c0_i32 : i32, i32
  }
  func.func @transform_2(%arg0: i32) -> (i32, i32) {
    %c0_i32 = arith.constant 0 : i32
    %c0_i32_0 = arith.constant 0 : i32
    return %arg0, %c0_i32 : i32, i32
  }
  func.func @transform_3(%arg0: i32) -> (i32, i32) {
    %c0_i32 = arith.constant 0 : i32
    %c0_i32_0 = arith.constant 0 : i32
    %c0_i32_1 = arith.constant 0 : i32
    return %c0_i32, %c0_i32_0 : i32, i32
  }
  func.func @transform_4(%arg0: i32) -> (i32, i32) {
    %c0_i32 = arith.constant 0 : i32
    %c0_i32_0 = arith.constant 0 : i32
    %c0_i32_1 = arith.constant 0 : i32
    return %c0_i32, %c0_i32_0 : i32, i32
  }
  func.func @transform_5(%arg0: i32) -> (i32, i32) {
    %c0_i32 = arith.constant 0 : i32
    %c0_i32_0 = arith.constant 0 : i32
    %c0_i32_1 = arith.constant 0 : i32
    return %c0_i32, %c0_i32_0 : i32, i32
  }
  func.func @transform_6(%arg0: i32) -> (i32, i32) {
    %c0_i32 = arith.constant 0 : i32
    %c0_i32_0 = arith.constant 0 : i32
    return %arg0, %c0_i32 : i32, i32
  }
  func.func @transform_7(%arg0: i32) -> (i32, i32) {
    %c0_i32 = arith.constant 0 : i32
    %c0_i32_0 = arith.constant 0 : i32
    return %arg0, %c0_i32 : i32, i32
  }
}

module attributes {stable_mosaic.version = 14 : i64} {
  func.func @body(%arg0: i32, %arg1: memref<2x2000x64xf32, #tpu.memory_space<vmem>>, %arg2: memref<2000x64xf32, #tpu.memory_space<vmem>>, %arg3: memref<64x576xf32, #tpu.memory_space<vmem>>, %arg4: memref<64x64xf32, #tpu.memory_space<vmem>>, %arg5: memref<1x64xf32, #tpu.memory_space<vmem>>, %arg6: memref<2000x576xbf16, #tpu.memory_space<vmem>>, %arg7: memref<2000x64xf32, #tpu.memory_space<vmem>>) attributes {dimension_semantics = [#tpu.dimension_semantics<arbitrary>], iteration_bounds = array<i64: 5>, scalar_prefetch = 0 : i64, scratch_operands = 0 : i64, tpu.core_type = #tpu.core_type<tc>, window_params = [{transform_indices = @transform_0, window_bounds = array<i64: 2, 2000, 64>}, {transform_indices = @transform_1, window_bounds = array<i64: 2000, 64>}, {pipeline_mode = #tpu.pipeline_mode<synchronous>, transform_indices = @transform_2, window_bounds = array<i64: 64, 576>}, {pipeline_mode = #tpu.pipeline_mode<synchronous>, transform_indices = @transform_3, window_bounds = array<i64: 64, 64>}, {pipeline_mode = #tpu.pipeline_mode<synchronous>, transform_indices = @transform_4, window_bounds = array<i64: 1, 64>}, {transform_indices = @transform_5, window_bounds = array<i64: 2000, 576>}, {transform_indices = @transform_6, window_bounds = array<i64: 2000, 64>}]} {
    %get3A = arith.constant 0 : index
    %get3A_0 = arith.constant 0 : index
    %get3A_1 = arith.constant 0 : index
    %get3A_2 = vector.load %arg1[%get3A, %get3A_0, %get3A_1] : memref<2x2000x64xf32, #tpu.memory_space<vmem>>, vector<1x2000x64xf32>
    %get3A_3 = vector.shape_cast %get3A_2 : vector<1x2000x64xf32> to vector<2000x64xf32>
    %get3A_4 = arith.constant 1 : index
    %get3A_5 = arith.constant 0 : index
    %get3A_6 = arith.constant 0 : index
    %get3A_7 = vector.load %arg1[%get3A_4, %get3A_5, %get3A_6] : memref<2x2000x64xf32, #tpu.memory_space<vmem>>, vector<1x2000x64xf32>
    %get3A_8 = vector.shape_cast %get3A_7 : vector<1x2000x64xf32> to vector<2000x64xf32>
    %add3A = arith.addf %get3A_3, %get3A_8 : vector<2000x64xf32>
    %get3A_9 = arith.constant 0 : index
    %get3A_10 = arith.constant 0 : index
    %get3A_11 = vector.load %arg2[%get3A_9, %get3A_10] : memref<2000x64xf32, #tpu.memory_space<vmem>>, vector<2000x64xf32>
    %add3A_12 = arith.addf %add3A, %get3A_11 : vector<2000x64xf32>
    %max3A = arith.constant 0.000000e+00 : f32
    %max3A_13 = vector.broadcast %max3A : f32 to vector<2000x64xf32>
    %max3A_14 = arith.maximumf %add3A_12, %max3A_13 : vector<2000x64xf32>
    %get3A_15 = arith.constant 0 : index
    %get3A_16 = arith.constant 0 : index
    %get3A_17 = vector.load %arg3[%get3A_15, %get3A_16] : memref<64x576xf32, #tpu.memory_space<vmem>>, vector<64x576xf32>
    %dot_general3A = arith.constant dense<0.000000e+00> : vector<2000x576xf32>
    %dot_general3A_18 = tpu.matmul %max3A_14, %get3A_17, %dot_general3A {dimension_numbers = #tpu.dot_dimension_numbers<[1], [0], [0], [1], [0, 0, 1, 1], [], []>, transpose_lhs_hint = false} : vector<2000x64xf32>, vector<64x576xf32>, vector<2000x576xf32> -> vector<2000x576xf32>
    %convert_element_type3A = arith.truncf %dot_general3A_18 : vector<2000x576xf32> to vector<2000x576xbf16>
    %swap3A = arith.constant 0 : index
    %swap3A_19 = arith.constant 0 : index
    %swap3A_20 = vector.load %arg6[%swap3A, %swap3A_19] : memref<2000x576xbf16, #tpu.memory_space<vmem>>, vector<2000x576xbf16>
    tpu.vector_store %arg6[%swap3A, %swap3A_19], %convert_element_type3A {strides = array<i32>} : memref<2000x576xbf16, #tpu.memory_space<vmem>>, vector<2000x576xbf16>,
    %get3A_21 = arith.constant 0 : index
    %get3A_22 = arith.constant 0 : index
    %get3A_23 = vector.load %arg4[%get3A_21, %get3A_22] : memref<64x64xf32, #tpu.memory_space<vmem>>, vector<64x64xf32>
    %dot_general3A_24 = arith.constant dense<0.000000e+00> : vector<2000x64xf32>
    %dot_general3A_25 = tpu.matmul %max3A_14, %get3A_23, %dot_general3A_24 {dimension_numbers = #tpu.dot_dimension_numbers<[1], [0], [0], [1], [0, 0, 1, 1], [], []>, transpose_lhs_hint = false} : vector<2000x64xf32>, vector<64x64xf32>, vector<2000x64xf32> -> vector<2000x64xf32>
    %get3A_26 = arith.constant 0 : index
    %get3A_27 = arith.constant 0 : index
    %get3A_28 = vector.load %arg5[%get3A_26, %get3A_27] : memref<1x64xf32, #tpu.memory_space<vmem>>, vector<1x64xf32>
    %add3A_29 = vector.broadcast %get3A_28 : vector<1x64xf32> to vector<2000x64xf32>
    %add3A_30 = arith.addf %dot_general3A_25, %add3A_29 : vector<2000x64xf32>
    %swap3A_31 = arith.constant 0 : index
    %swap3A_32 = arith.constant 0 : index
    %swap3A_33 = vector.load %arg7[%swap3A_31, %swap3A_32] : memref<2000x64xf32, #tpu.memory_space<vmem>>, vector<2000x64xf32>
    tpu.vector_store %arg7[%swap3A_31, %swap3A_32], %add3A_30 {strides = array<i32>} : memref<2000x64xf32, #tpu.memory_space<vmem>>, vector<2000x64xf32>,
    return
  }
  func.func @transform_0(%arg0: i32) -> (i32, i32, i32) {
    %c0_i32 = arith.constant 0 : i32
    %c0_i32_0 = arith.constant 0 : i32
    %c0_i32_1 = arith.constant 0 : i32
    return %c0_i32, %arg0, %c0_i32_0 : i32, i32, i32
  }
  func.func @transform_1(%arg0: i32) -> (i32, i32) {
    %c0_i32 = arith.constant 0 : i32
    %c0_i32_0 = arith.constant 0 : i32
    return %arg0, %c0_i32 : i32, i32
  }
  func.func @transform_2(%arg0: i32) -> (i32, i32) {
    %c0_i32 = arith.constant 0 : i32
    %c0_i32_0 = arith.constant 0 : i32
    %c0_i32_1 = arith.constant 0 : i32
    return %c0_i32, %c0_i32_0 : i32, i32
  }
  func.func @transform_3(%arg0: i32) -> (i32, i32) {
    %c0_i32 = arith.constant 0 : i32
    %c0_i32_0 = arith.constant 0 : i32
    %c0_i32_1 = arith.constant 0 : i32
    return %c0_i32, %c0_i32_0 : i32, i32
  }
  func.func @transform_4(%arg0: i32) -> (i32, i32) {
    %c0_i32 = arith.constant 0 : i32
    %c0_i32_0 = arith.constant 0 : i32
    %c0_i32_1 = arith.constant 0 : i32
    return %c0_i32, %c0_i32_0 : i32, i32
  }
  func.func @transform_5(%arg0: i32) -> (i32, i32) {
    %c0_i32 = arith.constant 0 : i32
    %c0_i32_0 = arith.constant 0 : i32
    return %arg0, %c0_i32 : i32, i32
  }
  func.func @transform_6(%arg0: i32) -> (i32, i32) {
    %c0_i32 = arith.constant 0 : i32
    %c0_i32_0 = arith.constant 0 : i32
    return %arg0, %c0_i32 : i32, i32
  }
}

module attributes {stable_mosaic.version = 14 : i64} {
  func.func @_combine_kernel(%arg0: i32, %arg1: memref<2x2000x64xf32, #tpu.memory_space<vmem>>, %arg2: memref<2000x64xf32, #tpu.memory_space<vmem>>, %arg3: memref<2000x64xf32, #tpu.memory_space<vmem>>) attributes {dimension_semantics = [#tpu.dimension_semantics<arbitrary>], iteration_bounds = array<i64: 5>, scalar_prefetch = 0 : i64, scratch_operands = 0 : i64, tpu.core_type = #tpu.core_type<tc>, window_params = [{transform_indices = @transform_0, window_bounds = array<i64: 2, 2000, 64>}, {transform_indices = @transform_1, window_bounds = array<i64: 2000, 64>}, {transform_indices = @transform_2, window_bounds = array<i64: 2000, 64>}]} {
    %get3A = arith.constant 0 : index
    %get3A_0 = arith.constant 0 : index
    %get3A_1 = arith.constant 0 : index
    %get3A_2 = vector.load %arg1[%get3A, %get3A_0, %get3A_1] : memref<2x2000x64xf32, #tpu.memory_space<vmem>>, vector<1x2000x64xf32>
    %get3A_3 = vector.shape_cast %get3A_2 : vector<1x2000x64xf32> to vector<2000x64xf32>
    %get3A_4 = arith.constant 1 : index
    %get3A_5 = arith.constant 0 : index
    %get3A_6 = arith.constant 0 : index
    %get3A_7 = vector.load %arg1[%get3A_4, %get3A_5, %get3A_6] : memref<2x2000x64xf32, #tpu.memory_space<vmem>>, vector<1x2000x64xf32>
    %get3A_8 = vector.shape_cast %get3A_7 : vector<1x2000x64xf32> to vector<2000x64xf32>
    %add3A = arith.addf %get3A_3, %get3A_8 : vector<2000x64xf32>
    %get3A_9 = arith.constant 0 : index
    %get3A_10 = arith.constant 0 : index
    %get3A_11 = vector.load %arg2[%get3A_9, %get3A_10] : memref<2000x64xf32, #tpu.memory_space<vmem>>, vector<2000x64xf32>
    %add3A_12 = arith.addf %add3A, %get3A_11 : vector<2000x64xf32>
    %max3A = arith.constant 0.000000e+00 : f32
    %max3A_13 = vector.broadcast %max3A : f32 to vector<2000x64xf32>
    %max3A_14 = arith.maximumf %add3A_12, %max3A_13 : vector<2000x64xf32>
    %swap3A = arith.constant 0 : index
    %swap3A_15 = arith.constant 0 : index
    %swap3A_16 = vector.load %arg3[%swap3A, %swap3A_15] : memref<2000x64xf32, #tpu.memory_space<vmem>>, vector<2000x64xf32>
    tpu.vector_store %arg3[%swap3A, %swap3A_15], %max3A_14 {strides = array<i32>} : memref<2000x64xf32, #tpu.memory_space<vmem>>, vector<2000x64xf32>,
    return
  }
  func.func @transform_0(%arg0: i32) -> (i32, i32, i32) {
    %c0_i32 = arith.constant 0 : i32
    %c0_i32_0 = arith.constant 0 : i32
    %c0_i32_1 = arith.constant 0 : i32
    return %c0_i32, %arg0, %c0_i32_0 : i32, i32, i32
  }
  func.func @transform_1(%arg0: i32) -> (i32, i32) {
    %c0_i32 = arith.constant 0 : i32
    %c0_i32_0 = arith.constant 0 : i32
    return %arg0, %c0_i32 : i32, i32
  }
  func.func @transform_2(%arg0: i32) -> (i32, i32) {
    %c0_i32 = arith.constant 0 : i32
    %c0_i32_0 = arith.constant 0 : i32
    return %arg0, %c0_i32 : i32, i32
  }
}

</mosaic_0001>

<sc_bundles>
// kernel: kernel.10.cloned.1.call-start
scs
__scs_entry_jumppad:
0x0: {  	(pc) =	sbr.rel $0x88, $3  }
0x1: {  	(tag) =	ssettag $0x0;
	lr =	simm.s32 $0x1  }
0x2: {  	[smem:$0x3F97] =	sst lr;
	_ =	strace $0xD0000000  }
0x3: {  	_ = 	snop  }
0x4: {  	_ = 	snop  }
0x5: {  	_ = 	snop  }
0x6: {  	_ = 	snop  }
0x7: {  	_ = 	snop  }
__scs_overlays_trampoline_lowered:
0x8: {  	[smem:$0x3FA6] =	sst s0  }
0x9: {  	[smem:$0x3FA7] =	sst s1  }
0xa: {  	[smem:$0x3FA8] =	sst s2  }
0xb: {  	[smem:$0x3FA9] =	sst s3  }
0xc: {  	[smem:$0x3FAA] =	sst s4  }
0xd: {  	[smem:$0x3FAB] =	sst s5  }
0xe: {  	[smem:$0x3FAC] =	sst s6  }
0xf: {  	[smem:$0x3FAD] =	sst s7  }
0x10: {  	[smem:$0x3FAE] =	sst s8  }
0x11: {  	[smem:$0x3FAF] =	sst s9;
	s0 =	simm.s32 @!p0 $0x0  }
0x12: {  	s1 =	sld [smem:$0x3F95];
	s0 =	simm.s32 @p0 $0x1  }
0x13: {  	[smem:$0x3FB0] =	sst s0;
	s0 =	simm.s32 @!p1 $0x0  }
0x14: {  	s2 =	sld [smem:$0x3F94];
	s0 =	simm.s32 @p1 $0x1  }
0x15: {  	[smem:$0x3FB1] =	sst s0;
	s0 =	simm.s32 @!p2 $0x0  }
0x16: {  	s3 =	sld [smem:$0x3FDB];
	s0 =	simm.s32 @p2 $0x1  }
0x17: {  	s4 =	simm.s32 $0x1BF5;
	[smem:$0x3FB3] =	sst s0  }
0x18: {  	s0 =	sld [smem:$0x3F96];
	_ =	swait.ge [sflag:s4], $0x0  }
0x19: {  	s7 =	sld [smem:$0x3F97]  }
0x1a: {  	s8 =	sadd.s32 $0xFFFFE003, lr  }
0x1b: {  	s9 =	sadd.s32 $0xFFFFFEF7, lr;
	s5 =	simm.s32 $0xFFFFFFFF;
	p2 =	slt.u32 s8, $0xFFFFF086  }
0x1c: {  	p1 =	slt.u32 s9, $0xF7A;
	s5 =	simm.s32 @!p2 $0x0  }
0x1d: {  	s5 =	simm.s32 @p1 $0x1;
	p0 =	seq.s32 s7, s2  }
0x1e: {  	s7 =	smul.u32 @!p0 $0xF7A, s2;
	p2 =	seq.s32 @!p0 s5, $0x0  }
0x1f: {  	s9 =	smul.u32 $0xF7A, s1;
	s8 =	simm.s32 @!p0 $0x1BF5;
	p2 =	por !p2, p0  }
0x20: {  	[sflag:s8] =	ssyncset.s32 @!p0 $0xFFFFF086;
	s6 =	sadd.s32 @!p0 s3, s7;
	s7 =	simm.s32 @!p0 $0x108  }
0x21: {  	s3 =	sadd.s32 s3, s9;
	s6 =	sadd.s32 @!p0 $0x88, s6;
	s7 =	simm.s32 @p2 $0x1082  }
0x22: {  	[simem:s7], [sflag:s8] =	dma.local @!p0 [hbm:s6], $0xF7A  }
0x23: {  	s9 =	sor.u32 $0xD0000000, s2;
	s6 =	simm.s32 $0x108;
	_ =	swait.ge @!p0 [sflag:s8], $0x0  }
0x24: {  	s3 =	sadd.s32 $0x88, s3;
	s6 =	simm.s32 @!p1 $0x1082;
	[sflag:s4] =	ssyncset.s32 $0xFFFFF086  }
0x25: {  	[simem:s6], [sflag:s4] =	dma.local [hbm:s3], $0xF7A  }
0x26: {  	[smem:$0x3F97] =	sst s1;
	(tag) =	ssettag s2;
	_ =	strace s9  }
0x27: {  	s1 =	sld [smem:$0x3FA7]  }
0x28: {  	s2 =	sld [smem:$0x3FA8]  }
0x29: {  	s4 =	sld [smem:$0x3FAA]  }
0x2a: {  	p0 =	seq.s32 s5, $0x0;
	s5 =	sld [smem:$0x3FAB]  }
0x2b: {  	s6 =	sld [smem:$0x3FAC]  }
0x2c: {  	s7 =	sld [smem:$0x3FAD]  }
0x2d: {  	s3 =	simm.s32 $0x108;
	s8 =	sld [smem:$0x3FAE]  }
0x2e: {  	s3 =	simm.s32 @!p0 $0x1082;
	s9 =	sld [smem:$0x3FAF]  }
0x2f: {  	lr =	sadd.s32 s0, s3;
	s0 =	sld [smem:$0x3FA6]  }
0x30: {  	s3 =	sld [smem:$0x3FA9]  }
0x31: {  	[smem:$0x3FB2] =	sst s10  }
0x32: {  	s10 =	sld [smem:$0x3FB0];
	_ =	sdelay $0x3  }
0x33: {  	p0 =	seq.s32 s10, $0x1;
	s10 =	sld [smem:$0x3FB2];
	_ =	sdelay $0x3  }
0x34: {  	[smem:$0x3FB2] =	sst s10  }
0x35: {  	s10 =	sld [smem:$0x3FB1];
	_ =	sdelay $0x3  }
0x36: {  	p1 =	seq.s32 s10, $0x1;
	s10 =	sld [smem:$0x3FB2];
	_ =	sdelay $0x3  }
0x37: {  	[smem:$0x3FB2] =	sst s10  }
0x38: {  	s10 =	sld [smem:$0x3FB3]  }
0x39: {  	_ = 	snop;
	(pc) =	sbr.ind lr, $3  }
0x3a: {  	_ = 	snop  }
0x3b: {  	_ = 	snop  }
0x3c: {  	p2 =	seq.s32 s10, $0x1;
	s10 =	sld [smem:$0x3FB2]  }
0x3d: {  	_ =	shalt  }
0x3e: {  	_ =	shalt  }
0x3f: {  	_ =	shalt  }
0x40: {  	_ =	shalt  }
0x41: {  	_ =	shalt  }
0x42: {  	_ =	shalt  }
0x43: {  	_ =	shalt  }
0x44: {  	_ =	shalt  }
0x45: {  	_ =	shalt  }
0x46: {  	_ =	shalt  }
0x47: {  	_ =	shalt  }
0x48: {  	_ =	shalt  }
0x49: {  	_ =	shalt  }
0x4a: {  	_ =	shalt  }
0x4b: {  	_ =	shalt  }
0x4c: {  	_ =	shalt  }
0x4d: {  	_ =	shalt  }
0x4e: {  	_ =	shalt  }
0x4f: {  	_ =	shalt  }
0x50: {  	_ =	shalt  }
0x51: {  	_ =	shalt  }
0x52: {  	_ =	shalt  }
0x53: {  	_ =	shalt  }
0x54: {  	_ =	shalt  }
0x55: {  	_ =	shalt  }
0x56: {  	_ =	shalt  }
0x57: {  	_ =	shalt  }
0x58: {  	_ =	shalt  }
0x59: {  	_ =	shalt  }
0x5a: {  	_ =	shalt  }
0x5b: {  	_ =	shalt  }
0x5c: {  	_ =	shalt  }
0x5d: {  	_ =	shalt  }
0x5e: {  	_ =	shalt  }
0x5f: {  	_ =	shalt  }
0x60: {  	_ =	shalt  }
0x61: {  	_ =	shalt  }
0x62: {  	_ =	shalt  }
0x63: {  	_ =	shalt  }
0x64: {  	_ =	shalt  }
0x65: {  	_ =	shalt  }
0x66: {  	_ =	shalt  }
0x67: {  	_ =	shalt  }
0x68: {  	_ =	shalt  }
0x69: {  	_ =	shalt  }
0x6a: {  	_ =	shalt  }
0x6b: {  	_ =	shalt  }
0x6c: {  	_ =	shalt  }
0x6d: {  	_ =	shalt  }
0x6e: {  	_ =	shalt  }
0x6f: {  	_ =	shalt  }
0x70: {  	_ =	shalt  }
0x71: {  	_ =	shalt  }
0x72: {  	_ =	shalt  }
0x73: {  	_ =	shalt  }
0x74: {  	_ =	shalt  }
0x75: {  	_ =	shalt  }
0x76: {  	_ =	shalt  }
0x77: {  	_ =	shalt  }
0x78: {  	_ =	shalt  }
0x79: {  	_ =	shalt  }
0x7a: {  	_ =	shalt  }
0x7b: {  	_ =	shalt  }
0x7c: {  	_ =	shalt  }
0x7d: {  	_ =	shalt  }
0x7e: {  	_ =	shalt  }
0x7f: {  	_ =	shalt  }
0x80: {  	_ =	shalt  }
0x81: {  	_ =	shalt  }
0x82: {  	_ =	shalt  }
0x83: {  	_ =	shalt  }
0x84: {  	_ =	shalt  }
0x85: {  	_ =	shalt  }
0x86: {  	_ =	shalt  }
0x87: {  	_ =	shalt  }
.Lfunc_end0:
.L_simem_size_0:
called_computation_lowered:
.L_overlay_start_0:
0x88: {  	s2 =	sld [smem:$0x3FD9]  }
0x89: {  	s3 =	sld [smem:$0x3FFE];
	_ =	sdelay $0x1  }
0x8a: {  	s1 =	srdreg.scid  }
0x8b: {  	s0 =	sand.u32 $0x1, s1  }
0x8c: {  	s17 =	sshll.u32 s0, $0xA;
	s2 =	sadd.s32 s3, s2  }
0x8d: {  	s2 =	sadd.s32 s2, s17  }
0x8e: {  	[smem:$0x3FBE] =	sst s2  }
0x8f: {  	_ = 	snop  }
0x90: {  	s2 =	sld [smem:$0x3FD0];
	(tm) =	ssettm $0x1  }
0x91: {  	s18 =	sld [smem:$0x3FFB];
	_ =	sdelay $0x3  }
0x92: {  	_ =	strace s18  }
0x93: {  	s3 =	sld [smem:$0x3FFC];
	_ =	sdelay $0x3  }
0x94: {  	_ =	strace s3  }
0x95: {  	s3 =	sld [smem:$0x3FFD];
	_ =	sdelay $0x3  }
0x96: {  	_ =	strace s3  }
0x97: {  	_ =	strace $0x8FFFFFFF  }
0x98: {  	s19 =	sld [smem:$0x3FDB];
	_ =	sdelay $0x1  }
0x99: {  	s4 =	simm.s32 $_scs_section_size  }
0x9a: {  	s5 =	simm.s32 $_size__tile_overlayer_lowered;
	s6 =	simm.s32 $_tile_overlayer_lowered  }
0x9b: {  	s22 =	simm.s32 $0x1BFF;
	s21 =	sshll.u32 s6, $0x1;
	s3 =	sadd.s32 s4, s19  }
0x9c: {  	s7 =	simm.s32 $0x0;
	s20 =	sshll.u32 s5, $0x1;
	s5 =	sadd.s32 s21, s3  }
0x9d: {  	[timem:s7], [sflag:s22] =	dma.local [hbm:s5], s20  }
0x9e: {  	_ =	swait.ge [sflag:s22], s20  }
0x9f: {  	s4 =	ssub.s32 $0x0, s20;
	[sflag:s22] =	ssyncset.done $0x0  }
0xa0: {  	[sflag:s22] =	ssyncadd.s32 s4;
	_ =	sdelay $0x1  }
0xa1: {  	s23 =	simm.s32 $0x1B8B  }
0xa2: {  	_ =	swait.ge [sflag:s23], $0x1  }
0xa3: {  	[sflag:s23] =	ssyncset.done $0x0  }
0xa4: {  	s25 =	simm.s32 $0x1B8E;
	s24 =	sld [smem:$0x3FFE];
	[sflag:s23] =	ssyncadd.s32 $0xFFFFFFFF  }
0xa5: {  	s26 =	simm.s32 $execute0_lowered;
	[smem:$0x3FD2] =	sst s25  }
0xa6: {  	s5 =	sshll.u32 s26, $0x1;
	_ =	strace $0x80000046;
	[dreg:$0x1] =	wrdreg $0xFFFFFFFF  }
0xa7: {  	s28 =	simm.s32 $_size_execute0_lowered;
	s3 =	sadd.s32 s3, s5;
	[dreg:$0x0] =	wrdreg $0x0  }
0xa8: {  	s5 =	sshll.u32 s28, $0x1;
	[dreg:$0x2] =	wrdreg s3  }
0xa9: {  	[dreg:$0x3] =	wrdreg s5  }
0xaa: {  	[dreg:$0x4] =	wrdreg $0xC0  }
0xab: {  	_ =	task [dreg:s7], $0x5FFFF  }
0xac: {  	[dreg:$0x1] =	wrdreg $0xFFFFFFFF  }
0xad: {  	[dreg:$0x0] =	wrdreg $0x60  }
0xae: {  	[dreg:$0x2] =	wrdreg s24  }
0xaf: {  	[dreg:$0x3] =	wrdreg s2  }
0xb0: {  	[dreg:$0x4] =	wrdreg $0xB4500  }
0xb1: {  	[dreg:$0x5] =	wrdreg $0x9  }
0xb2: {  	_ =	task.clear_ibuf [dreg:s7], $0x6FFFF;
	_ =	strace $0x90000046  }
0xb3: {  	s29 =	simm.s32 $0x9;
	_ =	strace $0x80000048  }
0xb4: {  	_ =	swait.ge [sflag:s29], $0x1  }
0xb5: {  	[sflag:s29] =	ssyncadd.s32 $0xFFFFFFFF  }
0xb6: {  	_ =	strace $0x90000048  }
0xb7: {  	_ =	sfence  }
0xb8: {  	s30 =	sld [smem:$0x0];
	_ =	sdelay $0x2  }
0xb9: {  	s31 =	sshll.u32 s1, $0xD;
	s1 =	sshrl.u32 s1, $0x2  }
0xba: {  	s3 =	sand.u32 $0x4000, s31;
	s1 =	sadd.s32 s1, s30  }
0xbb: {  	s0 =	sor.u32 s3, s0;
	s1 =	sshll.u32 s1, $0x11  }
0xbc: {  	s0 =	sor.u32 s1, s0  }
0xbd: {  	s0 =	sadd.s32 $0x8F2B, s0  }
0xbe: {  	[sflag:s0] =	ssyncadd.remote.s32 $0x1  }
0xbf: {  	_ =	sfence.sel $0xFFFF  }
0xc0: {  	[dreg:$0x0] =	wrdreg $0xFFFFFFFF;
	(pc) =	sbr.abs _section_cstart, $3  }
0xc1: {  	[dreg:$0x1] =	wrdreg $0xFFFFFFFF  }
0xc2: {  	_ =	task.clear_ibuf [dreg:s7], $0x2FFFF;
	_ =	strace $0x9FFFFFFF  }
0xc3: {  	(tm) =	ssettm $0x7FFFFFFF  }
tec
execute0_lowered:
.L_overlay_start_1:
0x0: {  	(tag) =	ssettag $0x1  }
0x1: {  	s0 =	rddreg [dreg:$0x0]  }
0x2: {  	s2 =	rddreg [dreg:$0x1]  }
0x3: {  	s3 =	rddreg [dreg:$0x2];
	s4 =	simm.s32 $0x0;
	s13 =	stileid.u32  }
0x4: {  	s1 =	srdreg.scid;
	s15 =	simm.s32 $0x5;
	s16 =	simm.s32 $0x3E8  }
0x5: {  	s17 =	simm.s32 $0x28;
	s18 =	simm.s32 $0x4650;
	s19 =	simm.s32 $0x7350  }
0x6: {  	s20 =	simm.s32 $0x1;
	s21 =	simm.s32 $0xA050;
	s22 =	simm.s32 $0x2  }
0x7: {  	s23 =	simm.s32 $0xAA50;
	[smem:$0x7FF] =	sst s4;
	s8 =	smul.u32 $0xA000, s13  }
0x8: {  	s1 =	sand.u32 $0x1, s1;
	s5 =	sadd.s32 $0x2600, s0;
	s6 =	sadd.s32 $0x4E4600, s0  }
0x9: {  	s7 =	sadd.s32 $0x5A600, s0;
	s30 =	sshll.u32 s13, $0x6;
	s9 =	smul.u32 $0xA0000, s1  }
0xa: {  	s11 =	ssub.s32 $0x2, s1;
	s1 =	sshll.u32 s1, $0x4;
	s10 =	sshrl.u32 s8, $0x3  }
0xb: {  	s12 =	sshrl.u32 s11, $0x1;
	s1 =	sor.u32 s13, s1;
	s29 =	sadd.s32 s8, s3  }
0xc: {  	s10 =	sadd.s32 s10, s0;
	s9 =	sadd.s32 s8, s9;
	s8 =	smul.u32 $0x2710, s1  }
0xd: {  	s28 =	ssub.s32 s11, s12;
	s11 =	smul.u32 $0xFA, s1;
	s1 =	sshrl.u32 s29, $0x3  }
0xe: {  	_ =	strace $0x80000047;
	s10 =	sadd.s32 $0x64400, s10;
	[dreg:$0x8] =	wrdreg s1  }
0xf: {  	s9 =	sshrl.u32 s9, $0x3;
	s31 =	smax.u32 s28, $0x1;
	[dreg:$0x4] =	wrdreg s10  }
0x10: {  	s0 =	sadd.s32 s9, s0;
	s10 =	sor.u32 $0x1C05, s30;
	[dreg:$0x7] =	wrdreg s31  }
0x11: {  	s24 =	simm.s32 $0x3;
	s0 =	sadd.s32 $0x78400, s0;
	[dreg:$0x5] =	wrdreg s10  }
0x12: {  	s25 =	simm.s32 $0x7A8;
	s26 =	simm.s32 $0x4;
	[dreg:$0x6] =	wrdreg s0  }
.LBB2_1:
0x13: {  	s0 =	rddreg [dreg:$0x4]  }
0x14: {  	[spmem:s1], [sflag:s10] =	dma.local [hbm:s0], $0x1400  }
0x15: {  	_ =	swait.ge [sflag:s15], $0x1400  }
0x16: {  	[sflag:s15] =	ssyncset.done $0x0  }
0x17: {  	[sflag:s15] =	ssyncadd.s32 $0xFFFFEC00  }
0x18: {  	s28 =	simm.s32 $0x0;
	[bflag:$0x0] =	sbarrier.arrive $0xFFFF  }
.LBB2_2:
0x19: {  	s0 =	smul.u32 $0x19, s28;
	_ =	sdelay $0x1  }
0x1a: {  	s0 =	sadd.s32 s11, s0  }
0x1b: {  	s0 =	smul.u32 $0x5, s0;
	_ =	sdelay $0x1  }
0x1c: {  	s29 =	simm.s32 $0x0;
	s1 =	sadd.s32 s7, s0  }
0x1d: {  	[tilespmem:s29], [sflag:$0x5] =	stream.linear.gather [hbm4b:s1+s29], $0x3E8, $0x38;
	[tilespmem:$0x15450] =	vst v63  }
0x1e: {  	_ =	swait.ge [sflag:s15], $0x3E8  }
0x1f: {  	[sflag:s15] =	ssyncset.done $0x0  }
0x20: {  	s13 =	smul.u32 $0x3E8, s28;
	s0 =	sadd.s32 s2, s0;
	[sflag:s15] =	ssyncadd.s32 $0xFFFFFC18  }
0x21: {  	[tilespmem:s16], [sflag:$0x5] =	stream.linear.gather [hbm4b:s0+s29], $0x3E8, $0x38;
	[tilespmem:$0x15450] =	vst v63  }
0x22: {  	s14 =	sadd.s32 s8, s13;
	_ =	swait.ge [sflag:s15], $0x3E8  }
0x23: {  	s0 =	sshll.u32 s14, $0x1;
	[sflag:s15] =	ssyncset.done $0x0  }
0x24: {  	s30 =	simm.s32 $0x7D0;
	s0 =	sadd.s32 s6, s0;
	[sflag:s15] =	ssyncadd.s32 $0xFFFFFC18  }
0x25: {  	[tilespmem:s30], [sflag:$0x5] =	stream.linear.gather [hbm4b:s0+s29], $0x3E80, $0x38;
	[tilespmem:$0x15450] =	vst v63  }
0x26: {  	_ =	swait.ge [sflag:s15], $0x3E80  }
0x27: {  	[sflag:s15] =	ssyncset.done $0x0  }
0x28: {  	s31 =	simm.s32 $0xA50;
	[sflag:s15] =	ssyncadd.s32 $0xFFFFC180  }
0x29: {  	[tilespmem:s18], [sflag:$0x1] =	stream.indirect.gather [hbm4b:s5+s17], $0x120, s29, s17, $0xb8;
	[tilespmem:$0x15450] =	vst v63  }
.LBB2_3:
0x2a: {  	s0 =	smul.u32 $0x50, s29;
	_ =	sdelay $0x1  }
0x2b: {  	s0 =	sadd.s32 $0x28, s0  }
0x2c: {  	[tilespmem:s19], [sflag:$0x2] =	stream.indirect.gather [hbm4b:s5+s17], $0x120, s0, s17, $0xb8;
	[tilespmem:$0x15450] =	vst v63  }
0x2d: {  	_ =	swait.ge [sflag:s20], $0x2D00  }
0x2e: {  	p0 =	seq.s32 s29, $0x0;
	v1 =	vmov s30;
	[sflag:s20] =	ssyncset.done $0x0  }
0x2f: {  	s1 =	simm.s32 @!p0 $0x3;
	[sflag:s20] =	ssyncadd.s32 $0xFFFFD300  }
0x30: {  	_ =	swait.ge @!p0 [sflag:s1], $0xA00  }
0x31: {  	[sflag:s1] =	ssyncset.done @!p0 $0x0  }
0x32: {  	s14 =	simm.s32 $0x0;
	[sflag:s1] =	ssyncadd.s32 @!p0 $0xFFFFF600  }
0x33: {  	s12 =	simm.s32 $0x46E0;
	v9 =	vld.idx.msk [tilespmem:v1+s14+$0x0 ss:$0x1], $0xffff  }
0x34: {  	v2 =	vld [tilespmem:s12+$0xFFFFFFD0]  }
0x35: {  	v4 =	vld [tilespmem:s12+$0xFFFFFF70]  }
0x36: {  	v5 =	vld [tilespmem:s12+$0xFFFFFF90];
	_ =	sdelay $0x1  }
0x37: {  	v11 =	vld [tilespmem:s12+$0xFFFFFFB0]  }
0x38: {  	v8 =	vunpack.i.l.bf16.f32 v2;
	v3 =	vbroadcast v9, $0x3;
	v7 =	vbroadcast v9, $0x0  }
0x39: {  	v12 =	vunpack.i.u.bf16.f32 v4;
	v4 =	vunpack.i.l.bf16.f32 v4;
	v6 =	vbroadcast v9, $0x1  }
0x3a: {  	v13 =	vunpack.i.u.bf16.f32 v5;
	v10 =	vmul.f32 v8, v3;
	v4 =	vmul.f32 v4, v7  }
0x3b: {  	v8 =	vunpack.i.l.bf16.f32 v5;
	v5 =	vbroadcast v9, $0x2;
	v16 =	vmul.f32 v13, v6  }
0x3c: {  	v13 =	vunpack.i.l.bf16.f32 v11;
	v17 =	vmul.f32 v12, v7;
	v12 =	vld [tilespmem:s12+$0xFFFFFFF0];
	v15 =	vmul.f32 v8, v6  }
0x3d: {  	v0 =	vbroadcast v9, $0x8;
	v14 =	vmul.f32 v13, v5;
	v13 =	vunpack.i.u.bf16.f32 v2  }
0x3e: {  	s13 =	simm.s32 $0xA070;
	v2 =	vunpack.i.u.bf16.f32 v11;
	v11 =	vld [tilespmem:s12+$0x10];
	v15 =	vadd.f32 v15, v4;
	v4 =	vbroadcast v9, $0x4  }
0x3f: {  	s10 =	simm.s32 $0x40;
	s9 =	simm.s32 $0x46E0;
	s1 =	simm.s32 $0xA070;
	v8 =	vld [tilespmem:s12+$0x30];
	v16 =	vadd.f32 v16, v17;
	v17 =	vmul.f32 v2, v5;
	v2 =	vbroadcast v9, $0x7  }
.LBB2_4:
0x40: {  	p1 =	sne.s32 s10, $0x9C0;
	v14 =	vadd.f32 v14, v15;
	v15 =	vbroadcast v9, $0x5;
	v9 =	vbroadcast v9, $0x6;
	s13 =	sadd.s32 $0x40, s13;
	s12 =	sadd.s32 $0x120, s12  }
0x41: {  	v13 =	vmul.f32 v13, v3;
	s14 =	smov.u32 s10;
	s10 =	sadd.s32 $0x40, s10;
	v16 =	vadd.f32 v17, v16;
	v17 =	vunpack.i.l.bf16.f32 v12  }
0x42: {  	v12 =	vunpack.i.u.bf16.f32 v12;
	v10 =	vadd.f32 v10, v14;
	v14 =	vmul.f32 v17, v4;
	v17 =	vld [tilespmem:s9+$0x50]  }
0x43: {  	v12 =	vmul.f32 v12, v4;
	v13 =	vadd.f32 v13, v16;
	v16 =	vunpack.i.l.bf16.f32 v11  }
0x44: {  	v11 =	vunpack.i.u.bf16.f32 v11;
	v10 =	vadd.f32 v14, v10;
	v14 =	vmul.f32 v16, v15;
	v16 =	vld [tilespmem:s9+$0x70]  }
0x45: {  	s14 =	sshra.s32 s14, $0x2;
	v11 =	vmul.f32 v11, v15;
	v12 =	vadd.f32 v12, v13;
	v13 =	vunpack.i.l.bf16.f32 v8  }
0x46: {  	v8 =	vunpack.i.u.bf16.f32 v8;
	v10 =	vadd.f32 v14, v10;
	v13 =	vmul.f32 v13, v9  }
0x47: {  	v8 =	vmul.f32 v8, v9;
	v11 =	vadd.f32 v11, v12;
	v12 =	vunpack.i.l.bf16.f32 v17  }
0x48: {  	v10 =	vadd.f32 v13, v10;
	v13 =	vunpack.i.u.bf16.f32 v17;
	v12 =	vmul.f32 v12, v2  }
0x49: {  	v8 =	vadd.f32 v8, v11;
	v11 =	vmul.f32 v13, v2;
	v13 =	vunpack.i.l.bf16.f32 v16  }
0x4a: {  	v10 =	vadd.f32 v12, v10;
	v12 =	vunpack.i.u.bf16.f32 v16;
	v13 =	vmul.f32 v13, v0  }
0x4b: {  	v8 =	vadd.f32 v11, v8;
	v11 =	vmul.f32 v12, v0  }
0x4c: {  	v10 =	vadd.f32 v13, v10  }
0x4d: {  	v8 =	vadd.f32 v11, v8  }
0x4e: {  	[tilespmem:s1+$0xFFFFFFE0] =	vst v10  }
0x4f: {  	[tilespmem:s1+$0xFFFFFFF0] =	vst v8  }
0x50: {  	v8 =	vld [tilespmem:s9+$0xFFFFFF80]  }
0x51: {  	v10 =	vld [tilespmem:s9+$0xFFFFFFA0];
	_ =	sdelay $0x1  }
0x52: {  	v11 =	vld [tilespmem:s9+$0xFFFFFFC0];
	_ =	sdelay $0x1  }
0x53: {  	v12 =	vunpack.i.u.bf16.f32 v8;
	v8 =	vunpack.i.l.bf16.f32 v8;
	v13 =	vld [tilespmem:s9+$0xFFFFFFE0]  }
0x54: {  	v8 =	vmul.f32 v8, v7;
	v7 =	vmul.f32 v12, v7;
	v12 =	vunpack.i.u.bf16.f32 v10  }
0x55: {  	v10 =	vunpack.i.l.bf16.f32 v10;
	v12 =	vmul.f32 v12, v6;
	v14 =	vld [tilespmem:s9+$0x0]  }
0x56: {  	v6 =	vmul.f32 v10, v6;
	v10 =	vunpack.i.u.bf16.f32 v11;
	v11 =	vunpack.i.l.bf16.f32 v11  }
0x57: {  	v7 =	vadd.f32 v12, v7;
	v11 =	vmul.f32 v11, v5;
	v5 =	vmul.f32 v10, v5;
	v10 =	vld [tilespmem:s9+$0x20]  }
0x58: {  	v6 =	vadd.f32 v6, v8;
	v8 =	vunpack.i.u.bf16.f32 v13;
	v12 =	vunpack.i.l.bf16.f32 v13  }
0x59: {  	v5 =	vadd.f32 v5, v7;
	v7 =	vmul.f32 v12, v3;
	v3 =	vmul.f32 v8, v3;
	v8 =	vld [tilespmem:s9+$0x40]  }
0x5a: {  	v6 =	vadd.f32 v11, v6;
	v11 =	vunpack.i.u.bf16.f32 v14  }
0x5b: {  	v3 =	vadd.f32 v3, v5;
	v5 =	vunpack.i.l.bf16.f32 v14;
	v11 =	vmul.f32 v11, v4;
	v12 =	vld [tilespmem:s9+$0x60]  }
0x5c: {  	v6 =	vadd.f32 v7, v6;
	v4 =	vmul.f32 v5, v4;
	v5 =	vunpack.i.u.bf16.f32 v10  }
0x5d: {  	v7 =	vunpack.i.l.bf16.f32 v10;
	v3 =	vadd.f32 v11, v3;
	v5 =	vmul.f32 v5, v15;
	v10 =	vld [tilespmem:s9+$0x80];
	s9 =	smov.u32 s12  }
0x5e: {  	v4 =	vadd.f32 v4, v6;
	v6 =	vmul.f32 v7, v15;
	v7 =	vunpack.i.u.bf16.f32 v8  }
0x5f: {  	v3 =	vadd.f32 v5, v3;
	v5 =	vunpack.i.l.bf16.f32 v8;
	v7 =	vmul.f32 v7, v9  }
0x60: {  	v4 =	vadd.f32 v6, v4;
	v5 =	vmul.f32 v5, v9;
	v6 =	vunpack.i.u.bf16.f32 v12  }
0x61: {  	v3 =	vadd.f32 v7, v3;
	v7 =	vunpack.i.l.bf16.f32 v12;
	v6 =	vmul.f32 v6, v2  }
0x62: {  	v4 =	vadd.f32 v5, v4;
	v2 =	vmul.f32 v7, v2;
	v5 =	vunpack.i.u.bf16.f32 v10  }
0x63: {  	v3 =	vadd.f32 v6, v3;
	v6 =	vunpack.i.l.bf16.f32 v10;
	v5 =	vmul.f32 v5, v0  }
0x64: {  	v2 =	vadd.f32 v2, v4;
	v0 =	vmul.f32 v6, v0  }
0x65: {  	v3 =	vadd.f32 v5, v3  }
0x66: {  	v0 =	vadd.f32 v0, v2  }
0x67: {  	[tilespmem:s1+$0x10] =	vst v3  }
0x68: {  	[tilespmem:s1+$0x0] =	vst v0;
	s1 =	smov.u32 s13  }
0x69: {  	v9 =	vld.idx.msk [tilespmem:v1+s14+$0x0 ss:$0x1], $0xffff  }
0x6a: {  	v2 =	vld [tilespmem:s12+$0xFFFFFFD0]  }
0x6b: {  	v4 =	vld [tilespmem:s12+$0xFFFFFF70]  }
0x6c: {  	v5 =	vld [tilespmem:s12+$0xFFFFFF90]  }
0x6d: {  	v8 =	vld [tilespmem:s12+$0x30]  }
0x6e: {  	v11 =	vld [tilespmem:s12+$0xFFFFFFB0]  }
0x6f: {  	v3 =	vbroadcast v9, $0x3;
	v0 =	vbroadcast v9, $0x8;
	v10 =	vunpack.i.l.bf16.f32 v2  }
0x70: {  	v7 =	vbroadcast v9, $0x0;
	v13 =	vunpack.i.u.bf16.f32 v4;
	v4 =	vunpack.i.l.bf16.f32 v4  }
0x71: {  	v6 =	vbroadcast v9, $0x1;
	v10 =	vmul.f32 v10, v3;
	v12 =	vunpack.i.u.bf16.f32 v5  }
.Ltmp0:
0x72: {  	v4 =	vmul.f32 v4, v7;
	v14 =	vunpack.i.l.bf16.f32 v5;
	v5 =	vbroadcast v9, $0x2;
	(pc) =	sbr.rel @p1 .LBB2_4-.Ltmp0, $4  }
0x73: {  	v15 =	vmul.f32 v14, v6;
	v16 =	vmul.f32 v12, v6;
	v14 =	vunpack.i.l.bf16.f32 v11;
	v12 =	vld [tilespmem:s12+$0xFFFFFFF0]  }
0x74: {  	v17 =	vmul.f32 v13, v7;
	v13 =	vunpack.i.u.bf16.f32 v2;
	v14 =	vmul.f32 v14, v5  }
0x75: {  	v2 =	vunpack.i.u.bf16.f32 v11;
	v15 =	vadd.f32 v15, v4;
	v4 =	vbroadcast v9, $0x4;
	v11 =	vld [tilespmem:s12+$0x10]  }
0x76: {  	v16 =	vadd.f32 v16, v17;
	v17 =	vmul.f32 v2, v5;
	v2 =	vbroadcast v9, $0x7  }
0x77: {  	v1 =	vadd.f32 v14, v15;
	v14 =	vbroadcast v9, $0x5;
	v9 =	vbroadcast v9, $0x6  }
0x78: {  	v13 =	vmul.f32 v13, v3;
	v15 =	vadd.f32 v17, v16;
	v16 =	vunpack.i.l.bf16.f32 v12  }
0x79: {  	v1 =	vadd.f32 v10, v1;
	v10 =	vunpack.i.u.bf16.f32 v12;
	v12 =	vmul.f32 v16, v4;
	v16 =	vld [tilespmem:s9+$0x50]  }
0x7a: {  	v13 =	vadd.f32 v13, v15;
	v10 =	vmul.f32 v10, v4;
	v15 =	vunpack.i.l.bf16.f32 v11  }
0x7b: {  	v11 =	vunpack.i.u.bf16.f32 v11;
	v1 =	vadd.f32 v12, v1;
	v12 =	vmul.f32 v15, v14;
	v15 =	vld [tilespmem:s9+$0x70]  }
0x7c: {  	v11 =	vmul.f32 v11, v14;
	v10 =	vadd.f32 v10, v13;
	v13 =	vunpack.i.l.bf16.f32 v8  }
0x7d: {  	v8 =	vunpack.i.u.bf16.f32 v8;
	v1 =	vadd.f32 v12, v1;
	v12 =	vmul.f32 v13, v9  }
0x7e: {  	v8 =	vmul.f32 v8, v9;
	v10 =	vadd.f32 v11, v10;
	v11 =	vunpack.i.l.bf16.f32 v16  }
0x7f: {  	v1 =	vadd.f32 v12, v1;
	v12 =	vunpack.i.u.bf16.f32 v16;
	v11 =	vmul.f32 v11, v2  }
0x80: {  	v8 =	vadd.f32 v8, v10;
	v10 =	vmul.f32 v12, v2;
	v12 =	vunpack.i.l.bf16.f32 v15  }
0x81: {  	v1 =	vadd.f32 v11, v1;
	v11 =	vunpack.i.u.bf16.f32 v15;
	v12 =	vmul.f32 v12, v0  }
0x82: {  	v8 =	vadd.f32 v10, v8;
	v10 =	vmul.f32 v11, v0  }
0x83: {  	v1 =	vadd.f32 v12, v1  }
0x84: {  	v8 =	vadd.f32 v10, v8  }
0x85: {  	[tilespmem:s1+$0xFFFFFFE0] =	vst v1  }
0x86: {  	[tilespmem:s1+$0xFFFFFFF0] =	vst v8  }
0x87: {  	v1 =	vld [tilespmem:s9+$0xFFFFFF80]  }
0x88: {  	v8 =	vld [tilespmem:s9+$0xFFFFFFA0];
	_ =	sdelay $0x1  }
0x89: {  	v10 =	vld [tilespmem:s9+$0xFFFFFFC0];
	_ =	sdelay $0x1  }
0x8a: {  	v11 =	vld [tilespmem:s9+$0xFFFFFFE0]  }
0x8b: {  	v12 =	vunpack.i.u.bf16.f32 v1;
	v1 =	vunpack.i.l.bf16.f32 v1;
	v13 =	vunpack.i.u.bf16.f32 v8  }
0x8c: {  	v15 =	vld [tilespmem:s9+$0x0];
	v8 =	vunpack.i.l.bf16.f32 v8;
	v12 =	vmul.f32 v12, v7;
	v13 =	vmul.f32 v13, v6  }
0x8d: {  	v1 =	vmul.f32 v1, v7;
	v6 =	vmul.f32 v8, v6;
	v7 =	vunpack.i.u.bf16.f32 v10  }
0x8e: {  	v8 =	vunpack.i.l.bf16.f32 v10;
	v7 =	vmul.f32 v7, v5;
	v10 =	vadd.f32 v13, v12;
	v12 =	vld [tilespmem:s9+$0x20]  }
0x8f: {  	v5 =	vmul.f32 v8, v5;
	v1 =	vadd.f32 v6, v1;
	v6 =	vunpack.i.u.bf16.f32 v11  }
0x90: {  	v8 =	vunpack.i.l.bf16.f32 v11;
	v6 =	vmul.f32 v6, v3;
	v7 =	vadd.f32 v7, v10;
	v10 =	vld [tilespmem:s9+$0x40]  }
0x91: {  	v3 =	vmul.f32 v8, v3;
	v1 =	vadd.f32 v5, v1;
	v5 =	vunpack.i.u.bf16.f32 v15  }
0x92: {  	v8 =	vld [tilespmem:s9+$0x60];
	v5 =	vmul.f32 v5, v4;
	v6 =	vadd.f32 v6, v7;
	v7 =	vunpack.i.l.bf16.f32 v15  }
0x93: {  	v1 =	vadd.f32 v3, v1;
	v3 =	vmul.f32 v7, v4;
	v4 =	vunpack.i.u.bf16.f32 v12  }
0x94: {  	v7 =	vld [tilespmem:s9+$0x80];
	v5 =	vadd.f32 v5, v6;
	v6 =	vunpack.i.l.bf16.f32 v12;
	v4 =	vmul.f32 v4, v14  }
0x95: {  	v1 =	vadd.f32 v3, v1;
	v3 =	vmul.f32 v6, v14;
	v6 =	vunpack.i.u.bf16.f32 v10  }
0x96: {  	v4 =	vadd.f32 v4, v5;
	v5 =	vunpack.i.l.bf16.f32 v10;
	v6 =	vmul.f32 v6, v9  }
0x97: {  	v1 =	vadd.f32 v3, v1;
	v3 =	vmul.f32 v5, v9;
	v5 =	vunpack.i.u.bf16.f32 v8  }
0x98: {  	v4 =	vadd.f32 v6, v4;
	v6 =	vunpack.i.l.bf16.f32 v8;
	v5 =	vmul.f32 v5, v2  }
0x99: {  	v1 =	vadd.f32 v3, v1;
	v2 =	vmul.f32 v6, v2;
	v3 =	vunpack.i.u.bf16.f32 v7  }
0x9a: {  	v4 =	vadd.f32 v5, v4;
	v5 =	vunpack.i.l.bf16.f32 v7;
	v3 =	vmul.f32 v3, v0  }
0x9b: {  	v1 =	vadd.f32 v2, v1;
	v0 =	vmul.f32 v5, v0  }
0x9c: {  	s10 =	smul.u32 $0x140, s29;
	v2 =	vadd.f32 v3, v4  }
0x9d: {  	v0 =	vadd.f32 v0, v1  }
0x9e: {  	s9 =	sshra.s32 s10, $0x2;
	[tilespmem:s1+$0x10] =	vst v2  }
0x9f: {  	s12 =	sadd.s32 $0x3E8, s9;
	[tilespmem:s1+$0x0] =	vst v0  }
0xa0: {  	[spmem:s3] =	stream.indirect.scatter.add.f32 [tilespmem:s21], [sflag:$0x3], $0x40, s12, s17, $0xb8;
	[tilespmem:$0x15450] =	vst v63  }
0xa1: {  	s13 =	sadd.s32 $0x50, s9  }
0xa2: {  	[tilespmem:s18], [sflag:$0x1] =	stream.indirect.gather [hbm4b:s5+s17], $0x120, s13, s17, $0xb8;
	[tilespmem:$0x15450] =	vst v63  }
0xa3: {  	_ =	swait.ge [sflag:s22], $0x2D00  }
0xa4: {  	v1 =	vmov s31;
	[sflag:s22] =	ssyncset.done $0x0  }
0xa5: {  	s1 =	simm.s32 @!p0 $0x4;
	[sflag:s22] =	ssyncadd.s32 $0xFFFFD300  }
0xa6: {  	_ =	swait.ge @!p0 [sflag:s1], $0xA00  }
0xa7: {  	[sflag:s1] =	ssyncset.done @!p0 $0x0  }
0xa8: {  	s14 =	simm.s32 $0x0;
	[sflag:s1] =	ssyncadd.s32 @!p0 $0xFFFFF600  }
0xa9: {  	s12 =	simm.s32 $0x73E0;
	v9 =	vld.idx.msk [tilespmem:v1+s14+$0x0 ss:$0x1], $0xffff  }
0xaa: {  	v2 =	vld [tilespmem:s12+$0xFFFFFFD0]  }
0xab: {  	v4 =	vld [tilespmem:s12+$0xFFFFFF70]  }
0xac: {  	v5 =	vld [tilespmem:s12+$0xFFFFFF90];
	_ =	sdelay $0x1  }
0xad: {  	v11 =	vld [tilespmem:s12+$0xFFFFFFB0]  }
0xae: {  	v8 =	vunpack.i.l.bf16.f32 v2;
	v3 =	vbroadcast v9, $0x3;
	v7 =	vbroadcast v9, $0x0  }
0xaf: {  	v12 =	vunpack.i.u.bf16.f32 v4;
	v4 =	vunpack.i.l.bf16.f32 v4;
	v6 =	vbroadcast v9, $0x1  }
0xb0: {  	v13 =	vunpack.i.u.bf16.f32 v5;
	v10 =	vmul.f32 v8, v3;
	v4 =	vmul.f32 v4, v7  }
0xb1: {  	v8 =	vunpack.i.l.bf16.f32 v5;
	v5 =	vbroadcast v9, $0x2;
	v16 =	vmul.f32 v13, v6  }
0xb2: {  	v13 =	vunpack.i.l.bf16.f32 v11;
	v17 =	vmul.f32 v12, v7;
	v12 =	vld [tilespmem:s12+$0xFFFFFFF0];
	v15 =	vmul.f32 v8, v6  }
0xb3: {  	v0 =	vbroadcast v9, $0x8;
	v14 =	vmul.f32 v13, v5;
	v13 =	vunpack.i.u.bf16.f32 v2  }
0xb4: {  	s10 =	simm.s32 $0x40;
	v2 =	vunpack.i.u.bf16.f32 v11;
	v11 =	vld [tilespmem:s12+$0x10];
	v15 =	vadd.f32 v15, v4;
	v4 =	vbroadcast v9, $0x4  }
0xb5: {  	s9 =	simm.s32 $0x73E0;
	s13 =	simm.s32 $0xAA70;
	s1 =	simm.s32 $0xAA70;
	v8 =	vld [tilespmem:s12+$0x30];
	v16 =	vadd.f32 v16, v17;
	v17 =	vmul.f32 v2, v5;
	v2 =	vbroadcast v9, $0x7  }
.LBB2_6:
0xb6: {  	p0 =	sne.s32 s10, $0x9C0;
	v14 =	vadd.f32 v14, v15;
	v15 =	vbroadcast v9, $0x5;
	v9 =	vbroadcast v9, $0x6;
	s13 =	sadd.s32 $0x40, s13;
	s12 =	sadd.s32 $0x120, s12  }
0xb7: {  	v13 =	vmul.f32 v13, v3;
	s14 =	smov.u32 s10;
	s10 =	sadd.s32 $0x40, s10;
	v16 =	vadd.f32 v17, v16;
	v17 =	vunpack.i.l.bf16.f32 v12  }
0xb8: {  	v12 =	vunpack.i.u.bf16.f32 v12;
	v10 =	vadd.f32 v10, v14;
	v14 =	vmul.f32 v17, v4;
	v17 =	vld [tilespmem:s9+$0x50]  }
0xb9: {  	v12 =	vmul.f32 v12, v4;
	v13 =	vadd.f32 v13, v16;
	v16 =	vunpack.i.l.bf16.f32 v11  }
0xba: {  	v11 =	vunpack.i.u.bf16.f32 v11;
	v10 =	vadd.f32 v14, v10;
	v14 =	vmul.f32 v16, v15;
	v16 =	vld [tilespmem:s9+$0x70]  }
0xbb: {  	s14 =	sshra.s32 s14, $0x2;
	v11 =	vmul.f32 v11, v15;
	v12 =	vadd.f32 v12, v13;
	v13 =	vunpack.i.l.bf16.f32 v8  }
0xbc: {  	v8 =	vunpack.i.u.bf16.f32 v8;
	v10 =	vadd.f32 v14, v10;
	v13 =	vmul.f32 v13, v9  }
0xbd: {  	v8 =	vmul.f32 v8, v9;
	v11 =	vadd.f32 v11, v12;
	v12 =	vunpack.i.l.bf16.f32 v17  }
0xbe: {  	v10 =	vadd.f32 v13, v10;
	v13 =	vunpack.i.u.bf16.f32 v17;
	v12 =	vmul.f32 v12, v2  }
0xbf: {  	v8 =	vadd.f32 v8, v11;
	v11 =	vmul.f32 v13, v2;
	v13 =	vunpack.i.l.bf16.f32 v16  }
0xc0: {  	v10 =	vadd.f32 v12, v10;
	v12 =	vunpack.i.u.bf16.f32 v16;
	v13 =	vmul.f32 v13, v0  }
0xc1: {  	v8 =	vadd.f32 v11, v8;
	v11 =	vmul.f32 v12, v0  }
0xc2: {  	v10 =	vadd.f32 v13, v10  }
0xc3: {  	v8 =	vadd.f32 v11, v8  }
0xc4: {  	[tilespmem:s1+$0xFFFFFFE0] =	vst v10  }
0xc5: {  	[tilespmem:s1+$0xFFFFFFF0] =	vst v8  }
0xc6: {  	v8 =	vld [tilespmem:s9+$0xFFFFFF80]  }
0xc7: {  	v10 =	vld [tilespmem:s9+$0xFFFFFFA0];
	_ =	sdelay $0x1  }
0xc8: {  	v11 =	vld [tilespmem:s9+$0xFFFFFFC0];
	_ =	sdelay $0x1  }
0xc9: {  	v12 =	vunpack.i.u.bf16.f32 v8;
	v8 =	vunpack.i.l.bf16.f32 v8;
	v13 =	vld [tilespmem:s9+$0xFFFFFFE0]  }
0xca: {  	v8 =	vmul.f32 v8, v7;
	v7 =	vmul.f32 v12, v7;
	v12 =	vunpack.i.u.bf16.f32 v10  }
0xcb: {  	v10 =	vunpack.i.l.bf16.f32 v10;
	v12 =	vmul.f32 v12, v6;
	v14 =	vld [tilespmem:s9+$0x0]  }
0xcc: {  	v6 =	vmul.f32 v10, v6;
	v10 =	vunpack.i.u.bf16.f32 v11;
	v11 =	vunpack.i.l.bf16.f32 v11  }
0xcd: {  	v7 =	vadd.f32 v12, v7;
	v11 =	vmul.f32 v11, v5;
	v5 =	vmul.f32 v10, v5;
	v10 =	vld [tilespmem:s9+$0x20]  }
0xce: {  	v6 =	vadd.f32 v6, v8;
	v8 =	vunpack.i.u.bf16.f32 v13;
	v12 =	vunpack.i.l.bf16.f32 v13  }
0xcf: {  	v5 =	vadd.f32 v5, v7;
	v7 =	vmul.f32 v12, v3;
	v3 =	vmul.f32 v8, v3;
	v8 =	vld [tilespmem:s9+$0x40]  }
0xd0: {  	v6 =	vadd.f32 v11, v6;
	v11 =	vunpack.i.u.bf16.f32 v14  }
0xd1: {  	v3 =	vadd.f32 v3, v5;
	v5 =	vunpack.i.l.bf16.f32 v14;
	v11 =	vmul.f32 v11, v4;
	v12 =	vld [tilespmem:s9+$0x60]  }
0xd2: {  	v6 =	vadd.f32 v7, v6;
	v4 =	vmul.f32 v5, v4;
	v5 =	vunpack.i.u.bf16.f32 v10  }
0xd3: {  	v7 =	vunpack.i.l.bf16.f32 v10;
	v3 =	vadd.f32 v11, v3;
	v5 =	vmul.f32 v5, v15;
	v10 =	vld [tilespmem:s9+$0x80];
	s9 =	smov.u32 s12  }
0xd4: {  	v4 =	vadd.f32 v4, v6;
	v6 =	vmul.f32 v7, v15;
	v7 =	vunpack.i.u.bf16.f32 v8  }
0xd5: {  	v3 =	vadd.f32 v5, v3;
	v5 =	vunpack.i.l.bf16.f32 v8;
	v7 =	vmul.f32 v7, v9  }
0xd6: {  	v4 =	vadd.f32 v6, v4;
	v5 =	vmul.f32 v5, v9;
	v6 =	vunpack.i.u.bf16.f32 v12  }
0xd7: {  	v3 =	vadd.f32 v7, v3;
	v7 =	vunpack.i.l.bf16.f32 v12;
	v6 =	vmul.f32 v6, v2  }
0xd8: {  	v4 =	vadd.f32 v5, v4;
	v2 =	vmul.f32 v7, v2;
	v5 =	vunpack.i.u.bf16.f32 v10  }
0xd9: {  	v3 =	vadd.f32 v6, v3;
	v6 =	vunpack.i.l.bf16.f32 v10;
	v5 =	vmul.f32 v5, v0  }
0xda: {  	v2 =	vadd.f32 v2, v4;
	v0 =	vmul.f32 v6, v0  }
0xdb: {  	v3 =	vadd.f32 v5, v3  }
0xdc: {  	v0 =	vadd.f32 v0, v2  }
0xdd: {  	[tilespmem:s1+$0x10] =	vst v3  }
0xde: {  	[tilespmem:s1+$0x0] =	vst v0;
	s1 =	smov.u32 s13  }
0xdf: {  	v9 =	vld.idx.msk [tilespmem:v1+s14+$0x0 ss:$0x1], $0xffff  }
0xe0: {  	v2 =	vld [tilespmem:s12+$0xFFFFFFD0]  }
0xe1: {  	v4 =	vld [tilespmem:s12+$0xFFFFFF70]  }
0xe2: {  	v5 =	vld [tilespmem:s12+$0xFFFFFF90]  }
0xe3: {  	v8 =	vld [tilespmem:s12+$0x30]  }
0xe4: {  	v11 =	vld [tilespmem:s12+$0xFFFFFFB0]  }
0xe5: {  	v3 =	vbroadcast v9, $0x3;
	v0 =	vbroadcast v9, $0x8;
	v10 =	vunpack.i.l.bf16.f32 v2  }
0xe6: {  	v7 =	vbroadcast v9, $0x0;
	v13 =	vunpack.i.u.bf16.f32 v4;
	v4 =	vunpack.i.l.bf16.f32 v4  }
0xe7: {  	v6 =	vbroadcast v9, $0x1;
	v10 =	vmul.f32 v10, v3;
	v12 =	vunpack.i.u.bf16.f32 v5  }
.Ltmp1:
0xe8: {  	v4 =	vmul.f32 v4, v7;
	v14 =	vunpack.i.l.bf16.f32 v5;
	v5 =	vbroadcast v9, $0x2;
	(pc) =	sbr.rel @p0 .LBB2_6-.Ltmp1, $4  }
0xe9: {  	v15 =	vmul.f32 v14, v6;
	v16 =	vmul.f32 v12, v6;
	v14 =	vunpack.i.l.bf16.f32 v11;
	v12 =	vld [tilespmem:s12+$0xFFFFFFF0]  }
0xea: {  	v17 =	vmul.f32 v13, v7;
	v13 =	vunpack.i.u.bf16.f32 v2;
	v14 =	vmul.f32 v14, v5  }
0xeb: {  	v2 =	vunpack.i.u.bf16.f32 v11;
	v15 =	vadd.f32 v15, v4;
	v4 =	vbroadcast v9, $0x4;
	v11 =	vld [tilespmem:s12+$0x10]  }
0xec: {  	v16 =	vadd.f32 v16, v17;
	v17 =	vmul.f32 v2, v5;
	v2 =	vbroadcast v9, $0x7  }
0xed: {  	v1 =	vadd.f32 v14, v15;
	v57 =	vbroadcast v9, $0x5;
	v58 =	vbroadcast v9, $0x6  }
0xee: {  	v13 =	vmul.f32 v13, v3;
	v59 =	vadd.f32 v17, v16;
	v60 =	vunpack.i.l.bf16.f32 v12  }
0xef: {  	v63 =	vld [tilespmem:s9+$0x50];
	v61 =	vunpack.i.u.bf16.f32 v12;
	v1 =	vadd.f32 v10, v1;
	v62 =	vmul.f32 v60, v4  }
0xf0: {  	v10 =	vmul.f32 v61, v4;
	v13 =	vadd.f32 v13, v59;
	v18 =	vunpack.i.l.bf16.f32 v11  }
0xf1: {  	v21 =	vld [tilespmem:s9+$0x70];
	v19 =	vunpack.i.u.bf16.f32 v11;
	v1 =	vadd.f32 v62, v1;
	v20 =	vmul.f32 v18, v57  }
0xf2: {  	v22 =	vunpack.i.l.bf16.f32 v8;
	v11 =	vmul.f32 v19, v57;
	v10 =	vadd.f32 v10, v13  }
0xf3: {  	v23 =	vunpack.i.u.bf16.f32 v8;
	v24 =	vmul.f32 v22, v58;
	v1 =	vadd.f32 v20, v1  }
0xf4: {  	v8 =	vmul.f32 v23, v58;
	v25 =	vunpack.i.l.bf16.f32 v63;
	v10 =	vadd.f32 v11, v10  }
0xf5: {  	v26 =	vunpack.i.u.bf16.f32 v63;
	v11 =	vmul.f32 v25, v2;
	v1 =	vadd.f32 v24, v1  }
0xf6: {  	v28 =	vunpack.i.l.bf16.f32 v21;
	v27 =	vmul.f32 v26, v2;
	v8 =	vadd.f32 v8, v10  }
0xf7: {  	v29 =	vunpack.i.u.bf16.f32 v21;
	v12 =	vmul.f32 v28, v0;
	v1 =	vadd.f32 v11, v1  }
0xf8: {  	v30 =	vmul.f32 v29, v0;
	v8 =	vadd.f32 v27, v8  }
0xf9: {  	v1 =	vadd.f32 v12, v1  }
0xfa: {  	v8 =	vadd.f32 v30, v8  }
0xfb: {  	[tilespmem:s1+$0xFFFFFFE0] =	vst v1  }
0xfc: {  	[tilespmem:s1+$0xFFFFFFF0] =	vst v8  }
0xfd: {  	v1 =	vld [tilespmem:s9+$0xFFFFFF80]  }
0xfe: {  	v8 =	vld [tilespmem:s9+$0xFFFFFFA0];
	_ =	sdelay $0x1  }
0xff: {  	v31 =	vld [tilespmem:s9+$0xFFFFFFC0];
	_ =	sdelay $0x1  }
0x100: {  	v32 =	vld [tilespmem:s9+$0xFFFFFFE0]  }
0x101: {  	v33 =	vunpack.i.u.bf16.f32 v1;
	v1 =	vunpack.i.l.bf16.f32 v1;
	v34 =	vunpack.i.u.bf16.f32 v8  }
0x102: {  	v35 =	vld [tilespmem:s9+$0x0];
	v8 =	vunpack.i.l.bf16.f32 v8;
	v12 =	vmul.f32 v33, v7;
	v13 =	vmul.f32 v34, v6  }
0x103: {  	v37 =	vunpack.i.u.bf16.f32 v31;
	v1 =	vmul.f32 v1, v7;
	v36 =	vmul.f32 v8, v6  }
0x104: {  	v40 =	vld [tilespmem:s9+$0x20];
	v38 =	vunpack.i.l.bf16.f32 v31;
	v7 =	vmul.f32 v37, v5;
	v39 =	vadd.f32 v13, v12  }
0x105: {  	v42 =	vunpack.i.u.bf16.f32 v32;
	v41 =	vmul.f32 v38, v5;
	v1 =	vadd.f32 v36, v1  }
0x106: {  	v44 =	vld [tilespmem:s9+$0x40];
	v43 =	vunpack.i.l.bf16.f32 v32;
	v6 =	vmul.f32 v42, v3;
	v7 =	vadd.f32 v7, v39  }
0x107: {  	v46 =	vunpack.i.u.bf16.f32 v35;
	v45 =	vmul.f32 v43, v3;
	v1 =	vadd.f32 v41, v1  }
0x108: {  	v48 =	vld [tilespmem:s9+$0x60];
	v47 =	vunpack.i.l.bf16.f32 v35;
	v5 =	vmul.f32 v46, v4;
	v6 =	vadd.f32 v6, v7  }
0x109: {  	v50 =	vunpack.i.u.bf16.f32 v40;
	v49 =	vmul.f32 v47, v4;
	v1 =	vadd.f32 v45, v1  }
0x10a: {  	v52 =	vld [tilespmem:s9+$0x80];
	v51 =	vunpack.i.l.bf16.f32 v40;
	v4 =	vmul.f32 v50, v57;
	v5 =	vadd.f32 v5, v6  }
0x10b: {  	v54 =	vunpack.i.u.bf16.f32 v44;
	v53 =	vmul.f32 v51, v57;
	v1 =	vadd.f32 v49, v1  }
0x10c: {  	v55 =	vunpack.i.l.bf16.f32 v44;
	v6 =	vmul.f32 v54, v58;
	v4 =	vadd.f32 v4, v5  }
0x10d: {  	v56 =	vmul.f32 v55, v58;
	v57 =	vunpack.i.u.bf16.f32 v48;
	v1 =	vadd.f32 v53, v1  }
0x10e: {  	v58 =	vunpack.i.l.bf16.f32 v48;
	v5 =	vmul.f32 v57, v2;
	v4 =	vadd.f32 v6, v4  }
0x10f: {  	v60 =	vunpack.i.u.bf16.f32 v52;
	v59 =	vmul.f32 v58, v2;
	v1 =	vadd.f32 v56, v1  }
0x110: {  	s29 =	sadd.s32 $0x1, s29;
	v61 =	vunpack.i.l.bf16.f32 v52;
	v3 =	vmul.f32 v60, v0;
	v4 =	vadd.f32 v5, v4  }
0x111: {  	p0 =	sne.s32 s29, $0xC;
	v62 =	vmul.f32 v61, v0;
	v1 =	vadd.f32 v59, v1  }
.Ltmp2:
0x112: {  	v63 =	vadd.f32 v3, v4;
	(pc) =	sbr.rel @p0 .LBB2_3-.Ltmp2, $4  }
0x113: {  	v0 =	vadd.f32 v62, v1  }
0x114: {  	[tilespmem:s1+$0x10] =	vst v63  }
0x115: {  	s0 =	sadd.s32 $0x3E8, s0;
	s30 =	sadd.s32 $0x500, s30;
	s31 =	sadd.s32 $0x500, s31;
	[tilespmem:s1+$0x0] =	vst v0  }
0x116: {  	[spmem:s3] =	stream.indirect.scatter.add.f32 [tilespmem:s23], [sflag:$0x4], $0x40, s0, s17, $0xb8;
	[tilespmem:$0x15450] =	vst v63  }
0x117: {  	_ =	swait.ge [sflag:s20], $0x2D00  }
0x118: {  	[sflag:s20] =	ssyncset.done $0x0  }
0x119: {  	[sflag:s20] =	ssyncadd.s32 $0xFFFFD300  }
0x11a: {  	_ =	swait.ge [sflag:s24], $0xA00  }
0x11b: {  	[sflag:s24] =	ssyncset.done $0x0  }
0x11c: {  	s30 =	simm.s32 $0x46E0;
	[sflag:s24] =	ssyncadd.s32 $0xFFFFF600  }
0x11d: {  	s0 =	simm.s32 $0x0;
	v0 =	vld [tilespmem:s30+$0xFFFFFF90]  }
0x11e: {  	v7 =	vld [tilespmem:s0+$0x43D0]  }
0x11f: {  	v2 =	vld [tilespmem:s30+$0xFFFFFF70]  }
0x120: {  	v9 =	vld [tilespmem:s30+$0xFFFFFFD0]  }
0x121: {  	v3 =	vld [tilespmem:s30+$0xFFFFFFB0];
	_ =	sdelay $0x1  }
0x122: {  	v6 =	vunpack.i.l.bf16.f32 v0;
	v0 =	vunpack.i.u.bf16.f32 v0;
	v5 =	vbroadcast v7, $0x1  }
0x123: {  	v1 =	vbroadcast v7, $0x4;
	v10 =	vunpack.i.u.bf16.f32 v2;
	v8 =	vbroadcast v7, $0x0  }
0x124: {  	v4 =	vbroadcast v7, $0x2;
	v2 =	vunpack.i.l.bf16.f32 v2;
	v14 =	vunpack.i.u.bf16.f32 v9  }
0x125: {  	v2 =	vmul.f32 v2, v8;
	v11 =	vmul.f32 v6, v5;
	v6 =	vunpack.i.u.bf16.f32 v3  }
0x126: {  	v13 =	vld [tilespmem:s30+$0xFFFFFFF0];
	v9 =	vunpack.i.l.bf16.f32 v9;
	v12 =	vmul.f32 v6, v4;
	v6 =	vbroadcast v7, $0x3  }
0x127: {  	v0 =	vmul.f32 v0, v5;
	v3 =	vunpack.i.l.bf16.f32 v3;
	v10 =	vmul.f32 v10, v8  }
0x128: {  	v3 =	vmul.f32 v3, v4;
	v2 =	vadd.f32 v11, v2;
	v11 =	vmul.f32 v14, v6;
	v14 =	vld [tilespmem:s30+$0x10]  }
0x129: {  	v10 =	vadd.f32 v0, v10;
	v0 =	vbroadcast v7, $0x8;
	v9 =	vmul.f32 v9, v6  }
0x12a: {  	v16 =	vld [tilespmem:s30+$0x30];
	v15 =	vadd.f32 v3, v2;
	v3 =	vbroadcast v7, $0x6;
	v2 =	vbroadcast v7, $0x7  }
0x12b: {  	v10 =	vadd.f32 v12, v10;
	v12 =	vunpack.i.l.bf16.f32 v13;
	v7 =	vbroadcast v7, $0x5  }
0x12c: {  	v13 =	vunpack.i.u.bf16.f32 v13;
	v12 =	vmul.f32 v12, v1;
	v9 =	vadd.f32 v9, v15;
	v15 =	vld [tilespmem:s30+$0x50]  }
0x12d: {  	v10 =	vadd.f32 v11, v10;
	v11 =	vmul.f32 v13, v1;
	v13 =	vunpack.i.l.bf16.f32 v14  }
0x12e: {  	v9 =	vadd.f32 v12, v9;
	v12 =	vunpack.i.u.bf16.f32 v14;
	v14 =	vld [tilespmem:s30+$0x70];
	v13 =	vmul.f32 v13, v7  }
0x12f: {  	v10 =	vadd.f32 v11, v10;
	v11 =	vmul.f32 v12, v7;
	v12 =	vunpack.i.l.bf16.f32 v16  }
0x130: {  	v12 =	vmul.f32 v12, v3;
	v9 =	vadd.f32 v13, v9;
	v13 =	vunpack.i.u.bf16.f32 v16  }
0x131: {  	v10 =	vadd.f32 v11, v10;
	v11 =	vmul.f32 v13, v3;
	v13 =	vunpack.i.l.bf16.f32 v15  }
0x132: {  	v9 =	vadd.f32 v12, v9;
	v12 =	vunpack.i.u.bf16.f32 v15;
	v13 =	vmul.f32 v13, v2  }
0x133: {  	v10 =	vadd.f32 v11, v10;
	v11 =	vmul.f32 v12, v2;
	v12 =	vunpack.i.l.bf16.f32 v14  }
0x134: {  	v9 =	vadd.f32 v13, v9;
	v13 =	vunpack.i.u.bf16.f32 v14;
	v12 =	vmul.f32 v12, v0  }
0x135: {  	v10 =	vadd.f32 v11, v10;
	v11 =	vmul.f32 v13, v0  }
0x136: {  	v9 =	vadd.f32 v12, v9  }
0x137: {  	s1 =	simm.s32 $0xA070;
	v10 =	vadd.f32 v11, v10  }
0x138: {  	[tilespmem:s1+$0xFFFFFFE0] =	vst v9  }
0x139: {  	[tilespmem:s1+$0xFFFFFFF0] =	vst v10  }
0x13a: {  	v10 =	vld [tilespmem:s30+$0xFFFFFF80]  }
0x13b: {  	v15 =	vld [tilespmem:s30+$0xFFFFFFA0];
	_ =	sdelay $0x1  }
0x13c: {  	v11 =	vld [tilespmem:s30+$0xFFFFFFC0];
	_ =	sdelay $0x1  }
0x13d: {  	s12 =	simm.s32 $0x4800;
	s31 =	simm.s32 $0xA0B0;
	s13 =	simm.s32 $0x80;
	v13 =	vunpack.i.u.bf16.f32 v10;
	v12 =	vunpack.i.l.bf16.f32 v10;
	v10 =	vld [tilespmem:s30+$0xFFFFFFE0]  }
0x13e: {  	s9 =	simm.s32 $0x10;
	s29 =	simm.s32 $0x4800;
	s0 =	simm.s32 $0xA0B0;
	v9 =	vld [tilespmem:s30+$0x0];
	v14 =	vunpack.i.u.bf16.f32 v15;
	v15 =	vunpack.i.l.bf16.f32 v15;
	v12 =	vmul.f32 v12, v8  }
.LBB2_9:
0x13f: {  	p0 =	sne.s32 s13, $0x9C0;
	s12 =	sadd.s32 $0x120, s12;
	s31 =	sadd.s32 $0x40, s31;
	v8 =	vmul.f32 v13, v8;
	v13 =	vmul.f32 v15, v5  }
0x140: {  	v5 =	vmul.f32 v14, v5;
	s10 =	smov.u32 s13;
	s13 =	sadd.s32 $0x40, s13;
	v14 =	vunpack.i.u.bf16.f32 v11;
	v11 =	vunpack.i.l.bf16.f32 v11  }
0x141: {  	v12 =	vadd.f32 v13, v12;
	v11 =	vmul.f32 v11, v4;
	v4 =	vmul.f32 v14, v4;
	v13 =	vld [tilespmem:s30+$0x20]  }
0x142: {  	v5 =	vadd.f32 v5, v8;
	v8 =	vunpack.i.u.bf16.f32 v10;
	v10 =	vunpack.i.l.bf16.f32 v10  }
0x143: {  	v11 =	vadd.f32 v11, v12;
	v10 =	vmul.f32 v10, v6;
	v6 =	vmul.f32 v8, v6;
	v8 =	vld [tilespmem:s30+$0x40]  }
0x144: {  	v4 =	vadd.f32 v4, v5;
	v5 =	vunpack.i.l.bf16.f32 v9  }
0x145: {  	s10 =	sshra.s32 s10, $0x2;
	v9 =	vunpack.i.u.bf16.f32 v9;
	v5 =	vmul.f32 v5, v1;
	v10 =	vadd.f32 v10, v11;
	v11 =	vld [tilespmem:s30+$0x60]  }
0x146: {  	v1 =	vmul.f32 v9, v1;
	v4 =	vadd.f32 v6, v4;
	v6 =	vunpack.i.l.bf16.f32 v13  }
0x147: {  	v9 =	vunpack.i.u.bf16.f32 v13;
	v5 =	vadd.f32 v5, v10;
	v6 =	vmul.f32 v6, v7;
	v10 =	vld [tilespmem:s30+$0x80];
	s30 =	smov.u32 s29;
	s29 =	smov.u32 s12  }
0x148: {  	v1 =	vadd.f32 v1, v4;
	v4 =	vmul.f32 v9, v7;
	v7 =	vunpack.i.l.bf16.f32 v8  }
0x149: {  	v5 =	vadd.f32 v6, v5;
	v6 =	vunpack.i.u.bf16.f32 v8;
	v7 =	vmul.f32 v7, v3  }
0x14a: {  	v1 =	vadd.f32 v4, v1;
	v3 =	vmul.f32 v6, v3;
	v4 =	vunpack.i.l.bf16.f32 v11  }
0x14b: {  	v6 =	vunpack.i.u.bf16.f32 v11;
	v5 =	vadd.f32 v7, v5;
	v4 =	vmul.f32 v4, v2  }
0x14c: {  	v2 =	vmul.f32 v6, v2;
	v1 =	vadd.f32 v3, v1;
	v3 =	vunpack.i.l.bf16.f32 v10  }
0x14d: {  	v4 =	vadd.f32 v4, v5;
	v5 =	vunpack.i.u.bf16.f32 v10;
	v3 =	vmul.f32 v3, v0  }
0x14e: {  	v1 =	vadd.f32 v2, v1;
	v0 =	vmul.f32 v5, v0  }
0x14f: {  	v2 =	vadd.f32 v3, v4  }
0x150: {  	v0 =	vadd.f32 v0, v1  }
0x151: {  	[tilespmem:s1+$0x0] =	vst v2  }
0x152: {  	[tilespmem:s1+$0x10] =	vst v0;
	s1 =	smov.u32 s0;
	s0 =	smov.u32 s31  }
0x153: {  	v0 =	vld [tilespmem:s30+$0xFFFFFF90]  }
0x154: {  	v7 =	vld [tilespmem:s9+$0x43D0];
	s9 =	smov.u32 s10  }
0x155: {  	v2 =	vld [tilespmem:s30+$0xFFFFFF70];
	_ =	sdelay $0x1  }
0x156: {  	v3 =	vld [tilespmem:s30+$0xFFFFFFB0]  }
0x157: {  	v6 =	vunpack.i.l.bf16.f32 v0  }
0x158: {  	v0 =	vunpack.i.u.bf16.f32 v0;
	v5 =	vbroadcast v7, $0x1;
	v9 =	vld [tilespmem:s30+$0xFFFFFFD0];
	v1 =	vbroadcast v7, $0x4  }
0x159: {  	v8 =	vbroadcast v7, $0x0;
	v4 =	vbroadcast v7, $0x2;
	v10 =	vunpack.i.u.bf16.f32 v2  }
0x15a: {  	v2 =	vunpack.i.l.bf16.f32 v2;
	v0 =	vmul.f32 v0, v5  }
0x15b: {  	v2 =	vmul.f32 v2, v8;
	v11 =	vmul.f32 v6, v5;
	v6 =	vunpack.i.u.bf16.f32 v3  }
0x15c: {  	v3 =	vunpack.i.l.bf16.f32 v3;
	v12 =	vmul.f32 v6, v4;
	v6 =	vbroadcast v7, $0x3;
	v13 =	vld [tilespmem:s30+$0xFFFFFFF0]  }
0x15d: {  	v10 =	vmul.f32 v10, v8;
	v3 =	vmul.f32 v3, v4;
	v14 =	vunpack.i.u.bf16.f32 v9  }
0x15e: {  	v2 =	vadd.f32 v11, v2;
	v9 =	vunpack.i.l.bf16.f32 v9;
	v11 =	vmul.f32 v14, v6;
	v14 =	vld [tilespmem:s30+$0x10]  }
0x15f: {  	v10 =	vadd.f32 v0, v10;
	v0 =	vbroadcast v7, $0x8;
	v9 =	vmul.f32 v9, v6  }
0x160: {  	v15 =	vadd.f32 v3, v2;
	v3 =	vbroadcast v7, $0x6;
	v2 =	vbroadcast v7, $0x7;
	v16 =	vld [tilespmem:s30+$0x30]  }
0x161: {  	v10 =	vadd.f32 v12, v10;
	v7 =	vbroadcast v7, $0x5;
	v12 =	vunpack.i.l.bf16.f32 v13  }
0x162: {  	v9 =	vadd.f32 v9, v15;
	v13 =	vunpack.i.u.bf16.f32 v13;
	v12 =	vmul.f32 v12, v1;
	v15 =	vld [tilespmem:s30+$0x50]  }
0x163: {  	v10 =	vadd.f32 v11, v10;
	v11 =	vmul.f32 v13, v1;
	v13 =	vunpack.i.l.bf16.f32 v14  }
0x164: {  	v9 =	vadd.f32 v12, v9;
	v12 =	vunpack.i.u.bf16.f32 v14;
	v13 =	vmul.f32 v13, v7;
	v14 =	vld [tilespmem:s30+$0x70]  }
0x165: {  	v10 =	vadd.f32 v11, v10;
	v11 =	vmul.f32 v12, v7;
	v12 =	vunpack.i.l.bf16.f32 v16  }
0x166: {  	v9 =	vadd.f32 v13, v9;
	v13 =	vunpack.i.u.bf16.f32 v16;
	v12 =	vmul.f32 v12, v3  }
0x167: {  	v10 =	vadd.f32 v11, v10;
	v11 =	vmul.f32 v13, v3;
	v13 =	vunpack.i.l.bf16.f32 v15  }
0x168: {  	v9 =	vadd.f32 v12, v9;
	v12 =	vunpack.i.u.bf16.f32 v15;
	v13 =	vmul.f32 v13, v2  }
0x169: {  	v10 =	vadd.f32 v11, v10;
	v11 =	vmul.f32 v12, v2;
	v12 =	vunpack.i.l.bf16.f32 v14  }
0x16a: {  	v9 =	vadd.f32 v13, v9;
	v13 =	vunpack.i.u.bf16.f32 v14;
	v12 =	vmul.f32 v12, v0  }
0x16b: {  	v10 =	vadd.f32 v11, v10;
	v11 =	vmul.f32 v13, v0  }
0x16c: {  	v9 =	vadd.f32 v12, v9  }
0x16d: {  	v10 =	vadd.f32 v11, v10  }
0x16e: {  	[tilespmem:s1+$0xFFFFFFE0] =	vst v9  }
0x16f: {  	[tilespmem:s1+$0xFFFFFFF0] =	vst v10  }
0x170: {  	v10 =	vld [tilespmem:s30+$0xFFFFFF80]  }
0x171: {  	v15 =	vld [tilespmem:s30+$0xFFFFFFA0]  }
.Ltmp3:
0x172: {  	v9 =	vld [tilespmem:s30+$0x0];
	(pc) =	sbr.rel @p0 .LBB2_9-.Ltmp3, $3  }
0x173: {  	v11 =	vld [tilespmem:s30+$0xFFFFFFC0];
	_ =	sdelay $0x1  }
0x174: {  	v13 =	vunpack.i.u.bf16.f32 v10;
	v12 =	vunpack.i.l.bf16.f32 v10;
	v10 =	vld [tilespmem:s30+$0xFFFFFFE0]  }
0x175: {  	v12 =	vmul.f32 v12, v8;
	v14 =	vunpack.i.u.bf16.f32 v15;
	v15 =	vunpack.i.l.bf16.f32 v15  }
0x176: {  	v15 =	vmul.f32 v15, v5  }
0x177: {  	v8 =	vmul.f32 v13, v8;
	v20 =	vmul.f32 v14, v5;
	v21 =	vunpack.i.l.bf16.f32 v11  }
0x178: {  	v23 =	vld [tilespmem:s30+$0x20];
	v22 =	vunpack.i.u.bf16.f32 v11;
	v12 =	vadd.f32 v15, v12;
	v13 =	vmul.f32 v21, v4  }
0x179: {  	v24 =	vmul.f32 v22, v4;
	v5 =	vadd.f32 v20, v8;
	v25 =	vunpack.i.l.bf16.f32 v10  }
0x17a: {  	v28 =	vld [tilespmem:s30+$0x40];
	v26 =	vunpack.i.u.bf16.f32 v10;
	v27 =	vadd.f32 v13, v12;
	v8 =	vmul.f32 v25, v6  }
0x17b: {  	v30 =	vunpack.i.l.bf16.f32 v9;
	v29 =	vmul.f32 v26, v6;
	v4 =	vadd.f32 v24, v5  }
0x17c: {  	v31 =	vunpack.i.u.bf16.f32 v9;
	v32 =	vld [tilespmem:s30+$0x60];
	v5 =	vmul.f32 v30, v1;
	v8 =	vadd.f32 v8, v27  }
0x17d: {  	v33 =	vmul.f32 v31, v1;
	v34 =	vunpack.i.l.bf16.f32 v23;
	v4 =	vadd.f32 v29, v4  }
0x17e: {  	v36 =	vld [tilespmem:s30+$0x80];
	v35 =	vunpack.i.u.bf16.f32 v23;
	v6 =	vmul.f32 v34, v7;
	v5 =	vadd.f32 v5, v8  }
0x17f: {  	v38 =	vunpack.i.l.bf16.f32 v28;
	v37 =	vmul.f32 v35, v7;
	v1 =	vadd.f32 v33, v4  }
0x180: {  	v39 =	vunpack.i.u.bf16.f32 v28;
	v7 =	vmul.f32 v38, v3;
	v5 =	vadd.f32 v6, v5  }
0x181: {  	v41 =	vunpack.i.l.bf16.f32 v32;
	v40 =	vmul.f32 v39, v3;
	v1 =	vadd.f32 v37, v1  }
0x182: {  	v42 =	vunpack.i.u.bf16.f32 v32;
	v4 =	vmul.f32 v41, v2;
	v5 =	vadd.f32 v7, v5  }
0x183: {  	v44 =	vunpack.i.l.bf16.f32 v36;
	v43 =	vmul.f32 v42, v2;
	v1 =	vadd.f32 v40, v1  }
0x184: {  	v45 =	vunpack.i.u.bf16.f32 v36;
	v3 =	vmul.f32 v44, v0;
	v4 =	vadd.f32 v4, v5  }
0x185: {  	v46 =	vmul.f32 v45, v0;
	v1 =	vadd.f32 v43, v1  }
0x186: {  	v47 =	vadd.f32 v3, v4  }
0x187: {  	v0 =	vadd.f32 v46, v1  }
0x188: {  	[tilespmem:s1+$0x0] =	vst v47  }
0x189: {  	[tilespmem:s1+$0x10] =	vst v0  }
0x18a: {  	v0 =	vld [tilespmem:s29+$0xFFFFFF90]  }
0x18b: {  	v48 =	vld [tilespmem:s9+$0x43D0]  }
0x18c: {  	v2 =	vld [tilespmem:s29+$0xFFFFFF70]  }
0x18d: {  	v49 =	vld [tilespmem:s29+$0xFFFFFFB0];
	_ =	sdelay $0x1  }
0x18e: {  	v52 =	vld [tilespmem:s29+$0xFFFFFFD0]  }
0x18f: {  	v50 =	vunpack.i.l.bf16.f32 v0;
	v0 =	vunpack.i.u.bf16.f32 v0;
	v51 =	vbroadcast v48, $0x1  }
0x190: {  	v53 =	vbroadcast v48, $0x4;
	v54 =	vunpack.i.u.bf16.f32 v2;
	v55 =	vbroadcast v48, $0x0  }
0x191: {  	v56 =	vbroadcast v48, $0x2;
	v2 =	vunpack.i.l.bf16.f32 v2;
	v57 =	vunpack.i.u.bf16.f32 v49  }
0x192: {  	v59 =	vld [tilespmem:s29+$0xFFFFFFF0];
	v3 =	vunpack.i.l.bf16.f32 v49;
	v58 =	vbroadcast v48, $0x3;
	v20 =	vbroadcast v48, $0x8  }
0x193: {  	v60 =	vunpack.i.u.bf16.f32 v52;
	v2 =	vmul.f32 v2, v55;
	v4 =	vmul.f32 v50, v51  }
0x194: {  	v61 =	vunpack.i.l.bf16.f32 v52;
	v0 =	vmul.f32 v0, v51;
	v8 =	vmul.f32 v54, v55  }
0x195: {  	v63 =	vld [tilespmem:s29+$0x10];
	v22 =	vbroadcast v48, $0x6;
	v3 =	vmul.f32 v3, v56;
	v2 =	vadd.f32 v4, v2  }
0x196: {  	v16 =	vbroadcast v48, $0x7;
	v11 =	vmul.f32 v57, v56;
	v0 =	vadd.f32 v0, v8  }
0x197: {  	v21 =	vld [tilespmem:s29+$0x30];
	v23 =	vunpack.i.l.bf16.f32 v59;
	v4 =	vmul.f32 v61, v58;
	v2 =	vadd.f32 v3, v2  }
0x198: {  	v1 =	vbroadcast v48, $0x5;
	v62 =	vmul.f32 v60, v58;
	v0 =	vadd.f32 v11, v0  }
0x199: {  	v25 =	vld [tilespmem:s29+$0x50];
	v24 =	vunpack.i.u.bf16.f32 v59;
	v11 =	vmul.f32 v23, v53;
	v2 =	vadd.f32 v4, v2  }
0x19a: {  	v26 =	vunpack.i.l.bf16.f32 v63;
	v0 =	vadd.f32 v62, v0;
	v4 =	vmul.f32 v24, v53  }
0x19b: {  	v28 =	vld [tilespmem:s29+$0x70];
	v27 =	vunpack.i.u.bf16.f32 v63;
	v6 =	vmul.f32 v26, v1;
	v2 =	vadd.f32 v11, v2  }
0x19c: {  	v30 =	vunpack.i.l.bf16.f32 v21;
	v29 =	vmul.f32 v27, v1;
	v0 =	vadd.f32 v4, v0  }
0x19d: {  	v31 =	vmul.f32 v30, v22;
	v3 =	vunpack.i.u.bf16.f32 v21;
	v2 =	vadd.f32 v6, v2  }
0x19e: {  	v32 =	vunpack.i.l.bf16.f32 v25;
	v3 =	vmul.f32 v3, v22;
	v0 =	vadd.f32 v29, v0  }
0x19f: {  	v33 =	vunpack.i.u.bf16.f32 v25;
	v4 =	vmul.f32 v32, v16;
	v2 =	vadd.f32 v31, v2  }
0x1a0: {  	v35 =	vunpack.i.l.bf16.f32 v28;
	v34 =	vmul.f32 v33, v16;
	v0 =	vadd.f32 v3, v0  }
0x1a1: {  	v36 =	vunpack.i.u.bf16.f32 v28;
	v6 =	vmul.f32 v35, v20;
	v2 =	vadd.f32 v4, v2  }
0x1a2: {  	v37 =	vmul.f32 v36, v20;
	v0 =	vadd.f32 v34, v0  }
0x1a3: {  	v2 =	vadd.f32 v6, v2  }
0x1a4: {  	v0 =	vadd.f32 v37, v0  }
0x1a5: {  	[tilespmem:s0+$0xFFFFFFE0] =	vst v2  }
0x1a6: {  	[tilespmem:s0+$0xFFFFFFF0] =	vst v0  }
0x1a7: {  	v0 =	vld [tilespmem:s29+$0xFFFFFF80]  }
0x1a8: {  	v2 =	vld [tilespmem:s29+$0xFFFFFFA0];
	_ =	sdelay $0x1  }
0x1a9: {  	v38 =	vld [tilespmem:s29+$0xFFFFFFC0];
	_ =	sdelay $0x1  }
0x1aa: {  	v39 =	vld [tilespmem:s29+$0xFFFFFFE0]  }
0x1ab: {  	v40 =	vunpack.i.u.bf16.f32 v0;
	v0 =	vunpack.i.l.bf16.f32 v0;
	v41 =	vunpack.i.l.bf16.f32 v2  }
0x1ac: {  	v42 =	vld [tilespmem:s29+$0x0];
	v2 =	vunpack.i.u.bf16.f32 v2;
	v0 =	vmul.f32 v0, v55;
	v11 =	vmul.f32 v41, v51  }
0x1ad: {  	v43 =	vunpack.i.l.bf16.f32 v38;
	v6 =	vmul.f32 v40, v55;
	v2 =	vmul.f32 v2, v51  }
0x1ae: {  	v44 =	vld [tilespmem:s29+$0x20];
	v3 =	vunpack.i.u.bf16.f32 v38;
	v5 =	vmul.f32 v43, v56;
	v0 =	vadd.f32 v11, v0  }
0x1af: {  	v45 =	vunpack.i.l.bf16.f32 v39;
	v3 =	vmul.f32 v3, v56;
	v2 =	vadd.f32 v2, v6  }
0x1b0: {  	v47 =	vld [tilespmem:s29+$0x40];
	v4 =	vunpack.i.u.bf16.f32 v39;
	v46 =	vmul.f32 v45, v58;
	v0 =	vadd.f32 v5, v0  }
0x1b1: {  	v48 =	vunpack.i.l.bf16.f32 v42;
	v4 =	vmul.f32 v4, v58;
	v2 =	vadd.f32 v3, v2  }
0x1b2: {  	v50 =	vld [tilespmem:s29+$0x60];
	v49 =	vunpack.i.u.bf16.f32 v42;
	v3 =	vmul.f32 v48, v53;
	v0 =	vadd.f32 v46, v0  }
0x1b3: {  	v52 =	vunpack.i.l.bf16.f32 v44;
	v51 =	vmul.f32 v49, v53;
	v2 =	vadd.f32 v4, v2  }
0x1b4: {  	v54 =	vld [tilespmem:s29+$0x80];
	v53 =	vunpack.i.u.bf16.f32 v44;
	v5 =	vmul.f32 v52, v1;
	v0 =	vadd.f32 v3, v0  }
0x1b5: {  	v55 =	vunpack.i.l.bf16.f32 v47;
	v1 =	vmul.f32 v53, v1;
	v2 =	vadd.f32 v51, v2  }
0x1b6: {  	v56 =	vunpack.i.u.bf16.f32 v47;
	v3 =	vmul.f32 v55, v22;
	v0 =	vadd.f32 v5, v0  }
0x1b7: {  	v58 =	vunpack.i.l.bf16.f32 v50;
	v57 =	vmul.f32 v56, v22;
	v1 =	vadd.f32 v1, v2  }
0x1b8: {  	v59 =	vunpack.i.u.bf16.f32 v50;
	v4 =	vmul.f32 v58, v16;
	v0 =	vadd.f32 v3, v0  }
0x1b9: {  	v61 =	vunpack.i.l.bf16.f32 v54;
	v60 =	vmul.f32 v59, v16;
	v1 =	vadd.f32 v57, v1  }
0x1ba: {  	v62 =	vunpack.i.u.bf16.f32 v54;
	v3 =	vmul.f32 v61, v20;
	v0 =	vadd.f32 v4, v0  }
0x1bb: {  	v63 =	vmul.f32 v62, v20;
	v1 =	vadd.f32 v60, v1  }
0x1bc: {  	v0 =	vadd.f32 v3, v0  }
0x1bd: {  	v1 =	vadd.f32 v63, v1  }
0x1be: {  	[tilespmem:s0+$0x0] =	vst v0  }
0x1bf: {  	s28 =	sadd.s32 $0x1, s28;
	[tilespmem:s0+$0x10] =	vst v1  }
0x1c0: {  	[spmem:s3] =	stream.indirect.scatter.add.f32 [tilespmem:s21], [sflag:$0x3], $0x40, s25, s17, $0xb8;
	[tilespmem:$0x15450] =	vst v63  }
0x1c1: {  	p0 =	sne.s32 s28, $0xA;
	_ =	swait.ge [sflag:s24], $0xA00  }
.Ltmp4:
0x1c2: {  	[sflag:s24] =	ssyncset.done $0x0;
	(pc) =	sbr.rel @p0 .LBB2_2-.Ltmp4, $4  }
0x1c3: {  	[sflag:s24] =	ssyncadd.s32 $0xFFFFF600  }
0x1c4: {  	_ =	swait.ge [sflag:s26], $0xA00  }
0x1c5: {  	[sflag:s26] =	ssyncset.done $0x0  }
0x1c6: {  	[sflag:s26] =	ssyncadd.s32 $0xFFFFF600  }
0x1c7: {  	[bflag:$0x0] =	sbarrier.arrive $0xFFFF  }
0x1c8: {  	s10 =	rddreg [dreg:$0x5]  }
0x1c9: {  	s0 =	rddreg [dreg:$0x6]  }
0x1ca: {  	s1 =	rddreg [dreg:$0x8]  }
0x1cb: {  	[hbm:s0], [sflag:s10] =	dma.local [spmem:s1], $0x1400  }
0x1cc: {  	_ =	swait.ge [sflag:s15], $0x1400  }
0x1cd: {  	s4 =	sadd.s32 $0x1, s4;
	s31 =	rddreg [dreg:$0x7]  }
0x1ce: {  	p0 =	sne.s32 s4, s31  }
.Ltmp5:
0x1cf: {  	_ = 	snop;
	(pc) =	sbr.rel @p0 .LBB2_1-.Ltmp5, $3  }
0x1d0: {  	_ =	sdelay $0x1  }
0x1d1: {  	[sflag:s15] =	ssyncset.done $0x0  }
0x1d2: {  	[sflag:s15] =	ssyncadd.s32 $0xFFFFEC00  }
0x1d3: {  	_ =	sfence.sel $0x180000  }
0x1d4: {  	[bflag:$0x0] =	sbarrier.arrive $0xFFFF  }
0x1d5: {  	_ =	strace $0x90000047  }
0x1d6: {  	s0 =	stileid.u32;
	[bflag:$0x2] =	sbarrier.arrive $0xFFFF  }
0x1d7: {  	p0 =	sne.s32 s0, $0x0;
	s0 =	rddreg [dreg:$0x3]  }
0x1d8: {  	s0 =	sadd.s32 @!p0 $0x100000, s0  }
0x1d9: {  	[sflag:s0] =	ssyncadd.tile.s32 @!p0 $0x1;
	_ =	shalt  }
.Lfunc_end2:
_tile_overlayer_lowered:
.L_overlay_start_2:
0x1da: {  	(tag) =	ssettag $0x2  }
0x1db: {  	s0 =	rddreg [dreg:$0x0];
	s2 =	stileid.u32  }
0x1dc: {  	s1 =	rddreg [dreg:$0x1];
	p0 =	sne.s32 s2, $0x0  }
0x1dd: {  	s3 =	rddreg [dreg:$0x2];
	[bflag:$0x3] =	sbarrier.arrive $0xFFFF;
	s2 =	simm.s32 @!p0 $0x1C05  }
0x1de: {  	[timem:s3], [sflag:s2] =	dma.local @!p0 [hbm:s0], s1  }
0x1df: {  	s0 =	simm.s32 @!p0 $0x5  }
0x1e0: {  	_ =	swait.ge @!p0 [sflag:s0], s1  }
0x1e1: {  	s1 =	ssub.s32 @!p0 $0x0, s1;
	[sflag:s0] =	ssyncset.done @!p0 $0x0  }
0x1e2: {  	[sflag:s0] =	ssyncadd.s32 @!p0 s1  }
0x1e3: {  	[bflag:$0x3] =	sbarrier.arrive $0xFFFF  }
0x1e4: {  	_ =	shalt  }

// kernel: kernel.13.cloned.1.call-start
scs
__scs_entry_jumppad:
0x0: {  	(pc) =	sbr.rel $0x88, $3  }
0x1: {  	(tag) =	ssettag $0x0;
	lr =	simm.s32 $0x1  }
0x2: {  	[smem:$0x3F97] =	sst lr;
	_ =	strace $0xD0000000  }
0x3: {  	_ = 	snop  }
0x4: {  	_ = 	snop  }
0x5: {  	_ = 	snop  }
0x6: {  	_ = 	snop  }
0x7: {  	_ = 	snop  }
__scs_overlays_trampoline_lowered:
0x8: {  	[smem:$0x3FA6] =	sst s0  }
0x9: {  	[smem:$0x3FA7] =	sst s1  }
0xa: {  	[smem:$0x3FA8] =	sst s2  }
0xb: {  	[smem:$0x3FA9] =	sst s3  }
0xc: {  	[smem:$0x3FAA] =	sst s4  }
0xd: {  	[smem:$0x3FAB] =	sst s5  }
0xe: {  	[smem:$0x3FAC] =	sst s6  }
0xf: {  	[smem:$0x3FAD] =	sst s7  }
0x10: {  	[smem:$0x3FAE] =	sst s8  }
0x11: {  	[smem:$0x3FAF] =	sst s9;
	s0 =	simm.s32 @!p0 $0x0  }
0x12: {  	s1 =	sld [smem:$0x3F95];
	s0 =	simm.s32 @p0 $0x1  }
0x13: {  	[smem:$0x3FB0] =	sst s0;
	s0 =	simm.s32 @!p1 $0x0  }
0x14: {  	s2 =	sld [smem:$0x3F94];
	s0 =	simm.s32 @p1 $0x1  }
0x15: {  	[smem:$0x3FB1] =	sst s0;
	s0 =	simm.s32 @!p2 $0x0  }
0x16: {  	s3 =	sld [smem:$0x3FDB];
	s0 =	simm.s32 @p2 $0x1  }
0x17: {  	s4 =	simm.s32 $0x1BF5;
	[smem:$0x3FB3] =	sst s0  }
0x18: {  	s0 =	sld [smem:$0x3F96];
	_ =	swait.ge [sflag:s4], $0x0  }
0x19: {  	s7 =	sld [smem:$0x3F97]  }
0x1a: {  	s8 =	sadd.s32 $0xFFFFE003, lr  }
0x1b: {  	s9 =	sadd.s32 $0xFFFFFEF7, lr;
	s5 =	simm.s32 $0xFFFFFFFF;
	p2 =	slt.u32 s8, $0xFFFFF086  }
0x1c: {  	p1 =	slt.u32 s9, $0xF7A;
	s5 =	simm.s32 @!p2 $0x0  }
0x1d: {  	s5 =	simm.s32 @p1 $0x1;
	p0 =	seq.s32 s7, s2  }
0x1e: {  	s7 =	smul.u32 @!p0 $0xF7A, s2;
	p2 =	seq.s32 @!p0 s5, $0x0  }
0x1f: {  	s9 =	smul.u32 $0xF7A, s1;
	s8 =	simm.s32 @!p0 $0x1BF5;
	p2 =	por !p2, p0  }
0x20: {  	[sflag:s8] =	ssyncset.s32 @!p0 $0xFFFFF086;
	s6 =	sadd.s32 @!p0 s3, s7;
	s7 =	simm.s32 @!p0 $0x108  }
0x21: {  	s3 =	sadd.s32 s3, s9;
	s6 =	sadd.s32 @!p0 $0x88, s6;
	s7 =	simm.s32 @p2 $0x1082  }
0x22: {  	[simem:s7], [sflag:s8] =	dma.local @!p0 [hbm:s6], $0xF7A  }
0x23: {  	s9 =	sor.u32 $0xD0000000, s2;
	s6 =	simm.s32 $0x108;
	_ =	swait.ge @!p0 [sflag:s8], $0x0  }
0x24: {  	s3 =	sadd.s32 $0x88, s3;
	s6 =	simm.s32 @!p1 $0x1082;
	[sflag:s4] =	ssyncset.s32 $0xFFFFF086  }
0x25: {  	[simem:s6], [sflag:s4] =	dma.local [hbm:s3], $0xF7A  }
0x26: {  	[smem:$0x3F97] =	sst s1;
	(tag) =	ssettag s2;
	_ =	strace s9  }
0x27: {  	s1 =	sld [smem:$0x3FA7]  }
0x28: {  	s2 =	sld [smem:$0x3FA8]  }
0x29: {  	s4 =	sld [smem:$0x3FAA]  }
0x2a: {  	p0 =	seq.s32 s5, $0x0;
	s5 =	sld [smem:$0x3FAB]  }
0x2b: {  	s6 =	sld [smem:$0x3FAC]  }
0x2c: {  	s7 =	sld [smem:$0x3FAD]  }
0x2d: {  	s3 =	simm.s32 $0x108;
	s8 =	sld [smem:$0x3FAE]  }
0x2e: {  	s3 =	simm.s32 @!p0 $0x1082;
	s9 =	sld [smem:$0x3FAF]  }
0x2f: {  	lr =	sadd.s32 s0, s3;
	s0 =	sld [smem:$0x3FA6]  }
0x30: {  	s3 =	sld [smem:$0x3FA9]  }
0x31: {  	[smem:$0x3FB2] =	sst s10  }
0x32: {  	s10 =	sld [smem:$0x3FB0];
	_ =	sdelay $0x3  }
0x33: {  	p0 =	seq.s32 s10, $0x1;
	s10 =	sld [smem:$0x3FB2];
	_ =	sdelay $0x3  }
0x34: {  	[smem:$0x3FB2] =	sst s10  }
0x35: {  	s10 =	sld [smem:$0x3FB1];
	_ =	sdelay $0x3  }
0x36: {  	p1 =	seq.s32 s10, $0x1;
	s10 =	sld [smem:$0x3FB2];
	_ =	sdelay $0x3  }
0x37: {  	[smem:$0x3FB2] =	sst s10  }
0x38: {  	s10 =	sld [smem:$0x3FB3]  }
0x39: {  	_ = 	snop;
	(pc) =	sbr.ind lr, $3  }
0x3a: {  	_ = 	snop  }
0x3b: {  	_ = 	snop  }
0x3c: {  	p2 =	seq.s32 s10, $0x1;
	s10 =	sld [smem:$0x3FB2]  }
0x3d: {  	_ =	shalt  }
0x3e: {  	_ =	shalt  }
0x3f: {  	_ =	shalt  }
0x40: {  	_ =	shalt  }
0x41: {  	_ =	shalt  }
0x42: {  	_ =	shalt  }
0x43: {  	_ =	shalt  }
0x44: {  	_ =	shalt  }
0x45: {  	_ =	shalt  }
0x46: {  	_ =	shalt  }
0x47: {  	_ =	shalt  }
0x48: {  	_ =	shalt  }
0x49: {  	_ =	shalt  }
0x4a: {  	_ =	shalt  }
0x4b: {  	_ =	shalt  }
0x4c: {  	_ =	shalt  }
0x4d: {  	_ =	shalt  }
0x4e: {  	_ =	shalt  }
0x4f: {  	_ =	shalt  }
0x50: {  	_ =	shalt  }
0x51: {  	_ =	shalt  }
0x52: {  	_ =	shalt  }
0x53: {  	_ =	shalt  }
0x54: {  	_ =	shalt  }
0x55: {  	_ =	shalt  }
0x56: {  	_ =	shalt  }
0x57: {  	_ =	shalt  }
0x58: {  	_ =	shalt  }
0x59: {  	_ =	shalt  }
0x5a: {  	_ =	shalt  }
0x5b: {  	_ =	shalt  }
0x5c: {  	_ =	shalt  }
0x5d: {  	_ =	shalt  }
0x5e: {  	_ =	shalt  }
0x5f: {  	_ =	shalt  }
0x60: {  	_ =	shalt  }
0x61: {  	_ =	shalt  }
0x62: {  	_ =	shalt  }
0x63: {  	_ =	shalt  }
0x64: {  	_ =	shalt  }
0x65: {  	_ =	shalt  }
0x66: {  	_ =	shalt  }
0x67: {  	_ =	shalt  }
0x68: {  	_ =	shalt  }
0x69: {  	_ =	shalt  }
0x6a: {  	_ =	shalt  }
0x6b: {  	_ =	shalt  }
0x6c: {  	_ =	shalt  }
0x6d: {  	_ =	shalt  }
0x6e: {  	_ =	shalt  }
0x6f: {  	_ =	shalt  }
0x70: {  	_ =	shalt  }
0x71: {  	_ =	shalt  }
0x72: {  	_ =	shalt  }
0x73: {  	_ =	shalt  }
0x74: {  	_ =	shalt  }
0x75: {  	_ =	shalt  }
0x76: {  	_ =	shalt  }
0x77: {  	_ =	shalt  }
0x78: {  	_ =	shalt  }
0x79: {  	_ =	shalt  }
0x7a: {  	_ =	shalt  }
0x7b: {  	_ =	shalt  }
0x7c: {  	_ =	shalt  }
0x7d: {  	_ =	shalt  }
0x7e: {  	_ =	shalt  }
0x7f: {  	_ =	shalt  }
0x80: {  	_ =	shalt  }
0x81: {  	_ =	shalt  }
0x82: {  	_ =	shalt  }
0x83: {  	_ =	shalt  }
0x84: {  	_ =	shalt  }
0x85: {  	_ =	shalt  }
0x86: {  	_ =	shalt  }
0x87: {  	_ =	shalt  }
.Lfunc_end0:
.L_simem_size_0:
called_computation.1_lowered:
.L_overlay_start_0:
0x88: {  	s2 =	sld [smem:$0x3FD9]  }
0x89: {  	s3 =	sld [smem:$0x3FFE];
	_ =	sdelay $0x1  }
0x8a: {  	s1 =	srdreg.scid  }
0x8b: {  	s0 =	sand.u32 $0x1, s1  }
0x8c: {  	s17 =	sshll.u32 s0, $0xA;
	s2 =	sadd.s32 s3, s2  }
0x8d: {  	s2 =	sadd.s32 s2, s17  }
0x8e: {  	[smem:$0x3FBE] =	sst s2  }
0x8f: {  	_ = 	snop  }
0x90: {  	s2 =	sld [smem:$0x3FD0];
	(tm) =	ssettm $0x1  }
0x91: {  	s18 =	sld [smem:$0x3FFB];
	_ =	sdelay $0x3  }
0x92: {  	_ =	strace s18  }
0x93: {  	s3 =	sld [smem:$0x3FFC];
	_ =	sdelay $0x3  }
0x94: {  	_ =	strace s3  }
0x95: {  	s3 =	sld [smem:$0x3FFD];
	_ =	sdelay $0x3  }
0x96: {  	_ =	strace s3  }
0x97: {  	_ =	strace $0x8FFFFFFF  }
0x98: {  	s19 =	sld [smem:$0x3FDB];
	_ =	sdelay $0x1  }
0x99: {  	s4 =	simm.s32 $_scs_section_size  }
0x9a: {  	s5 =	simm.s32 $_size__tile_overlayer_lowered;
	s6 =	simm.s32 $_tile_overlayer_lowered  }
0x9b: {  	s22 =	simm.s32 $0x1BFF;
	s21 =	sshll.u32 s6, $0x1;
	s3 =	sadd.s32 s4, s19  }
0x9c: {  	s7 =	simm.s32 $0x0;
	s20 =	sshll.u32 s5, $0x1;
	s5 =	sadd.s32 s21, s3  }
0x9d: {  	[timem:s7], [sflag:s22] =	dma.local [hbm:s5], s20  }
0x9e: {  	_ =	swait.ge [sflag:s22], s20  }
0x9f: {  	s4 =	ssub.s32 $0x0, s20;
	[sflag:s22] =	ssyncset.done $0x0  }
0xa0: {  	[sflag:s22] =	ssyncadd.s32 s4;
	_ =	sdelay $0x1  }
0xa1: {  	s23 =	simm.s32 $0x1B8B  }
0xa2: {  	_ =	swait.ge [sflag:s23], $0x1  }
0xa3: {  	[sflag:s23] =	ssyncset.done $0x0  }
0xa4: {  	s25 =	simm.s32 $0x1B8E;
	s24 =	sld [smem:$0x3FFE];
	[sflag:s23] =	ssyncadd.s32 $0xFFFFFFFF  }
0xa5: {  	s26 =	simm.s32 $execute0_lowered;
	[smem:$0x3FD2] =	sst s25  }
0xa6: {  	s5 =	sshll.u32 s26, $0x1;
	_ =	strace $0x80000049;
	[dreg:$0x1] =	wrdreg $0xFFFFFFFF  }
0xa7: {  	s28 =	simm.s32 $_size_execute0_lowered;
	s3 =	sadd.s32 s3, s5;
	[dreg:$0x0] =	wrdreg $0x0  }
0xa8: {  	s5 =	sshll.u32 s28, $0x1;
	[dreg:$0x2] =	wrdreg s3  }
0xa9: {  	[dreg:$0x3] =	wrdreg s5  }
0xaa: {  	[dreg:$0x4] =	wrdreg $0xC0  }
0xab: {  	_ =	task [dreg:s7], $0x5FFFF  }
0xac: {  	[dreg:$0x1] =	wrdreg $0xFFFFFFFF  }
0xad: {  	[dreg:$0x0] =	wrdreg $0x60  }
0xae: {  	[dreg:$0x2] =	wrdreg s24  }
0xaf: {  	[dreg:$0x3] =	wrdreg s2  }
0xb0: {  	[dreg:$0x4] =	wrdreg $0xB4500  }
0xb1: {  	[dreg:$0x5] =	wrdreg $0x9  }
0xb2: {  	_ =	task.clear_ibuf [dreg:s7], $0x6FFFF;
	_ =	strace $0x90000049  }
0xb3: {  	s29 =	simm.s32 $0x9;
	_ =	strace $0x8000004B  }
0xb4: {  	_ =	swait.ge [sflag:s29], $0x1  }
0xb5: {  	[sflag:s29] =	ssyncadd.s32 $0xFFFFFFFF  }
0xb6: {  	_ =	strace $0x9000004B  }
0xb7: {  	_ =	sfence  }
0xb8: {  	s30 =	sld [smem:$0x0];
	_ =	sdelay $0x2  }
0xb9: {  	s31 =	sshll.u32 s1, $0xD;
	s1 =	sshrl.u32 s1, $0x2  }
0xba: {  	s3 =	sand.u32 $0x4000, s31;
	s1 =	sadd.s32 s1, s30  }
0xbb: {  	s0 =	sor.u32 s3, s0;
	s1 =	sshll.u32 s1, $0x11  }
0xbc: {  	s0 =	sor.u32 s1, s0  }
0xbd: {  	s0 =	sadd.s32 $0x8F2B, s0  }
0xbe: {  	[sflag:s0] =	ssyncadd.remote.s32 $0x1  }
0xbf: {  	_ =	sfence.sel $0xFFFF  }
0xc0: {  	[dreg:$0x0] =	wrdreg $0xFFFFFFFF;
	(pc) =	sbr.abs _section_cstart, $3  }
0xc1: {  	[dreg:$0x1] =	wrdreg $0xFFFFFFFF  }
0xc2: {  	_ =	task.clear_ibuf [dreg:s7], $0x2FFFF;
	_ =	strace $0x9FFFFFFF  }
0xc3: {  	(tm) =	ssettm $0x7FFFFFFF  }
tec
execute0_lowered:
.L_overlay_start_1:
0x0: {  	(tag) =	ssettag $0x1  }
0x1: {  	s0 =	rddreg [dreg:$0x0]  }
0x2: {  	s2 =	rddreg [dreg:$0x1]  }
0x3: {  	s3 =	rddreg [dreg:$0x2];
	s4 =	simm.s32 $0x0;
	s13 =	stileid.u32  }
0x4: {  	s1 =	srdreg.scid;
	s15 =	simm.s32 $0x5;
	s16 =	simm.s32 $0x3E8  }
0x5: {  	s17 =	simm.s32 $0x28;
	s18 =	simm.s32 $0x4650;
	s19 =	simm.s32 $0x7350  }
0x6: {  	s20 =	simm.s32 $0x1;
	s21 =	simm.s32 $0xA050;
	s22 =	simm.s32 $0x2  }
0x7: {  	s23 =	simm.s32 $0xAA50;
	[smem:$0x7FF] =	sst s4;
	s8 =	smul.u32 $0xA000, s13  }
0x8: {  	s1 =	sand.u32 $0x1, s1;
	s5 =	sadd.s32 $0x2600, s0;
	s6 =	sadd.s32 $0x4E4600, s0  }
0x9: {  	s7 =	sadd.s32 $0x5A600, s0;
	s30 =	sshll.u32 s13, $0x6;
	s9 =	smul.u32 $0xA0000, s1  }
0xa: {  	s11 =	ssub.s32 $0x2, s1;
	s1 =	sshll.u32 s1, $0x4;
	s10 =	sshrl.u32 s8, $0x3  }
0xb: {  	s12 =	sshrl.u32 s11, $0x1;
	s1 =	sor.u32 s13, s1;
	s29 =	sadd.s32 s8, s3  }
0xc: {  	s10 =	sadd.s32 s10, s0;
	s9 =	sadd.s32 s8, s9;
	s8 =	smul.u32 $0x2710, s1  }
0xd: {  	s28 =	ssub.s32 s11, s12;
	s11 =	smul.u32 $0xFA, s1;
	s1 =	sshrl.u32 s29, $0x3  }
0xe: {  	_ =	strace $0x8000004A;
	s10 =	sadd.s32 $0x64400, s10;
	[dreg:$0x8] =	wrdreg s1  }
0xf: {  	s9 =	sshrl.u32 s9, $0x3;
	s31 =	smax.u32 s28, $0x1;
	[dreg:$0x4] =	wrdreg s10  }
0x10: {  	s0 =	sadd.s32 s9, s0;
	s10 =	sor.u32 $0x1C05, s30;
	[dreg:$0x7] =	wrdreg s31  }
0x11: {  	s24 =	simm.s32 $0x3;
	s0 =	sadd.s32 $0x78400, s0;
	[dreg:$0x5] =	wrdreg s10  }
0x12: {  	s25 =	simm.s32 $0x7A8;
	s26 =	simm.s32 $0x4;
	[dreg:$0x6] =	wrdreg s0  }
.LBB2_1:
0x13: {  	s0 =	rddreg [dreg:$0x4]  }
0x14: {  	[spmem:s1], [sflag:s10] =	dma.local [hbm:s0], $0x1400  }
0x15: {  	_ =	swait.ge [sflag:s15], $0x1400  }
0x16: {  	[sflag:s15] =	ssyncset.done $0x0  }
0x17: {  	[sflag:s15] =	ssyncadd.s32 $0xFFFFEC00  }
0x18: {  	s28 =	simm.s32 $0x0;
	[bflag:$0x0] =	sbarrier.arrive $0xFFFF  }
.LBB2_2:
0x19: {  	s0 =	smul.u32 $0x19, s28;
	_ =	sdelay $0x1  }
0x1a: {  	s0 =	sadd.s32 s11, s0  }
0x1b: {  	s0 =	smul.u32 $0x5, s0;
	_ =	sdelay $0x1  }
0x1c: {  	s29 =	simm.s32 $0x0;
	s1 =	sadd.s32 s7, s0  }
0x1d: {  	[tilespmem:s29], [sflag:$0x5] =	stream.linear.gather [hbm4b:s1+s29], $0x3E8, $0x38;
	[tilespmem:$0x15450] =	vst v63  }
0x1e: {  	_ =	swait.ge [sflag:s15], $0x3E8  }
0x1f: {  	[sflag:s15] =	ssyncset.done $0x0  }
0x20: {  	s13 =	smul.u32 $0x3E8, s28;
	s0 =	sadd.s32 s2, s0;
	[sflag:s15] =	ssyncadd.s32 $0xFFFFFC18  }
0x21: {  	[tilespmem:s16], [sflag:$0x5] =	stream.linear.gather [hbm4b:s0+s29], $0x3E8, $0x38;
	[tilespmem:$0x15450] =	vst v63  }
0x22: {  	s14 =	sadd.s32 s8, s13;
	_ =	swait.ge [sflag:s15], $0x3E8  }
0x23: {  	s0 =	sshll.u32 s14, $0x1;
	[sflag:s15] =	ssyncset.done $0x0  }
0x24: {  	s30 =	simm.s32 $0x7D0;
	s0 =	sadd.s32 s6, s0;
	[sflag:s15] =	ssyncadd.s32 $0xFFFFFC18  }
0x25: {  	[tilespmem:s30], [sflag:$0x5] =	stream.linear.gather [hbm4b:s0+s29], $0x3E80, $0x38;
	[tilespmem:$0x15450] =	vst v63  }
0x26: {  	_ =	swait.ge [sflag:s15], $0x3E80  }
0x27: {  	[sflag:s15] =	ssyncset.done $0x0  }
0x28: {  	s31 =	simm.s32 $0xA50;
	[sflag:s15] =	ssyncadd.s32 $0xFFFFC180  }
0x29: {  	[tilespmem:s18], [sflag:$0x1] =	stream.indirect.gather [hbm4b:s5+s17], $0x120, s29, s17, $0xb8;
	[tilespmem:$0x15450] =	vst v63  }
.LBB2_3:
0x2a: {  	s0 =	smul.u32 $0x50, s29;
	_ =	sdelay $0x1  }
0x2b: {  	s0 =	sadd.s32 $0x28, s0  }
0x2c: {  	[tilespmem:s19], [sflag:$0x2] =	stream.indirect.gather [hbm4b:s5+s17], $0x120, s0, s17, $0xb8;
	[tilespmem:$0x15450] =	vst v63  }
0x2d: {  	_ =	swait.ge [sflag:s20], $0x2D00  }
0x2e: {  	p0 =	seq.s32 s29, $0x0;
	v1 =	vmov s30;
	[sflag:s20] =	ssyncset.done $0x0  }
0x2f: {  	s1 =	simm.s32 @!p0 $0x3;
	[sflag:s20] =	ssyncadd.s32 $0xFFFFD300  }
0x30: {  	_ =	swait.ge @!p0 [sflag:s1], $0xA00  }
0x31: {  	[sflag:s1] =	ssyncset.done @!p0 $0x0  }
0x32: {  	s14 =	simm.s32 $0x0;
	[sflag:s1] =	ssyncadd.s32 @!p0 $0xFFFFF600  }
0x33: {  	s12 =	simm.s32 $0x46E0;
	v9 =	vld.idx.msk [tilespmem:v1+s14+$0x0 ss:$0x1], $0xffff  }
0x34: {  	v2 =	vld [tilespmem:s12+$0xFFFFFFD0]  }
0x35: {  	v4 =	vld [tilespmem:s12+$0xFFFFFF70]  }
0x36: {  	v5 =	vld [tilespmem:s12+$0xFFFFFF90];
	_ =	sdelay $0x1  }
0x37: {  	v11 =	vld [tilespmem:s12+$0xFFFFFFB0]  }
0x38: {  	v8 =	vunpack.i.l.bf16.f32 v2;
	v3 =	vbroadcast v9, $0x3;
	v7 =	vbroadcast v9, $0x0  }
0x39: {  	v12 =	vunpack.i.u.bf16.f32 v4;
	v4 =	vunpack.i.l.bf16.f32 v4;
	v6 =	vbroadcast v9, $0x1  }
0x3a: {  	v13 =	vunpack.i.u.bf16.f32 v5;
	v10 =	vmul.f32 v8, v3;
	v4 =	vmul.f32 v4, v7  }
0x3b: {  	v8 =	vunpack.i.l.bf16.f32 v5;
	v5 =	vbroadcast v9, $0x2;
	v16 =	vmul.f32 v13, v6  }
0x3c: {  	v13 =	vunpack.i.l.bf16.f32 v11;
	v17 =	vmul.f32 v12, v7;
	v12 =	vld [tilespmem:s12+$0xFFFFFFF0];
	v15 =	vmul.f32 v8, v6  }
0x3d: {  	v0 =	vbroadcast v9, $0x8;
	v14 =	vmul.f32 v13, v5;
	v13 =	vunpack.i.u.bf16.f32 v2  }
0x3e: {  	s13 =	simm.s32 $0xA070;
	v2 =	vunpack.i.u.bf16.f32 v11;
	v11 =	vld [tilespmem:s12+$0x10];
	v15 =	vadd.f32 v15, v4;
	v4 =	vbroadcast v9, $0x4  }
0x3f: {  	s10 =	simm.s32 $0x40;
	s9 =	simm.s32 $0x46E0;
	s1 =	simm.s32 $0xA070;
	v8 =	vld [tilespmem:s12+$0x30];
	v16 =	vadd.f32 v16, v17;
	v17 =	vmul.f32 v2, v5;
	v2 =	vbroadcast v9, $0x7  }
.LBB2_4:
0x40: {  	p1 =	sne.s32 s10, $0x9C0;
	v14 =	vadd.f32 v14, v15;
	v15 =	vbroadcast v9, $0x5;
	v9 =	vbroadcast v9, $0x6;
	s13 =	sadd.s32 $0x40, s13;
	s12 =	sadd.s32 $0x120, s12  }
0x41: {  	v13 =	vmul.f32 v13, v3;
	s14 =	smov.u32 s10;
	s10 =	sadd.s32 $0x40, s10;
	v16 =	vadd.f32 v17, v16;
	v17 =	vunpack.i.l.bf16.f32 v12  }
0x42: {  	v12 =	vunpack.i.u.bf16.f32 v12;
	v10 =	vadd.f32 v10, v14;
	v14 =	vmul.f32 v17, v4;
	v17 =	vld [tilespmem:s9+$0x50]  }
0x43: {  	v12 =	vmul.f32 v12, v4;
	v13 =	vadd.f32 v13, v16;
	v16 =	vunpack.i.l.bf16.f32 v11  }
0x44: {  	v11 =	vunpack.i.u.bf16.f32 v11;
	v10 =	vadd.f32 v14, v10;
	v14 =	vmul.f32 v16, v15;
	v16 =	vld [tilespmem:s9+$0x70]  }
0x45: {  	s14 =	sshra.s32 s14, $0x2;
	v11 =	vmul.f32 v11, v15;
	v12 =	vadd.f32 v12, v13;
	v13 =	vunpack.i.l.bf16.f32 v8  }
0x46: {  	v8 =	vunpack.i.u.bf16.f32 v8;
	v10 =	vadd.f32 v14, v10;
	v13 =	vmul.f32 v13, v9  }
0x47: {  	v8 =	vmul.f32 v8, v9;
	v11 =	vadd.f32 v11, v12;
	v12 =	vunpack.i.l.bf16.f32 v17  }
0x48: {  	v10 =	vadd.f32 v13, v10;
	v13 =	vunpack.i.u.bf16.f32 v17;
	v12 =	vmul.f32 v12, v2  }
0x49: {  	v8 =	vadd.f32 v8, v11;
	v11 =	vmul.f32 v13, v2;
	v13 =	vunpack.i.l.bf16.f32 v16  }
0x4a: {  	v10 =	vadd.f32 v12, v10;
	v12 =	vunpack.i.u.bf16.f32 v16;
	v13 =	vmul.f32 v13, v0  }
0x4b: {  	v8 =	vadd.f32 v11, v8;
	v11 =	vmul.f32 v12, v0  }
0x4c: {  	v10 =	vadd.f32 v13, v10  }
0x4d: {  	v8 =	vadd.f32 v11, v8  }
0x4e: {  	[tilespmem:s1+$0xFFFFFFE0] =	vst v10  }
0x4f: {  	[tilespmem:s1+$0xFFFFFFF0] =	vst v8  }
0x50: {  	v8 =	vld [tilespmem:s9+$0xFFFFFF80]  }
0x51: {  	v10 =	vld [tilespmem:s9+$0xFFFFFFA0];
	_ =	sdelay $0x1  }
0x52: {  	v11 =	vld [tilespmem:s9+$0xFFFFFFC0];
	_ =	sdelay $0x1  }
0x53: {  	v12 =	vunpack.i.u.bf16.f32 v8;
	v8 =	vunpack.i.l.bf16.f32 v8;
	v13 =	vld [tilespmem:s9+$0xFFFFFFE0]  }
0x54: {  	v8 =	vmul.f32 v8, v7;
	v7 =	vmul.f32 v12, v7;
	v12 =	vunpack.i.u.bf16.f32 v10  }
0x55: {  	v10 =	vunpack.i.l.bf16.f32 v10;
	v12 =	vmul.f32 v12, v6;
	v14 =	vld [tilespmem:s9+$0x0]  }
0x56: {  	v6 =	vmul.f32 v10, v6;
	v10 =	vunpack.i.u.bf16.f32 v11;
	v11 =	vunpack.i.l.bf16.f32 v11  }
0x57: {  	v7 =	vadd.f32 v12, v7;
	v11 =	vmul.f32 v11, v5;
	v5 =	vmul.f32 v10, v5;
	v10 =	vld [tilespmem:s9+$0x20]  }
0x58: {  	v6 =	vadd.f32 v6, v8;
	v8 =	vunpack.i.u.bf16.f32 v13;
	v12 =	vunpack.i.l.bf16.f32 v13  }
0x59: {  	v5 =	vadd.f32 v5, v7;
	v7 =	vmul.f32 v12, v3;
	v3 =	vmul.f32 v8, v3;
	v8 =	vld [tilespmem:s9+$0x40]  }
0x5a: {  	v6 =	vadd.f32 v11, v6;
	v11 =	vunpack.i.u.bf16.f32 v14  }
0x5b: {  	v3 =	vadd.f32 v3, v5;
	v5 =	vunpack.i.l.bf16.f32 v14;
	v11 =	vmul.f32 v11, v4;
	v12 =	vld [tilespmem:s9+$0x60]  }
0x5c: {  	v6 =	vadd.f32 v7, v6;
	v4 =	vmul.f32 v5, v4;
	v5 =	vunpack.i.u.bf16.f32 v10  }
0x5d: {  	v7 =	vunpack.i.l.bf16.f32 v10;
	v3 =	vadd.f32 v11, v3;
	v5 =	vmul.f32 v5, v15;
	v10 =	vld [tilespmem:s9+$0x80];
	s9 =	smov.u32 s12  }
0x5e: {  	v4 =	vadd.f32 v4, v6;
	v6 =	vmul.f32 v7, v15;
	v7 =	vunpack.i.u.bf16.f32 v8  }
0x5f: {  	v3 =	vadd.f32 v5, v3;
	v5 =	vunpack.i.l.bf16.f32 v8;
	v7 =	vmul.f32 v7, v9  }
0x60: {  	v4 =	vadd.f32 v6, v4;
	v5 =	vmul.f32 v5, v9;
	v6 =	vunpack.i.u.bf16.f32 v12  }
0x61: {  	v3 =	vadd.f32 v7, v3;
	v7 =	vunpack.i.l.bf16.f32 v12;
	v6 =	vmul.f32 v6, v2  }
0x62: {  	v4 =	vadd.f32 v5, v4;
	v2 =	vmul.f32 v7, v2;
	v5 =	vunpack.i.u.bf16.f32 v10  }
0x63: {  	v3 =	vadd.f32 v6, v3;
	v6 =	vunpack.i.l.bf16.f32 v10;
	v5 =	vmul.f32 v5, v0  }
0x64: {  	v2 =	vadd.f32 v2, v4;
	v0 =	vmul.f32 v6, v0  }
0x65: {  	v3 =	vadd.f32 v5, v3  }
0x66: {  	v0 =	vadd.f32 v0, v2  }
0x67: {  	[tilespmem:s1+$0x10] =	vst v3  }
0x68: {  	[tilespmem:s1+$0x0] =	vst v0;
	s1 =	smov.u32 s13  }
0x69: {  	v9 =	vld.idx.msk [tilespmem:v1+s14+$0x0 ss:$0x1], $0xffff  }
0x6a: {  	v2 =	vld [tilespmem:s12+$0xFFFFFFD0]  }
0x6b: {  	v4 =	vld [tilespmem:s12+$0xFFFFFF70]  }
0x6c: {  	v5 =	vld [tilespmem:s12+$0xFFFFFF90]  }
0x6d: {  	v8 =	vld [tilespmem:s12+$0x30]  }
0x6e: {  	v11 =	vld [tilespmem:s12+$0xFFFFFFB0]  }
0x6f: {  	v3 =	vbroadcast v9, $0x3;
	v0 =	vbroadcast v9, $0x8;
	v10 =	vunpack.i.l.bf16.f32 v2  }
0x70: {  	v7 =	vbroadcast v9, $0x0;
	v13 =	vunpack.i.u.bf16.f32 v4;
	v4 =	vunpack.i.l.bf16.f32 v4  }
0x71: {  	v6 =	vbroadcast v9, $0x1;
	v10 =	vmul.f32 v10, v3;
	v12 =	vunpack.i.u.bf16.f32 v5  }
.Ltmp0:
0x72: {  	v4 =	vmul.f32 v4, v7;
	v14 =	vunpack.i.l.bf16.f32 v5;
	v5 =	vbroadcast v9, $0x2;
	(pc) =	sbr.rel @p1 .LBB2_4-.Ltmp0, $4  }
0x73: {  	v15 =	vmul.f32 v14, v6;
	v16 =	vmul.f32 v12, v6;
	v14 =	vunpack.i.l.bf16.f32 v11;
	v12 =	vld [tilespmem:s12+$0xFFFFFFF0]  }
0x74: {  	v17 =	vmul.f32 v13, v7;
	v13 =	vunpack.i.u.bf16.f32 v2;
	v14 =	vmul.f32 v14, v5  }
0x75: {  	v2 =	vunpack.i.u.bf16.f32 v11;
	v15 =	vadd.f32 v15, v4;
	v4 =	vbroadcast v9, $0x4;
	v11 =	vld [tilespmem:s12+$0x10]  }
0x76: {  	v16 =	vadd.f32 v16, v17;
	v17 =	vmul.f32 v2, v5;
	v2 =	vbroadcast v9, $0x7  }
0x77: {  	v1 =	vadd.f32 v14, v15;
	v14 =	vbroadcast v9, $0x5;
	v9 =	vbroadcast v9, $0x6  }
0x78: {  	v13 =	vmul.f32 v13, v3;
	v15 =	vadd.f32 v17, v16;
	v16 =	vunpack.i.l.bf16.f32 v12  }
0x79: {  	v1 =	vadd.f32 v10, v1;
	v10 =	vunpack.i.u.bf16.f32 v12;
	v12 =	vmul.f32 v16, v4;
	v16 =	vld [tilespmem:s9+$0x50]  }
0x7a: {  	v13 =	vadd.f32 v13, v15;
	v10 =	vmul.f32 v10, v4;
	v15 =	vunpack.i.l.bf16.f32 v11  }
0x7b: {  	v11 =	vunpack.i.u.bf16.f32 v11;
	v1 =	vadd.f32 v12, v1;
	v12 =	vmul.f32 v15, v14;
	v15 =	vld [tilespmem:s9+$0x70]  }
0x7c: {  	v11 =	vmul.f32 v11, v14;
	v10 =	vadd.f32 v10, v13;
	v13 =	vunpack.i.l.bf16.f32 v8  }
0x7d: {  	v8 =	vunpack.i.u.bf16.f32 v8;
	v1 =	vadd.f32 v12, v1;
	v12 =	vmul.f32 v13, v9  }
0x7e: {  	v8 =	vmul.f32 v8, v9;
	v10 =	vadd.f32 v11, v10;
	v11 =	vunpack.i.l.bf16.f32 v16  }
0x7f: {  	v1 =	vadd.f32 v12, v1;
	v12 =	vunpack.i.u.bf16.f32 v16;
	v11 =	vmul.f32 v11, v2  }
0x80: {  	v8 =	vadd.f32 v8, v10;
	v10 =	vmul.f32 v12, v2;
	v12 =	vunpack.i.l.bf16.f32 v15  }
0x81: {  	v1 =	vadd.f32 v11, v1;
	v11 =	vunpack.i.u.bf16.f32 v15;
	v12 =	vmul.f32 v12, v0  }
0x82: {  	v8 =	vadd.f32 v10, v8;
	v10 =	vmul.f32 v11, v0  }
0x83: {  	v1 =	vadd.f32 v12, v1  }
0x84: {  	v8 =	vadd.f32 v10, v8  }
0x85: {  	[tilespmem:s1+$0xFFFFFFE0] =	vst v1  }
0x86: {  	[tilespmem:s1+$0xFFFFFFF0] =	vst v8  }
0x87: {  	v1 =	vld [tilespmem:s9+$0xFFFFFF80]  }
0x88: {  	v8 =	vld [tilespmem:s9+$0xFFFFFFA0];
	_ =	sdelay $0x1  }
0x89: {  	v10 =	vld [tilespmem:s9+$0xFFFFFFC0];
	_ =	sdelay $0x1  }
0x8a: {  	v11 =	vld [tilespmem:s9+$0xFFFFFFE0]  }
0x8b: {  	v12 =	vunpack.i.u.bf16.f32 v1;
	v1 =	vunpack.i.l.bf16.f32 v1;
	v13 =	vunpack.i.u.bf16.f32 v8  }
0x8c: {  	v15 =	vld [tilespmem:s9+$0x0];
	v8 =	vunpack.i.l.bf16.f32 v8;
	v12 =	vmul.f32 v12, v7;
	v13 =	vmul.f32 v13, v6  }
0x8d: {  	v1 =	vmul.f32 v1, v7;
	v6 =	vmul.f32 v8, v6;
	v7 =	vunpack.i.u.bf16.f32 v10  }
0x8e: {  	v8 =	vunpack.i.l.bf16.f32 v10;
	v7 =	vmul.f32 v7, v5;
	v10 =	vadd.f32 v13, v12;
	v12 =	vld [tilespmem:s9+$0x20]  }
0x8f: {  	v5 =	vmul.f32 v8, v5;
	v1 =	vadd.f32 v6, v1;
	v6 =	vunpack.i.u.bf16.f32 v11  }
0x90: {  	v8 =	vunpack.i.l.bf16.f32 v11;
	v6 =	vmul.f32 v6, v3;
	v7 =	vadd.f32 v7, v10;
	v10 =	vld [tilespmem:s9+$0x40]  }
0x91: {  	v3 =	vmul.f32 v8, v3;
	v1 =	vadd.f32 v5, v1;
	v5 =	vunpack.i.u.bf16.f32 v15  }
0x92: {  	v8 =	vld [tilespmem:s9+$0x60];
	v5 =	vmul.f32 v5, v4;
	v6 =	vadd.f32 v6, v7;
	v7 =	vunpack.i.l.bf16.f32 v15  }
0x93: {  	v1 =	vadd.f32 v3, v1;
	v3 =	vmul.f32 v7, v4;
	v4 =	vunpack.i.u.bf16.f32 v12  }
0x94: {  	v7 =	vld [tilespmem:s9+$0x80];
	v5 =	vadd.f32 v5, v6;
	v6 =	vunpack.i.l.bf16.f32 v12;
	v4 =	vmul.f32 v4, v14  }
0x95: {  	v1 =	vadd.f32 v3, v1;
	v3 =	vmul.f32 v6, v14;
	v6 =	vunpack.i.u.bf16.f32 v10  }
0x96: {  	v4 =	vadd.f32 v4, v5;
	v5 =	vunpack.i.l.bf16.f32 v10;
	v6 =	vmul.f32 v6, v9  }
0x97: {  	v1 =	vadd.f32 v3, v1;
	v3 =	vmul.f32 v5, v9;
	v5 =	vunpack.i.u.bf16.f32 v8  }
0x98: {  	v4 =	vadd.f32 v6, v4;
	v6 =	vunpack.i.l.bf16.f32 v8;
	v5 =	vmul.f32 v5, v2  }
0x99: {  	v1 =	vadd.f32 v3, v1;
	v2 =	vmul.f32 v6, v2;
	v3 =	vunpack.i.u.bf16.f32 v7  }
0x9a: {  	v4 =	vadd.f32 v5, v4;
	v5 =	vunpack.i.l.bf16.f32 v7;
	v3 =	vmul.f32 v3, v0  }
0x9b: {  	v1 =	vadd.f32 v2, v1;
	v0 =	vmul.f32 v5, v0  }
0x9c: {  	s10 =	smul.u32 $0x140, s29;
	v2 =	vadd.f32 v3, v4  }
0x9d: {  	v0 =	vadd.f32 v0, v1  }
0x9e: {  	s9 =	sshra.s32 s10, $0x2;
	[tilespmem:s1+$0x10] =	vst v2  }
0x9f: {  	s12 =	sadd.s32 $0x3E8, s9;
	[tilespmem:s1+$0x0] =	vst v0  }
0xa0: {  	[spmem:s3] =	stream.indirect.scatter.add.f32 [tilespmem:s21], [sflag:$0x3], $0x40, s12, s17, $0xb8;
	[tilespmem:$0x15450] =	vst v63  }
0xa1: {  	s13 =	sadd.s32 $0x50, s9  }
0xa2: {  	[tilespmem:s18], [sflag:$0x1] =	stream.indirect.gather [hbm4b:s5+s17], $0x120, s13, s17, $0xb8;
	[tilespmem:$0x15450] =	vst v63  }
0xa3: {  	_ =	swait.ge [sflag:s22], $0x2D00  }
0xa4: {  	v1 =	vmov s31;
	[sflag:s22] =	ssyncset.done $0x0  }
0xa5: {  	s1 =	simm.s32 @!p0 $0x4;
	[sflag:s22] =	ssyncadd.s32 $0xFFFFD300  }
0xa6: {  	_ =	swait.ge @!p0 [sflag:s1], $0xA00  }
0xa7: {  	[sflag:s1] =	ssyncset.done @!p0 $0x0  }
0xa8: {  	s14 =	simm.s32 $0x0;
	[sflag:s1] =	ssyncadd.s32 @!p0 $0xFFFFF600  }
0xa9: {  	s12 =	simm.s32 $0x73E0;
	v9 =	vld.idx.msk [tilespmem:v1+s14+$0x0 ss:$0x1], $0xffff  }
0xaa: {  	v2 =	vld [tilespmem:s12+$0xFFFFFFD0]  }
0xab: {  	v4 =	vld [tilespmem:s12+$0xFFFFFF70]  }
0xac: {  	v5 =	vld [tilespmem:s12+$0xFFFFFF90];
	_ =	sdelay $0x1  }
0xad: {  	v11 =	vld [tilespmem:s12+$0xFFFFFFB0]  }
0xae: {  	v8 =	vunpack.i.l.bf16.f32 v2;
	v3 =	vbroadcast v9, $0x3;
	v7 =	vbroadcast v9, $0x0  }
0xaf: {  	v12 =	vunpack.i.u.bf16.f32 v4;
	v4 =	vunpack.i.l.bf16.f32 v4;
	v6 =	vbroadcast v9, $0x1  }
0xb0: {  	v13 =	vunpack.i.u.bf16.f32 v5;
	v10 =	vmul.f32 v8, v3;
	v4 =	vmul.f32 v4, v7  }
0xb1: {  	v8 =	vunpack.i.l.bf16.f32 v5;
	v5 =	vbroadcast v9, $0x2;
	v16 =	vmul.f32 v13, v6  }
0xb2: {  	v13 =	vunpack.i.l.bf16.f32 v11;
	v17 =	vmul.f32 v12, v7;
	v12 =	vld [tilespmem:s12+$0xFFFFFFF0];
	v15 =	vmul.f32 v8, v6  }
0xb3: {  	v0 =	vbroadcast v9, $0x8;
	v14 =	vmul.f32 v13, v5;
	v13 =	vunpack.i.u.bf16.f32 v2  }
0xb4: {  	s10 =	simm.s32 $0x40;
	v2 =	vunpack.i.u.bf16.f32 v11;
	v11 =	vld [tilespmem:s12+$0x10];
	v15 =	vadd.f32 v15, v4;
	v4 =	vbroadcast v9, $0x4  }
0xb5: {  	s9 =	simm.s32 $0x73E0;
	s13 =	simm.s32 $0xAA70;
	s1 =	simm.s32 $0xAA70;
	v8 =	vld [tilespmem:s12+$0x30];
	v16 =	vadd.f32 v16, v17;
	v17 =	vmul.f32 v2, v5;
	v2 =	vbroadcast v9, $0x7  }
.LBB2_6:
0xb6: {  	p0 =	sne.s32 s10, $0x9C0;
	v14 =	vadd.f32 v14, v15;
	v15 =	vbroadcast v9, $0x5;
	v9 =	vbroadcast v9, $0x6;
	s13 =	sadd.s32 $0x40, s13;
	s12 =	sadd.s32 $0x120, s12  }
0xb7: {  	v13 =	vmul.f32 v13, v3;
	s14 =	smov.u32 s10;
	s10 =	sadd.s32 $0x40, s10;
	v16 =	vadd.f32 v17, v16;
	v17 =	vunpack.i.l.bf16.f32 v12  }
0xb8: {  	v12 =	vunpack.i.u.bf16.f32 v12;
	v10 =	vadd.f32 v10, v14;
	v14 =	vmul.f32 v17, v4;
	v17 =	vld [tilespmem:s9+$0x50]  }
0xb9: {  	v12 =	vmul.f32 v12, v4;
	v13 =	vadd.f32 v13, v16;
	v16 =	vunpack.i.l.bf16.f32 v11  }
0xba: {  	v11 =	vunpack.i.u.bf16.f32 v11;
	v10 =	vadd.f32 v14, v10;
	v14 =	vmul.f32 v16, v15;
	v16 =	vld [tilespmem:s9+$0x70]  }
0xbb: {  	s14 =	sshra.s32 s14, $0x2;
	v11 =	vmul.f32 v11, v15;
	v12 =	vadd.f32 v12, v13;
	v13 =	vunpack.i.l.bf16.f32 v8  }
0xbc: {  	v8 =	vunpack.i.u.bf16.f32 v8;
	v10 =	vadd.f32 v14, v10;
	v13 =	vmul.f32 v13, v9  }
0xbd: {  	v8 =	vmul.f32 v8, v9;
	v11 =	vadd.f32 v11, v12;
	v12 =	vunpack.i.l.bf16.f32 v17  }
0xbe: {  	v10 =	vadd.f32 v13, v10;
	v13 =	vunpack.i.u.bf16.f32 v17;
	v12 =	vmul.f32 v12, v2  }
0xbf: {  	v8 =	vadd.f32 v8, v11;
	v11 =	vmul.f32 v13, v2;
	v13 =	vunpack.i.l.bf16.f32 v16  }
0xc0: {  	v10 =	vadd.f32 v12, v10;
	v12 =	vunpack.i.u.bf16.f32 v16;
	v13 =	vmul.f32 v13, v0  }
0xc1: {  	v8 =	vadd.f32 v11, v8;
	v11 =	vmul.f32 v12, v0  }
0xc2: {  	v10 =	vadd.f32 v13, v10  }
0xc3: {  	v8 =	vadd.f32 v11, v8  }
0xc4: {  	[tilespmem:s1+$0xFFFFFFE0] =	vst v10  }
0xc5: {  	[tilespmem:s1+$0xFFFFFFF0] =	vst v8  }
0xc6: {  	v8 =	vld [tilespmem:s9+$0xFFFFFF80]  }
0xc7: {  	v10 =	vld [tilespmem:s9+$0xFFFFFFA0];
	_ =	sdelay $0x1  }
0xc8: {  	v11 =	vld [tilespmem:s9+$0xFFFFFFC0];
	_ =	sdelay $0x1  }
0xc9: {  	v12 =	vunpack.i.u.bf16.f32 v8;
	v8 =	vunpack.i.l.bf16.f32 v8;
	v13 =	vld [tilespmem:s9+$0xFFFFFFE0]  }
0xca: {  	v8 =	vmul.f32 v8, v7;
	v7 =	vmul.f32 v12, v7;
	v12 =	vunpack.i.u.bf16.f32 v10  }
0xcb: {  	v10 =	vunpack.i.l.bf16.f32 v10;
	v12 =	vmul.f32 v12, v6;
	v14 =	vld [tilespmem:s9+$0x0]  }
0xcc: {  	v6 =	vmul.f32 v10, v6;
	v10 =	vunpack.i.u.bf16.f32 v11;
	v11 =	vunpack.i.l.bf16.f32 v11  }
0xcd: {  	v7 =	vadd.f32 v12, v7;
	v11 =	vmul.f32 v11, v5;
	v5 =	vmul.f32 v10, v5;
	v10 =	vld [tilespmem:s9+$0x20]  }
0xce: {  	v6 =	vadd.f32 v6, v8;
	v8 =	vunpack.i.u.bf16.f32 v13;
	v12 =	vunpack.i.l.bf16.f32 v13  }
0xcf: {  	v5 =	vadd.f32 v5, v7;
	v7 =	vmul.f32 v12, v3;
	v3 =	vmul.f32 v8, v3;
	v8 =	vld [tilespmem:s9+$0x40]  }
0xd0: {  	v6 =	vadd.f32 v11, v6;
	v11 =	vunpack.i.u.bf16.f32 v14  }
0xd1: {  	v3 =	vadd.f32 v3, v5;
	v5 =	vunpack.i.l.bf16.f32 v14;
	v11 =	vmul.f32 v11, v4;
	v12 =	vld [tilespmem:s9+$0x60]  }
0xd2: {  	v6 =	vadd.f32 v7, v6;
	v4 =	vmul.f32 v5, v4;
	v5 =	vunpack.i.u.bf16.f32 v10  }
0xd3: {  	v7 =	vunpack.i.l.bf16.f32 v10;
	v3 =	vadd.f32 v11, v3;
	v5 =	vmul.f32 v5, v15;
	v10 =	vld [tilespmem:s9+$0x80];
	s9 =	smov.u32 s12  }
0xd4: {  	v4 =	vadd.f32 v4, v6;
	v6 =	vmul.f32 v7, v15;
	v7 =	vunpack.i.u.bf16.f32 v8  }
0xd5: {  	v3 =	vadd.f32 v5, v3;
	v5 =	vunpack.i.l.bf16.f32 v8;
	v7 =	vmul.f32 v7, v9  }
0xd6: {  	v4 =	vadd.f32 v6, v4;
	v5 =	vmul.f32 v5, v9;
	v6 =	vunpack.i.u.bf16.f32 v12  }
0xd7: {  	v3 =	vadd.f32 v7, v3;
	v7 =	vunpack.i.l.bf16.f32 v12;
	v6 =	vmul.f32 v6, v2  }
0xd8: {  	v4 =	vadd.f32 v5, v4;
	v2 =	vmul.f32 v7, v2;
	v5 =	vunpack.i.u.bf16.f32 v10  }
0xd9: {  	v3 =	vadd.f32 v6, v3;
	v6 =	vunpack.i.l.bf16.f32 v10;
	v5 =	vmul.f32 v5, v0  }
0xda: {  	v2 =	vadd.f32 v2, v4;
	v0 =	vmul.f32 v6, v0  }
0xdb: {  	v3 =	vadd.f32 v5, v3  }
0xdc: {  	v0 =	vadd.f32 v0, v2  }
0xdd: {  	[tilespmem:s1+$0x10] =	vst v3  }
0xde: {  	[tilespmem:s1+$0x0] =	vst v0;
	s1 =	smov.u32 s13  }
0xdf: {  	v9 =	vld.idx.msk [tilespmem:v1+s14+$0x0 ss:$0x1], $0xffff  }
0xe0: {  	v2 =	vld [tilespmem:s12+$0xFFFFFFD0]  }
0xe1: {  	v4 =	vld [tilespmem:s12+$0xFFFFFF70]  }
0xe2: {  	v5 =	vld [tilespmem:s12+$0xFFFFFF90]  }
0xe3: {  	v8 =	vld [tilespmem:s12+$0x30]  }
0xe4: {  	v11 =	vld [tilespmem:s12+$0xFFFFFFB0]  }
0xe5: {  	v3 =	vbroadcast v9, $0x3;
	v0 =	vbroadcast v9, $0x8;
	v10 =	vunpack.i.l.bf16.f32 v2  }
0xe6: {  	v7 =	vbroadcast v9, $0x0;
	v13 =	vunpack.i.u.bf16.f32 v4;
	v4 =	vunpack.i.l.bf16.f32 v4  }
0xe7: {  	v6 =	vbroadcast v9, $0x1;
	v10 =	vmul.f32 v10, v3;
	v12 =	vunpack.i.u.bf16.f32 v5  }
.Ltmp1:
0xe8: {  	v4 =	vmul.f32 v4, v7;
	v14 =	vunpack.i.l.bf16.f32 v5;
	v5 =	vbroadcast v9, $0x2;
	(pc) =	sbr.rel @p0 .LBB2_6-.Ltmp1, $4  }
0xe9: {  	v15 =	vmul.f32 v14, v6;
	v16 =	vmul.f32 v12, v6;
	v14 =	vunpack.i.l.bf16.f32 v11;
	v12 =	vld [tilespmem:s12+$0xFFFFFFF0]  }
0xea: {  	v17 =	vmul.f32 v13, v7;
	v13 =	vunpack.i.u.bf16.f32 v2;
	v14 =	vmul.f32 v14, v5  }
0xeb: {  	v2 =	vunpack.i.u.bf16.f32 v11;
	v15 =	vadd.f32 v15, v4;
	v4 =	vbroadcast v9, $0x4;
	v11 =	vld [tilespmem:s12+$0x10]  }
0xec: {  	v16 =	vadd.f32 v16, v17;
	v17 =	vmul.f32 v2, v5;
	v2 =	vbroadcast v9, $0x7  }
0xed: {  	v1 =	vadd.f32 v14, v15;
	v57 =	vbroadcast v9, $0x5;
	v58 =	vbroadcast v9, $0x6  }
0xee: {  	v13 =	vmul.f32 v13, v3;
	v59 =	vadd.f32 v17, v16;
	v60 =	vunpack.i.l.bf16.f32 v12  }
0xef: {  	v63 =	vld [tilespmem:s9+$0x50];
	v61 =	vunpack.i.u.bf16.f32 v12;
	v1 =	vadd.f32 v10, v1;
	v62 =	vmul.f32 v60, v4  }
0xf0: {  	v10 =	vmul.f32 v61, v4;
	v13 =	vadd.f32 v13, v59;
	v18 =	vunpack.i.l.bf16.f32 v11  }
0xf1: {  	v21 =	vld [tilespmem:s9+$0x70];
	v19 =	vunpack.i.u.bf16.f32 v11;
	v1 =	vadd.f32 v62, v1;
	v20 =	vmul.f32 v18, v57  }
0xf2: {  	v22 =	vunpack.i.l.bf16.f32 v8;
	v11 =	vmul.f32 v19, v57;
	v10 =	vadd.f32 v10, v13  }
0xf3: {  	v23 =	vunpack.i.u.bf16.f32 v8;
	v24 =	vmul.f32 v22, v58;
	v1 =	vadd.f32 v20, v1  }
0xf4: {  	v8 =	vmul.f32 v23, v58;
	v25 =	vunpack.i.l.bf16.f32 v63;
	v10 =	vadd.f32 v11, v10  }
0xf5: {  	v26 =	vunpack.i.u.bf16.f32 v63;
	v11 =	vmul.f32 v25, v2;
	v1 =	vadd.f32 v24, v1  }
0xf6: {  	v28 =	vunpack.i.l.bf16.f32 v21;
	v27 =	vmul.f32 v26, v2;
	v8 =	vadd.f32 v8, v10  }
0xf7: {  	v29 =	vunpack.i.u.bf16.f32 v21;
	v12 =	vmul.f32 v28, v0;
	v1 =	vadd.f32 v11, v1  }
0xf8: {  	v30 =	vmul.f32 v29, v0;
	v8 =	vadd.f32 v27, v8  }
0xf9: {  	v1 =	vadd.f32 v12, v1  }
0xfa: {  	v8 =	vadd.f32 v30, v8  }
0xfb: {  	[tilespmem:s1+$0xFFFFFFE0] =	vst v1  }
0xfc: {  	[tilespmem:s1+$0xFFFFFFF0] =	vst v8  }
0xfd: {  	v1 =	vld [tilespmem:s9+$0xFFFFFF80]  }
0xfe: {  	v8 =	vld [tilespmem:s9+$0xFFFFFFA0];
	_ =	sdelay $0x1  }
0xff: {  	v31 =	vld [tilespmem:s9+$0xFFFFFFC0];
	_ =	sdelay $0x1  }
0x100: {  	v32 =	vld [tilespmem:s9+$0xFFFFFFE0]  }
0x101: {  	v33 =	vunpack.i.u.bf16.f32 v1;
	v1 =	vunpack.i.l.bf16.f32 v1;
	v34 =	vunpack.i.u.bf16.f32 v8  }
0x102: {  	v35 =	vld [tilespmem:s9+$0x0];
	v8 =	vunpack.i.l.bf16.f32 v8;
	v12 =	vmul.f32 v33, v7;
	v13 =	vmul.f32 v34, v6  }
0x103: {  	v37 =	vunpack.i.u.bf16.f32 v31;
	v1 =	vmul.f32 v1, v7;
	v36 =	vmul.f32 v8, v6  }
0x104: {  	v40 =	vld [tilespmem:s9+$0x20];
	v38 =	vunpack.i.l.bf16.f32 v31;
	v7 =	vmul.f32 v37, v5;
	v39 =	vadd.f32 v13, v12  }
0x105: {  	v42 =	vunpack.i.u.bf16.f32 v32;
	v41 =	vmul.f32 v38, v5;
	v1 =	vadd.f32 v36, v1  }
0x106: {  	v44 =	vld [tilespmem:s9+$0x40];
	v43 =	vunpack.i.l.bf16.f32 v32;
	v6 =	vmul.f32 v42, v3;
	v7 =	vadd.f32 v7, v39  }
0x107: {  	v46 =	vunpack.i.u.bf16.f32 v35;
	v45 =	vmul.f32 v43, v3;
	v1 =	vadd.f32 v41, v1  }
0x108: {  	v48 =	vld [tilespmem:s9+$0x60];
	v47 =	vunpack.i.l.bf16.f32 v35;
	v5 =	vmul.f32 v46, v4;
	v6 =	vadd.f32 v6, v7  }
0x109: {  	v50 =	vunpack.i.u.bf16.f32 v40;
	v49 =	vmul.f32 v47, v4;
	v1 =	vadd.f32 v45, v1  }
0x10a: {  	v52 =	vld [tilespmem:s9+$0x80];
	v51 =	vunpack.i.l.bf16.f32 v40;
	v4 =	vmul.f32 v50, v57;
	v5 =	vadd.f32 v5, v6  }
0x10b: {  	v54 =	vunpack.i.u.bf16.f32 v44;
	v53 =	vmul.f32 v51, v57;
	v1 =	vadd.f32 v49, v1  }
0x10c: {  	v55 =	vunpack.i.l.bf16.f32 v44;
	v6 =	vmul.f32 v54, v58;
	v4 =	vadd.f32 v4, v5  }
0x10d: {  	v56 =	vmul.f32 v55, v58;
	v57 =	vunpack.i.u.bf16.f32 v48;
	v1 =	vadd.f32 v53, v1  }
0x10e: {  	v58 =	vunpack.i.l.bf16.f32 v48;
	v5 =	vmul.f32 v57, v2;
	v4 =	vadd.f32 v6, v4  }
0x10f: {  	v60 =	vunpack.i.u.bf16.f32 v52;
	v59 =	vmul.f32 v58, v2;
	v1 =	vadd.f32 v56, v1  }
0x110: {  	s29 =	sadd.s32 $0x1, s29;
	v61 =	vunpack.i.l.bf16.f32 v52;
	v3 =	vmul.f32 v60, v0;
	v4 =	vadd.f32 v5, v4  }
0x111: {  	p0 =	sne.s32 s29, $0xC;
	v62 =	vmul.f32 v61, v0;
	v1 =	vadd.f32 v59, v1  }
.Ltmp2:
0x112: {  	v63 =	vadd.f32 v3, v4;
	(pc) =	sbr.rel @p0 .LBB2_3-.Ltmp2, $4  }
0x113: {  	v0 =	vadd.f32 v62, v1  }
0x114: {  	[tilespmem:s1+$0x10] =	vst v63  }
0x115: {  	s0 =	sadd.s32 $0x3E8, s0;
	s30 =	sadd.s32 $0x500, s30;
	s31 =	sadd.s32 $0x500, s31;
	[tilespmem:s1+$0x0] =	vst v0  }
0x116: {  	[spmem:s3] =	stream.indirect.scatter.add.f32 [tilespmem:s23], [sflag:$0x4], $0x40, s0, s17, $0xb8;
	[tilespmem:$0x15450] =	vst v63  }
0x117: {  	_ =	swait.ge [sflag:s20], $0x2D00  }
0x118: {  	[sflag:s20] =	ssyncset.done $0x0  }
0x119: {  	[sflag:s20] =	ssyncadd.s32 $0xFFFFD300  }
0x11a: {  	_ =	swait.ge [sflag:s24], $0xA00  }
0x11b: {  	[sflag:s24] =	ssyncset.done $0x0  }
0x11c: {  	s30 =	simm.s32 $0x46E0;
	[sflag:s24] =	ssyncadd.s32 $0xFFFFF600  }
0x11d: {  	s0 =	simm.s32 $0x0;
	v0 =	vld [tilespmem:s30+$0xFFFFFF90]  }
0x11e: {  	v7 =	vld [tilespmem:s0+$0x43D0]  }
0x11f: {  	v2 =	vld [tilespmem:s30+$0xFFFFFF70]  }
0x120: {  	v9 =	vld [tilespmem:s30+$0xFFFFFFD0]  }
0x121: {  	v3 =	vld [tilespmem:s30+$0xFFFFFFB0];
	_ =	sdelay $0x1  }
0x122: {  	v6 =	vunpack.i.l.bf16.f32 v0;
	v0 =	vunpack.i.u.bf16.f32 v0;
	v5 =	vbroadcast v7, $0x1  }
0x123: {  	v1 =	vbroadcast v7, $0x4;
	v10 =	vunpack.i.u.bf16.f32 v2;
	v8 =	vbroadcast v7, $0x0  }
0x124: {  	v4 =	vbroadcast v7, $0x2;
	v2 =	vunpack.i.l.bf16.f32 v2;
	v14 =	vunpack.i.u.bf16.f32 v9  }
0x125: {  	v2 =	vmul.f32 v2, v8;
	v11 =	vmul.f32 v6, v5;
	v6 =	vunpack.i.u.bf16.f32 v3  }
0x126: {  	v13 =	vld [tilespmem:s30+$0xFFFFFFF0];
	v9 =	vunpack.i.l.bf16.f32 v9;
	v12 =	vmul.f32 v6, v4;
	v6 =	vbroadcast v7, $0x3  }
0x127: {  	v0 =	vmul.f32 v0, v5;
	v3 =	vunpack.i.l.bf16.f32 v3;
	v10 =	vmul.f32 v10, v8  }
0x128: {  	v3 =	vmul.f32 v3, v4;
	v2 =	vadd.f32 v11, v2;
	v11 =	vmul.f32 v14, v6;
	v14 =	vld [tilespmem:s30+$0x10]  }
0x129: {  	v10 =	vadd.f32 v0, v10;
	v0 =	vbroadcast v7, $0x8;
	v9 =	vmul.f32 v9, v6  }
0x12a: {  	v16 =	vld [tilespmem:s30+$0x30];
	v15 =	vadd.f32 v3, v2;
	v3 =	vbroadcast v7, $0x6;
	v2 =	vbroadcast v7, $0x7  }
0x12b: {  	v10 =	vadd.f32 v12, v10;
	v12 =	vunpack.i.l.bf16.f32 v13;
	v7 =	vbroadcast v7, $0x5  }
0x12c: {  	v13 =	vunpack.i.u.bf16.f32 v13;
	v12 =	vmul.f32 v12, v1;
	v9 =	vadd.f32 v9, v15;
	v15 =	vld [tilespmem:s30+$0x50]  }
0x12d: {  	v10 =	vadd.f32 v11, v10;
	v11 =	vmul.f32 v13, v1;
	v13 =	vunpack.i.l.bf16.f32 v14  }
0x12e: {  	v9 =	vadd.f32 v12, v9;
	v12 =	vunpack.i.u.bf16.f32 v14;
	v14 =	vld [tilespmem:s30+$0x70];
	v13 =	vmul.f32 v13, v7  }
0x12f: {  	v10 =	vadd.f32 v11, v10;
	v11 =	vmul.f32 v12, v7;
	v12 =	vunpack.i.l.bf16.f32 v16  }
0x130: {  	v12 =	vmul.f32 v12, v3;
	v9 =	vadd.f32 v13, v9;
	v13 =	vunpack.i.u.bf16.f32 v16  }
0x131: {  	v10 =	vadd.f32 v11, v10;
	v11 =	vmul.f32 v13, v3;
	v13 =	vunpack.i.l.bf16.f32 v15  }
0x132: {  	v9 =	vadd.f32 v12, v9;
	v12 =	vunpack.i.u.bf16.f32 v15;
	v13 =	vmul.f32 v13, v2  }
0x133: {  	v10 =	vadd.f32 v11, v10;
	v11 =	vmul.f32 v12, v2;
	v12 =	vunpack.i.l.bf16.f32 v14  }
0x134: {  	v9 =	vadd.f32 v13, v9;
	v13 =	vunpack.i.u.bf16.f32 v14;
	v12 =	vmul.f32 v12, v0  }
0x135: {  	v10 =	vadd.f32 v11, v10;
	v11 =	vmul.f32 v13, v0  }
0x136: {  	v9 =	vadd.f32 v12, v9  }
0x137: {  	s1 =	simm.s32 $0xA070;
	v10 =	vadd.f32 v11, v10  }
0x138: {  	[tilespmem:s1+$0xFFFFFFE0] =	vst v9  }
0x139: {  	[tilespmem:s1+$0xFFFFFFF0] =	vst v10  }
0x13a: {  	v10 =	vld [tilespmem:s30+$0xFFFFFF80]  }
0x13b: {  	v15 =	vld [tilespmem:s30+$0xFFFFFFA0];
	_ =	sdelay $0x1  }
0x13c: {  	v11 =	vld [tilespmem:s30+$0xFFFFFFC0];
	_ =	sdelay $0x1  }
0x13d: {  	s12 =	simm.s32 $0x4800;
	s31 =	simm.s32 $0xA0B0;
	s13 =	simm.s32 $0x80;
	v13 =	vunpack.i.u.bf16.f32 v10;
	v12 =	vunpack.i.l.bf16.f32 v10;
	v10 =	vld [tilespmem:s30+$0xFFFFFFE0]  }
0x13e: {  	s9 =	simm.s32 $0x10;
	s29 =	simm.s32 $0x4800;
	s0 =	simm.s32 $0xA0B0;
	v9 =	vld [tilespmem:s30+$0x0];
	v14 =	vunpack.i.u.bf16.f32 v15;
	v15 =	vunpack.i.l.bf16.f32 v15;
	v12 =	vmul.f32 v12, v8  }
.LBB2_9:
0x13f: {  	p0 =	sne.s32 s13, $0x9C0;
	s12 =	sadd.s32 $0x120, s12;
	s31 =	sadd.s32 $0x40, s31;
	v8 =	vmul.f32 v13, v8;
	v13 =	vmul.f32 v15, v5  }
0x140: {  	v5 =	vmul.f32 v14, v5;
	s10 =	smov.u32 s13;
	s13 =	sadd.s32 $0x40, s13;
	v14 =	vunpack.i.u.bf16.f32 v11;
	v11 =	vunpack.i.l.bf16.f32 v11  }
0x141: {  	v12 =	vadd.f32 v13, v12;
	v11 =	vmul.f32 v11, v4;
	v4 =	vmul.f32 v14, v4;
	v13 =	vld [tilespmem:s30+$0x20]  }
0x142: {  	v5 =	vadd.f32 v5, v8;
	v8 =	vunpack.i.u.bf16.f32 v10;
	v10 =	vunpack.i.l.bf16.f32 v10  }
0x143: {  	v11 =	vadd.f32 v11, v12;
	v10 =	vmul.f32 v10, v6;
	v6 =	vmul.f32 v8, v6;
	v8 =	vld [tilespmem:s30+$0x40]  }
0x144: {  	v4 =	vadd.f32 v4, v5;
	v5 =	vunpack.i.l.bf16.f32 v9  }
0x145: {  	s10 =	sshra.s32 s10, $0x2;
	v9 =	vunpack.i.u.bf16.f32 v9;
	v5 =	vmul.f32 v5, v1;
	v10 =	vadd.f32 v10, v11;
	v11 =	vld [tilespmem:s30+$0x60]  }
0x146: {  	v1 =	vmul.f32 v9, v1;
	v4 =	vadd.f32 v6, v4;
	v6 =	vunpack.i.l.bf16.f32 v13  }
0x147: {  	v9 =	vunpack.i.u.bf16.f32 v13;
	v5 =	vadd.f32 v5, v10;
	v6 =	vmul.f32 v6, v7;
	v10 =	vld [tilespmem:s30+$0x80];
	s30 =	smov.u32 s29;
	s29 =	smov.u32 s12  }
0x148: {  	v1 =	vadd.f32 v1, v4;
	v4 =	vmul.f32 v9, v7;
	v7 =	vunpack.i.l.bf16.f32 v8  }
0x149: {  	v5 =	vadd.f32 v6, v5;
	v6 =	vunpack.i.u.bf16.f32 v8;
	v7 =	vmul.f32 v7, v3  }
0x14a: {  	v1 =	vadd.f32 v4, v1;
	v3 =	vmul.f32 v6, v3;
	v4 =	vunpack.i.l.bf16.f32 v11  }
0x14b: {  	v6 =	vunpack.i.u.bf16.f32 v11;
	v5 =	vadd.f32 v7, v5;
	v4 =	vmul.f32 v4, v2  }
0x14c: {  	v2 =	vmul.f32 v6, v2;
	v1 =	vadd.f32 v3, v1;
	v3 =	vunpack.i.l.bf16.f32 v10  }
0x14d: {  	v4 =	vadd.f32 v4, v5;
	v5 =	vunpack.i.u.bf16.f32 v10;
	v3 =	vmul.f32 v3, v0  }
0x14e: {  	v1 =	vadd.f32 v2, v1;
	v0 =	vmul.f32 v5, v0  }
0x14f: {  	v2 =	vadd.f32 v3, v4  }
0x150: {  	v0 =	vadd.f32 v0, v1  }
0x151: {  	[tilespmem:s1+$0x0] =	vst v2  }
0x152: {  	[tilespmem:s1+$0x10] =	vst v0;
	s1 =	smov.u32 s0;
	s0 =	smov.u32 s31  }
0x153: {  	v0 =	vld [tilespmem:s30+$0xFFFFFF90]  }
0x154: {  	v7 =	vld [tilespmem:s9+$0x43D0];
	s9 =	smov.u32 s10  }
0x155: {  	v2 =	vld [tilespmem:s30+$0xFFFFFF70];
	_ =	sdelay $0x1  }
0x156: {  	v3 =	vld [tilespmem:s30+$0xFFFFFFB0]  }
0x157: {  	v6 =	vunpack.i.l.bf16.f32 v0  }
0x158: {  	v0 =	vunpack.i.u.bf16.f32 v0;
	v5 =	vbroadcast v7, $0x1;
	v9 =	vld [tilespmem:s30+$0xFFFFFFD0];
	v1 =	vbroadcast v7, $0x4  }
0x159: {  	v8 =	vbroadcast v7, $0x0;
	v4 =	vbroadcast v7, $0x2;
	v10 =	vunpack.i.u.bf16.f32 v2  }
0x15a: {  	v2 =	vunpack.i.l.bf16.f32 v2;
	v0 =	vmul.f32 v0, v5  }
0x15b: {  	v2 =	vmul.f32 v2, v8;
	v11 =	vmul.f32 v6, v5;
	v6 =	vunpack.i.u.bf16.f32 v3  }
0x15c: {  	v3 =	vunpack.i.l.bf16.f32 v3;
	v12 =	vmul.f32 v6, v4;
	v6 =	vbroadcast v7, $0x3;
	v13 =	vld [tilespmem:s30+$0xFFFFFFF0]  }
0x15d: {  	v10 =	vmul.f32 v10, v8;
	v3 =	vmul.f32 v3, v4;
	v14 =	vunpack.i.u.bf16.f32 v9  }
0x15e: {  	v2 =	vadd.f32 v11, v2;
	v9 =	vunpack.i.l.bf16.f32 v9;
	v11 =	vmul.f32 v14, v6;
	v14 =	vld [tilespmem:s30+$0x10]  }
0x15f: {  	v10 =	vadd.f32 v0, v10;
	v0 =	vbroadcast v7, $0x8;
	v9 =	vmul.f32 v9, v6  }
0x160: {  	v15 =	vadd.f32 v3, v2;
	v3 =	vbroadcast v7, $0x6;
	v2 =	vbroadcast v7, $0x7;
	v16 =	vld [tilespmem:s30+$0x30]  }
0x161: {  	v10 =	vadd.f32 v12, v10;
	v7 =	vbroadcast v7, $0x5;
	v12 =	vunpack.i.l.bf16.f32 v13  }
0x162: {  	v9 =	vadd.f32 v9, v15;
	v13 =	vunpack.i.u.bf16.f32 v13;
	v12 =	vmul.f32 v12, v1;
	v15 =	vld [tilespmem:s30+$0x50]  }
0x163: {  	v10 =	vadd.f32 v11, v10;
	v11 =	vmul.f32 v13, v1;
	v13 =	vunpack.i.l.bf16.f32 v14  }
0x164: {  	v9 =	vadd.f32 v12, v9;
	v12 =	vunpack.i.u.bf16.f32 v14;
	v13 =	vmul.f32 v13, v7;
	v14 =	vld [tilespmem:s30+$0x70]  }
0x165: {  	v10 =	vadd.f32 v11, v10;
	v11 =	vmul.f32 v12, v7;
	v12 =	vunpack.i.l.bf16.f32 v16  }
0x166: {  	v9 =	vadd.f32 v13, v9;
	v13 =	vunpack.i.u.bf16.f32 v16;
	v12 =	vmul.f32 v12, v3  }
0x167: {  	v10 =	vadd.f32 v11, v10;
	v11 =	vmul.f32 v13, v3;
	v13 =	vunpack.i.l.bf16.f32 v15  }
0x168: {  	v9 =	vadd.f32 v12, v9;
	v12 =	vunpack.i.u.bf16.f32 v15;
	v13 =	vmul.f32 v13, v2  }
0x169: {  	v10 =	vadd.f32 v11, v10;
	v11 =	vmul.f32 v12, v2;
	v12 =	vunpack.i.l.bf16.f32 v14  }
0x16a: {  	v9 =	vadd.f32 v13, v9;
	v13 =	vunpack.i.u.bf16.f32 v14;
	v12 =	vmul.f32 v12, v0  }
0x16b: {  	v10 =	vadd.f32 v11, v10;
	v11 =	vmul.f32 v13, v0  }
0x16c: {  	v9 =	vadd.f32 v12, v9  }
0x16d: {  	v10 =	vadd.f32 v11, v10  }
0x16e: {  	[tilespmem:s1+$0xFFFFFFE0] =	vst v9  }
0x16f: {  	[tilespmem:s1+$0xFFFFFFF0] =	vst v10  }
0x170: {  	v10 =	vld [tilespmem:s30+$0xFFFFFF80]  }
0x171: {  	v15 =	vld [tilespmem:s30+$0xFFFFFFA0]  }
.Ltmp3:
0x172: {  	v9 =	vld [tilespmem:s30+$0x0];
	(pc) =	sbr.rel @p0 .LBB2_9-.Ltmp3, $3  }
0x173: {  	v11 =	vld [tilespmem:s30+$0xFFFFFFC0];
	_ =	sdelay $0x1  }
0x174: {  	v13 =	vunpack.i.u.bf16.f32 v10;
	v12 =	vunpack.i.l.bf16.f32 v10;
	v10 =	vld [tilespmem:s30+$0xFFFFFFE0]  }
0x175: {  	v12 =	vmul.f32 v12, v8;
	v14 =	vunpack.i.u.bf16.f32 v15;
	v15 =	vunpack.i.l.bf16.f32 v15  }
0x176: {  	v15 =	vmul.f32 v15, v5  }
0x177: {  	v8 =	vmul.f32 v13, v8;
	v20 =	vmul.f32 v14, v5;
	v21 =	vunpack.i.l.bf16.f32 v11  }
0x178: {  	v23 =	vld [tilespmem:s30+$0x20];
	v22 =	vunpack.i.u.bf16.f32 v11;
	v12 =	vadd.f32 v15, v12;
	v13 =	vmul.f32 v21, v4  }
0x179: {  	v24 =	vmul.f32 v22, v4;
	v5 =	vadd.f32 v20, v8;
	v25 =	vunpack.i.l.bf16.f32 v10  }
0x17a: {  	v28 =	vld [tilespmem:s30+$0x40];
	v26 =	vunpack.i.u.bf16.f32 v10;
	v27 =	vadd.f32 v13, v12;
	v8 =	vmul.f32 v25, v6  }
0x17b: {  	v30 =	vunpack.i.l.bf16.f32 v9;
	v29 =	vmul.f32 v26, v6;
	v4 =	vadd.f32 v24, v5  }
0x17c: {  	v31 =	vunpack.i.u.bf16.f32 v9;
	v32 =	vld [tilespmem:s30+$0x60];
	v5 =	vmul.f32 v30, v1;
	v8 =	vadd.f32 v8, v27  }
0x17d: {  	v33 =	vmul.f32 v31, v1;
	v34 =	vunpack.i.l.bf16.f32 v23;
	v4 =	vadd.f32 v29, v4  }
0x17e: {  	v36 =	vld [tilespmem:s30+$0x80];
	v35 =	vunpack.i.u.bf16.f32 v23;
	v6 =	vmul.f32 v34, v7;
	v5 =	vadd.f32 v5, v8  }
0x17f: {  	v38 =	vunpack.i.l.bf16.f32 v28;
	v37 =	vmul.f32 v35, v7;
	v1 =	vadd.f32 v33, v4  }
0x180: {  	v39 =	vunpack.i.u.bf16.f32 v28;
	v7 =	vmul.f32 v38, v3;
	v5 =	vadd.f32 v6, v5  }
0x181: {  	v41 =	vunpack.i.l.bf16.f32 v32;
	v40 =	vmul.f32 v39, v3;
	v1 =	vadd.f32 v37, v1  }
0x182: {  	v42 =	vunpack.i.u.bf16.f32 v32;
	v4 =	vmul.f32 v41, v2;
	v5 =	vadd.f32 v7, v5  }
0x183: {  	v44 =	vunpack.i.l.bf16.f32 v36;
	v43 =	vmul.f32 v42, v2;
	v1 =	vadd.f32 v40, v1  }
0x184: {  	v45 =	vunpack.i.u.bf16.f32 v36;
	v3 =	vmul.f32 v44, v0;
	v4 =	vadd.f32 v4, v5  }
0x185: {  	v46 =	vmul.f32 v45, v0;
	v1 =	vadd.f32 v43, v1  }
0x186: {  	v47 =	vadd.f32 v3, v4  }
0x187: {  	v0 =	vadd.f32 v46, v1  }
0x188: {  	[tilespmem:s1+$0x0] =	vst v47  }
0x189: {  	[tilespmem:s1+$0x10] =	vst v0  }
0x18a: {  	v0 =	vld [tilespmem:s29+$0xFFFFFF90]  }
0x18b: {  	v48 =	vld [tilespmem:s9+$0x43D0]  }
0x18c: {  	v2 =	vld [tilespmem:s29+$0xFFFFFF70]  }
0x18d: {  	v49 =	vld [tilespmem:s29+$0xFFFFFFB0];
	_ =	sdelay $0x1  }
0x18e: {  	v52 =	vld [tilespmem:s29+$0xFFFFFFD0]  }
0x18f: {  	v50 =	vunpack.i.l.bf16.f32 v0;
	v0 =	vunpack.i.u.bf16.f32 v0;
	v51 =	vbroadcast v48, $0x1  }
0x190: {  	v53 =	vbroadcast v48, $0x4;
	v54 =	vunpack.i.u.bf16.f32 v2;
	v55 =	vbroadcast v48, $0x0  }
0x191: {  	v56 =	vbroadcast v48, $0x2;
	v2 =	vunpack.i.l.bf16.f32 v2;
	v57 =	vunpack.i.u.bf16.f32 v49  }
0x192: {  	v59 =	vld [tilespmem:s29+$0xFFFFFFF0];
	v3 =	vunpack.i.l.bf16.f32 v49;
	v58 =	vbroadcast v48, $0x3;
	v20 =	vbroadcast v48, $0x8  }
0x193: {  	v60 =	vunpack.i.u.bf16.f32 v52;
	v2 =	vmul.f32 v2, v55;
	v4 =	vmul.f32 v50, v51  }
0x194: {  	v61 =	vunpack.i.l.bf16.f32 v52;
	v0 =	vmul.f32 v0, v51;
	v8 =	vmul.f32 v54, v55  }
0x195: {  	v63 =	vld [tilespmem:s29+$0x10];
	v22 =	vbroadcast v48, $0x6;
	v3 =	vmul.f32 v3, v56;
	v2 =	vadd.f32 v4, v2  }
0x196: {  	v16 =	vbroadcast v48, $0x7;
	v11 =	vmul.f32 v57, v56;
	v0 =	vadd.f32 v0, v8  }
0x197: {  	v21 =	vld [tilespmem:s29+$0x30];
	v23 =	vunpack.i.l.bf16.f32 v59;
	v4 =	vmul.f32 v61, v58;
	v2 =	vadd.f32 v3, v2  }
0x198: {  	v1 =	vbroadcast v48, $0x5;
	v62 =	vmul.f32 v60, v58;
	v0 =	vadd.f32 v11, v0  }
0x199: {  	v25 =	vld [tilespmem:s29+$0x50];
	v24 =	vunpack.i.u.bf16.f32 v59;
	v11 =	vmul.f32 v23, v53;
	v2 =	vadd.f32 v4, v2  }
0x19a: {  	v26 =	vunpack.i.l.bf16.f32 v63;
	v0 =	vadd.f32 v62, v0;
	v4 =	vmul.f32 v24, v53  }
0x19b: {  	v28 =	vld [tilespmem:s29+$0x70];
	v27 =	vunpack.i.u.bf16.f32 v63;
	v6 =	vmul.f32 v26, v1;
	v2 =	vadd.f32 v11, v2  }
0x19c: {  	v30 =	vunpack.i.l.bf16.f32 v21;
	v29 =	vmul.f32 v27, v1;
	v0 =	vadd.f32 v4, v0  }
0x19d: {  	v31 =	vmul.f32 v30, v22;
	v3 =	vunpack.i.u.bf16.f32 v21;
	v2 =	vadd.f32 v6, v2  }
0x19e: {  	v32 =	vunpack.i.l.bf16.f32 v25;
	v3 =	vmul.f32 v3, v22;
	v0 =	vadd.f32 v29, v0  }
0x19f: {  	v33 =	vunpack.i.u.bf16.f32 v25;
	v4 =	vmul.f32 v32, v16;
	v2 =	vadd.f32 v31, v2  }
0x1a0: {  	v35 =	vunpack.i.l.bf16.f32 v28;
	v34 =	vmul.f32 v33, v16;
	v0 =	vadd.f32 v3, v0  }
0x1a1: {  	v36 =	vunpack.i.u.bf16.f32 v28;
	v6 =	vmul.f32 v35, v20;
	v2 =	vadd.f32 v4, v2  }
0x1a2: {  	v37 =	vmul.f32 v36, v20;
	v0 =	vadd.f32 v34, v0  }
0x1a3: {  	v2 =	vadd.f32 v6, v2  }
0x1a4: {  	v0 =	vadd.f32 v37, v0  }
0x1a5: {  	[tilespmem:s0+$0xFFFFFFE0] =	vst v2  }
0x1a6: {  	[tilespmem:s0+$0xFFFFFFF0] =	vst v0  }
0x1a7: {  	v0 =	vld [tilespmem:s29+$0xFFFFFF80]  }
0x1a8: {  	v2 =	vld [tilespmem:s29+$0xFFFFFFA0];
	_ =	sdelay $0x1  }
0x1a9: {  	v38 =	vld [tilespmem:s29+$0xFFFFFFC0];
	_ =	sdelay $0x1  }
0x1aa: {  	v39 =	vld [tilespmem:s29+$0xFFFFFFE0]  }
0x1ab: {  	v40 =	vunpack.i.u.bf16.f32 v0;
	v0 =	vunpack.i.l.bf16.f32 v0;
	v41 =	vunpack.i.l.bf16.f32 v2  }
0x1ac: {  	v42 =	vld [tilespmem:s29+$0x0];
	v2 =	vunpack.i.u.bf16.f32 v2;
	v0 =	vmul.f32 v0, v55;
	v11 =	vmul.f32 v41, v51  }
0x1ad: {  	v43 =	vunpack.i.l.bf16.f32 v38;
	v6 =	vmul.f32 v40, v55;
	v2 =	vmul.f32 v2, v51  }
0x1ae: {  	v44 =	vld [tilespmem:s29+$0x20];
	v3 =	vunpack.i.u.bf16.f32 v38;
	v5 =	vmul.f32 v43, v56;
	v0 =	vadd.f32 v11, v0  }
0x1af: {  	v45 =	vunpack.i.l.bf16.f32 v39;
	v3 =	vmul.f32 v3, v56;
	v2 =	vadd.f32 v2, v6  }
0x1b0: {  	v47 =	vld [tilespmem:s29+$0x40];
	v4 =	vunpack.i.u.bf16.f32 v39;
	v46 =	vmul.f32 v45, v58;
	v0 =	vadd.f32 v5, v0  }
0x1b1: {  	v48 =	vunpack.i.l.bf16.f32 v42;
	v4 =	vmul.f32 v4, v58;
	v2 =	vadd.f32 v3, v2  }
0x1b2: {  	v50 =	vld [tilespmem:s29+$0x60];
	v49 =	vunpack.i.u.bf16.f32 v42;
	v3 =	vmul.f32 v48, v53;
	v0 =	vadd.f32 v46, v0  }
0x1b3: {  	v52 =	vunpack.i.l.bf16.f32 v44;
	v51 =	vmul.f32 v49, v53;
	v2 =	vadd.f32 v4, v2  }
0x1b4: {  	v54 =	vld [tilespmem:s29+$0x80];
	v53 =	vunpack.i.u.bf16.f32 v44;
	v5 =	vmul.f32 v52, v1;
	v0 =	vadd.f32 v3, v0  }
0x1b5: {  	v55 =	vunpack.i.l.bf16.f32 v47;
	v1 =	vmul.f32 v53, v1;
	v2 =	vadd.f32 v51, v2  }
0x1b6: {  	v56 =	vunpack.i.u.bf16.f32 v47;
	v3 =	vmul.f32 v55, v22;
	v0 =	vadd.f32 v5, v0  }
0x1b7: {  	v58 =	vunpack.i.l.bf16.f32 v50;
	v57 =	vmul.f32 v56, v22;
	v1 =	vadd.f32 v1, v2  }
0x1b8: {  	v59 =	vunpack.i.u.bf16.f32 v50;
	v4 =	vmul.f32 v58, v16;
	v0 =	vadd.f32 v3, v0  }
0x1b9: {  	v61 =	vunpack.i.l.bf16.f32 v54;
	v60 =	vmul.f32 v59, v16;
	v1 =	vadd.f32 v57, v1  }
0x1ba: {  	v62 =	vunpack.i.u.bf16.f32 v54;
	v3 =	vmul.f32 v61, v20;
	v0 =	vadd.f32 v4, v0  }
0x1bb: {  	v63 =	vmul.f32 v62, v20;
	v1 =	vadd.f32 v60, v1  }
0x1bc: {  	v0 =	vadd.f32 v3, v0  }
0x1bd: {  	v1 =	vadd.f32 v63, v1  }
0x1be: {  	[tilespmem:s0+$0x0] =	vst v0  }
0x1bf: {  	s28 =	sadd.s32 $0x1, s28;
	[tilespmem:s0+$0x10] =	vst v1  }
0x1c0: {  	[spmem:s3] =	stream.indirect.scatter.add.f32 [tilespmem:s21], [sflag:$0x3], $0x40, s25, s17, $0xb8;
	[tilespmem:$0x15450] =	vst v63  }
0x1c1: {  	p0 =	sne.s32 s28, $0xA;
	_ =	swait.ge [sflag:s24], $0xA00  }
.Ltmp4:
0x1c2: {  	[sflag:s24] =	ssyncset.done $0x0;
	(pc) =	sbr.rel @p0 .LBB2_2-.Ltmp4, $4  }
0x1c3: {  	[sflag:s24] =	ssyncadd.s32 $0xFFFFF600  }
0x1c4: {  	_ =	swait.ge [sflag:s26], $0xA00  }
0x1c5: {  	[sflag:s26] =	ssyncset.done $0x0  }
0x1c6: {  	[sflag:s26] =	ssyncadd.s32 $0xFFFFF600  }
0x1c7: {  	[bflag:$0x0] =	sbarrier.arrive $0xFFFF  }
0x1c8: {  	s10 =	rddreg [dreg:$0x5]  }
0x1c9: {  	s0 =	rddreg [dreg:$0x6]  }
0x1ca: {  	s1 =	rddreg [dreg:$0x8]  }
0x1cb: {  	[hbm:s0], [sflag:s10] =	dma.local [spmem:s1], $0x1400  }
0x1cc: {  	_ =	swait.ge [sflag:s15], $0x1400  }
0x1cd: {  	s4 =	sadd.s32 $0x1, s4;
	s31 =	rddreg [dreg:$0x7]  }
0x1ce: {  	p0 =	sne.s32 s4, s31  }
.Ltmp5:
0x1cf: {  	_ = 	snop;
	(pc) =	sbr.rel @p0 .LBB2_1-.Ltmp5, $3  }
0x1d0: {  	_ =	sdelay $0x1  }
0x1d1: {  	[sflag:s15] =	ssyncset.done $0x0  }
0x1d2: {  	[sflag:s15] =	ssyncadd.s32 $0xFFFFEC00  }
0x1d3: {  	_ =	sfence.sel $0x180000  }
0x1d4: {  	[bflag:$0x0] =	sbarrier.arrive $0xFFFF  }
0x1d5: {  	_ =	strace $0x9000004A  }
0x1d6: {  	s0 =	stileid.u32;
	[bflag:$0x2] =	sbarrier.arrive $0xFFFF  }
0x1d7: {  	p0 =	sne.s32 s0, $0x0;
	s0 =	rddreg [dreg:$0x3]  }
0x1d8: {  	s0 =	sadd.s32 @!p0 $0x100000, s0  }
0x1d9: {  	[sflag:s0] =	ssyncadd.tile.s32 @!p0 $0x1;
	_ =	shalt  }
.Lfunc_end2:
_tile_overlayer_lowered:
.L_overlay_start_2:
0x1da: {  	(tag) =	ssettag $0x2  }
0x1db: {  	s0 =	rddreg [dreg:$0x0];
	s2 =	stileid.u32  }
0x1dc: {  	s1 =	rddreg [dreg:$0x1];
	p0 =	sne.s32 s2, $0x0  }
0x1dd: {  	s3 =	rddreg [dreg:$0x2];
	[bflag:$0x3] =	sbarrier.arrive $0xFFFF;
	s2 =	simm.s32 @!p0 $0x1C05  }
0x1de: {  	[timem:s3], [sflag:s2] =	dma.local @!p0 [hbm:s0], s1  }
0x1df: {  	s0 =	simm.s32 @!p0 $0x5  }
0x1e0: {  	_ =	swait.ge @!p0 [sflag:s0], s1  }
0x1e1: {  	s1 =	ssub.s32 @!p0 $0x0, s1;
	[sflag:s0] =	ssyncset.done @!p0 $0x0  }
0x1e2: {  	[sflag:s0] =	ssyncadd.s32 @!p0 s1  }
0x1e3: {  	[bflag:$0x3] =	sbarrier.arrive $0xFFFF  }
0x1e4: {  	_ =	shalt  }

// kernel: kernel.16.cloned.1.call-start
scs
__scs_entry_jumppad:
0x0: {  	(pc) =	sbr.rel $0x88, $3  }
0x1: {  	(tag) =	ssettag $0x0;
	lr =	simm.s32 $0x1  }
0x2: {  	[smem:$0x3F97] =	sst lr;
	_ =	strace $0xD0000000  }
0x3: {  	_ = 	snop  }
0x4: {  	_ = 	snop  }
0x5: {  	_ = 	snop  }
0x6: {  	_ = 	snop  }
0x7: {  	_ = 	snop  }
__scs_overlays_trampoline_lowered:
0x8: {  	[smem:$0x3FA6] =	sst s0  }
0x9: {  	[smem:$0x3FA7] =	sst s1  }
0xa: {  	[smem:$0x3FA8] =	sst s2  }
0xb: {  	[smem:$0x3FA9] =	sst s3  }
0xc: {  	[smem:$0x3FAA] =	sst s4  }
0xd: {  	[smem:$0x3FAB] =	sst s5  }
0xe: {  	[smem:$0x3FAC] =	sst s6  }
0xf: {  	[smem:$0x3FAD] =	sst s7  }
0x10: {  	[smem:$0x3FAE] =	sst s8  }
0x11: {  	[smem:$0x3FAF] =	sst s9;
	s0 =	simm.s32 @!p0 $0x0  }
0x12: {  	s1 =	sld [smem:$0x3F95];
	s0 =	simm.s32 @p0 $0x1  }
0x13: {  	[smem:$0x3FB0] =	sst s0;
	s0 =	simm.s32 @!p1 $0x0  }
0x14: {  	s2 =	sld [smem:$0x3F94];
	s0 =	simm.s32 @p1 $0x1  }
0x15: {  	[smem:$0x3FB1] =	sst s0;
	s0 =	simm.s32 @!p2 $0x0  }
0x16: {  	s3 =	sld [smem:$0x3FDB];
	s0 =	simm.s32 @p2 $0x1  }
0x17: {  	s4 =	simm.s32 $0x1BF5;
	[smem:$0x3FB3] =	sst s0  }
0x18: {  	s0 =	sld [smem:$0x3F96];
	_ =	swait.ge [sflag:s4], $0x0  }
0x19: {  	s7 =	sld [smem:$0x3F97]  }
0x1a: {  	s8 =	sadd.s32 $0xFFFFE003, lr  }
0x1b: {  	s9 =	sadd.s32 $0xFFFFFEF7, lr;
	s5 =	simm.s32 $0xFFFFFFFF;
	p2 =	slt.u32 s8, $0xFFFFF086  }
0x1c: {  	p1 =	slt.u32 s9, $0xF7A;
	s5 =	simm.s32 @!p2 $0x0  }
0x1d: {  	s5 =	simm.s32 @p1 $0x1;
	p0 =	seq.s32 s7, s2  }
0x1e: {  	s7 =	smul.u32 @!p0 $0xF7A, s2;
	p2 =	seq.s32 @!p0 s5, $0x0  }
0x1f: {  	s9 =	smul.u32 $0xF7A, s1;
	s8 =	simm.s32 @!p0 $0x1BF5;
	p2 =	por !p2, p0  }
0x20: {  	[sflag:s8] =	ssyncset.s32 @!p0 $0xFFFFF086;
	s6 =	sadd.s32 @!p0 s3, s7;
	s7 =	simm.s32 @!p0 $0x108  }
0x21: {  	s3 =	sadd.s32 s3, s9;
	s6 =	sadd.s32 @!p0 $0x88, s6;
	s7 =	simm.s32 @p2 $0x1082  }
0x22: {  	[simem:s7], [sflag:s8] =	dma.local @!p0 [hbm:s6], $0xF7A  }
0x23: {  	s9 =	sor.u32 $0xD0000000, s2;
	s6 =	simm.s32 $0x108;
	_ =	swait.ge @!p0 [sflag:s8], $0x0  }
0x24: {  	s3 =	sadd.s32 $0x88, s3;
	s6 =	simm.s32 @!p1 $0x1082;
	[sflag:s4] =	ssyncset.s32 $0xFFFFF086  }
0x25: {  	[simem:s6], [sflag:s4] =	dma.local [hbm:s3], $0xF7A  }
0x26: {  	[smem:$0x3F97] =	sst s1;
	(tag) =	ssettag s2;
	_ =	strace s9  }
0x27: {  	s1 =	sld [smem:$0x3FA7]  }
0x28: {  	s2 =	sld [smem:$0x3FA8]  }
0x29: {  	s4 =	sld [smem:$0x3FAA]  }
0x2a: {  	p0 =	seq.s32 s5, $0x0;
	s5 =	sld [smem:$0x3FAB]  }
0x2b: {  	s6 =	sld [smem:$0x3FAC]  }
0x2c: {  	s7 =	sld [smem:$0x3FAD]  }
0x2d: {  	s3 =	simm.s32 $0x108;
	s8 =	sld [smem:$0x3FAE]  }
0x2e: {  	s3 =	simm.s32 @!p0 $0x1082;
	s9 =	sld [smem:$0x3FAF]  }
0x2f: {  	lr =	sadd.s32 s0, s3;
	s0 =	sld [smem:$0x3FA6]  }
0x30: {  	s3 =	sld [smem:$0x3FA9]  }
0x31: {  	[smem:$0x3FB2] =	sst s10  }
0x32: {  	s10 =	sld [smem:$0x3FB0];
	_ =	sdelay $0x3  }
0x33: {  	p0 =	seq.s32 s10, $0x1;
	s10 =	sld [smem:$0x3FB2];
	_ =	sdelay $0x3  }
0x34: {  	[smem:$0x3FB2] =	sst s10  }
0x35: {  	s10 =	sld [smem:$0x3FB1];
	_ =	sdelay $0x3  }
0x36: {  	p1 =	seq.s32 s10, $0x1;
	s10 =	sld [smem:$0x3FB2];
	_ =	sdelay $0x3  }
0x37: {  	[smem:$0x3FB2] =	sst s10  }
0x38: {  	s10 =	sld [smem:$0x3FB3]  }
0x39: {  	_ = 	snop;
	(pc) =	sbr.ind lr, $3  }
0x3a: {  	_ = 	snop  }
0x3b: {  	_ = 	snop  }
0x3c: {  	p2 =	seq.s32 s10, $0x1;
	s10 =	sld [smem:$0x3FB2]  }
0x3d: {  	_ =	shalt  }
0x3e: {  	_ =	shalt  }
0x3f: {  	_ =	shalt  }
0x40: {  	_ =	shalt  }
0x41: {  	_ =	shalt  }
0x42: {  	_ =	shalt  }
0x43: {  	_ =	shalt  }
0x44: {  	_ =	shalt  }
0x45: {  	_ =	shalt  }
0x46: {  	_ =	shalt  }
0x47: {  	_ =	shalt  }
0x48: {  	_ =	shalt  }
0x49: {  	_ =	shalt  }
0x4a: {  	_ =	shalt  }
0x4b: {  	_ =	shalt  }
0x4c: {  	_ =	shalt  }
0x4d: {  	_ =	shalt  }
0x4e: {  	_ =	shalt  }
0x4f: {  	_ =	shalt  }
0x50: {  	_ =	shalt  }
0x51: {  	_ =	shalt  }
0x52: {  	_ =	shalt  }
0x53: {  	_ =	shalt  }
0x54: {  	_ =	shalt  }
0x55: {  	_ =	shalt  }
0x56: {  	_ =	shalt  }
0x57: {  	_ =	shalt  }
0x58: {  	_ =	shalt  }
0x59: {  	_ =	shalt  }
0x5a: {  	_ =	shalt  }
0x5b: {  	_ =	shalt  }
0x5c: {  	_ =	shalt  }
0x5d: {  	_ =	shalt  }
0x5e: {  	_ =	shalt  }
0x5f: {  	_ =	shalt  }
0x60: {  	_ =	shalt  }
0x61: {  	_ =	shalt  }
0x62: {  	_ =	shalt  }
0x63: {  	_ =	shalt  }
0x64: {  	_ =	shalt  }
0x65: {  	_ =	shalt  }
0x66: {  	_ =	shalt  }
0x67: {  	_ =	shalt  }
0x68: {  	_ =	shalt  }
0x69: {  	_ =	shalt  }
0x6a: {  	_ =	shalt  }
0x6b: {  	_ =	shalt  }
0x6c: {  	_ =	shalt  }
0x6d: {  	_ =	shalt  }
0x6e: {  	_ =	shalt  }
0x6f: {  	_ =	shalt  }
0x70: {  	_ =	shalt  }
0x71: {  	_ =	shalt  }
0x72: {  	_ =	shalt  }
0x73: {  	_ =	shalt  }
0x74: {  	_ =	shalt  }
0x75: {  	_ =	shalt  }
0x76: {  	_ =	shalt  }
0x77: {  	_ =	shalt  }
0x78: {  	_ =	shalt  }
0x79: {  	_ =	shalt  }
0x7a: {  	_ =	shalt  }
0x7b: {  	_ =	shalt  }
0x7c: {  	_ =	shalt  }
0x7d: {  	_ =	shalt  }
0x7e: {  	_ =	shalt  }
0x7f: {  	_ =	shalt  }
0x80: {  	_ =	shalt  }
0x81: {  	_ =	shalt  }
0x82: {  	_ =	shalt  }
0x83: {  	_ =	shalt  }
0x84: {  	_ =	shalt  }
0x85: {  	_ =	shalt  }
0x86: {  	_ =	shalt  }
0x87: {  	_ =	shalt  }
.Lfunc_end0:
.L_simem_size_0:
called_computation.2_lowered:
.L_overlay_start_0:
0x88: {  	s2 =	sld [smem:$0x3FD9]  }
0x89: {  	s3 =	sld [smem:$0x3FFE];
	_ =	sdelay $0x1  }
0x8a: {  	s1 =	srdreg.scid  }
0x8b: {  	s0 =	sand.u32 $0x1, s1  }
0x8c: {  	s17 =	sshll.u32 s0, $0xA;
	s2 =	sadd.s32 s3, s2  }
0x8d: {  	s2 =	sadd.s32 s2, s17  }
0x8e: {  	[smem:$0x3FBE] =	sst s2  }
0x8f: {  	_ = 	snop  }
0x90: {  	s2 =	sld [smem:$0x3FD0];
	(tm) =	ssettm $0x1  }
0x91: {  	s18 =	sld [smem:$0x3FFB];
	_ =	sdelay $0x3  }
0x92: {  	_ =	strace s18  }
0x93: {  	s3 =	sld [smem:$0x3FFC];
	_ =	sdelay $0x3  }
0x94: {  	_ =	strace s3  }
0x95: {  	s3 =	sld [smem:$0x3FFD];
	_ =	sdelay $0x3  }
0x96: {  	_ =	strace s3  }
0x97: {  	_ =	strace $0x8FFFFFFF  }
0x98: {  	s19 =	sld [smem:$0x3FDB];
	_ =	sdelay $0x1  }
0x99: {  	s4 =	simm.s32 $_scs_section_size  }
0x9a: {  	s5 =	simm.s32 $_size__tile_overlayer_lowered;
	s6 =	simm.s32 $_tile_overlayer_lowered  }
0x9b: {  	s22 =	simm.s32 $0x1BFF;
	s21 =	sshll.u32 s6, $0x1;
	s3 =	sadd.s32 s4, s19  }
0x9c: {  	s7 =	simm.s32 $0x0;
	s20 =	sshll.u32 s5, $0x1;
	s5 =	sadd.s32 s21, s3  }
0x9d: {  	[timem:s7], [sflag:s22] =	dma.local [hbm:s5], s20  }
0x9e: {  	_ =	swait.ge [sflag:s22], s20  }
0x9f: {  	s4 =	ssub.s32 $0x0, s20;
	[sflag:s22] =	ssyncset.done $0x0  }
0xa0: {  	[sflag:s22] =	ssyncadd.s32 s4;
	_ =	sdelay $0x1  }
0xa1: {  	s23 =	simm.s32 $0x1B8B  }
0xa2: {  	_ =	swait.ge [sflag:s23], $0x1  }
0xa3: {  	[sflag:s23] =	ssyncset.done $0x0  }
0xa4: {  	s25 =	simm.s32 $0x1B8E;
	s24 =	sld [smem:$0x3FFE];
	[sflag:s23] =	ssyncadd.s32 $0xFFFFFFFF  }
0xa5: {  	s26 =	simm.s32 $execute0_lowered;
	[smem:$0x3FD2] =	sst s25  }
0xa6: {  	s5 =	sshll.u32 s26, $0x1;
	_ =	strace $0x8000004C;
	[dreg:$0x1] =	wrdreg $0xFFFFFFFF  }
0xa7: {  	s28 =	simm.s32 $_size_execute0_lowered;
	s3 =	sadd.s32 s3, s5;
	[dreg:$0x0] =	wrdreg $0x0  }
0xa8: {  	s5 =	sshll.u32 s28, $0x1;
	[dreg:$0x2] =	wrdreg s3  }
0xa9: {  	[dreg:$0x3] =	wrdreg s5  }
0xaa: {  	[dreg:$0x4] =	wrdreg $0xC0  }
0xab: {  	_ =	task [dreg:s7], $0x5FFFF  }
0xac: {  	[dreg:$0x1] =	wrdreg $0xFFFFFFFF  }
0xad: {  	[dreg:$0x0] =	wrdreg $0x60  }
0xae: {  	[dreg:$0x2] =	wrdreg s24  }
0xaf: {  	[dreg:$0x3] =	wrdreg s2  }
0xb0: {  	[dreg:$0x4] =	wrdreg $0xB4500  }
0xb1: {  	[dreg:$0x5] =	wrdreg $0x9  }
0xb2: {  	_ =	task.clear_ibuf [dreg:s7], $0x6FFFF;
	_ =	strace $0x9000004C  }
0xb3: {  	s29 =	simm.s32 $0x9;
	_ =	strace $0x8000004E  }
0xb4: {  	_ =	swait.ge [sflag:s29], $0x1  }
0xb5: {  	[sflag:s29] =	ssyncadd.s32 $0xFFFFFFFF  }
0xb6: {  	_ =	strace $0x9000004E  }
0xb7: {  	_ =	sfence  }
0xb8: {  	s30 =	sld [smem:$0x0];
	_ =	sdelay $0x2  }
0xb9: {  	s31 =	sshll.u32 s1, $0xD;
	s1 =	sshrl.u32 s1, $0x2  }
0xba: {  	s3 =	sand.u32 $0x4000, s31;
	s1 =	sadd.s32 s1, s30  }
0xbb: {  	s0 =	sor.u32 s3, s0;
	s1 =	sshll.u32 s1, $0x11  }
0xbc: {  	s0 =	sor.u32 s1, s0  }
0xbd: {  	s0 =	sadd.s32 $0x8F2B, s0  }
0xbe: {  	[sflag:s0] =	ssyncadd.remote.s32 $0x1  }
0xbf: {  	_ =	sfence.sel $0xFFFF  }
0xc0: {  	[dreg:$0x0] =	wrdreg $0xFFFFFFFF;
	(pc) =	sbr.abs _section_cstart, $3  }
0xc1: {  	[dreg:$0x1] =	wrdreg $0xFFFFFFFF  }
0xc2: {  	_ =	task.clear_ibuf [dreg:s7], $0x2FFFF;
	_ =	strace $0x9FFFFFFF  }
0xc3: {  	(tm) =	ssettm $0x7FFFFFFF  }
tec
execute0_lowered:
.L_overlay_start_1:
0x0: {  	(tag) =	ssettag $0x1  }
0x1: {  	s0 =	rddreg [dreg:$0x0]  }
0x2: {  	s2 =	rddreg [dreg:$0x1]  }
0x3: {  	s3 =	rddreg [dreg:$0x2];
	s4 =	simm.s32 $0x0;
	s13 =	stileid.u32  }
0x4: {  	s1 =	srdreg.scid;
	s15 =	simm.s32 $0x5;
	s16 =	simm.s32 $0x3E8  }
0x5: {  	s17 =	simm.s32 $0x28;
	s18 =	simm.s32 $0x4650;
	s19 =	simm.s32 $0x7350  }
0x6: {  	s20 =	simm.s32 $0x1;
	s21 =	simm.s32 $0xA050;
	s22 =	simm.s32 $0x2  }
0x7: {  	s23 =	simm.s32 $0xAA50;
	[smem:$0x7FF] =	sst s4;
	s8 =	smul.u32 $0xA000, s13  }
0x8: {  	s1 =	sand.u32 $0x1, s1;
	s5 =	sadd.s32 $0x2600, s0;
	s6 =	sadd.s32 $0x4E4600, s0  }
0x9: {  	s7 =	sadd.s32 $0x5A600, s0;
	s30 =	sshll.u32 s13, $0x6;
	s9 =	smul.u32 $0xA0000, s1  }
0xa: {  	s11 =	ssub.s32 $0x2, s1;
	s1 =	sshll.u32 s1, $0x4;
	s10 =	sshrl.u32 s8, $0x3  }
0xb: {  	s12 =	sshrl.u32 s11, $0x1;
	s1 =	sor.u32 s13, s1;
	s29 =	sadd.s32 s8, s3  }
0xc: {  	s10 =	sadd.s32 s10, s0;
	s9 =	sadd.s32 s8, s9;
	s8 =	smul.u32 $0x2710, s1  }
0xd: {  	s28 =	ssub.s32 s11, s12;
	s11 =	smul.u32 $0xFA, s1;
	s1 =	sshrl.u32 s29, $0x3  }
0xe: {  	_ =	strace $0x8000004D;
	s10 =	sadd.s32 $0x64400, s10;
	[dreg:$0x8] =	wrdreg s1  }
0xf: {  	s9 =	sshrl.u32 s9, $0x3;
	s31 =	smax.u32 s28, $0x1;
	[dreg:$0x4] =	wrdreg s10  }
0x10: {  	s0 =	sadd.s32 s9, s0;
	s10 =	sor.u32 $0x1C05, s30;
	[dreg:$0x7] =	wrdreg s31  }
0x11: {  	s24 =	simm.s32 $0x3;
	s0 =	sadd.s32 $0x78400, s0;
	[dreg:$0x5] =	wrdreg s10  }
0x12: {  	s25 =	simm.s32 $0x7A8;
	s26 =	simm.s32 $0x4;
	[dreg:$0x6] =	wrdreg s0  }
.LBB2_1:
0x13: {  	s0 =	rddreg [dreg:$0x4]  }
0x14: {  	[spmem:s1], [sflag:s10] =	dma.local [hbm:s0], $0x1400  }
0x15: {  	_ =	swait.ge [sflag:s15], $0x1400  }
0x16: {  	[sflag:s15] =	ssyncset.done $0x0  }
0x17: {  	[sflag:s15] =	ssyncadd.s32 $0xFFFFEC00  }
0x18: {  	s28 =	simm.s32 $0x0;
	[bflag:$0x0] =	sbarrier.arrive $0xFFFF  }
.LBB2_2:
0x19: {  	s0 =	smul.u32 $0x19, s28;
	_ =	sdelay $0x1  }
0x1a: {  	s0 =	sadd.s32 s11, s0  }
0x1b: {  	s0 =	smul.u32 $0x5, s0;
	_ =	sdelay $0x1  }
0x1c: {  	s29 =	simm.s32 $0x0;
	s1 =	sadd.s32 s7, s0  }
0x1d: {  	[tilespmem:s29], [sflag:$0x5] =	stream.linear.gather [hbm4b:s1+s29], $0x3E8, $0x38;
	[tilespmem:$0x15450] =	vst v63  }
0x1e: {  	_ =	swait.ge [sflag:s15], $0x3E8  }
0x1f: {  	[sflag:s15] =	ssyncset.done $0x0  }
0x20: {  	s13 =	smul.u32 $0x3E8, s28;
	s0 =	sadd.s32 s2, s0;
	[sflag:s15] =	ssyncadd.s32 $0xFFFFFC18  }
0x21: {  	[tilespmem:s16], [sflag:$0x5] =	stream.linear.gather [hbm4b:s0+s29], $0x3E8, $0x38;
	[tilespmem:$0x15450] =	vst v63  }
0x22: {  	s14 =	sadd.s32 s8, s13;
	_ =	swait.ge [sflag:s15], $0x3E8  }
0x23: {  	s0 =	sshll.u32 s14, $0x1;
	[sflag:s15] =	ssyncset.done $0x0  }
0x24: {  	s30 =	simm.s32 $0x7D0;
	s0 =	sadd.s32 s6, s0;
	[sflag:s15] =	ssyncadd.s32 $0xFFFFFC18  }
0x25: {  	[tilespmem:s30], [sflag:$0x5] =	stream.linear.gather [hbm4b:s0+s29], $0x3E80, $0x38;
	[tilespmem:$0x15450] =	vst v63  }
0x26: {  	_ =	swait.ge [sflag:s15], $0x3E80  }
0x27: {  	[sflag:s15] =	ssyncset.done $0x0  }
0x28: {  	s31 =	simm.s32 $0xA50;
	[sflag:s15] =	ssyncadd.s32 $0xFFFFC180  }
0x29: {  	[tilespmem:s18], [sflag:$0x1] =	stream.indirect.gather [hbm4b:s5+s17], $0x120, s29, s17, $0xb8;
	[tilespmem:$0x15450] =	vst v63  }
.LBB2_3:
0x2a: {  	s0 =	smul.u32 $0x50, s29;
	_ =	sdelay $0x1  }
0x2b: {  	s0 =	sadd.s32 $0x28, s0  }
0x2c: {  	[tilespmem:s19], [sflag:$0x2] =	stream.indirect.gather [hbm4b:s5+s17], $0x120, s0, s17, $0xb8;
	[tilespmem:$0x15450] =	vst v63  }
0x2d: {  	_ =	swait.ge [sflag:s20], $0x2D00  }
0x2e: {  	p0 =	seq.s32 s29, $0x0;
	v1 =	vmov s30;
	[sflag:s20] =	ssyncset.done $0x0  }
0x2f: {  	s1 =	simm.s32 @!p0 $0x3;
	[sflag:s20] =	ssyncadd.s32 $0xFFFFD300  }
0x30: {  	_ =	swait.ge @!p0 [sflag:s1], $0xA00  }
0x31: {  	[sflag:s1] =	ssyncset.done @!p0 $0x0  }
0x32: {  	s14 =	simm.s32 $0x0;
	[sflag:s1] =	ssyncadd.s32 @!p0 $0xFFFFF600  }
0x33: {  	s12 =	simm.s32 $0x46E0;
	v9 =	vld.idx.msk [tilespmem:v1+s14+$0x0 ss:$0x1], $0xffff  }
0x34: {  	v2 =	vld [tilespmem:s12+$0xFFFFFFD0]  }
0x35: {  	v4 =	vld [tilespmem:s12+$0xFFFFFF70]  }
0x36: {  	v5 =	vld [tilespmem:s12+$0xFFFFFF90];
	_ =	sdelay $0x1  }
0x37: {  	v11 =	vld [tilespmem:s12+$0xFFFFFFB0]  }
0x38: {  	v8 =	vunpack.i.l.bf16.f32 v2;
	v3 =	vbroadcast v9, $0x3;
	v7 =	vbroadcast v9, $0x0  }
0x39: {  	v12 =	vunpack.i.u.bf16.f32 v4;
	v4 =	vunpack.i.l.bf16.f32 v4;
	v6 =	vbroadcast v9, $0x1  }
0x3a: {  	v13 =	vunpack.i.u.bf16.f32 v5;
	v10 =	vmul.f32 v8, v3;
	v4 =	vmul.f32 v4, v7  }
0x3b: {  	v8 =	vunpack.i.l.bf16.f32 v5;
	v5 =	vbroadcast v9, $0x2;
	v16 =	vmul.f32 v13, v6  }
0x3c: {  	v13 =	vunpack.i.l.bf16.f32 v11;
	v17 =	vmul.f32 v12, v7;
	v12 =	vld [tilespmem:s12+$0xFFFFFFF0];
	v15 =	vmul.f32 v8, v6  }
0x3d: {  	v0 =	vbroadcast v9, $0x8;
	v14 =	vmul.f32 v13, v5;
	v13 =	vunpack.i.u.bf16.f32 v2  }
0x3e: {  	s13 =	simm.s32 $0xA070;
	v2 =	vunpack.i.u.bf16.f32 v11;
	v11 =	vld [tilespmem:s12+$0x10];
	v15 =	vadd.f32 v15, v4;
	v4 =	vbroadcast v9, $0x4  }
0x3f: {  	s10 =	simm.s32 $0x40;
	s9 =	simm.s32 $0x46E0;
	s1 =	simm.s32 $0xA070;
	v8 =	vld [tilespmem:s12+$0x30];
	v16 =	vadd.f32 v16, v17;
	v17 =	vmul.f32 v2, v5;
	v2 =	vbroadcast v9, $0x7  }
.LBB2_4:
0x40: {  	p1 =	sne.s32 s10, $0x9C0;
	v14 =	vadd.f32 v14, v15;
	v15 =	vbroadcast v9, $0x5;
	v9 =	vbroadcast v9, $0x6;
	s13 =	sadd.s32 $0x40, s13;
	s12 =	sadd.s32 $0x120, s12  }
0x41: {  	v13 =	vmul.f32 v13, v3;
	s14 =	smov.u32 s10;
	s10 =	sadd.s32 $0x40, s10;
	v16 =	vadd.f32 v17, v16;
	v17 =	vunpack.i.l.bf16.f32 v12  }
0x42: {  	v12 =	vunpack.i.u.bf16.f32 v12;
	v10 =	vadd.f32 v10, v14;
	v14 =	vmul.f32 v17, v4;
	v17 =	vld [tilespmem:s9+$0x50]  }
0x43: {  	v12 =	vmul.f32 v12, v4;
	v13 =	vadd.f32 v13, v16;
	v16 =	vunpack.i.l.bf16.f32 v11  }
0x44: {  	v11 =	vunpack.i.u.bf16.f32 v11;
	v10 =	vadd.f32 v14, v10;
	v14 =	vmul.f32 v16, v15;
	v16 =	vld [tilespmem:s9+$0x70]  }
0x45: {  	s14 =	sshra.s32 s14, $0x2;
	v11 =	vmul.f32 v11, v15;
	v12 =	vadd.f32 v12, v13;
	v13 =	vunpack.i.l.bf16.f32 v8  }
0x46: {  	v8 =	vunpack.i.u.bf16.f32 v8;
	v10 =	vadd.f32 v14, v10;
	v13 =	vmul.f32 v13, v9  }
0x47: {  	v8 =	vmul.f32 v8, v9;
	v11 =	vadd.f32 v11, v12;
	v12 =	vunpack.i.l.bf16.f32 v17  }
0x48: {  	v10 =	vadd.f32 v13, v10;
	v13 =	vunpack.i.u.bf16.f32 v17;
	v12 =	vmul.f32 v12, v2  }
0x49: {  	v8 =	vadd.f32 v8, v11;
	v11 =	vmul.f32 v13, v2;
	v13 =	vunpack.i.l.bf16.f32 v16  }
0x4a: {  	v10 =	vadd.f32 v12, v10;
	v12 =	vunpack.i.u.bf16.f32 v16;
	v13 =	vmul.f32 v13, v0  }
0x4b: {  	v8 =	vadd.f32 v11, v8;
	v11 =	vmul.f32 v12, v0  }
0x4c: {  	v10 =	vadd.f32 v13, v10  }
0x4d: {  	v8 =	vadd.f32 v11, v8  }
0x4e: {  	[tilespmem:s1+$0xFFFFFFE0] =	vst v10  }
0x4f: {  	[tilespmem:s1+$0xFFFFFFF0] =	vst v8  }
0x50: {  	v8 =	vld [tilespmem:s9+$0xFFFFFF80]  }
0x51: {  	v10 =	vld [tilespmem:s9+$0xFFFFFFA0];
	_ =	sdelay $0x1  }
0x52: {  	v11 =	vld [tilespmem:s9+$0xFFFFFFC0];
	_ =	sdelay $0x1  }
0x53: {  	v12 =	vunpack.i.u.bf16.f32 v8;
	v8 =	vunpack.i.l.bf16.f32 v8;
	v13 =	vld [tilespmem:s9+$0xFFFFFFE0]  }
0x54: {  	v8 =	vmul.f32 v8, v7;
	v7 =	vmul.f32 v12, v7;
	v12 =	vunpack.i.u.bf16.f32 v10  }
0x55: {  	v10 =	vunpack.i.l.bf16.f32 v10;
	v12 =	vmul.f32 v12, v6;
	v14 =	vld [tilespmem:s9+$0x0]  }
0x56: {  	v6 =	vmul.f32 v10, v6;
	v10 =	vunpack.i.u.bf16.f32 v11;
	v11 =	vunpack.i.l.bf16.f32 v11  }
0x57: {  	v7 =	vadd.f32 v12, v7;
	v11 =	vmul.f32 v11, v5;
	v5 =	vmul.f32 v10, v5;
	v10 =	vld [tilespmem:s9+$0x20]  }
0x58: {  	v6 =	vadd.f32 v6, v8;
	v8 =	vunpack.i.u.bf16.f32 v13;
	v12 =	vunpack.i.l.bf16.f32 v13  }
0x59: {  	v5 =	vadd.f32 v5, v7;
	v7 =	vmul.f32 v12, v3;
	v3 =	vmul.f32 v8, v3;
	v8 =	vld [tilespmem:s9+$0x40]  }
0x5a: {  	v6 =	vadd.f32 v11, v6;
	v11 =	vunpack.i.u.bf16.f32 v14  }
0x5b: {  	v3 =	vadd.f32 v3, v5;
	v5 =	vunpack.i.l.bf16.f32 v14;
	v11 =	vmul.f32 v11, v4;
	v12 =	vld [tilespmem:s9+$0x60]  }
0x5c: {  	v6 =	vadd.f32 v7, v6;
	v4 =	vmul.f32 v5, v4;
	v5 =	vunpack.i.u.bf16.f32 v10  }
0x5d: {  	v7 =	vunpack.i.l.bf16.f32 v10;
	v3 =	vadd.f32 v11, v3;
	v5 =	vmul.f32 v5, v15;
	v10 =	vld [tilespmem:s9+$0x80];
	s9 =	smov.u32 s12  }
0x5e: {  	v4 =	vadd.f32 v4, v6;
	v6 =	vmul.f32 v7, v15;
	v7 =	vunpack.i.u.bf16.f32 v8  }
0x5f: {  	v3 =	vadd.f32 v5, v3;
	v5 =	vunpack.i.l.bf16.f32 v8;
	v7 =	vmul.f32 v7, v9  }
0x60: {  	v4 =	vadd.f32 v6, v4;
	v5 =	vmul.f32 v5, v9;
	v6 =	vunpack.i.u.bf16.f32 v12  }
0x61: {  	v3 =	vadd.f32 v7, v3;
	v7 =	vunpack.i.l.bf16.f32 v12;
	v6 =	vmul.f32 v6, v2  }
0x62: {  	v4 =	vadd.f32 v5, v4;
	v2 =	vmul.f32 v7, v2;
	v5 =	vunpack.i.u.bf16.f32 v10  }
0x63: {  	v3 =	vadd.f32 v6, v3;
	v6 =	vunpack.i.l.bf16.f32 v10;
	v5 =	vmul.f32 v5, v0  }
0x64: {  	v2 =	vadd.f32 v2, v4;
	v0 =	vmul.f32 v6, v0  }
0x65: {  	v3 =	vadd.f32 v5, v3  }
0x66: {  	v0 =	vadd.f32 v0, v2  }
0x67: {  	[tilespmem:s1+$0x10] =	vst v3  }
0x68: {  	[tilespmem:s1+$0x0] =	vst v0;
	s1 =	smov.u32 s13  }
0x69: {  	v9 =	vld.idx.msk [tilespmem:v1+s14+$0x0 ss:$0x1], $0xffff  }
0x6a: {  	v2 =	vld [tilespmem:s12+$0xFFFFFFD0]  }
0x6b: {  	v4 =	vld [tilespmem:s12+$0xFFFFFF70]  }
0x6c: {  	v5 =	vld [tilespmem:s12+$0xFFFFFF90]  }
0x6d: {  	v8 =	vld [tilespmem:s12+$0x30]  }
0x6e: {  	v11 =	vld [tilespmem:s12+$0xFFFFFFB0]  }
0x6f: {  	v3 =	vbroadcast v9, $0x3;
	v0 =	vbroadcast v9, $0x8;
	v10 =	vunpack.i.l.bf16.f32 v2  }
0x70: {  	v7 =	vbroadcast v9, $0x0;
	v13 =	vunpack.i.u.bf16.f32 v4;
	v4 =	vunpack.i.l.bf16.f32 v4  }
0x71: {  	v6 =	vbroadcast v9, $0x1;
	v10 =	vmul.f32 v10, v3;
	v12 =	vunpack.i.u.bf16.f32 v5  }
.Ltmp0:
0x72: {  	v4 =	vmul.f32 v4, v7;
	v14 =	vunpack.i.l.bf16.f32 v5;
	v5 =	vbroadcast v9, $0x2;
	(pc) =	sbr.rel @p1 .LBB2_4-.Ltmp0, $4  }
0x73: {  	v15 =	vmul.f32 v14, v6;
	v16 =	vmul.f32 v12, v6;
	v14 =	vunpack.i.l.bf16.f32 v11;
	v12 =	vld [tilespmem:s12+$0xFFFFFFF0]  }
0x74: {  	v17 =	vmul.f32 v13, v7;
	v13 =	vunpack.i.u.bf16.f32 v2;
	v14 =	vmul.f32 v14, v5  }
0x75: {  	v2 =	vunpack.i.u.bf16.f32 v11;
	v15 =	vadd.f32 v15, v4;
	v4 =	vbroadcast v9, $0x4;
	v11 =	vld [tilespmem:s12+$0x10]  }
0x76: {  	v16 =	vadd.f32 v16, v17;
	v17 =	vmul.f32 v2, v5;
	v2 =	vbroadcast v9, $0x7  }
0x77: {  	v1 =	vadd.f32 v14, v15;
	v14 =	vbroadcast v9, $0x5;
	v9 =	vbroadcast v9, $0x6  }
0x78: {  	v13 =	vmul.f32 v13, v3;
	v15 =	vadd.f32 v17, v16;
	v16 =	vunpack.i.l.bf16.f32 v12  }
0x79: {  	v1 =	vadd.f32 v10, v1;
	v10 =	vunpack.i.u.bf16.f32 v12;
	v12 =	vmul.f32 v16, v4;
	v16 =	vld [tilespmem:s9+$0x50]  }
0x7a: {  	v13 =	vadd.f32 v13, v15;
	v10 =	vmul.f32 v10, v4;
	v15 =	vunpack.i.l.bf16.f32 v11  }
0x7b: {  	v11 =	vunpack.i.u.bf16.f32 v11;
	v1 =	vadd.f32 v12, v1;
	v12 =	vmul.f32 v15, v14;
	v15 =	vld [tilespmem:s9+$0x70]  }
0x7c: {  	v11 =	vmul.f32 v11, v14;
	v10 =	vadd.f32 v10, v13;
	v13 =	vunpack.i.l.bf16.f32 v8  }
0x7d: {  	v8 =	vunpack.i.u.bf16.f32 v8;
	v1 =	vadd.f32 v12, v1;
	v12 =	vmul.f32 v13, v9  }
0x7e: {  	v8 =	vmul.f32 v8, v9;
	v10 =	vadd.f32 v11, v10;
	v11 =	vunpack.i.l.bf16.f32 v16  }
0x7f: {  	v1 =	vadd.f32 v12, v1;
	v12 =	vunpack.i.u.bf16.f32 v16;
	v11 =	vmul.f32 v11, v2  }
0x80: {  	v8 =	vadd.f32 v8, v10;
	v10 =	vmul.f32 v12, v2;
	v12 =	vunpack.i.l.bf16.f32 v15  }
0x81: {  	v1 =	vadd.f32 v11, v1;
	v11 =	vunpack.i.u.bf16.f32 v15;
	v12 =	vmul.f32 v12, v0  }
0x82: {  	v8 =	vadd.f32 v10, v8;
	v10 =	vmul.f32 v11, v0  }
0x83: {  	v1 =	vadd.f32 v12, v1  }
0x84: {  	v8 =	vadd.f32 v10, v8  }
0x85: {  	[tilespmem:s1+$0xFFFFFFE0] =	vst v1  }
0x86: {  	[tilespmem:s1+$0xFFFFFFF0] =	vst v8  }
0x87: {  	v1 =	vld [tilespmem:s9+$0xFFFFFF80]  }
0x88: {  	v8 =	vld [tilespmem:s9+$0xFFFFFFA0];
	_ =	sdelay $0x1  }
0x89: {  	v10 =	vld [tilespmem:s9+$0xFFFFFFC0];
	_ =	sdelay $0x1  }
0x8a: {  	v11 =	vld [tilespmem:s9+$0xFFFFFFE0]  }
0x8b: {  	v12 =	vunpack.i.u.bf16.f32 v1;
	v1 =	vunpack.i.l.bf16.f32 v1;
	v13 =	vunpack.i.u.bf16.f32 v8  }
0x8c: {  	v15 =	vld [tilespmem:s9+$0x0];
	v8 =	vunpack.i.l.bf16.f32 v8;
	v12 =	vmul.f32 v12, v7;
	v13 =	vmul.f32 v13, v6  }
0x8d: {  	v1 =	vmul.f32 v1, v7;
	v6 =	vmul.f32 v8, v6;
	v7 =	vunpack.i.u.bf16.f32 v10  }
0x8e: {  	v8 =	vunpack.i.l.bf16.f32 v10;
	v7 =	vmul.f32 v7, v5;
	v10 =	vadd.f32 v13, v12;
	v12 =	vld [tilespmem:s9+$0x20]  }
0x8f: {  	v5 =	vmul.f32 v8, v5;
	v1 =	vadd.f32 v6, v1;
	v6 =	vunpack.i.u.bf16.f32 v11  }
0x90: {  	v8 =	vunpack.i.l.bf16.f32 v11;
	v6 =	vmul.f32 v6, v3;
	v7 =	vadd.f32 v7, v10;
	v10 =	vld [tilespmem:s9+$0x40]  }
0x91: {  	v3 =	vmul.f32 v8, v3;
	v1 =	vadd.f32 v5, v1;
	v5 =	vunpack.i.u.bf16.f32 v15  }
0x92: {  	v8 =	vld [tilespmem:s9+$0x60];
	v5 =	vmul.f32 v5, v4;
	v6 =	vadd.f32 v6, v7;
	v7 =	vunpack.i.l.bf16.f32 v15  }
0x93: {  	v1 =	vadd.f32 v3, v1;
	v3 =	vmul.f32 v7, v4;
	v4 =	vunpack.i.u.bf16.f32 v12  }
0x94: {  	v7 =	vld [tilespmem:s9+$0x80];
	v5 =	vadd.f32 v5, v6;
	v6 =	vunpack.i.l.bf16.f32 v12;
	v4 =	vmul.f32 v4, v14  }
0x95: {  	v1 =	vadd.f32 v3, v1;
	v3 =	vmul.f32 v6, v14;
	v6 =	vunpack.i.u.bf16.f32 v10  }
0x96: {  	v4 =	vadd.f32 v4, v5;
	v5 =	vunpack.i.l.bf16.f32 v10;
	v6 =	vmul.f32 v6, v9  }
0x97: {  	v1 =	vadd.f32 v3, v1;
	v3 =	vmul.f32 v5, v9;
	v5 =	vunpack.i.u.bf16.f32 v8  }
0x98: {  	v4 =	vadd.f32 v6, v4;
	v6 =	vunpack.i.l.bf16.f32 v8;
	v5 =	vmul.f32 v5, v2  }
0x99: {  	v1 =	vadd.f32 v3, v1;
	v2 =	vmul.f32 v6, v2;
	v3 =	vunpack.i.u.bf16.f32 v7  }
0x9a: {  	v4 =	vadd.f32 v5, v4;
	v5 =	vunpack.i.l.bf16.f32 v7;
	v3 =	vmul.f32 v3, v0  }
0x9b: {  	v1 =	vadd.f32 v2, v1;
	v0 =	vmul.f32 v5, v0  }
0x9c: {  	s10 =	smul.u32 $0x140, s29;
	v2 =	vadd.f32 v3, v4  }
0x9d: {  	v0 =	vadd.f32 v0, v1  }
0x9e: {  	s9 =	sshra.s32 s10, $0x2;
	[tilespmem:s1+$0x10] =	vst v2  }
0x9f: {  	s12 =	sadd.s32 $0x3E8, s9;
	[tilespmem:s1+$0x0] =	vst v0  }
0xa0: {  	[spmem:s3] =	stream.indirect.scatter.add.f32 [tilespmem:s21], [sflag:$0x3], $0x40, s12, s17, $0xb8;
	[tilespmem:$0x15450] =	vst v63  }
0xa1: {  	s13 =	sadd.s32 $0x50, s9  }
0xa2: {  	[tilespmem:s18], [sflag:$0x1] =	stream.indirect.gather [hbm4b:s5+s17], $0x120, s13, s17, $0xb8;
	[tilespmem:$0x15450] =	vst v63  }
0xa3: {  	_ =	swait.ge [sflag:s22], $0x2D00  }
0xa4: {  	v1 =	vmov s31;
	[sflag:s22] =	ssyncset.done $0x0  }
0xa5: {  	s1 =	simm.s32 @!p0 $0x4;
	[sflag:s22] =	ssyncadd.s32 $0xFFFFD300  }
0xa6: {  	_ =	swait.ge @!p0 [sflag:s1], $0xA00  }
0xa7: {  	[sflag:s1] =	ssyncset.done @!p0 $0x0  }
0xa8: {  	s14 =	simm.s32 $0x0;
	[sflag:s1] =	ssyncadd.s32 @!p0 $0xFFFFF600  }
0xa9: {  	s12 =	simm.s32 $0x73E0;
	v9 =	vld.idx.msk [tilespmem:v1+s14+$0x0 ss:$0x1], $0xffff  }
0xaa: {  	v2 =	vld [tilespmem:s12+$0xFFFFFFD0]  }
0xab: {  	v4 =	vld [tilespmem:s12+$0xFFFFFF70]  }
0xac: {  	v5 =	vld [tilespmem:s12+$0xFFFFFF90];
	_ =	sdelay $0x1  }
0xad: {  	v11 =	vld [tilespmem:s12+$0xFFFFFFB0]  }
0xae: {  	v8 =	vunpack.i.l.bf16.f32 v2;
	v3 =	vbroadcast v9, $0x3;
	v7 =	vbroadcast v9, $0x0  }
0xaf: {  	v12 =	vunpack.i.u.bf16.f32 v4;
	v4 =	vunpack.i.l.bf16.f32 v4;
	v6 =	vbroadcast v9, $0x1  }
0xb0: {  	v13 =	vunpack.i.u.bf16.f32 v5;
	v10 =	vmul.f32 v8, v3;
	v4 =	vmul.f32 v4, v7  }
0xb1: {  	v8 =	vunpack.i.l.bf16.f32 v5;
	v5 =	vbroadcast v9, $0x2;
	v16 =	vmul.f32 v13, v6  }
0xb2: {  	v13 =	vunpack.i.l.bf16.f32 v11;
	v17 =	vmul.f32 v12, v7;
	v12 =	vld [tilespmem:s12+$0xFFFFFFF0];
	v15 =	vmul.f32 v8, v6  }
0xb3: {  	v0 =	vbroadcast v9, $0x8;
	v14 =	vmul.f32 v13, v5;
	v13 =	vunpack.i.u.bf16.f32 v2  }
0xb4: {  	s10 =	simm.s32 $0x40;
	v2 =	vunpack.i.u.bf16.f32 v11;
	v11 =	vld [tilespmem:s12+$0x10];
	v15 =	vadd.f32 v15, v4;
	v4 =	vbroadcast v9, $0x4  }
0xb5: {  	s9 =	simm.s32 $0x73E0;
	s13 =	simm.s32 $0xAA70;
	s1 =	simm.s32 $0xAA70;
	v8 =	vld [tilespmem:s12+$0x30];
	v16 =	vadd.f32 v16, v17;
	v17 =	vmul.f32 v2, v5;
	v2 =	vbroadcast v9, $0x7  }
.LBB2_6:
0xb6: {  	p0 =	sne.s32 s10, $0x9C0;
	v14 =	vadd.f32 v14, v15;
	v15 =	vbroadcast v9, $0x5;
	v9 =	vbroadcast v9, $0x6;
	s13 =	sadd.s32 $0x40, s13;
	s12 =	sadd.s32 $0x120, s12  }
0xb7: {  	v13 =	vmul.f32 v13, v3;
	s14 =	smov.u32 s10;
	s10 =	sadd.s32 $0x40, s10;
	v16 =	vadd.f32 v17, v16;
	v17 =	vunpack.i.l.bf16.f32 v12  }
0xb8: {  	v12 =	vunpack.i.u.bf16.f32 v12;
	v10 =	vadd.f32 v10, v14;
	v14 =	vmul.f32 v17, v4;
	v17 =	vld [tilespmem:s9+$0x50]  }
0xb9: {  	v12 =	vmul.f32 v12, v4;
	v13 =	vadd.f32 v13, v16;
	v16 =	vunpack.i.l.bf16.f32 v11  }
0xba: {  	v11 =	vunpack.i.u.bf16.f32 v11;
	v10 =	vadd.f32 v14, v10;
	v14 =	vmul.f32 v16, v15;
	v16 =	vld [tilespmem:s9+$0x70]  }
0xbb: {  	s14 =	sshra.s32 s14, $0x2;
	v11 =	vmul.f32 v11, v15;
	v12 =	vadd.f32 v12, v13;
	v13 =	vunpack.i.l.bf16.f32 v8  }
0xbc: {  	v8 =	vunpack.i.u.bf16.f32 v8;
	v10 =	vadd.f32 v14, v10;
	v13 =	vmul.f32 v13, v9  }
0xbd: {  	v8 =	vmul.f32 v8, v9;
	v11 =	vadd.f32 v11, v12;
	v12 =	vunpack.i.l.bf16.f32 v17  }
0xbe: {  	v10 =	vadd.f32 v13, v10;
	v13 =	vunpack.i.u.bf16.f32 v17;
	v12 =	vmul.f32 v12, v2  }
0xbf: {  	v8 =	vadd.f32 v8, v11;
	v11 =	vmul.f32 v13, v2;
	v13 =	vunpack.i.l.bf16.f32 v16  }
0xc0: {  	v10 =	vadd.f32 v12, v10;
	v12 =	vunpack.i.u.bf16.f32 v16;
	v13 =	vmul.f32 v13, v0  }
0xc1: {  	v8 =	vadd.f32 v11, v8;
	v11 =	vmul.f32 v12, v0  }
0xc2: {  	v10 =	vadd.f32 v13, v10  }
0xc3: {  	v8 =	vadd.f32 v11, v8  }
0xc4: {  	[tilespmem:s1+$0xFFFFFFE0] =	vst v10  }
0xc5: {  	[tilespmem:s1+$0xFFFFFFF0] =	vst v8  }
0xc6: {  	v8 =	vld [tilespmem:s9+$0xFFFFFF80]  }
0xc7: {  	v10 =	vld [tilespmem:s9+$0xFFFFFFA0];
	_ =	sdelay $0x1  }
0xc8: {  	v11 =	vld [tilespmem:s9+$0xFFFFFFC0];
	_ =	sdelay $0x1  }
0xc9: {  	v12 =	vunpack.i.u.bf16.f32 v8;
	v8 =	vunpack.i.l.bf16.f32 v8;
	v13 =	vld [tilespmem:s9+$0xFFFFFFE0]  }
0xca: {  	v8 =	vmul.f32 v8, v7;
	v7 =	vmul.f32 v12, v7;
	v12 =	vunpack.i.u.bf16.f32 v10  }
0xcb: {  	v10 =	vunpack.i.l.bf16.f32 v10;
	v12 =	vmul.f32 v12, v6;
	v14 =	vld [tilespmem:s9+$0x0]  }
0xcc: {  	v6 =	vmul.f32 v10, v6;
	v10 =	vunpack.i.u.bf16.f32 v11;
	v11 =	vunpack.i.l.bf16.f32 v11  }
0xcd: {  	v7 =	vadd.f32 v12, v7;
	v11 =	vmul.f32 v11, v5;
	v5 =	vmul.f32 v10, v5;
	v10 =	vld [tilespmem:s9+$0x20]  }
0xce: {  	v6 =	vadd.f32 v6, v8;
	v8 =	vunpack.i.u.bf16.f32 v13;
	v12 =	vunpack.i.l.bf16.f32 v13  }
0xcf: {  	v5 =	vadd.f32 v5, v7;
	v7 =	vmul.f32 v12, v3;
	v3 =	vmul.f32 v8, v3;
	v8 =	vld [tilespmem:s9+$0x40]  }
0xd0: {  	v6 =	vadd.f32 v11, v6;
	v11 =	vunpack.i.u.bf16.f32 v14  }
0xd1: {  	v3 =	vadd.f32 v3, v5;
	v5 =	vunpack.i.l.bf16.f32 v14;
	v11 =	vmul.f32 v11, v4;
	v12 =	vld [tilespmem:s9+$0x60]  }
0xd2: {  	v6 =	vadd.f32 v7, v6;
	v4 =	vmul.f32 v5, v4;
	v5 =	vunpack.i.u.bf16.f32 v10  }
0xd3: {  	v7 =	vunpack.i.l.bf16.f32 v10;
	v3 =	vadd.f32 v11, v3;
	v5 =	vmul.f32 v5, v15;
	v10 =	vld [tilespmem:s9+$0x80];
	s9 =	smov.u32 s12  }
0xd4: {  	v4 =	vadd.f32 v4, v6;
	v6 =	vmul.f32 v7, v15;
	v7 =	vunpack.i.u.bf16.f32 v8  }
0xd5: {  	v3 =	vadd.f32 v5, v3;
	v5 =	vunpack.i.l.bf16.f32 v8;
	v7 =	vmul.f32 v7, v9  }
0xd6: {  	v4 =	vadd.f32 v6, v4;
	v5 =	vmul.f32 v5, v9;
	v6 =	vunpack.i.u.bf16.f32 v12  }
0xd7: {  	v3 =	vadd.f32 v7, v3;
	v7 =	vunpack.i.l.bf16.f32 v12;
	v6 =	vmul.f32 v6, v2  }
0xd8: {  	v4 =	vadd.f32 v5, v4;
	v2 =	vmul.f32 v7, v2;
	v5 =	vunpack.i.u.bf16.f32 v10  }
0xd9: {  	v3 =	vadd.f32 v6, v3;
	v6 =	vunpack.i.l.bf16.f32 v10;
	v5 =	vmul.f32 v5, v0  }
0xda: {  	v2 =	vadd.f32 v2, v4;
	v0 =	vmul.f32 v6, v0  }
0xdb: {  	v3 =	vadd.f32 v5, v3  }
0xdc: {  	v0 =	vadd.f32 v0, v2  }
0xdd: {  	[tilespmem:s1+$0x10] =	vst v3  }
0xde: {  	[tilespmem:s1+$0x0] =	vst v0;
	s1 =	smov.u32 s13  }
0xdf: {  	v9 =	vld.idx.msk [tilespmem:v1+s14+$0x0 ss:$0x1], $0xffff  }
0xe0: {  	v2 =	vld [tilespmem:s12+$0xFFFFFFD0]  }
0xe1: {  	v4 =	vld [tilespmem:s12+$0xFFFFFF70]  }
0xe2: {  	v5 =	vld [tilespmem:s12+$0xFFFFFF90]  }
0xe3: {  	v8 =	vld [tilespmem:s12+$0x30]  }
0xe4: {  	v11 =	vld [tilespmem:s12+$0xFFFFFFB0]  }
0xe5: {  	v3 =	vbroadcast v9, $0x3;
	v0 =	vbroadcast v9, $0x8;
	v10 =	vunpack.i.l.bf16.f32 v2  }
0xe6: {  	v7 =	vbroadcast v9, $0x0;
	v13 =	vunpack.i.u.bf16.f32 v4;
	v4 =	vunpack.i.l.bf16.f32 v4  }
0xe7: {  	v6 =	vbroadcast v9, $0x1;
	v10 =	vmul.f32 v10, v3;
	v12 =	vunpack.i.u.bf16.f32 v5  }
.Ltmp1:
0xe8: {  	v4 =	vmul.f32 v4, v7;
	v14 =	vunpack.i.l.bf16.f32 v5;
	v5 =	vbroadcast v9, $0x2;
	(pc) =	sbr.rel @p0 .LBB2_6-.Ltmp1, $4  }
0xe9: {  	v15 =	vmul.f32 v14, v6;
	v16 =	vmul.f32 v12, v6;
	v14 =	vunpack.i.l.bf16.f32 v11;
	v12 =	vld [tilespmem:s12+$0xFFFFFFF0]  }
0xea: {  	v17 =	vmul.f32 v13, v7;
	v13 =	vunpack.i.u.bf16.f32 v2;
	v14 =	vmul.f32 v14, v5  }
0xeb: {  	v2 =	vunpack.i.u.bf16.f32 v11;
	v15 =	vadd.f32 v15, v4;
	v4 =	vbroadcast v9, $0x4;
	v11 =	vld [tilespmem:s12+$0x10]  }
0xec: {  	v16 =	vadd.f32 v16, v17;
	v17 =	vmul.f32 v2, v5;
	v2 =	vbroadcast v9, $0x7  }
0xed: {  	v1 =	vadd.f32 v14, v15;
	v57 =	vbroadcast v9, $0x5;
	v58 =	vbroadcast v9, $0x6  }
0xee: {  	v13 =	vmul.f32 v13, v3;
	v59 =	vadd.f32 v17, v16;
	v60 =	vunpack.i.l.bf16.f32 v12  }
0xef: {  	v63 =	vld [tilespmem:s9+$0x50];
	v61 =	vunpack.i.u.bf16.f32 v12;
	v1 =	vadd.f32 v10, v1;
	v62 =	vmul.f32 v60, v4  }
0xf0: {  	v10 =	vmul.f32 v61, v4;
	v13 =	vadd.f32 v13, v59;
	v18 =	vunpack.i.l.bf16.f32 v11  }
0xf1: {  	v21 =	vld [tilespmem:s9+$0x70];
	v19 =	vunpack.i.u.bf16.f32 v11;
	v1 =	vadd.f32 v62, v1;
	v20 =	vmul.f32 v18, v57  }
0xf2: {  	v22 =	vunpack.i.l.bf16.f32 v8;
	v11 =	vmul.f32 v19, v57;
	v10 =	vadd.f32 v10, v13  }
0xf3: {  	v23 =	vunpack.i.u.bf16.f32 v8;
	v24 =	vmul.f32 v22, v58;
	v1 =	vadd.f32 v20, v1  }
0xf4: {  	v8 =	vmul.f32 v23, v58;
	v25 =	vunpack.i.l.bf16.f32 v63;
	v10 =	vadd.f32 v11, v10  }
0xf5: {  	v26 =	vunpack.i.u.bf16.f32 v63;
	v11 =	vmul.f32 v25, v2;
	v1 =	vadd.f32 v24, v1  }
0xf6: {  	v28 =	vunpack.i.l.bf16.f32 v21;
	v27 =	vmul.f32 v26, v2;
	v8 =	vadd.f32 v8, v10  }
0xf7: {  	v29 =	vunpack.i.u.bf16.f32 v21;
	v12 =	vmul.f32 v28, v0;
	v1 =	vadd.f32 v11, v1  }
0xf8: {  	v30 =	vmul.f32 v29, v0;
	v8 =	vadd.f32 v27, v8  }
0xf9: {  	v1 =	vadd.f32 v12, v1  }
0xfa: {  	v8 =	vadd.f32 v30, v8  }
0xfb: {  	[tilespmem:s1+$0xFFFFFFE0] =	vst v1  }
0xfc: {  	[tilespmem:s1+$0xFFFFFFF0] =	vst v8  }
0xfd: {  	v1 =	vld [tilespmem:s9+$0xFFFFFF80]  }
0xfe: {  	v8 =	vld [tilespmem:s9+$0xFFFFFFA0];
	_ =	sdelay $0x1  }
0xff: {  	v31 =	vld [tilespmem:s9+$0xFFFFFFC0];
	_ =	sdelay $0x1  }
0x100: {  	v32 =	vld [tilespmem:s9+$0xFFFFFFE0]  }
0x101: {  	v33 =	vunpack.i.u.bf16.f32 v1;
	v1 =	vunpack.i.l.bf16.f32 v1;
	v34 =	vunpack.i.u.bf16.f32 v8  }
0x102: {  	v35 =	vld [tilespmem:s9+$0x0];
	v8 =	vunpack.i.l.bf16.f32 v8;
	v12 =	vmul.f32 v33, v7;
	v13 =	vmul.f32 v34, v6  }
0x103: {  	v37 =	vunpack.i.u.bf16.f32 v31;
	v1 =	vmul.f32 v1, v7;
	v36 =	vmul.f32 v8, v6  }
0x104: {  	v40 =	vld [tilespmem:s9+$0x20];
	v38 =	vunpack.i.l.bf16.f32 v31;
	v7 =	vmul.f32 v37, v5;
	v39 =	vadd.f32 v13, v12  }
0x105: {  	v42 =	vunpack.i.u.bf16.f32 v32;
	v41 =	vmul.f32 v38, v5;
	v1 =	vadd.f32 v36, v1  }
0x106: {  	v44 =	vld [tilespmem:s9+$0x40];
	v43 =	vunpack.i.l.bf16.f32 v32;
	v6 =	vmul.f32 v42, v3;
	v7 =	vadd.f32 v7, v39  }
0x107: {  	v46 =	vunpack.i.u.bf16.f32 v35;
	v45 =	vmul.f32 v43, v3;
	v1 =	vadd.f32 v41, v1  }
0x108: {  	v48 =	vld [tilespmem:s9+$0x60];
	v47 =	vunpack.i.l.bf16.f32 v35;
	v5 =	vmul.f32 v46, v4;
	v6 =	vadd.f32 v6, v7  }
0x109: {  	v50 =	vunpack.i.u.bf16.f32 v40;
	v49 =	vmul.f32 v47, v4;
	v1 =	vadd.f32 v45, v1  }
0x10a: {  	v52 =	vld [tilespmem:s9+$0x80];
	v51 =	vunpack.i.l.bf16.f32 v40;
	v4 =	vmul.f32 v50, v57;
	v5 =	vadd.f32 v5, v6  }
0x10b: {  	v54 =	vunpack.i.u.bf16.f32 v44;
	v53 =	vmul.f32 v51, v57;
	v1 =	vadd.f32 v49, v1  }
0x10c: {  	v55 =	vunpack.i.l.bf16.f32 v44;
	v6 =	vmul.f32 v54, v58;
	v4 =	vadd.f32 v4, v5  }
0x10d: {  	v56 =	vmul.f32 v55, v58;
	v57 =	vunpack.i.u.bf16.f32 v48;
	v1 =	vadd.f32 v53, v1  }
0x10e: {  	v58 =	vunpack.i.l.bf16.f32 v48;
	v5 =	vmul.f32 v57, v2;
	v4 =	vadd.f32 v6, v4  }
0x10f: {  	v60 =	vunpack.i.u.bf16.f32 v52;
	v59 =	vmul.f32 v58, v2;
	v1 =	vadd.f32 v56, v1  }
0x110: {  	s29 =	sadd.s32 $0x1, s29;
	v61 =	vunpack.i.l.bf16.f32 v52;
	v3 =	vmul.f32 v60, v0;
	v4 =	vadd.f32 v5, v4  }
0x111: {  	p0 =	sne.s32 s29, $0xC;
	v62 =	vmul.f32 v61, v0;
	v1 =	vadd.f32 v59, v1  }
.Ltmp2:
0x112: {  	v63 =	vadd.f32 v3, v4;
	(pc) =	sbr.rel @p0 .LBB2_3-.Ltmp2, $4  }
0x113: {  	v0 =	vadd.f32 v62, v1  }
0x114: {  	[tilespmem:s1+$0x10] =	vst v63  }
0x115: {  	s0 =	sadd.s32 $0x3E8, s0;
	s30 =	sadd.s32 $0x500, s30;
	s31 =	sadd.s32 $0x500, s31;
	[tilespmem:s1+$0x0] =	vst v0  }
0x116: {  	[spmem:s3] =	stream.indirect.scatter.add.f32 [tilespmem:s23], [sflag:$0x4], $0x40, s0, s17, $0xb8;
	[tilespmem:$0x15450] =	vst v63  }
0x117: {  	_ =	swait.ge [sflag:s20], $0x2D00  }
0x118: {  	[sflag:s20] =	ssyncset.done $0x0  }
0x119: {  	[sflag:s20] =	ssyncadd.s32 $0xFFFFD300  }
0x11a: {  	_ =	swait.ge [sflag:s24], $0xA00  }
0x11b: {  	[sflag:s24] =	ssyncset.done $0x0  }
0x11c: {  	s30 =	simm.s32 $0x46E0;
	[sflag:s24] =	ssyncadd.s32 $0xFFFFF600  }
0x11d: {  	s0 =	simm.s32 $0x0;
	v0 =	vld [tilespmem:s30+$0xFFFFFF90]  }
0x11e: {  	v7 =	vld [tilespmem:s0+$0x43D0]  }
0x11f: {  	v2 =	vld [tilespmem:s30+$0xFFFFFF70]  }
0x120: {  	v9 =	vld [tilespmem:s30+$0xFFFFFFD0]  }
0x121: {  	v3 =	vld [tilespmem:s30+$0xFFFFFFB0];
	_ =	sdelay $0x1  }
0x122: {  	v6 =	vunpack.i.l.bf16.f32 v0;
	v0 =	vunpack.i.u.bf16.f32 v0;
	v5 =	vbroadcast v7, $0x1  }
0x123: {  	v1 =	vbroadcast v7, $0x4;
	v10 =	vunpack.i.u.bf16.f32 v2;
	v8 =	vbroadcast v7, $0x0  }
0x124: {  	v4 =	vbroadcast v7, $0x2;
	v2 =	vunpack.i.l.bf16.f32 v2;
	v14 =	vunpack.i.u.bf16.f32 v9  }
0x125: {  	v2 =	vmul.f32 v2, v8;
	v11 =	vmul.f32 v6, v5;
	v6 =	vunpack.i.u.bf16.f32 v3  }
0x126: {  	v13 =	vld [tilespmem:s30+$0xFFFFFFF0];
	v9 =	vunpack.i.l.bf16.f32 v9;
	v12 =	vmul.f32 v6, v4;
	v6 =	vbroadcast v7, $0x3  }
0x127: {  	v0 =	vmul.f32 v0, v5;
	v3 =	vunpack.i.l.bf16.f32 v3;
	v10 =	vmul.f32 v10, v8  }
0x128: {  	v3 =	vmul.f32 v3, v4;
	v2 =	vadd.f32 v11, v2;
	v11 =	vmul.f32 v14, v6;
	v14 =	vld [tilespmem:s30+$0x10]  }
0x129: {  	v10 =	vadd.f32 v0, v10;
	v0 =	vbroadcast v7, $0x8;
	v9 =	vmul.f32 v9, v6  }
0x12a: {  	v16 =	vld [tilespmem:s30+$0x30];
	v15 =	vadd.f32 v3, v2;
	v3 =	vbroadcast v7, $0x6;
	v2 =	vbroadcast v7, $0x7  }
0x12b: {  	v10 =	vadd.f32 v12, v10;
	v12 =	vunpack.i.l.bf16.f32 v13;
	v7 =	vbroadcast v7, $0x5  }
0x12c: {  	v13 =	vunpack.i.u.bf16.f32 v13;
	v12 =	vmul.f32 v12, v1;
	v9 =	vadd.f32 v9, v15;
	v15 =	vld [tilespmem:s30+$0x50]  }
0x12d: {  	v10 =	vadd.f32 v11, v10;
	v11 =	vmul.f32 v13, v1;
	v13 =	vunpack.i.l.bf16.f32 v14  }
0x12e: {  	v9 =	vadd.f32 v12, v9;
	v12 =	vunpack.i.u.bf16.f32 v14;
	v14 =	vld [tilespmem:s30+$0x70];
	v13 =	vmul.f32 v13, v7  }
0x12f: {  	v10 =	vadd.f32 v11, v10;
	v11 =	vmul.f32 v12, v7;
	v12 =	vunpack.i.l.bf16.f32 v16  }
0x130: {  	v12 =	vmul.f32 v12, v3;
	v9 =	vadd.f32 v13, v9;
	v13 =	vunpack.i.u.bf16.f32 v16  }
0x131: {  	v10 =	vadd.f32 v11, v10;
	v11 =	vmul.f32 v13, v3;
	v13 =	vunpack.i.l.bf16.f32 v15  }
0x132: {  	v9 =	vadd.f32 v12, v9;
	v12 =	vunpack.i.u.bf16.f32 v15;
	v13 =	vmul.f32 v13, v2  }
0x133: {  	v10 =	vadd.f32 v11, v10;
	v11 =	vmul.f32 v12, v2;
	v12 =	vunpack.i.l.bf16.f32 v14  }
0x134: {  	v9 =	vadd.f32 v13, v9;
	v13 =	vunpack.i.u.bf16.f32 v14;
	v12 =	vmul.f32 v12, v0  }
0x135: {  	v10 =	vadd.f32 v11, v10;
	v11 =	vmul.f32 v13, v0  }
0x136: {  	v9 =	vadd.f32 v12, v9  }
0x137: {  	s1 =	simm.s32 $0xA070;
	v10 =	vadd.f32 v11, v10  }
0x138: {  	[tilespmem:s1+$0xFFFFFFE0] =	vst v9  }
0x139: {  	[tilespmem:s1+$0xFFFFFFF0] =	vst v10  }
0x13a: {  	v10 =	vld [tilespmem:s30+$0xFFFFFF80]  }
0x13b: {  	v15 =	vld [tilespmem:s30+$0xFFFFFFA0];
	_ =	sdelay $0x1  }
0x13c: {  	v11 =	vld [tilespmem:s30+$0xFFFFFFC0];
	_ =	sdelay $0x1  }
0x13d: {  	s12 =	simm.s32 $0x4800;
	s31 =	simm.s32 $0xA0B0;
	s13 =	simm.s32 $0x80;
	v13 =	vunpack.i.u.bf16.f32 v10;
	v12 =	vunpack.i.l.bf16.f32 v10;
	v10 =	vld [tilespmem:s30+$0xFFFFFFE0]  }
0x13e: {  	s9 =	simm.s32 $0x10;
	s29 =	simm.s32 $0x4800;
	s0 =	simm.s32 $0xA0B0;
	v9 =	vld [tilespmem:s30+$0x0];
	v14 =	vunpack.i.u.bf16.f32 v15;
	v15 =	vunpack.i.l.bf16.f32 v15;
	v12 =	vmul.f32 v12, v8  }
.LBB2_9:
0x13f: {  	p0 =	sne.s32 s13, $0x9C0;
	s12 =	sadd.s32 $0x120, s12;
	s31 =	sadd.s32 $0x40, s31;
	v8 =	vmul.f32 v13, v8;
	v13 =	vmul.f32 v15, v5  }
0x140: {  	v5 =	vmul.f32 v14, v5;
	s10 =	smov.u32 s13;
	s13 =	sadd.s32 $0x40, s13;
	v14 =	vunpack.i.u.bf16.f32 v11;
	v11 =	vunpack.i.l.bf16.f32 v11  }
0x141: {  	v12 =	vadd.f32 v13, v12;
	v11 =	vmul.f32 v11, v4;
	v4 =	vmul.f32 v14, v4;
	v13 =	vld [tilespmem:s30+$0x20]  }
0x142: {  	v5 =	vadd.f32 v5, v8;
	v8 =	vunpack.i.u.bf16.f32 v10;
	v10 =	vunpack.i.l.bf16.f32 v10  }
0x143: {  	v11 =	vadd.f32 v11, v12;
	v10 =	vmul.f32 v10, v6;
	v6 =	vmul.f32 v8, v6;
	v8 =	vld [tilespmem:s30+$0x40]  }
0x144: {  	v4 =	vadd.f32 v4, v5;
	v5 =	vunpack.i.l.bf16.f32 v9  }
0x145: {  	s10 =	sshra.s32 s10, $0x2;
	v9 =	vunpack.i.u.bf16.f32 v9;
	v5 =	vmul.f32 v5, v1;
	v10 =	vadd.f32 v10, v11;
	v11 =	vld [tilespmem:s30+$0x60]  }
0x146: {  	v1 =	vmul.f32 v9, v1;
	v4 =	vadd.f32 v6, v4;
	v6 =	vunpack.i.l.bf16.f32 v13  }
0x147: {  	v9 =	vunpack.i.u.bf16.f32 v13;
	v5 =	vadd.f32 v5, v10;
	v6 =	vmul.f32 v6, v7;
	v10 =	vld [tilespmem:s30+$0x80];
	s30 =	smov.u32 s29;
	s29 =	smov.u32 s12  }
0x148: {  	v1 =	vadd.f32 v1, v4;
	v4 =	vmul.f32 v9, v7;
	v7 =	vunpack.i.l.bf16.f32 v8  }
0x149: {  	v5 =	vadd.f32 v6, v5;
	v6 =	vunpack.i.u.bf16.f32 v8;
	v7 =	vmul.f32 v7, v3  }
0x14a: {  	v1 =	vadd.f32 v4, v1;
	v3 =	vmul.f32 v6, v3;
	v4 =	vunpack.i.l.bf16.f32 v11  }
0x14b: {  	v6 =	vunpack.i.u.bf16.f32 v11;
	v5 =	vadd.f32 v7, v5;
	v4 =	vmul.f32 v4, v2  }
0x14c: {  	v2 =	vmul.f32 v6, v2;
	v1 =	vadd.f32 v3, v1;
	v3 =	vunpack.i.l.bf16.f32 v10  }
0x14d: {  	v4 =	vadd.f32 v4, v5;
	v5 =	vunpack.i.u.bf16.f32 v10;
	v3 =	vmul.f32 v3, v0  }
0x14e: {  	v1 =	vadd.f32 v2, v1;
	v0 =	vmul.f32 v5, v0  }
0x14f: {  	v2 =	vadd.f32 v3, v4  }
0x150: {  	v0 =	vadd.f32 v0, v1  }
0x151: {  	[tilespmem:s1+$0x0] =	vst v2  }
0x152: {  	[tilespmem:s1+$0x10] =	vst v0;
	s1 =	smov.u32 s0;
	s0 =	smov.u32 s31  }
0x153: {  	v0 =	vld [tilespmem:s30+$0xFFFFFF90]  }
0x154: {  	v7 =	vld [tilespmem:s9+$0x43D0];
	s9 =	smov.u32 s10  }
0x155: {  	v2 =	vld [tilespmem:s30+$0xFFFFFF70];
	_ =	sdelay $0x1  }
0x156: {  	v3 =	vld [tilespmem:s30+$0xFFFFFFB0]  }
0x157: {  	v6 =	vunpack.i.l.bf16.f32 v0  }
0x158: {  	v0 =	vunpack.i.u.bf16.f32 v0;
	v5 =	vbroadcast v7, $0x1;
	v9 =	vld [tilespmem:s30+$0xFFFFFFD0];
	v1 =	vbroadcast v7, $0x4  }
0x159: {  	v8 =	vbroadcast v7, $0x0;
	v4 =	vbroadcast v7, $0x2;
	v10 =	vunpack.i.u.bf16.f32 v2  }
0x15a: {  	v2 =	vunpack.i.l.bf16.f32 v2;
	v0 =	vmul.f32 v0, v5  }
0x15b: {  	v2 =	vmul.f32 v2, v8;
	v11 =	vmul.f32 v6, v5;
	v6 =	vunpack.i.u.bf16.f32 v3  }
0x15c: {  	v3 =	vunpack.i.l.bf16.f32 v3;
	v12 =	vmul.f32 v6, v4;
	v6 =	vbroadcast v7, $0x3;
	v13 =	vld [tilespmem:s30+$0xFFFFFFF0]  }
0x15d: {  	v10 =	vmul.f32 v10, v8;
	v3 =	vmul.f32 v3, v4;
	v14 =	vunpack.i.u.bf16.f32 v9  }
0x15e: {  	v2 =	vadd.f32 v11, v2;
	v9 =	vunpack.i.l.bf16.f32 v9;
	v11 =	vmul.f32 v14, v6;
	v14 =	vld [tilespmem:s30+$0x10]  }
0x15f: {  	v10 =	vadd.f32 v0, v10;
	v0 =	vbroadcast v7, $0x8;
	v9 =	vmul.f32 v9, v6  }
0x160: {  	v15 =	vadd.f32 v3, v2;
	v3 =	vbroadcast v7, $0x6;
	v2 =	vbroadcast v7, $0x7;
	v16 =	vld [tilespmem:s30+$0x30]  }
0x161: {  	v10 =	vadd.f32 v12, v10;
	v7 =	vbroadcast v7, $0x5;
	v12 =	vunpack.i.l.bf16.f32 v13  }
0x162: {  	v9 =	vadd.f32 v9, v15;
	v13 =	vunpack.i.u.bf16.f32 v13;
	v12 =	vmul.f32 v12, v1;
	v15 =	vld [tilespmem:s30+$0x50]  }
0x163: {  	v10 =	vadd.f32 v11, v10;
	v11 =	vmul.f32 v13, v1;
	v13 =	vunpack.i.l.bf16.f32 v14  }
0x164: {  	v9 =	vadd.f32 v12, v9;
	v12 =	vunpack.i.u.bf16.f32 v14;
	v13 =	vmul.f32 v13, v7;
	v14 =	vld [tilespmem:s30+$0x70]  }
0x165: {  	v10 =	vadd.f32 v11, v10;
	v11 =	vmul.f32 v12, v7;
	v12 =	vunpack.i.l.bf16.f32 v16  }
0x166: {  	v9 =	vadd.f32 v13, v9;
	v13 =	vunpack.i.u.bf16.f32 v16;
	v12 =	vmul.f32 v12, v3  }
0x167: {  	v10 =	vadd.f32 v11, v10;
	v11 =	vmul.f32 v13, v3;
	v13 =	vunpack.i.l.bf16.f32 v15  }
0x168: {  	v9 =	vadd.f32 v12, v9;
	v12 =	vunpack.i.u.bf16.f32 v15;
	v13 =	vmul.f32 v13, v2  }
0x169: {  	v10 =	vadd.f32 v11, v10;
	v11 =	vmul.f32 v12, v2;
	v12 =	vunpack.i.l.bf16.f32 v14  }
0x16a: {  	v9 =	vadd.f32 v13, v9;
	v13 =	vunpack.i.u.bf16.f32 v14;
	v12 =	vmul.f32 v12, v0  }
0x16b: {  	v10 =	vadd.f32 v11, v10;
	v11 =	vmul.f32 v13, v0  }
0x16c: {  	v9 =	vadd.f32 v12, v9  }
0x16d: {  	v10 =	vadd.f32 v11, v10  }
0x16e: {  	[tilespmem:s1+$0xFFFFFFE0] =	vst v9  }
0x16f: {  	[tilespmem:s1+$0xFFFFFFF0] =	vst v10  }
0x170: {  	v10 =	vld [tilespmem:s30+$0xFFFFFF80]  }
0x171: {  	v15 =	vld [tilespmem:s30+$0xFFFFFFA0]  }
.Ltmp3:
0x172: {  	v9 =	vld [tilespmem:s30+$0x0];
	(pc) =	sbr.rel @p0 .LBB2_9-.Ltmp3, $3  }
0x173: {  	v11 =	vld [tilespmem:s30+$0xFFFFFFC0];
	_ =	sdelay $0x1  }
0x174: {  	v13 =	vunpack.i.u.bf16.f32 v10;
	v12 =	vunpack.i.l.bf16.f32 v10;
	v10 =	vld [tilespmem:s30+$0xFFFFFFE0]  }
0x175: {  	v12 =	vmul.f32 v12, v8;
	v14 =	vunpack.i.u.bf16.f32 v15;
	v15 =	vunpack.i.l.bf16.f32 v15  }
0x176: {  	v15 =	vmul.f32 v15, v5  }
0x177: {  	v8 =	vmul.f32 v13, v8;
	v20 =	vmul.f32 v14, v5;
	v21 =	vunpack.i.l.bf16.f32 v11  }
0x178: {  	v23 =	vld [tilespmem:s30+$0x20];
	v22 =	vunpack.i.u.bf16.f32 v11;
	v12 =	vadd.f32 v15, v12;
	v13 =	vmul.f32 v21, v4  }
0x179: {  	v24 =	vmul.f32 v22, v4;
	v5 =	vadd.f32 v20, v8;
	v25 =	vunpack.i.l.bf16.f32 v10  }
0x17a: {  	v28 =	vld [tilespmem:s30+$0x40];
	v26 =	vunpack.i.u.bf16.f32 v10;
	v27 =	vadd.f32 v13, v12;
	v8 =	vmul.f32 v25, v6  }
0x17b: {  	v30 =	vunpack.i.l.bf16.f32 v9;
	v29 =	vmul.f32 v26, v6;
	v4 =	vadd.f32 v24, v5  }
0x17c: {  	v31 =	vunpack.i.u.bf16.f32 v9;
	v32 =	vld [tilespmem:s30+$0x60];
	v5 =	vmul.f32 v30, v1;
	v8 =	vadd.f32 v8, v27  }
0x17d: {  	v33 =	vmul.f32 v31, v1;
	v34 =	vunpack.i.l.bf16.f32 v23;
	v4 =	vadd.f32 v29, v4  }
0x17e: {  	v36 =	vld [tilespmem:s30+$0x80];
	v35 =	vunpack.i.u.bf16.f32 v23;
	v6 =	vmul.f32 v34, v7;
	v5 =	vadd.f32 v5, v8  }
0x17f: {  	v38 =	vunpack.i.l.bf16.f32 v28;
	v37 =	vmul.f32 v35, v7;
	v1 =	vadd.f32 v33, v4  }
0x180: {  	v39 =	vunpack.i.u.bf16.f32 v28;
	v7 =	vmul.f32 v38, v3;
	v5 =	vadd.f32 v6, v5  }
0x181: {  	v41 =	vunpack.i.l.bf16.f32 v32;
	v40 =	vmul.f32 v39, v3;
	v1 =	vadd.f32 v37, v1  }
0x182: {  	v42 =	vunpack.i.u.bf16.f32 v32;
	v4 =	vmul.f32 v41, v2;
	v5 =	vadd.f32 v7, v5  }
0x183: {  	v44 =	vunpack.i.l.bf16.f32 v36;
	v43 =	vmul.f32 v42, v2;
	v1 =	vadd.f32 v40, v1  }
0x184: {  	v45 =	vunpack.i.u.bf16.f32 v36;
	v3 =	vmul.f32 v44, v0;
	v4 =	vadd.f32 v4, v5  }
0x185: {  	v46 =	vmul.f32 v45, v0;
	v1 =	vadd.f32 v43, v1  }
0x186: {  	v47 =	vadd.f32 v3, v4  }
0x187: {  	v0 =	vadd.f32 v46, v1  }
0x188: {  	[tilespmem:s1+$0x0] =	vst v47  }
0x189: {  	[tilespmem:s1+$0x10] =	vst v0  }
0x18a: {  	v0 =	vld [tilespmem:s29+$0xFFFFFF90]  }
0x18b: {  	v48 =	vld [tilespmem:s9+$0x43D0]  }
0x18c: {  	v2 =	vld [tilespmem:s29+$0xFFFFFF70]  }
0x18d: {  	v49 =	vld [tilespmem:s29+$0xFFFFFFB0];
	_ =	sdelay $0x1  }
0x18e: {  	v52 =	vld [tilespmem:s29+$0xFFFFFFD0]  }
0x18f: {  	v50 =	vunpack.i.l.bf16.f32 v0;
	v0 =	vunpack.i.u.bf16.f32 v0;
	v51 =	vbroadcast v48, $0x1  }
0x190: {  	v53 =	vbroadcast v48, $0x4;
	v54 =	vunpack.i.u.bf16.f32 v2;
	v55 =	vbroadcast v48, $0x0  }
0x191: {  	v56 =	vbroadcast v48, $0x2;
	v2 =	vunpack.i.l.bf16.f32 v2;
	v57 =	vunpack.i.u.bf16.f32 v49  }
0x192: {  	v59 =	vld [tilespmem:s29+$0xFFFFFFF0];
	v3 =	vunpack.i.l.bf16.f32 v49;
	v58 =	vbroadcast v48, $0x3;
	v20 =	vbroadcast v48, $0x8  }
0x193: {  	v60 =	vunpack.i.u.bf16.f32 v52;
	v2 =	vmul.f32 v2, v55;
	v4 =	vmul.f32 v50, v51  }
0x194: {  	v61 =	vunpack.i.l.bf16.f32 v52;
	v0 =	vmul.f32 v0, v51;
	v8 =	vmul.f32 v54, v55  }
0x195: {  	v63 =	vld [tilespmem:s29+$0x10];
	v22 =	vbroadcast v48, $0x6;
	v3 =	vmul.f32 v3, v56;
	v2 =	vadd.f32 v4, v2  }
0x196: {  	v16 =	vbroadcast v48, $0x7;
	v11 =	vmul.f32 v57, v56;
	v0 =	vadd.f32 v0, v8  }
0x197: {  	v21 =	vld [tilespmem:s29+$0x30];
	v23 =	vunpack.i.l.bf16.f32 v59;
	v4 =	vmul.f32 v61, v58;
	v2 =	vadd.f32 v3, v2  }
0x198: {  	v1 =	vbroadcast v48, $0x5;
	v62 =	vmul.f32 v60, v58;
	v0 =	vadd.f32 v11, v0  }
0x199: {  	v25 =	vld [tilespmem:s29+$0x50];
	v24 =	vunpack.i.u.bf16.f32 v59;
	v11 =	vmul.f32 v23, v53;
	v2 =	vadd.f32 v4, v2  }
0x19a: {  	v26 =	vunpack.i.l.bf16.f32 v63;
	v0 =	vadd.f32 v62, v0;
	v4 =	vmul.f32 v24, v53  }
0x19b: {  	v28 =	vld [tilespmem:s29+$0x70];
	v27 =	vunpack.i.u.bf16.f32 v63;
	v6 =	vmul.f32 v26, v1;
	v2 =	vadd.f32 v11, v2  }
0x19c: {  	v30 =	vunpack.i.l.bf16.f32 v21;
	v29 =	vmul.f32 v27, v1;
	v0 =	vadd.f32 v4, v0  }
0x19d: {  	v31 =	vmul.f32 v30, v22;
	v3 =	vunpack.i.u.bf16.f32 v21;
	v2 =	vadd.f32 v6, v2  }
0x19e: {  	v32 =	vunpack.i.l.bf16.f32 v25;
	v3 =	vmul.f32 v3, v22;
	v0 =	vadd.f32 v29, v0  }
0x19f: {  	v33 =	vunpack.i.u.bf16.f32 v25;
	v4 =	vmul.f32 v32, v16;
	v2 =	vadd.f32 v31, v2  }
0x1a0: {  	v35 =	vunpack.i.l.bf16.f32 v28;
	v34 =	vmul.f32 v33, v16;
	v0 =	vadd.f32 v3, v0  }
0x1a1: {  	v36 =	vunpack.i.u.bf16.f32 v28;
	v6 =	vmul.f32 v35, v20;
	v2 =	vadd.f32 v4, v2  }
0x1a2: {  	v37 =	vmul.f32 v36, v20;
	v0 =	vadd.f32 v34, v0  }
0x1a3: {  	v2 =	vadd.f32 v6, v2  }
0x1a4: {  	v0 =	vadd.f32 v37, v0  }
0x1a5: {  	[tilespmem:s0+$0xFFFFFFE0] =	vst v2  }
0x1a6: {  	[tilespmem:s0+$0xFFFFFFF0] =	vst v0  }
0x1a7: {  	v0 =	vld [tilespmem:s29+$0xFFFFFF80]  }
0x1a8: {  	v2 =	vld [tilespmem:s29+$0xFFFFFFA0];
	_ =	sdelay $0x1  }
0x1a9: {  	v38 =	vld [tilespmem:s29+$0xFFFFFFC0];
	_ =	sdelay $0x1  }
0x1aa: {  	v39 =	vld [tilespmem:s29+$0xFFFFFFE0]  }
0x1ab: {  	v40 =	vunpack.i.u.bf16.f32 v0;
	v0 =	vunpack.i.l.bf16.f32 v0;
	v41 =	vunpack.i.l.bf16.f32 v2  }
0x1ac: {  	v42 =	vld [tilespmem:s29+$0x0];
	v2 =	vunpack.i.u.bf16.f32 v2;
	v0 =	vmul.f32 v0, v55;
	v11 =	vmul.f32 v41, v51  }
0x1ad: {  	v43 =	vunpack.i.l.bf16.f32 v38;
	v6 =	vmul.f32 v40, v55;
	v2 =	vmul.f32 v2, v51  }
0x1ae: {  	v44 =	vld [tilespmem:s29+$0x20];
	v3 =	vunpack.i.u.bf16.f32 v38;
	v5 =	vmul.f32 v43, v56;
	v0 =	vadd.f32 v11, v0  }
0x1af: {  	v45 =	vunpack.i.l.bf16.f32 v39;
	v3 =	vmul.f32 v3, v56;
	v2 =	vadd.f32 v2, v6  }
0x1b0: {  	v47 =	vld [tilespmem:s29+$0x40];
	v4 =	vunpack.i.u.bf16.f32 v39;
	v46 =	vmul.f32 v45, v58;
	v0 =	vadd.f32 v5, v0  }
0x1b1: {  	v48 =	vunpack.i.l.bf16.f32 v42;
	v4 =	vmul.f32 v4, v58;
	v2 =	vadd.f32 v3, v2  }
0x1b2: {  	v50 =	vld [tilespmem:s29+$0x60];
	v49 =	vunpack.i.u.bf16.f32 v42;
	v3 =	vmul.f32 v48, v53;
	v0 =	vadd.f32 v46, v0  }
0x1b3: {  	v52 =	vunpack.i.l.bf16.f32 v44;
	v51 =	vmul.f32 v49, v53;
	v2 =	vadd.f32 v4, v2  }
0x1b4: {  	v54 =	vld [tilespmem:s29+$0x80];
	v53 =	vunpack.i.u.bf16.f32 v44;
	v5 =	vmul.f32 v52, v1;
	v0 =	vadd.f32 v3, v0  }
0x1b5: {  	v55 =	vunpack.i.l.bf16.f32 v47;
	v1 =	vmul.f32 v53, v1;
	v2 =	vadd.f32 v51, v2  }
0x1b6: {  	v56 =	vunpack.i.u.bf16.f32 v47;
	v3 =	vmul.f32 v55, v22;
	v0 =	vadd.f32 v5, v0  }
0x1b7: {  	v58 =	vunpack.i.l.bf16.f32 v50;
	v57 =	vmul.f32 v56, v22;
	v1 =	vadd.f32 v1, v2  }
0x1b8: {  	v59 =	vunpack.i.u.bf16.f32 v50;
	v4 =	vmul.f32 v58, v16;
	v0 =	vadd.f32 v3, v0  }
0x1b9: {  	v61 =	vunpack.i.l.bf16.f32 v54;
	v60 =	vmul.f32 v59, v16;
	v1 =	vadd.f32 v57, v1  }
0x1ba: {  	v62 =	vunpack.i.u.bf16.f32 v54;
	v3 =	vmul.f32 v61, v20;
	v0 =	vadd.f32 v4, v0  }
0x1bb: {  	v63 =	vmul.f32 v62, v20;
	v1 =	vadd.f32 v60, v1  }
0x1bc: {  	v0 =	vadd.f32 v3, v0  }
0x1bd: {  	v1 =	vadd.f32 v63, v1  }
0x1be: {  	[tilespmem:s0+$0x0] =	vst v0  }
0x1bf: {  	s28 =	sadd.s32 $0x1, s28;
	[tilespmem:s0+$0x10] =	vst v1  }
0x1c0: {  	[spmem:s3] =	stream.indirect.scatter.add.f32 [tilespmem:s21], [sflag:$0x3], $0x40, s25, s17, $0xb8;
	[tilespmem:$0x15450] =	vst v63  }
0x1c1: {  	p0 =	sne.s32 s28, $0xA;
	_ =	swait.ge [sflag:s24], $0xA00  }
.Ltmp4:
0x1c2: {  	[sflag:s24] =	ssyncset.done $0x0;
	(pc) =	sbr.rel @p0 .LBB2_2-.Ltmp4, $4  }
0x1c3: {  	[sflag:s24] =	ssyncadd.s32 $0xFFFFF600  }
0x1c4: {  	_ =	swait.ge [sflag:s26], $0xA00  }
0x1c5: {  	[sflag:s26] =	ssyncset.done $0x0  }
0x1c6: {  	[sflag:s26] =	ssyncadd.s32 $0xFFFFF600  }
0x1c7: {  	[bflag:$0x0] =	sbarrier.arrive $0xFFFF  }
0x1c8: {  	s10 =	rddreg [dreg:$0x5]  }
0x1c9: {  	s0 =	rddreg [dreg:$0x6]  }
0x1ca: {  	s1 =	rddreg [dreg:$0x8]  }
0x1cb: {  	[hbm:s0], [sflag:s10] =	dma.local [spmem:s1], $0x1400  }
0x1cc: {  	_ =	swait.ge [sflag:s15], $0x1400  }
0x1cd: {  	s4 =	sadd.s32 $0x1, s4;
	s31 =	rddreg [dreg:$0x7]  }
0x1ce: {  	p0 =	sne.s32 s4, s31  }
.Ltmp5:
0x1cf: {  	_ = 	snop;
	(pc) =	sbr.rel @p0 .LBB2_1-.Ltmp5, $3  }
0x1d0: {  	_ =	sdelay $0x1  }
0x1d1: {  	[sflag:s15] =	ssyncset.done $0x0  }
0x1d2: {  	[sflag:s15] =	ssyncadd.s32 $0xFFFFEC00  }
0x1d3: {  	_ =	sfence.sel $0x180000  }
0x1d4: {  	[bflag:$0x0] =	sbarrier.arrive $0xFFFF  }
0x1d5: {  	_ =	strace $0x9000004D  }
0x1d6: {  	s0 =	stileid.u32;
	[bflag:$0x2] =	sbarrier.arrive $0xFFFF  }
0x1d7: {  	p0 =	sne.s32 s0, $0x0;
	s0 =	rddreg [dreg:$0x3]  }
0x1d8: {  	s0 =	sadd.s32 @!p0 $0x100000, s0  }
0x1d9: {  	[sflag:s0] =	ssyncadd.tile.s32 @!p0 $0x1;
	_ =	shalt  }
.Lfunc_end2:
_tile_overlayer_lowered:
.L_overlay_start_2:
0x1da: {  	(tag) =	ssettag $0x2  }
0x1db: {  	s0 =	rddreg [dreg:$0x0];
	s2 =	stileid.u32  }
0x1dc: {  	s1 =	rddreg [dreg:$0x1];
	p0 =	sne.s32 s2, $0x0  }
0x1dd: {  	s3 =	rddreg [dreg:$0x2];
	[bflag:$0x3] =	sbarrier.arrive $0xFFFF;
	s2 =	simm.s32 @!p0 $0x1C05  }
0x1de: {  	[timem:s3], [sflag:s2] =	dma.local @!p0 [hbm:s0], s1  }
0x1df: {  	s0 =	simm.s32 @!p0 $0x5  }
0x1e0: {  	_ =	swait.ge @!p0 [sflag:s0], s1  }
0x1e1: {  	s1 =	ssub.s32 @!p0 $0x0, s1;
	[sflag:s0] =	ssyncset.done @!p0 $0x0  }
0x1e2: {  	[sflag:s0] =	ssyncadd.s32 @!p0 s1  }
0x1e3: {  	[bflag:$0x3] =	sbarrier.arrive $0xFFFF  }
0x1e4: {  	_ =	shalt  }

</sc_bundles>
